<compile_context>
chip_gen: v7x
topology: tpu7x:2x2x1
jax: 0.10.2.dev20260603
libtpu: 0.0.44.dev20260713+nightly
codegen_flags: <defaults>
</compile_context>

<pallas_src>
import functools

import jax
import jax.numpy as jnp
import numpy as np
from jax import lax
from jax.experimental import pallas as pl
from jax.experimental.pallas import tpu as pltpu
from jax.experimental.pallas import tpu_sc as plsc

_H = 8
_DNP = 16
_DEP = 16
_TEMP = float(np.sqrt(_DEP))


def _dot(a, b):
    return jnp.dot(a, b, preferred_element_type=jnp.float32)


_NW = 32
_GCH = 400


def _sc_gathers(x, ef, row, col, gidx):
    n_edges = row.shape[0]
    d = x.shape[1]
    epw = n_edges // _NW
    gnc = epw // _GCH
    f32 = jnp.float32

    idx3 = (jnp.stack([row, col, gidx])
            .reshape(3, _NW, gnc, _GCH)
            .transpose(1, 0, 2, 3)
            .reshape(_NW, 3 * gnc, _GCH))

    mesh = plsc.VectorSubcoreMesh(core_axis_name="c", subcore_axis_name="s")

    @functools.partial(
        pl.kernel,
        out_type=[jax.ShapeDtypeStruct((n_edges, d), f32),
                  jax.ShapeDtypeStruct((n_edges, d), f32),
                  jax.ShapeDtypeStruct((n_edges, d), f32)],
        mesh=mesh,
        scratch_types=[pltpu.VMEM((_GCH,), jnp.int32),
                       pltpu.VMEM((_GCH, d), f32),
                       pltpu.SemaphoreType.DMA],
    )
    def gather_kernel(x_hbm, ef_hbm, idx3_hbm,
                      xi_hbm, xj_hbm, rev_hbm,
                      idx_c, rbuf, sem):
        wid = lax.axis_index("s") * 2 + lax.axis_index("c")
        base = wid * epw

        def chunk(c, carry):
            off = base + c * _GCH
            sl = pl.ds(off, _GCH)
            pltpu.sync_copy(idx3_hbm.at[wid, c], idx_c)
            pltpu.async_copy(x_hbm.at[idx_c], rbuf, sem).wait()
            pltpu.sync_copy(rbuf, xi_hbm.at[sl])
            pltpu.sync_copy(idx3_hbm.at[wid, gnc + c], idx_c)
            pltpu.async_copy(x_hbm.at[idx_c], rbuf, sem).wait()
            pltpu.sync_copy(rbuf, xj_hbm.at[sl])
            pltpu.sync_copy(idx3_hbm.at[wid, 2 * gnc + c], idx_c)
            pltpu.async_copy(ef_hbm.at[idx_c], rbuf, sem).wait()
            pltpu.sync_copy(rbuf, rev_hbm.at[sl])
            return carry

        lax.fori_loop(0, gnc, chunk, 0)

    return gather_kernel(x, ef, idx3)


def _edge_body(xi, ef, rev, xj, pi, pj, foundf,
               w1a, w1b, w1c, w1d, b1, w2, b2,
               wxa, wea, ba, wb2, bb2,
               wv, bv, wd1, bd1, wd2, bd2,
               ue_out, msg_out):
    xi_ = xi[...]
    ef_ = ef[...]
    rev_ = rev[...] * foundf[...]
    xj_ = xj[...]
    diff = pi[...] - pj[...]
    dist = jnp.sqrt(jnp.sum(diff * diff, axis=1, keepdims=True))
    lane = lax.broadcasted_iota(jnp.int32, diff.shape, 1)
    dfeat = diff + jnp.where(lane == 3, dist, 0.0)

    h1 = (_dot(xi_, w1a[...]) + _dot(ef_, w1b[...]) +
          _dot(rev_, w1c[...]) + _dot(xj_, w1d[...]) + b1[...])
    h1 = jnp.maximum(h1, 0.0)
    ue_out[...] = _dot(h1, w2[...]) + b2[...]

    ah = jnp.maximum(_dot(xi_, wxa[...]) + _dot(ef_, wea[...]) + ba[...], 0.0)
    att = _dot(ah, wb2[...]) + bb2[...]
    s = att * (1.0 / _TEMP)
    m = s
    for sh in (64, 32, 16):
        m = jnp.maximum(m, pltpu.roll(m, sh, 1))
    e = jnp.exp(s - m)
    z = e
    for sh in (64, 32, 16):
        z = z + pltpu.roll(z, sh, 1)
    prob = e / z

    d1 = jnp.maximum(_dot(dfeat, wd1[...]) + bd1[...], 0.0)
    d2 = _dot(d1, wd2[...]) + bd2[...]
    dm = 1.0 / (1.0 + jnp.exp(-d2))

    v = _dot(xj_, wv[...]) + bv[...]
    msg_out[...] = prob * dm * v


def _node_body(x, agg, so, si, dgo, dgi,
               weo, wei, be, wn1a, wn1b, bn1, wn2, bn2,
               wm1, bm1, wm2, bm2, out):
    deg_o = dgo[...]
    deg_i = dgi[...]
    om = so[...] / jnp.maximum(deg_o, 1.0)
    im = si[...] / jnp.maximum(deg_i, 1.0)
    ctx = _dot(om, weo[...]) + _dot(im, wei[...]) + be[...]
    aggm = jnp.where(deg_o > 0.0, agg[...], 0.0)
    h = jnp.maximum(_dot(aggm, wn1a[...]) + _dot(ctx, wn1b[...]) + bn1[...], 0.0)
    nu = _dot(h, wn2[...]) + bn2[...]
    nl = jnp.maximum(_dot(nu, wm1[...]) + bm1[...], 0.0)
    out[...] = x[...] + _dot(nl, wm2[...]) + bm2[...]


def _full(shape):
    return pl.BlockSpec(shape, lambda i: (0,) * len(shape))


def kernel(x, edge_feature, edge_index, node_positions, params):
    f32 = jnp.float32
    n_nodes, d_node = x.shape
    n_edges, d_edge = edge_feature.shape
    row = edge_index[0].astype(jnp.int32)
    col = edge_index[1].astype(jnp.int32)

    keys = row * n_nodes + col
    rkeys = col * n_nodes + row
    order = jnp.argsort(keys)
    skeys = keys[order]
    pos = jnp.searchsorted(skeys, rkeys)
    pos_c = jnp.clip(pos, 0, n_edges - 1)
    found = skeys[pos_c] == rkeys
    gidx = order[pos_c]

    posp = jnp.pad(node_positions, ((0, 0), (0, 1)))
    xi, xj, rev = _sc_gathers(x, edge_feature, row, col, gidx)
    pi = jnp.take(posp, row, axis=0)
    pj = jnp.take(posp, col, axis=0)
    foundf = found.astype(f32)[:, None]

    (w1, b1), (w2, b2) = params['nn_edge_update']
    w1a, w1b, w1c, w1d = w1[:128], w1[128:256], w1[256:384], w1[384:512]
    (wq, bq) = params['proj_q'][0]
    (wk, bk) = params['proj_k'][0]
    (wv, bv) = params['proj_v'][0]
    (wa1, ba1), (wa2, ba2) = params['nn_att']
    bq_ = jnp.zeros((128, 256), f32)
    bk_ = jnp.zeros((128, 256), f32)
    b2_ = jnp.zeros((256, 128), f32)
    for h in range(_H):
        bq_ = bq_.at[16 * h:16 * h + 16, 32 * h:32 * h + 32].set(wa1[:16])
        bk_ = bk_.at[16 * h:16 * h + 16, 32 * h:32 * h + 32].set(wa1[16:])
        b2_ = b2_.at[32 * h:32 * h + 32, 16 * h:16 * h + 16].set(wa2)
    wxa = wq @ bq_
    wea = wk @ bk_
    ba = (bq @ bq_ + bk @ bk_ + jnp.tile(ba1, _H))[None]
    wb2 = b2_
    bb2 = jnp.tile(ba2, _H)[None]
    (wd1, bd1), (wd2, bd2) = params['distance_mlp']

    be_blk = min(1000, n_edges)
    grid_e = n_edges // be_blk
    espec = pl.BlockSpec((be_blk, d_node), lambda i: (i, 0))
    pspec = pl.BlockSpec((be_blk, 4), lambda i: (i, 0))
    fspec = pl.BlockSpec((be_blk, 1), lambda i: (i, 0))
    ue, msg = pl.pallas_call(
        _edge_body,
        grid=(grid_e,),
        in_specs=[espec, espec, espec, espec, pspec, pspec, fspec,
                  _full((128, 384)), _full((128, 384)), _full((128, 384)),
                  _full((128, 384)), _full((1, 384)),
                  _full((384, 128)), _full((1, 128)),
                  _full((128, 256)), _full((128, 256)), _full((1, 256)),
                  _full((256, 128)), _full((1, 128)),
                  _full((128, 128)), _full((1, 128)),
                  _full((4, 32)), _full((1, 32)),
                  _full((32, 1)), _full((1, 1))],
        out_specs=[espec, espec],
        out_shape=[jax.ShapeDtypeStruct((n_edges, d_edge), f32),
                   jax.ShapeDtypeStruct((n_edges, d_node), f32)],
        compiler_params=pltpu.CompilerParams(
            dimension_semantics=("arbitrary",)),
    )(xi, edge_feature, rev, xj, pi, pj, foundf,
      w1a, w1b, w1c, w1d, b1[None], w2, b2[None],
      wxa, wea, ba, wb2, bb2,
      wv, bv[None], wd1, bd1[None], wd2, bd2[None])

    bounds = jnp.searchsorted(skeys, jnp.arange(n_nodes + 1, dtype=jnp.int32) * n_nodes)
    deg_out = (bounds[1:] - bounds[:-1]).astype(f32)
    deg_in = jax.ops.segment_sum(jnp.ones((n_edges,), f32), col, num_segments=n_nodes)
    agg = jax.ops.segment_max(msg, row, num_segments=n_nodes)
    agg = jnp.where(deg_out[:, None] > 0, agg, 0.0)
    s_out = jax.ops.segment_sum(ue, row, num_segments=n_nodes)
    s_in = jax.ops.segment_sum(ue, col, num_segments=n_nodes)

    we_w, we_b = params['edge_attention_mlp'][0]
    weo, wei = we_w[:128], we_w[128:]
    (wn1, bn1), (wn2, bn2) = params['nn_node_update']
    wn1a, wn1b = wn1[:128], wn1[128:]
    (wm1, bm1), (wm2, bm2) = params['node_nonlinear_mlp']

    bn_blk = min(1000, n_nodes)
    grid_n = n_nodes // bn_blk
    nspec = pl.BlockSpec((bn_blk, d_node), lambda i: (i, 0))
    dspec = pl.BlockSpec((bn_blk, 1), lambda i: (i, 0))
    new_node = pl.pallas_call(
        _node_body,
        grid=(grid_n,),
        in_specs=[nspec, nspec, nspec, nspec, dspec, dspec,
                  _full((128, 128)), _full((128, 128)), _full((1, 128)),
                  _full((128, 256)), _full((128, 256)), _full((1, 256)),
                  _full((256, 128)), _full((1, 128)),
                  _full((128, 128)), _full((1, 128)),
                  _full((128, 128)), _full((1, 128))],
        out_specs=nspec,
        out_shape=jax.ShapeDtypeStruct((n_nodes, d_node), f32),
        compiler_params=pltpu.CompilerParams(
            dimension_semantics=("arbitrary",)),
    )(x, agg, s_out, s_in, deg_out[:, None], deg_in[:, None],
      weo, wei, we_b[None], wn1a, wn1b, bn1[None], wn2, bn2[None],
      wm1, bm1[None], wm2, bm2[None])

    return new_node, ue

# --- scband reference (transcript-rebuilt; emitter-appended) ---
"""Pipeline reference for scband-bidirectional-edge-graph-network-19679540150731 (READ-ONLY COPY).

The authoritative reference and input builder live on the scoring server;
editing this copy changes nothing except your own understanding.
"""

import jax, jax.numpy as jnp
import numpy as np

N = 10000
E = 320000
D_NODE = 128
D_EDGE = 128
D_ATT = 128
H = 8
DNP = D_NODE // H
DEP = D_EDGE // H
TEMP = float(np.sqrt(DEP))


def _mlp_init(key, dims):
    layers = []
    for i in range(len(dims) - 1):
        key, sub = jax.random.split(key)
        w = jax.random.normal(sub, (dims[i], dims[i + 1]), jnp.float32) * (1.0 / np.sqrt(dims[i]))
        b = jnp.zeros((dims[i + 1],), jnp.float32)
        layers.append((w, b))
    return key, layers


def _mlp_apply(layers, x, act_last=False):
    n = len(layers)
    for i, (w, b) in enumerate(layers):
        x = x @ w + b
        if i < n - 1 or act_last:
            x = jax.nn.relu(x)
    return x


def setup_inputs(seed: int = 0):
    key = jax.random.key(seed)
    k1, k2, k3, k4, kp = jax.random.split(key, 5)
    x = jax.random.normal(k1, (N, D_NODE), jnp.float32)
    edge_feature = jax.random.normal(k2, (E, D_EDGE), jnp.float32)
    edge_index = jax.random.randint(k3, (2, E), 0, N)
    node_positions = jax.random.normal(k4, (N, 3), jnp.float32)
    params = {}
    kp, params['proj_q'] = _mlp_init(kp, [D_NODE, D_NODE])
    kp, params['proj_v'] = _mlp_init(kp, [D_NODE, D_ATT])
    kp, params['proj_k'] = _mlp_init(kp, [D_EDGE, D_EDGE])
    kp, params['distance_mlp'] = _mlp_init(kp, [4, 32, 1])
    kp, params['nn_edge_update'] = _mlp_init(kp, [D_NODE * 2 + D_EDGE * 2, D_NODE + D_EDGE * 2, D_EDGE])
    kp, params['edge_attention_mlp'] = _mlp_init(kp, [D_EDGE * 2, D_EDGE])
    kp, params['nn_node_update'] = _mlp_init(kp, [D_NODE + D_EDGE, D_NODE + D_EDGE, D_NODE])
    kp, params['nn_att'] = _mlp_init(kp, [DNP + DEP, DNP + DEP, DEP])
    kp, params['node_nonlinear_mlp'] = _mlp_init(kp, [D_NODE, D_NODE, D_NODE])
    return {'x': x, 'edge_feature': edge_feature, 'edge_index': edge_index,
            'node_positions': node_positions, 'params': params}


def _forward(x, edge_feature, node_positions, params, edge_index):
    row = edge_index[0]
    col = edge_index[1]
    # reverse-edge lookup: for edge (i,j) find feature of edge (j,i) if it exists
    keys = row * N + col
    rkeys = col * N + row
    order = jnp.argsort(keys)
    skeys = keys[order]
    pos = jnp.searchsorted(skeys, rkeys)
    pos_c = jnp.clip(pos, 0, E - 1)
    found = skeys[pos_c] == rkeys
    rev = edge_feature[order[pos_c]]
    reverse_edge_feature = jnp.where(found[:, None], rev, jnp.zeros_like(rev))

    # per-edge distance mask (sigmoid gate)
    diff = node_positions[row] - node_positions[col]
    dist = jnp.linalg.norm(diff, axis=-1, keepdims=True)
    dfeat = jnp.concatenate([diff, dist], axis=-1)
    dmask = jax.nn.sigmoid(_mlp_apply(params['distance_mlp'], dfeat))[:, 0]

    # flow='target_to_source': x_i = x[row], x_j = x[col], aggregate at row
    x_i = x[row]
    x_j = x[col]

    updated_edge = _mlp_apply(params['nn_edge_update'],
                              jnp.concatenate([x_i, edge_feature, reverse_edge_feature, x_j], axis=-1))

    q = _mlp_apply(params['proj_q'], x_i).reshape(E, H, DNP)
    k = _mlp_apply(params['proj_k'], edge_feature).reshape(E, H, DEP)
    att = _mlp_apply(params['nn_att'], jnp.concatenate([q, k], axis=-1))
    prob = jax.nn.softmax(att / TEMP, axis=1)
    prob = prob * dmask[:, None, None]
    value = _mlp_apply(params['proj_v'], x_j)
    msg = prob.reshape(E, D_ATT) * value

    # max aggregation per destination (row) node
    agg = jax.ops.segment_max(msg, row, num_segments=N)
    deg_out = jax.ops.segment_sum(jnp.ones((E,), jnp.float32), row, num_segments=N)
    agg = jnp.where(deg_out[:, None] > 0, agg, 0.0)

    # twin (outgoing/incoming) mean edge features per node
    out_mean = jax.ops.segment_sum(updated_edge, row, num_segments=N) / jnp.maximum(deg_out[:, None], 1.0)
    deg_in = jax.ops.segment_sum(jnp.ones((E,), jnp.float32), col, num_segments=N)
    in_mean = jax.ops.segment_sum(updated_edge, col, num_segments=N) / jnp.maximum(deg_in[:, None], 1.0)
    twin = jnp.concatenate([out_mean, in_mean], axis=-1)
    edge_ctx = _mlp_apply(params['edge_attention_mlp'], twin)

    node_upd = _mlp_apply(params['nn_node_update'], jnp.concatenate([agg, edge_ctx], axis=-1))
    new_node = x + _mlp_apply(params['node_nonlinear_mlp'], node_upd)
    return new_node, updated_edge


def reference(x, edge_feature, edge_index, node_positions, params):
    return _forward(x, edge_feature, node_positions, params, edge_index)

if __name__ == "__main__":
    import jax
    _d = setup_inputs()
    print(jax.jit(kernel)(*tuple(_d.values())))

</pallas_src>

<mosaic_0001>
#map = affine_map<(d0, d1) -> (0, 0)>
#map1 = affine_map<(d0, d1) -> (0, 0, 0)>
module attributes {stable_mosaic.version = 14 : i64} {
  func.func @gather_kernel(%arg0: i32, %arg1: i32, %arg2: memref<10000x128xf32, #tpu.memory_space<hbm>>, %arg3: memref<320000x128xf32, #tpu.memory_space<hbm>>, %arg4: memref<32x75x400xi32, #tpu.memory_space<hbm>>, %arg5: memref<320000x128xf32, #tpu.memory_space<hbm>>, %arg6: memref<320000x128xf32, #tpu.memory_space<hbm>>, %arg7: memref<320000x128xf32, #tpu.memory_space<hbm>>, %arg8: memref<400xi32, #tpu.memory_space<vmem>>, %arg9: memref<400x128xf32, #tpu.memory_space<vmem>>, %arg10: memref<!tpu.dma_semaphore, #tpu.memory_space<semaphore_mem>>) attributes {dimension_semantics = [#tpu.dimension_semantics<core_parallel>, #tpu.dimension_semantics<subcore_parallel>], iteration_bounds = array<i64: 2, 16>, scalar_prefetch = 0 : i64, scratch_operands = 3 : i64, tpu.core_type = #tpu.core_type<sc_vector_subcore>, window_params = [{transform_indices = #map}, {transform_indices = #map}, {transform_indices = #map1}, {transform_indices = #map}, {transform_indices = #map}, {transform_indices = #map}]} {
    %mul3A = arith.constant 2 : i32
    %mul3A_0 = arith.muli %arg1, %mul3A : i32
    %add3A = arith.addi %mul3A_0, %arg0 : i32
    %mul3A_1 = arith.constant 10000 : i32
    %mul3A_2 = arith.muli %add3A, %mul3A_1 : i32
    %scan3A = arith.constant 0 : i32
    %scan3A_3 = arith.constant 0 : i32
    %scan3A_4 = arith.constant 25 : i32
    %scan3A_5 = arith.addi %scan3A_3, %scan3A_4 : i32
    %scan3A_6 = arith.constant 1 : i32
    scf.for %scan3A_8 = %scan3A_3 to %scan3A_5 step %scan3A_6  : i32 {
      %mul3A_9 = arith.constant 400 : i32
      %mul3A_10 = arith.muli %scan3A_8, %mul3A_9 : i32
      %add3A_11 = arith.addi %mul3A_2, %mul3A_10 : i32
      "tpu.region"() ({
        %run_scoped3A = tpu.sem_alloc : memref<!tpu.dma_semaphore, #tpu.memory_space<semaphore_mem>>
        %dma_start3A_32 = arith.constant 0 : i32
        %dma_start3A_33 = tpu.memref_slice %arg4[%add3A, %scan3A_8, %dma_start3A_32] : memref<32x75x400xi32, #tpu.memory_space<hbm>> -> memref<1x1x400xi32, #tpu.memory_space<hbm>>
        %dma_start3A_34 = tpu.memref_squeeze %dma_start3A_33 : memref<1x1x400xi32, #tpu.memory_space<hbm>> -> memref<400xi32, #tpu.memory_space<hbm>>
        %dma_start3A_35 = arith.constant 0 : i32
        %dma_start3A_36 = tpu.memref_slice %arg4[%add3A, %scan3A_8, %dma_start3A_35] : memref<32x75x400xi32, #tpu.memory_space<hbm>> -> memref<1x1x400xi32, #tpu.memory_space<hbm>>
        %dma_start3A_37 = tpu.memref_squeeze %dma_start3A_36 : memref<1x1x400xi32, #tpu.memory_space<hbm>> -> memref<400xi32, #tpu.memory_space<hbm>>
        tpu.enqueue_dma source(%dma_start3A_37 : memref<400xi32, #tpu.memory_space<hbm>>) target(%arg8 : memref<400xi32, #tpu.memory_space<vmem>>) target_semaphore(%run_scoped3A : memref<!tpu.dma_semaphore, #tpu.memory_space<semaphore_mem>>)
        %dma_wait3A_38 = arith.constant 0 : i32
        %dma_wait3A_39 = tpu.memref_slice %arg4[%add3A, %scan3A_8, %dma_wait3A_38] : memref<32x75x400xi32, #tpu.memory_space<hbm>> -> memref<1x1x400xi32, #tpu.memory_space<hbm>>
        %dma_wait3A_40 = tpu.memref_squeeze %dma_wait3A_39 : memref<1x1x400xi32, #tpu.memory_space<hbm>> -> memref<400xi32, #tpu.memory_space<hbm>>
        %dma_wait3A_41 = arith.constant 0 : i32
        %dma_wait3A_42 = tpu.memref_slice %arg4[%add3A, %scan3A_8, %dma_wait3A_41] : memref<32x75x400xi32, #tpu.memory_space<hbm>> -> memref<1x1x400xi32, #tpu.memory_space<hbm>>
        %dma_wait3A_43 = tpu.memref_squeeze %dma_wait3A_42 : memref<1x1x400xi32, #tpu.memory_space<hbm>> -> memref<400xi32, #tpu.memory_space<hbm>>
        tpu.wait_dma2 semaphore(%run_scoped3A : memref<!tpu.dma_semaphore, #tpu.memory_space<semaphore_mem>>) src(%dma_wait3A_43 : memref<400xi32, #tpu.memory_space<hbm>>) dst(%arg8 : memref<400xi32, #tpu.memory_space<vmem>>)
        tpu.yield
      }) : () -> ()
      %dma_start3A = arith.constant 0 : i32
      %dma_start3A_12 = arith.constant 0 : i32
      %dma_start3A_13 = tpu.memref_slice %arg2[%dma_start3A, %dma_start3A_12] : memref<10000x128xf32, #tpu.memory_space<hbm>> -> memref<10000x128xf32, #tpu.memory_space<hbm>>
      tpu.enqueue_indirect_dma source(%dma_start3A_13 : memref<10000x128xf32, #tpu.memory_space<hbm>>) target(%arg9 : memref<400x128xf32, #tpu.memory_space<vmem>>) offsets(%arg8 : memref<400xi32, #tpu.memory_space<vmem>>) semaphore(%arg10 : memref<!tpu.dma_semaphore, #tpu.memory_space<semaphore_mem>>)
      %dma_wait3A = arith.constant 0 : i32
      %dma_wait3A_14 = arith.constant 0 : i32
      %dma_wait3A_15 = tpu.memref_slice %arg2[%dma_wait3A, %dma_wait3A_14] : memref<10000x128xf32, #tpu.memory_space<hbm>> -> memref<10000x128xf32, #tpu.memory_space<hbm>>
      tpu.wait_indirect_dma semaphore(%arg10 : memref<!tpu.dma_semaphore, #tpu.memory_space<semaphore_mem>>) src(%dma_wait3A_15 : memref<10000x128xf32, #tpu.memory_space<hbm>>) dst(%arg9 : memref<400x128xf32, #tpu.memory_space<vmem>>)
      "tpu.region"() ({
        %run_scoped3A = tpu.sem_alloc : memref<!tpu.dma_semaphore, #tpu.memory_space<semaphore_mem>>
        %dma_start3A_32 = arith.constant 0 : i32
        %dma_start3A_33 = tpu.memref_slice %arg5[%add3A_11, %dma_start3A_32] : memref<320000x128xf32, #tpu.memory_space<hbm>> -> memref<400x128xf32, #tpu.memory_space<hbm>>
        %dma_start3A_34 = arith.constant 0 : i32
        %dma_start3A_35 = tpu.memref_slice %arg5[%add3A_11, %dma_start3A_34] : memref<320000x128xf32, #tpu.memory_space<hbm>> -> memref<400x128xf32, #tpu.memory_space<hbm>>
        tpu.enqueue_dma source(%arg9 : memref<400x128xf32, #tpu.memory_space<vmem>>) target(%dma_start3A_35 : memref<400x128xf32, #tpu.memory_space<hbm>>) target_semaphore(%run_scoped3A : memref<!tpu.dma_semaphore, #tpu.memory_space<semaphore_mem>>)
        %dma_wait3A_36 = arith.constant 0 : i32
        %dma_wait3A_37 = tpu.memref_slice %arg5[%add3A_11, %dma_wait3A_36] : memref<320000x128xf32, #tpu.memory_space<hbm>> -> memref<400x128xf32, #tpu.memory_space<hbm>>
        %dma_wait3A_38 = arith.constant 0 : i32
        %dma_wait3A_39 = tpu.memref_slice %arg5[%add3A_11, %dma_wait3A_38] : memref<320000x128xf32, #tpu.memory_space<hbm>> -> memref<400x128xf32, #tpu.memory_space<hbm>>
        tpu.wait_dma2 semaphore(%run_scoped3A : memref<!tpu.dma_semaphore, #tpu.memory_space<semaphore_mem>>) src(%arg9 : memref<400x128xf32, #tpu.memory_space<vmem>>) dst(%dma_wait3A_39 : memref<400x128xf32, #tpu.memory_space<hbm>>)
        tpu.yield
      }) : () -> ()
      %add3A_16 = arith.constant 25 : i32
      %add3A_17 = arith.addi %add3A_16, %scan3A_8 : i32
      "tpu.region"() ({
        %run_scoped3A = tpu.sem_alloc : memref<!tpu.dma_semaphore, #tpu.memory_space<semaphore_mem>>
        %dma_start3A_32 = arith.constant 0 : i32
        %dma_start3A_33 = tpu.memref_slice %arg4[%add3A, %add3A_17, %dma_start3A_32] : memref<32x75x400xi32, #tpu.memory_space<hbm>> -> memref<1x1x400xi32, #tpu.memory_space<hbm>>
        %dma_start3A_34 = tpu.memref_squeeze %dma_start3A_33 : memref<1x1x400xi32, #tpu.memory_space<hbm>> -> memref<400xi32, #tpu.memory_space<hbm>>
        %dma_start3A_35 = arith.constant 0 : i32
        %dma_start3A_36 = tpu.memref_slice %arg4[%add3A, %add3A_17, %dma_start3A_35] : memref<32x75x400xi32, #tpu.memory_space<hbm>> -> memref<1x1x400xi32, #tpu.memory_space<hbm>>
        %dma_start3A_37 = tpu.memref_squeeze %dma_start3A_36 : memref<1x1x400xi32, #tpu.memory_space<hbm>> -> memref<400xi32, #tpu.memory_space<hbm>>
        tpu.enqueue_dma source(%dma_start3A_37 : memref<400xi32, #tpu.memory_space<hbm>>) target(%arg8 : memref<400xi32, #tpu.memory_space<vmem>>) target_semaphore(%run_scoped3A : memref<!tpu.dma_semaphore, #tpu.memory_space<semaphore_mem>>)
        %dma_wait3A_38 = arith.constant 0 : i32
        %dma_wait3A_39 = tpu.memref_slice %arg4[%add3A, %add3A_17, %dma_wait3A_38] : memref<32x75x400xi32, #tpu.memory_space<hbm>> -> memref<1x1x400xi32, #tpu.memory_space<hbm>>
        %dma_wait3A_40 = tpu.memref_squeeze %dma_wait3A_39 : memref<1x1x400xi32, #tpu.memory_space<hbm>> -> memref<400xi32, #tpu.memory_space<hbm>>
        %dma_wait3A_41 = arith.constant 0 : i32
        %dma_wait3A_42 = tpu.memref_slice %arg4[%add3A, %add3A_17, %dma_wait3A_41] : memref<32x75x400xi32, #tpu.memory_space<hbm>> -> memref<1x1x400xi32, #tpu.memory_space<hbm>>
        %dma_wait3A_43 = tpu.memref_squeeze %dma_wait3A_42 : memref<1x1x400xi32, #tpu.memory_space<hbm>> -> memref<400xi32, #tpu.memory_space<hbm>>
        tpu.wait_dma2 semaphore(%run_scoped3A : memref<!tpu.dma_semaphore, #tpu.memory_space<semaphore_mem>>) src(%dma_wait3A_43 : memref<400xi32, #tpu.memory_space<hbm>>) dst(%arg8 : memref<400xi32, #tpu.memory_space<vmem>>)
        tpu.yield
      }) : () -> ()
      %dma_start3A_18 = arith.constant 0 : i32
      %dma_start3A_19 = arith.constant 0 : i32
      %dma_start3A_20 = tpu.memref_slice %arg2[%dma_start3A_18, %dma_start3A_19] : memref<10000x128xf32, #tpu.memory_space<hbm>> -> memref<10000x128xf32, #tpu.memory_space<hbm>>
      tpu.enqueue_indirect_dma source(%dma_start3A_20 : memref<10000x128xf32, #tpu.memory_space<hbm>>) target(%arg9 : memref<400x128xf32, #tpu.memory_space<vmem>>) offsets(%arg8 : memref<400xi32, #tpu.memory_space<vmem>>) semaphore(%arg10 : memref<!tpu.dma_semaphore, #tpu.memory_space<semaphore_mem>>)
      %dma_wait3A_21 = arith.constant 0 : i32
      %dma_wait3A_22 = arith.constant 0 : i32
      %dma_wait3A_23 = tpu.memref_slice %arg2[%dma_wait3A_21, %dma_wait3A_22] : memref<10000x128xf32, #tpu.memory_space<hbm>> -> memref<10000x128xf32, #tpu.memory_space<hbm>>
      tpu.wait_indirect_dma semaphore(%arg10 : memref<!tpu.dma_semaphore, #tpu.memory_space<semaphore_mem>>) src(%dma_wait3A_23 : memref<10000x128xf32, #tpu.memory_space<hbm>>) dst(%arg9 : memref<400x128xf32, #tpu.memory_space<vmem>>)
      "tpu.region"() ({
        %run_scoped3A = tpu.sem_alloc : memref<!tpu.dma_semaphore, #tpu.memory_space<semaphore_mem>>
        %dma_start3A_32 = arith.constant 0 : i32
        %dma_start3A_33 = tpu.memref_slice %arg6[%add3A_11, %dma_start3A_32] : memref<320000x128xf32, #tpu.memory_space<hbm>> -> memref<400x128xf32, #tpu.memory_space<hbm>>
        %dma_start3A_34 = arith.constant 0 : i32
        %dma_start3A_35 = tpu.memref_slice %arg6[%add3A_11, %dma_start3A_34] : memref<320000x128xf32, #tpu.memory_space<hbm>> -> memref<400x128xf32, #tpu.memory_space<hbm>>
        tpu.enqueue_dma source(%arg9 : memref<400x128xf32, #tpu.memory_space<vmem>>) target(%dma_start3A_35 : memref<400x128xf32, #tpu.memory_space<hbm>>) target_semaphore(%run_scoped3A : memref<!tpu.dma_semaphore, #tpu.memory_space<semaphore_mem>>)
        %dma_wait3A_36 = arith.constant 0 : i32
        %dma_wait3A_37 = tpu.memref_slice %arg6[%add3A_11, %dma_wait3A_36] : memref<320000x128xf32, #tpu.memory_space<hbm>> -> memref<400x128xf32, #tpu.memory_space<hbm>>
        %dma_wait3A_38 = arith.constant 0 : i32
        %dma_wait3A_39 = tpu.memref_slice %arg6[%add3A_11, %dma_wait3A_38] : memref<320000x128xf32, #tpu.memory_space<hbm>> -> memref<400x128xf32, #tpu.memory_space<hbm>>
        tpu.wait_dma2 semaphore(%run_scoped3A : memref<!tpu.dma_semaphore, #tpu.memory_space<semaphore_mem>>) src(%arg9 : memref<400x128xf32, #tpu.memory_space<vmem>>) dst(%dma_wait3A_39 : memref<400x128xf32, #tpu.memory_space<hbm>>)
        tpu.yield
      }) : () -> ()
      %add3A_24 = arith.constant 50 : i32
      %add3A_25 = arith.addi %add3A_24, %scan3A_8 : i32
      "tpu.region"() ({
        %run_scoped3A = tpu.sem_alloc : memref<!tpu.dma_semaphore, #tpu.memory_space<semaphore_mem>>
        %dma_start3A_32 = arith.constant 0 : i32
        %dma_start3A_33 = tpu.memref_slice %arg4[%add3A, %add3A_25, %dma_start3A_32] : memref<32x75x400xi32, #tpu.memory_space<hbm>> -> memref<1x1x400xi32, #tpu.memory_space<hbm>>
        %dma_start3A_34 = tpu.memref_squeeze %dma_start3A_33 : memref<1x1x400xi32, #tpu.memory_space<hbm>> -> memref<400xi32, #tpu.memory_space<hbm>>
        %dma_start3A_35 = arith.constant 0 : i32
        %dma_start3A_36 = tpu.memref_slice %arg4[%add3A, %add3A_25, %dma_start3A_35] : memref<32x75x400xi32, #tpu.memory_space<hbm>> -> memref<1x1x400xi32, #tpu.memory_space<hbm>>
        %dma_start3A_37 = tpu.memref_squeeze %dma_start3A_36 : memref<1x1x400xi32, #tpu.memory_space<hbm>> -> memref<400xi32, #tpu.memory_space<hbm>>
        tpu.enqueue_dma source(%dma_start3A_37 : memref<400xi32, #tpu.memory_space<hbm>>) target(%arg8 : memref<400xi32, #tpu.memory_space<vmem>>) target_semaphore(%run_scoped3A : memref<!tpu.dma_semaphore, #tpu.memory_space<semaphore_mem>>)
        %dma_wait3A_38 = arith.constant 0 : i32
        %dma_wait3A_39 = tpu.memref_slice %arg4[%add3A, %add3A_25, %dma_wait3A_38] : memref<32x75x400xi32, #tpu.memory_space<hbm>> -> memref<1x1x400xi32, #tpu.memory_space<hbm>>
        %dma_wait3A_40 = tpu.memref_squeeze %dma_wait3A_39 : memref<1x1x400xi32, #tpu.memory_space<hbm>> -> memref<400xi32, #tpu.memory_space<hbm>>
        %dma_wait3A_41 = arith.constant 0 : i32
        %dma_wait3A_42 = tpu.memref_slice %arg4[%add3A, %add3A_25, %dma_wait3A_41] : memref<32x75x400xi32, #tpu.memory_space<hbm>> -> memref<1x1x400xi32, #tpu.memory_space<hbm>>
        %dma_wait3A_43 = tpu.memref_squeeze %dma_wait3A_42 : memref<1x1x400xi32, #tpu.memory_space<hbm>> -> memref<400xi32, #tpu.memory_space<hbm>>
        tpu.wait_dma2 semaphore(%run_scoped3A : memref<!tpu.dma_semaphore, #tpu.memory_space<semaphore_mem>>) src(%dma_wait3A_43 : memref<400xi32, #tpu.memory_space<hbm>>) dst(%arg8 : memref<400xi32, #tpu.memory_space<vmem>>)
        tpu.yield
      }) : () -> ()
      %dma_start3A_26 = arith.constant 0 : i32
      %dma_start3A_27 = arith.constant 0 : i32
      %dma_start3A_28 = tpu.memref_slice %arg3[%dma_start3A_26, %dma_start3A_27] : memref<320000x128xf32, #tpu.memory_space<hbm>> -> memref<320000x128xf32, #tpu.memory_space<hbm>>
      tpu.enqueue_indirect_dma source(%dma_start3A_28 : memref<320000x128xf32, #tpu.memory_space<hbm>>) target(%arg9 : memref<400x128xf32, #tpu.memory_space<vmem>>) offsets(%arg8 : memref<400xi32, #tpu.memory_space<vmem>>) semaphore(%arg10 : memref<!tpu.dma_semaphore, #tpu.memory_space<semaphore_mem>>)
      %dma_wait3A_29 = arith.constant 0 : i32
      %dma_wait3A_30 = arith.constant 0 : i32
      %dma_wait3A_31 = tpu.memref_slice %arg3[%dma_wait3A_29, %dma_wait3A_30] : memref<320000x128xf32, #tpu.memory_space<hbm>> -> memref<320000x128xf32, #tpu.memory_space<hbm>>
      tpu.wait_indirect_dma semaphore(%arg10 : memref<!tpu.dma_semaphore, #tpu.memory_space<semaphore_mem>>) src(%dma_wait3A_31 : memref<320000x128xf32, #tpu.memory_space<hbm>>) dst(%arg9 : memref<400x128xf32, #tpu.memory_space<vmem>>)
      "tpu.region"() ({
        %run_scoped3A = tpu.sem_alloc : memref<!tpu.dma_semaphore, #tpu.memory_space<semaphore_mem>>
        %dma_start3A_32 = arith.constant 0 : i32
        %dma_start3A_33 = tpu.memref_slice %arg7[%add3A_11, %dma_start3A_32] : memref<320000x128xf32, #tpu.memory_space<hbm>> -> memref<400x128xf32, #tpu.memory_space<hbm>>
        %dma_start3A_34 = arith.constant 0 : i32
        %dma_start3A_35 = tpu.memref_slice %arg7[%add3A_11, %dma_start3A_34] : memref<320000x128xf32, #tpu.memory_space<hbm>> -> memref<400x128xf32, #tpu.memory_space<hbm>>
        tpu.enqueue_dma source(%arg9 : memref<400x128xf32, #tpu.memory_space<vmem>>) target(%dma_start3A_35 : memref<400x128xf32, #tpu.memory_space<hbm>>) target_semaphore(%run_scoped3A : memref<!tpu.dma_semaphore, #tpu.memory_space<semaphore_mem>>)
        %dma_wait3A_36 = arith.constant 0 : i32
        %dma_wait3A_37 = tpu.memref_slice %arg7[%add3A_11, %dma_wait3A_36] : memref<320000x128xf32, #tpu.memory_space<hbm>> -> memref<400x128xf32, #tpu.memory_space<hbm>>
        %dma_wait3A_38 = arith.constant 0 : i32
        %dma_wait3A_39 = tpu.memref_slice %arg7[%add3A_11, %dma_wait3A_38] : memref<320000x128xf32, #tpu.memory_space<hbm>> -> memref<400x128xf32, #tpu.memory_space<hbm>>
        tpu.wait_dma2 semaphore(%run_scoped3A : memref<!tpu.dma_semaphore, #tpu.memory_space<semaphore_mem>>) src(%arg9 : memref<400x128xf32, #tpu.memory_space<vmem>>) dst(%dma_wait3A_39 : memref<400x128xf32, #tpu.memory_space<hbm>>)
        tpu.yield
      }) : () -> ()
    }
    %scan3A_7 = arith.constant 25 : i32
    return
  }
}

module attributes {stable_mosaic.version = 14 : i64} {
  func.func @_edge_body(%arg0: i32, %arg1: memref<1000x128xf32, #tpu.memory_space<vmem>>, %arg2: memref<1000x128xf32, #tpu.memory_space<vmem>>, %arg3: memref<1000x128xf32, #tpu.memory_space<vmem>>, %arg4: memref<1000x128xf32, #tpu.memory_space<vmem>>, %arg5: memref<1000x4xf32, #tpu.memory_space<vmem>>, %arg6: memref<1000x4xf32, #tpu.memory_space<vmem>>, %arg7: memref<1000x1xf32, #tpu.memory_space<vmem>>, %arg8: memref<128x384xf32, #tpu.memory_space<vmem>>, %arg9: memref<128x384xf32, #tpu.memory_space<vmem>>, %arg10: memref<128x384xf32, #tpu.memory_space<vmem>>, %arg11: memref<128x384xf32, #tpu.memory_space<vmem>>, %arg12: memref<1x384xf32, #tpu.memory_space<vmem>>, %arg13: memref<384x128xf32, #tpu.memory_space<vmem>>, %arg14: memref<1x128xf32, #tpu.memory_space<vmem>>, %arg15: memref<128x256xf32, #tpu.memory_space<vmem>>, %arg16: memref<128x256xf32, #tpu.memory_space<vmem>>, %arg17: memref<1x256xf32, #tpu.memory_space<vmem>>, %arg18: memref<256x128xf32, #tpu.memory_space<vmem>>, %arg19: memref<1x128xf32, #tpu.memory_space<vmem>>, %arg20: memref<128x128xf32, #tpu.memory_space<vmem>>, %arg21: memref<1x128xf32, #tpu.memory_space<vmem>>, %arg22: memref<4x32xf32, #tpu.memory_space<vmem>>, %arg23: memref<1x32xf32, #tpu.memory_space<vmem>>, %arg24: memref<32x1xf32, #tpu.memory_space<vmem>>, %arg25: memref<1x1xf32, #tpu.memory_space<vmem>>, %arg26: memref<1000x128xf32, #tpu.memory_space<vmem>>, %arg27: memref<1000x128xf32, #tpu.memory_space<vmem>>) attributes {dimension_semantics = [#tpu.dimension_semantics<arbitrary>], iteration_bounds = array<i64: 320>, scalar_prefetch = 0 : i64, scratch_operands = 0 : i64, tpu.core_type = #tpu.core_type<tc>, window_params = [{transform_indices = @transform_0, window_bounds = array<i64: 1000, 128>}, {transform_indices = @transform_1, window_bounds = array<i64: 1000, 128>}, {transform_indices = @transform_2, window_bounds = array<i64: 1000, 128>}, {transform_indices = @transform_3, window_bounds = array<i64: 1000, 128>}, {transform_indices = @transform_4, window_bounds = array<i64: 1000, 4>}, {transform_indices = @transform_5, window_bounds = array<i64: 1000, 4>}, {transform_indices = @transform_6, window_bounds = array<i64: 1000, 1>}, {pipeline_mode = #tpu.pipeline_mode<synchronous>, transform_indices = @transform_7, window_bounds = array<i64: 128, 384>}, {pipeline_mode = #tpu.pipeline_mode<synchronous>, transform_indices = @transform_8, window_bounds = array<i64: 128, 384>}, {pipeline_mode = #tpu.pipeline_mode<synchronous>, transform_indices = @transform_9, window_bounds = array<i64: 128, 384>}, {pipeline_mode = #tpu.pipeline_mode<synchronous>, transform_indices = @transform_10, window_bounds = array<i64: 128, 384>}, {pipeline_mode = #tpu.pipeline_mode<synchronous>, transform_indices = @transform_11, window_bounds = array<i64: 1, 384>}, {pipeline_mode = #tpu.pipeline_mode<synchronous>, transform_indices = @transform_12, window_bounds = array<i64: 384, 128>}, {pipeline_mode = #tpu.pipeline_mode<synchronous>, transform_indices = @transform_13, window_bounds = array<i64: 1, 128>}, {pipeline_mode = #tpu.pipeline_mode<synchronous>, transform_indices = @transform_14, window_bounds = array<i64: 128, 256>}, {pipeline_mode = #tpu.pipeline_mode<synchronous>, transform_indices = @transform_15, window_bounds = array<i64: 128, 256>}, {pipeline_mode = #tpu.pipeline_mode<synchronous>, transform_indices = @transform_16, window_bounds = array<i64: 1, 256>}, {pipeline_mode = #tpu.pipeline_mode<synchronous>, transform_indices = @transform_17, window_bounds = array<i64: 256, 128>}, {pipeline_mode = #tpu.pipeline_mode<synchronous>, transform_indices = @transform_18, window_bounds = array<i64: 1, 128>}, {pipeline_mode = #tpu.pipeline_mode<synchronous>, transform_indices = @transform_19, window_bounds = array<i64: 128, 128>}, {pipeline_mode = #tpu.pipeline_mode<synchronous>, transform_indices = @transform_20, window_bounds = array<i64: 1, 128>}, {pipeline_mode = #tpu.pipeline_mode<synchronous>, transform_indices = @transform_21, window_bounds = array<i64: 4, 32>}, {pipeline_mode = #tpu.pipeline_mode<synchronous>, transform_indices = @transform_22, window_bounds = array<i64: 1, 32>}, {pipeline_mode = #tpu.pipeline_mode<synchronous>, transform_indices = @transform_23, window_bounds = array<i64: 32, 1>}, {pipeline_mode = #tpu.pipeline_mode<synchronous>, transform_indices = @transform_24, window_bounds = array<i64: 1, 1>}, {transform_indices = @transform_25, window_bounds = array<i64: 1000, 128>}, {transform_indices = @transform_26, window_bounds = array<i64: 1000, 128>}]} {
    %get3A = arith.constant 0 : index
    %get3A_0 = arith.constant 0 : index
    %get3A_1 = vector.load %arg1[%get3A, %get3A_0] : memref<1000x128xf32, #tpu.memory_space<vmem>>, vector<1000x128xf32>
    %get3A_2 = arith.constant 0 : index
    %get3A_3 = arith.constant 0 : index
    %get3A_4 = vector.load %arg2[%get3A_2, %get3A_3] : memref<1000x128xf32, #tpu.memory_space<vmem>>, vector<1000x128xf32>
    %get3A_5 = arith.constant 0 : index
    %get3A_6 = arith.constant 0 : index
    %get3A_7 = vector.load %arg3[%get3A_5, %get3A_6] : memref<1000x128xf32, #tpu.memory_space<vmem>>, vector<1000x128xf32>
    %get3A_8 = arith.constant 0 : index
    %get3A_9 = arith.constant 0 : index
    %get3A_10 = vector.load %arg7[%get3A_8, %get3A_9] : memref<1000x1xf32, #tpu.memory_space<vmem>>, vector<1000x1xf32>
    %mul3A = vector.broadcast %get3A_10 : vector<1000x1xf32> to vector<1000x128xf32>
    %mul3A_11 = arith.mulf %get3A_7, %mul3A : vector<1000x128xf32>
    %get3A_12 = arith.constant 0 : index
    %get3A_13 = arith.constant 0 : index
    %get3A_14 = vector.load %arg4[%get3A_12, %get3A_13] : memref<1000x128xf32, #tpu.memory_space<vmem>>, vector<1000x128xf32>
    %get3A_15 = arith.constant 0 : index
    %get3A_16 = arith.constant 0 : index
    %get3A_17 = vector.load %arg5[%get3A_15, %get3A_16] : memref<1000x4xf32, #tpu.memory_space<vmem>>, vector<1000x4xf32>
    %get3A_18 = arith.constant 0 : index
    %get3A_19 = arith.constant 0 : index
    %get3A_20 = vector.load %arg6[%get3A_18, %get3A_19] : memref<1000x4xf32, #tpu.memory_space<vmem>>, vector<1000x4xf32>
    %sub3A = arith.subf %get3A_17, %get3A_20 : vector<1000x4xf32>
    %mul3A_21 = arith.mulf %sub3A, %sub3A : vector<1000x4xf32>
    %reduce_sum3A = arith.constant dense<0.000000e+00> : vector<1000xf32>
    %reduce_sum3A_22 = vector.multi_reduction <add>, %mul3A_21, %reduce_sum3A [1] : vector<1000x4xf32> to vector<1000xf32>
    %broadcast_in_dim3A = vector.shape_cast %reduce_sum3A_22 : vector<1000xf32> to vector<1000x1xf32>
    %sqrt3A = math.sqrt %broadcast_in_dim3A : vector<1000x1xf32>
    %iota3A = tpu.iota {dimensions = array<i32: 1>} : vector<1000x4xi32>
    %eq3A = arith.constant 3 : i32
    %eq3A_23 = vector.broadcast %eq3A : i32 to vector<1000x4xi32>
    %eq3A_24 = arith.cmpi eq, %iota3A, %eq3A_23 : vector<1000x4xi32>
    %jit3A = arith.constant 0.000000e+00 : f32
    %broadcast_in_dim3A_25 = vector.shape_cast %sqrt3A : vector<1000x1xf32> to vector<1000x1xf32>
    %broadcast_in_dim3A_26 = vector.broadcast %broadcast_in_dim3A_25 : vector<1000x1xf32> to vector<1000x4xf32>
    %broadcast_in_dim3A_27 = vector.broadcast %jit3A : f32 to vector<1000x4xf32>
    %select_n3A = arith.select %eq3A_24, %broadcast_in_dim3A_26, %broadcast_in_dim3A_27 : vector<1000x4xi1>, vector<1000x4xf32>
    %add3A = arith.addf %sub3A, %select_n3A : vector<1000x4xf32>
    %get3A_28 = arith.constant 0 : index
    %get3A_29 = arith.constant 0 : index
    %get3A_30 = vector.load %arg8[%get3A_28, %get3A_29] : memref<128x384xf32, #tpu.memory_space<vmem>>, vector<128x384xf32>
    %dot_general3A = arith.constant dense<0.000000e+00> : vector<1000x384xf32>
    %dot_general3A_31 = tpu.matmul %get3A_1, %get3A_30, %dot_general3A {dimension_numbers = #tpu.dot_dimension_numbers<[1], [0], [0], [1], [0, 0, 1, 1], [], []>, transpose_lhs_hint = false} : vector<1000x128xf32>, vector<128x384xf32>, vector<1000x384xf32> -> vector<1000x384xf32>
    %get3A_32 = arith.constant 0 : index
    %get3A_33 = arith.constant 0 : index
    %get3A_34 = vector.load %arg9[%get3A_32, %get3A_33] : memref<128x384xf32, #tpu.memory_space<vmem>>, vector<128x384xf32>
    %dot_general3A_35 = arith.constant dense<0.000000e+00> : vector<1000x384xf32>
    %dot_general3A_36 = tpu.matmul %get3A_4, %get3A_34, %dot_general3A_35 {dimension_numbers = #tpu.dot_dimension_numbers<[1], [0], [0], [1], [0, 0, 1, 1], [], []>, transpose_lhs_hint = false} : vector<1000x128xf32>, vector<128x384xf32>, vector<1000x384xf32> -> vector<1000x384xf32>
    %add3A_37 = arith.addf %dot_general3A_31, %dot_general3A_36 : vector<1000x384xf32>
    %get3A_38 = arith.constant 0 : index
    %get3A_39 = arith.constant 0 : index
    %get3A_40 = vector.load %arg10[%get3A_38, %get3A_39] : memref<128x384xf32, #tpu.memory_space<vmem>>, vector<128x384xf32>
    %dot_general3A_41 = arith.constant dense<0.000000e+00> : vector<1000x384xf32>
    %dot_general3A_42 = tpu.matmul %mul3A_11, %get3A_40, %dot_general3A_41 {dimension_numbers = #tpu.dot_dimension_numbers<[1], [0], [0], [1], [0, 0, 1, 1], [], []>, transpose_lhs_hint = false} : vector<1000x128xf32>, vector<128x384xf32>, vector<1000x384xf32> -> vector<1000x384xf32>
    %add3A_43 = arith.addf %add3A_37, %dot_general3A_42 : vector<1000x384xf32>
    %get3A_44 = arith.constant 0 : index
    %get3A_45 = arith.constant 0 : index
    %get3A_46 = vector.load %arg11[%get3A_44, %get3A_45] : memref<128x384xf32, #tpu.memory_space<vmem>>, vector<128x384xf32>
    %dot_general3A_47 = arith.constant dense<0.000000e+00> : vector<1000x384xf32>
    %dot_general3A_48 = tpu.matmul %get3A_14, %get3A_46, %dot_general3A_47 {dimension_numbers = #tpu.dot_dimension_numbers<[1], [0], [0], [1], [0, 0, 1, 1], [], []>, transpose_lhs_hint = false} : vector<1000x128xf32>, vector<128x384xf32>, vector<1000x384xf32> -> vector<1000x384xf32>
    %add3A_49 = arith.addf %add3A_43, %dot_general3A_48 : vector<1000x384xf32>
    %get3A_50 = arith.constant 0 : index
    %get3A_51 = arith.constant 0 : index
    %get3A_52 = vector.load %arg12[%get3A_50, %get3A_51] : memref<1x384xf32, #tpu.memory_space<vmem>>, vector<1x384xf32>
    %add3A_53 = vector.broadcast %get3A_52 : vector<1x384xf32> to vector<1000x384xf32>
    %add3A_54 = arith.addf %add3A_49, %add3A_53 : vector<1000x384xf32>
    %max3A = arith.constant 0.000000e+00 : f32
    %max3A_55 = vector.broadcast %max3A : f32 to vector<1000x384xf32>
    %max3A_56 = arith.maximumf %add3A_54, %max3A_55 : vector<1000x384xf32>
    %get3A_57 = arith.constant 0 : index
    %get3A_58 = arith.constant 0 : index
    %get3A_59 = vector.load %arg13[%get3A_57, %get3A_58] : memref<384x128xf32, #tpu.memory_space<vmem>>, vector<384x128xf32>
    %dot_general3A_60 = arith.constant dense<0.000000e+00> : vector<1000x128xf32>
    %dot_general3A_61 = tpu.matmul %max3A_56, %get3A_59, %dot_general3A_60 {dimension_numbers = #tpu.dot_dimension_numbers<[1], [0], [0], [1], [0, 0, 1, 1], [], []>, transpose_lhs_hint = false} : vector<1000x384xf32>, vector<384x128xf32>, vector<1000x128xf32> -> vector<1000x128xf32>
    %get3A_62 = arith.constant 0 : index
    %get3A_63 = arith.constant 0 : index
    %get3A_64 = vector.load %arg14[%get3A_62, %get3A_63] : memref<1x128xf32, #tpu.memory_space<vmem>>, vector<1x128xf32>
    %add3A_65 = vector.broadcast %get3A_64 : vector<1x128xf32> to vector<1000x128xf32>
    %add3A_66 = arith.addf %dot_general3A_61, %add3A_65 : vector<1000x128xf32>
    %swap3A = arith.constant 0 : index
    %swap3A_67 = arith.constant 0 : index
    %swap3A_68 = vector.load %arg26[%swap3A, %swap3A_67] : memref<1000x128xf32, #tpu.memory_space<vmem>>, vector<1000x128xf32>
    tpu.vector_store %arg26[%swap3A, %swap3A_67], %add3A_66 {strides = array<i32>} : memref<1000x128xf32, #tpu.memory_space<vmem>>, vector<1000x128xf32>,
    %get3A_69 = arith.constant 0 : index
    %get3A_70 = arith.constant 0 : index
    %get3A_71 = vector.load %arg15[%get3A_69, %get3A_70] : memref<128x256xf32, #tpu.memory_space<vmem>>, vector<128x256xf32>
    %dot_general3A_72 = arith.constant dense<0.000000e+00> : vector<1000x256xf32>
    %dot_general3A_73 = tpu.matmul %get3A_1, %get3A_71, %dot_general3A_72 {dimension_numbers = #tpu.dot_dimension_numbers<[1], [0], [0], [1], [0, 0, 1, 1], [], []>, transpose_lhs_hint = false} : vector<1000x128xf32>, vector<128x256xf32>, vector<1000x256xf32> -> vector<1000x256xf32>
    %get3A_74 = arith.constant 0 : index
    %get3A_75 = arith.constant 0 : index
    %get3A_76 = vector.load %arg16[%get3A_74, %get3A_75] : memref<128x256xf32, #tpu.memory_space<vmem>>, vector<128x256xf32>
    %dot_general3A_77 = arith.constant dense<0.000000e+00> : vector<1000x256xf32>
    %dot_general3A_78 = tpu.matmul %get3A_4, %get3A_76, %dot_general3A_77 {dimension_numbers = #tpu.dot_dimension_numbers<[1], [0], [0], [1], [0, 0, 1, 1], [], []>, transpose_lhs_hint = false} : vector<1000x128xf32>, vector<128x256xf32>, vector<1000x256xf32> -> vector<1000x256xf32>
    %add3A_79 = arith.addf %dot_general3A_73, %dot_general3A_78 : vector<1000x256xf32>
    %get3A_80 = arith.constant 0 : index
    %get3A_81 = arith.constant 0 : index
    %get3A_82 = vector.load %arg17[%get3A_80, %get3A_81] : memref<1x256xf32, #tpu.memory_space<vmem>>, vector<1x256xf32>
    %add3A_83 = vector.broadcast %get3A_82 : vector<1x256xf32> to vector<1000x256xf32>
    %add3A_84 = arith.addf %add3A_79, %add3A_83 : vector<1000x256xf32>
    %max3A_85 = arith.constant 0.000000e+00 : f32
    %max3A_86 = vector.broadcast %max3A_85 : f32 to vector<1000x256xf32>
    %max3A_87 = arith.maximumf %add3A_84, %max3A_86 : vector<1000x256xf32>
    %get3A_88 = arith.constant 0 : index
    %get3A_89 = arith.constant 0 : index
    %get3A_90 = vector.load %arg18[%get3A_88, %get3A_89] : memref<256x128xf32, #tpu.memory_space<vmem>>, vector<256x128xf32>
    %dot_general3A_91 = arith.constant dense<0.000000e+00> : vector<1000x128xf32>
    %dot_general3A_92 = tpu.matmul %max3A_87, %get3A_90, %dot_general3A_91 {dimension_numbers = #tpu.dot_dimension_numbers<[1], [0], [0], [1], [0, 0, 1, 1], [], []>, transpose_lhs_hint = false} : vector<1000x256xf32>, vector<256x128xf32>, vector<1000x128xf32> -> vector<1000x128xf32>
    %get3A_93 = arith.constant 0 : index
    %get3A_94 = arith.constant 0 : index
    %get3A_95 = vector.load %arg19[%get3A_93, %get3A_94] : memref<1x128xf32, #tpu.memory_space<vmem>>, vector<1x128xf32>
    %add3A_96 = vector.broadcast %get3A_95 : vector<1x128xf32> to vector<1000x128xf32>
    %add3A_97 = arith.addf %dot_general3A_92, %add3A_96 : vector<1000x128xf32>
    %mul3A_98 = arith.constant 2.500000e-01 : f32
    %mul3A_99 = vector.broadcast %mul3A_98 : f32 to vector<1000x128xf32>
    %mul3A_100 = arith.mulf %add3A_97, %mul3A_99 : vector<1000x128xf32>
    %roll3A = arith.constant 64 : i32
    %roll3A_101 = tpu.dynamic_rotate %mul3A_100 by %roll3A dim 1 : vector<1000x128xf32>, i32 -> vector<1000x128xf32>
    %max3A_102 = arith.maximumf %mul3A_100, %roll3A_101 : vector<1000x128xf32>
    %roll3A_103 = arith.constant 32 : i32
    %roll3A_104 = tpu.dynamic_rotate %max3A_102 by %roll3A_103 dim 1 : vector<1000x128xf32>, i32 -> vector<1000x128xf32>
    %max3A_105 = arith.maximumf %max3A_102, %roll3A_104 : vector<1000x128xf32>
    %roll3A_106 = arith.constant 16 : i32
    %roll3A_107 = tpu.dynamic_rotate %max3A_105 by %roll3A_106 dim 1 : vector<1000x128xf32>, i32 -> vector<1000x128xf32>
    %max3A_108 = arith.maximumf %max3A_105, %roll3A_107 : vector<1000x128xf32>
    %sub3A_109 = arith.subf %mul3A_100, %max3A_108 : vector<1000x128xf32>
    %exp3A = math.exp %sub3A_109 : vector<1000x128xf32>
    %roll3A_110 = arith.constant 64 : i32
    %roll3A_111 = tpu.dynamic_rotate %exp3A by %roll3A_110 dim 1 : vector<1000x128xf32>, i32 -> vector<1000x128xf32>
    %add3A_112 = arith.addf %exp3A, %roll3A_111 : vector<1000x128xf32>
    %roll3A_113 = arith.constant 32 : i32
    %roll3A_114 = tpu.dynamic_rotate %add3A_112 by %roll3A_113 dim 1 : vector<1000x128xf32>, i32 -> vector<1000x128xf32>
    %add3A_115 = arith.addf %add3A_112, %roll3A_114 : vector<1000x128xf32>
    %roll3A_116 = arith.constant 16 : i32
    %roll3A_117 = tpu.dynamic_rotate %add3A_115 by %roll3A_116 dim 1 : vector<1000x128xf32>, i32 -> vector<1000x128xf32>
    %add3A_118 = arith.addf %add3A_115, %roll3A_117 : vector<1000x128xf32>
    %div3A = arith.divf %exp3A, %add3A_118 : vector<1000x128xf32>
    %get3A_119 = arith.constant 0 : index
    %get3A_120 = arith.constant 0 : index
    %get3A_121 = vector.load %arg22[%get3A_119, %get3A_120] : memref<4x32xf32, #tpu.memory_space<vmem>>, vector<4x32xf32>
    %dot_general3A_122 = arith.constant dense<0.000000e+00> : vector<1000x32xf32>
    %dot_general3A_123 = tpu.matmul %add3A, %get3A_121, %dot_general3A_122 {dimension_numbers = #tpu.dot_dimension_numbers<[1], [0], [0], [1], [0, 0, 1, 1], [], []>, transpose_lhs_hint = false} : vector<1000x4xf32>, vector<4x32xf32>, vector<1000x32xf32> -> vector<1000x32xf32>
    %get3A_124 = arith.constant 0 : index
    %get3A_125 = arith.constant 0 : index
    %get3A_126 = vector.load %arg23[%get3A_124, %get3A_125] : memref<1x32xf32, #tpu.memory_space<vmem>>, vector<1x32xf32>
    %add3A_127 = vector.broadcast %get3A_126 : vector<1x32xf32> to vector<1000x32xf32>
    %add3A_128 = arith.addf %dot_general3A_123, %add3A_127 : vector<1000x32xf32>
    %max3A_129 = arith.constant 0.000000e+00 : f32
    %max3A_130 = vector.broadcast %max3A_129 : f32 to vector<1000x32xf32>
    %max3A_131 = arith.maximumf %add3A_128, %max3A_130 : vector<1000x32xf32>
    %get3A_132 = arith.constant 0 : index
    %get3A_133 = arith.constant 0 : index
    %get3A_134 = vector.load %arg24[%get3A_132, %get3A_133] : memref<32x1xf32, #tpu.memory_space<vmem>>, vector<32x1xf32>
    %dot_general3A_135 = arith.constant dense<0.000000e+00> : vector<1000x1xf32>
    %dot_general3A_136 = tpu.matmul %max3A_131, %get3A_134, %dot_general3A_135 {dimension_numbers = #tpu.dot_dimension_numbers<[1], [0], [0], [1], [0, 0, 1, 1], [], []>, transpose_lhs_hint = false} : vector<1000x32xf32>, vector<32x1xf32>, vector<1000x1xf32> -> vector<1000x1xf32>
    %get3A_137 = arith.constant 0 : index
    %get3A_138 = arith.constant 0 : index
    %get3A_139 = vector.load %arg25[%get3A_137, %get3A_138] : memref<1x1xf32, #tpu.memory_space<vmem>>, vector<1x1xf32>
    %add3A_140 = vector.broadcast %get3A_139 : vector<1x1xf32> to vector<1000x1xf32>
    %add3A_141 = arith.addf %dot_general3A_136, %add3A_140 : vector<1000x1xf32>
    %neg3A = arith.constant 0.000000e+00 : f32
    %neg3A_142 = vector.broadcast %neg3A : f32 to vector<1000x1xf32>
    %neg3A_143 = arith.subf %neg3A_142, %add3A_141 : vector<1000x1xf32>
    %exp3A_144 = math.exp %neg3A_143 : vector<1000x1xf32>
    %add3A_145 = arith.constant 1.000000e+00 : f32
    %add3A_146 = vector.broadcast %add3A_145 : f32 to vector<1000x1xf32>
    %add3A_147 = arith.addf %add3A_146, %exp3A_144 : vector<1000x1xf32>
    %div3A_148 = arith.constant 1.000000e+00 : f32
    %div3A_149 = vector.broadcast %div3A_148 : f32 to vector<1000x1xf32>
    %div3A_150 = arith.divf %div3A_149, %add3A_147 : vector<1000x1xf32>
    %get3A_151 = arith.constant 0 : index
    %get3A_152 = arith.constant 0 : index
    %get3A_153 = vector.load %arg20[%get3A_151, %get3A_152] : memref<128x128xf32, #tpu.memory_space<vmem>>, vector<128x128xf32>
    %dot_general3A_154 = arith.constant dense<0.000000e+00> : vector<1000x128xf32>
    %dot_general3A_155 = tpu.matmul %get3A_14, %get3A_153, %dot_general3A_154 {dimension_numbers = #tpu.dot_dimension_numbers<[1], [0], [0], [1], [0, 0, 1, 1], [], []>, transpose_lhs_hint = false} : vector<1000x128xf32>, vector<128x128xf32>, vector<1000x128xf32> -> vector<1000x128xf32>
    %get3A_156 = arith.constant 0 : index
    %get3A_157 = arith.constant 0 : index
    %get3A_158 = vector.load %arg21[%get3A_156, %get3A_157] : memref<1x128xf32, #tpu.memory_space<vmem>>, vector<1x128xf32>
    %add3A_159 = vector.broadcast %get3A_158 : vector<1x128xf32> to vector<1000x128xf32>
    %add3A_160 = arith.addf %dot_general3A_155, %add3A_159 : vector<1000x128xf32>
    %mul3A_161 = vector.broadcast %div3A_150 : vector<1000x1xf32> to vector<1000x128xf32>
    %mul3A_162 = arith.mulf %div3A, %mul3A_161 : vector<1000x128xf32>
    %mul3A_163 = arith.mulf %mul3A_162, %add3A_160 : vector<1000x128xf32>
    %swap3A_164 = arith.constant 0 : index
    %swap3A_165 = arith.constant 0 : index
    %swap3A_166 = vector.load %arg27[%swap3A_164, %swap3A_165] : memref<1000x128xf32, #tpu.memory_space<vmem>>, vector<1000x128xf32>
    tpu.vector_store %arg27[%swap3A_164, %swap3A_165], %mul3A_163 {strides = array<i32>} : memref<1000x128xf32, #tpu.memory_space<vmem>>, vector<1000x128xf32>,
    return
  }
  func.func @transform_0(%arg0: i32) -> (i32, i32) {
    %c0_i32 = arith.constant 0 : i32
    %c0_i32_0 = arith.constant 0 : i32
    return %arg0, %c0_i32 : i32, i32
  }
  func.func @transform_1(%arg0: i32) -> (i32, i32) {
    %c0_i32 = arith.constant 0 : i32
    %c0_i32_0 = arith.constant 0 : i32
    return %arg0, %c0_i32 : i32, i32
  }
  func.func @transform_2(%arg0: i32) -> (i32, i32) {
    %c0_i32 = arith.constant 0 : i32
    %c0_i32_0 = arith.constant 0 : i32
    return %arg0, %c0_i32 : i32, i32
  }
  func.func @transform_3(%arg0: i32) -> (i32, i32) {
    %c0_i32 = arith.constant 0 : i32
    %c0_i32_0 = arith.constant 0 : i32
    return %arg0, %c0_i32 : i32, i32
  }
  func.func @transform_4(%arg0: i32) -> (i32, i32) {
    %c0_i32 = arith.constant 0 : i32
    %c0_i32_0 = arith.constant 0 : i32
    return %arg0, %c0_i32 : i32, i32
  }
  func.func @transform_5(%arg0: i32) -> (i32, i32) {
    %c0_i32 = arith.constant 0 : i32
    %c0_i32_0 = arith.constant 0 : i32
    return %arg0, %c0_i32 : i32, i32
  }
  func.func @transform_6(%arg0: i32) -> (i32, i32) {
    %c0_i32 = arith.constant 0 : i32
    %c0_i32_0 = arith.constant 0 : i32
    return %arg0, %c0_i32 : i32, i32
  }
  func.func @transform_7(%arg0: i32) -> (i32, i32) {
    %c0_i32 = arith.constant 0 : i32
    %c0_i32_0 = arith.constant 0 : i32
    %c0_i32_1 = arith.constant 0 : i32
    return %c0_i32, %c0_i32_0 : i32, i32
  }
  func.func @transform_8(%arg0: i32) -> (i32, i32) {
    %c0_i32 = arith.constant 0 : i32
    %c0_i32_0 = arith.constant 0 : i32
    %c0_i32_1 = arith.constant 0 : i32
    return %c0_i32, %c0_i32_0 : i32, i32
  }
  func.func @transform_9(%arg0: i32) -> (i32, i32) {
    %c0_i32 = arith.constant 0 : i32
    %c0_i32_0 = arith.constant 0 : i32
    %c0_i32_1 = arith.constant 0 : i32
    return %c0_i32, %c0_i32_0 : i32, i32
  }
  func.func @transform_10(%arg0: i32) -> (i32, i32) {
    %c0_i32 = arith.constant 0 : i32
    %c0_i32_0 = arith.constant 0 : i32
    %c0_i32_1 = arith.constant 0 : i32
    return %c0_i32, %c0_i32_0 : i32, i32
  }
  func.func @transform_11(%arg0: i32) -> (i32, i32) {
    %c0_i32 = arith.constant 0 : i32
    %c0_i32_0 = arith.constant 0 : i32
    %c0_i32_1 = arith.constant 0 : i32
    return %c0_i32, %c0_i32_0 : i32, i32
  }
  func.func @transform_12(%arg0: i32) -> (i32, i32) {
    %c0_i32 = arith.constant 0 : i32
    %c0_i32_0 = arith.constant 0 : i32
    %c0_i32_1 = arith.constant 0 : i32
    return %c0_i32, %c0_i32_0 : i32, i32
  }
  func.func @transform_13(%arg0: i32) -> (i32, i32) {
    %c0_i32 = arith.constant 0 : i32
    %c0_i32_0 = arith.constant 0 : i32
    %c0_i32_1 = arith.constant 0 : i32
    return %c0_i32, %c0_i32_0 : i32, i32
  }
  func.func @transform_14(%arg0: i32) -> (i32, i32) {
    %c0_i32 = arith.constant 0 : i32
    %c0_i32_0 = arith.constant 0 : i32
    %c0_i32_1 = arith.constant 0 : i32
    return %c0_i32, %c0_i32_0 : i32, i32
  }
  func.func @transform_15(%arg0: i32) -> (i32, i32) {
    %c0_i32 = arith.constant 0 : i32
    %c0_i32_0 = arith.constant 0 : i32
    %c0_i32_1 = arith.constant 0 : i32
    return %c0_i32, %c0_i32_0 : i32, i32
  }
  func.func @transform_16(%arg0: i32) -> (i32, i32) {
    %c0_i32 = arith.constant 0 : i32
    %c0_i32_0 = arith.constant 0 : i32
    %c0_i32_1 = arith.constant 0 : i32
    return %c0_i32, %c0_i32_0 : i32, i32
  }
  func.func @transform_17(%arg0: i32) -> (i32, i32) {
    %c0_i32 = arith.constant 0 : i32
    %c0_i32_0 = arith.constant 0 : i32
    %c0_i32_1 = arith.constant 0 : i32
    return %c0_i32, %c0_i32_0 : i32, i32
  }
  func.func @transform_18(%arg0: i32) -> (i32, i32) {
    %c0_i32 = arith.constant 0 : i32
    %c0_i32_0 = arith.constant 0 : i32
    %c0_i32_1 = arith.constant 0 : i32
    return %c0_i32, %c0_i32_0 : i32, i32
  }
  func.func @transform_19(%arg0: i32) -> (i32, i32) {
    %c0_i32 = arith.constant 0 : i32
    %c0_i32_0 = arith.constant 0 : i32
    %c0_i32_1 = arith.constant 0 : i32
    return %c0_i32, %c0_i32_0 : i32, i32
  }
  func.func @transform_20(%arg0: i32) -> (i32, i32) {
    %c0_i32 = arith.constant 0 : i32
    %c0_i32_0 = arith.constant 0 : i32
    %c0_i32_1 = arith.constant 0 : i32
    return %c0_i32, %c0_i32_0 : i32, i32
  }
  func.func @transform_21(%arg0: i32) -> (i32, i32) {
    %c0_i32 = arith.constant 0 : i32
    %c0_i32_0 = arith.constant 0 : i32
    %c0_i32_1 = arith.constant 0 : i32
    return %c0_i32, %c0_i32_0 : i32, i32
  }
  func.func @transform_22(%arg0: i32) -> (i32, i32) {
    %c0_i32 = arith.constant 0 : i32
    %c0_i32_0 = arith.constant 0 : i32
    %c0_i32_1 = arith.constant 0 : i32
    return %c0_i32, %c0_i32_0 : i32, i32
  }
  func.func @transform_23(%arg0: i32) -> (i32, i32) {
    %c0_i32 = arith.constant 0 : i32
    %c0_i32_0 = arith.constant 0 : i32
    %c0_i32_1 = arith.constant 0 : i32
    return %c0_i32, %c0_i32_0 : i32, i32
  }
  func.func @transform_24(%arg0: i32) -> (i32, i32) {
    %c0_i32 = arith.constant 0 : i32
    %c0_i32_0 = arith.constant 0 : i32
    %c0_i32_1 = arith.constant 0 : i32
    return %c0_i32, %c0_i32_0 : i32, i32
  }
  func.func @transform_25(%arg0: i32) -> (i32, i32) {
    %c0_i32 = arith.constant 0 : i32
    %c0_i32_0 = arith.constant 0 : i32
    return %arg0, %c0_i32 : i32, i32
  }
  func.func @transform_26(%arg0: i32) -> (i32, i32) {
    %c0_i32 = arith.constant 0 : i32
    %c0_i32_0 = arith.constant 0 : i32
    return %arg0, %c0_i32 : i32, i32
  }
}

module attributes {stable_mosaic.version = 14 : i64} {
  func.func @_node_body(%arg0: i32, %arg1: memref<1000x128xf32, #tpu.memory_space<vmem>>, %arg2: memref<1000x128xf32, #tpu.memory_space<vmem>>, %arg3: memref<1000x128xf32, #tpu.memory_space<vmem>>, %arg4: memref<1000x128xf32, #tpu.memory_space<vmem>>, %arg5: memref<1000x1xf32, #tpu.memory_space<vmem>>, %arg6: memref<1000x1xf32, #tpu.memory_space<vmem>>, %arg7: memref<128x128xf32, #tpu.memory_space<vmem>>, %arg8: memref<128x128xf32, #tpu.memory_space<vmem>>, %arg9: memref<1x128xf32, #tpu.memory_space<vmem>>, %arg10: memref<128x256xf32, #tpu.memory_space<vmem>>, %arg11: memref<128x256xf32, #tpu.memory_space<vmem>>, %arg12: memref<1x256xf32, #tpu.memory_space<vmem>>, %arg13: memref<256x128xf32, #tpu.memory_space<vmem>>, %arg14: memref<1x128xf32, #tpu.memory_space<vmem>>, %arg15: memref<128x128xf32, #tpu.memory_space<vmem>>, %arg16: memref<1x128xf32, #tpu.memory_space<vmem>>, %arg17: memref<128x128xf32, #tpu.memory_space<vmem>>, %arg18: memref<1x128xf32, #tpu.memory_space<vmem>>, %arg19: memref<1000x128xf32, #tpu.memory_space<vmem>>) attributes {dimension_semantics = [#tpu.dimension_semantics<arbitrary>], iteration_bounds = array<i64: 10>, scalar_prefetch = 0 : i64, scratch_operands = 0 : i64, tpu.core_type = #tpu.core_type<tc>, window_params = [{transform_indices = @transform_0, window_bounds = array<i64: 1000, 128>}, {transform_indices = @transform_1, window_bounds = array<i64: 1000, 128>}, {transform_indices = @transform_2, window_bounds = array<i64: 1000, 128>}, {transform_indices = @transform_3, window_bounds = array<i64: 1000, 128>}, {transform_indices = @transform_4, window_bounds = array<i64: 1000, 1>}, {transform_indices = @transform_5, window_bounds = array<i64: 1000, 1>}, {pipeline_mode = #tpu.pipeline_mode<synchronous>, transform_indices = @transform_6, window_bounds = array<i64: 128, 128>}, {pipeline_mode = #tpu.pipeline_mode<synchronous>, transform_indices = @transform_7, window_bounds = array<i64: 128, 128>}, {pipeline_mode = #tpu.pipeline_mode<synchronous>, transform_indices = @transform_8, window_bounds = array<i64: 1, 128>}, {pipeline_mode = #tpu.pipeline_mode<synchronous>, transform_indices = @transform_9, window_bounds = array<i64: 128, 256>}, {pipeline_mode = #tpu.pipeline_mode<synchronous>, transform_indices = @transform_10, window_bounds = array<i64: 128, 256>}, {pipeline_mode = #tpu.pipeline_mode<synchronous>, transform_indices = @transform_11, window_bounds = array<i64: 1, 256>}, {pipeline_mode = #tpu.pipeline_mode<synchronous>, transform_indices = @transform_12, window_bounds = array<i64: 256, 128>}, {pipeline_mode = #tpu.pipeline_mode<synchronous>, transform_indices = @transform_13, window_bounds = array<i64: 1, 128>}, {pipeline_mode = #tpu.pipeline_mode<synchronous>, transform_indices = @transform_14, window_bounds = array<i64: 128, 128>}, {pipeline_mode = #tpu.pipeline_mode<synchronous>, transform_indices = @transform_15, window_bounds = array<i64: 1, 128>}, {pipeline_mode = #tpu.pipeline_mode<synchronous>, transform_indices = @transform_16, window_bounds = array<i64: 128, 128>}, {pipeline_mode = #tpu.pipeline_mode<synchronous>, transform_indices = @transform_17, window_bounds = array<i64: 1, 128>}, {transform_indices = @transform_18, window_bounds = array<i64: 1000, 128>}]} {
    %get3A = arith.constant 0 : index
    %get3A_0 = arith.constant 0 : index
    %get3A_1 = vector.load %arg5[%get3A, %get3A_0] : memref<1000x1xf32, #tpu.memory_space<vmem>>, vector<1000x1xf32>
    %get3A_2 = arith.constant 0 : index
    %get3A_3 = arith.constant 0 : index
    %get3A_4 = vector.load %arg6[%get3A_2, %get3A_3] : memref<1000x1xf32, #tpu.memory_space<vmem>>, vector<1000x1xf32>
    %get3A_5 = arith.constant 0 : index
    %get3A_6 = arith.constant 0 : index
    %get3A_7 = vector.load %arg3[%get3A_5, %get3A_6] : memref<1000x128xf32, #tpu.memory_space<vmem>>, vector<1000x128xf32>
    %max3A = arith.constant 1.000000e+00 : f32
    %max3A_8 = vector.broadcast %max3A : f32 to vector<1000x1xf32>
    %max3A_9 = arith.maximumf %get3A_1, %max3A_8 : vector<1000x1xf32>
    %div3A = vector.broadcast %max3A_9 : vector<1000x1xf32> to vector<1000x128xf32>
    %div3A_10 = arith.divf %get3A_7, %div3A : vector<1000x128xf32>
    %get3A_11 = arith.constant 0 : index
    %get3A_12 = arith.constant 0 : index
    %get3A_13 = vector.load %arg4[%get3A_11, %get3A_12] : memref<1000x128xf32, #tpu.memory_space<vmem>>, vector<1000x128xf32>
    %max3A_14 = arith.constant 1.000000e+00 : f32
    %max3A_15 = vector.broadcast %max3A_14 : f32 to vector<1000x1xf32>
    %max3A_16 = arith.maximumf %get3A_4, %max3A_15 : vector<1000x1xf32>
    %div3A_17 = vector.broadcast %max3A_16 : vector<1000x1xf32> to vector<1000x128xf32>
    %div3A_18 = arith.divf %get3A_13, %div3A_17 : vector<1000x128xf32>
    %get3A_19 = arith.constant 0 : index
    %get3A_20 = arith.constant 0 : index
    %get3A_21 = vector.load %arg7[%get3A_19, %get3A_20] : memref<128x128xf32, #tpu.memory_space<vmem>>, vector<128x128xf32>
    %dot_general3A = arith.constant dense<0.000000e+00> : vector<1000x128xf32>
    %dot_general3A_22 = tpu.matmul %div3A_10, %get3A_21, %dot_general3A {dimension_numbers = #tpu.dot_dimension_numbers<[1], [0], [0], [1], [0, 0, 1, 1], [], []>, transpose_lhs_hint = false} : vector<1000x128xf32>, vector<128x128xf32>, vector<1000x128xf32> -> vector<1000x128xf32>
    %get3A_23 = arith.constant 0 : index
    %get3A_24 = arith.constant 0 : index
    %get3A_25 = vector.load %arg8[%get3A_23, %get3A_24] : memref<128x128xf32, #tpu.memory_space<vmem>>, vector<128x128xf32>
    %dot_general3A_26 = arith.constant dense<0.000000e+00> : vector<1000x128xf32>
    %dot_general3A_27 = tpu.matmul %div3A_18, %get3A_25, %dot_general3A_26 {dimension_numbers = #tpu.dot_dimension_numbers<[1], [0], [0], [1], [0, 0, 1, 1], [], []>, transpose_lhs_hint = false} : vector<1000x128xf32>, vector<128x128xf32>, vector<1000x128xf32> -> vector<1000x128xf32>
    %add3A = arith.addf %dot_general3A_22, %dot_general3A_27 : vector<1000x128xf32>
    %get3A_28 = arith.constant 0 : index
    %get3A_29 = arith.constant 0 : index
    %get3A_30 = vector.load %arg9[%get3A_28, %get3A_29] : memref<1x128xf32, #tpu.memory_space<vmem>>, vector<1x128xf32>
    %add3A_31 = vector.broadcast %get3A_30 : vector<1x128xf32> to vector<1000x128xf32>
    %add3A_32 = arith.addf %add3A, %add3A_31 : vector<1000x128xf32>
    %gt3A = arith.constant 0.000000e+00 : f32
    %gt3A_33 = vector.broadcast %gt3A : f32 to vector<1000x1xf32>
    %gt3A_34 = arith.cmpf ogt, %get3A_1, %gt3A_33 : vector<1000x1xf32>
    %get3A_35 = arith.constant 0 : index
    %get3A_36 = arith.constant 0 : index
    %get3A_37 = vector.load %arg2[%get3A_35, %get3A_36] : memref<1000x128xf32, #tpu.memory_space<vmem>>, vector<1000x128xf32>
    %jit3A = arith.constant 0.000000e+00 : f32
    %broadcast_in_dim3A = vector.shape_cast %gt3A_34 : vector<1000x1xi1> to vector<1000x1xi1>
    %broadcast_in_dim3A_38 = vector.broadcast %broadcast_in_dim3A : vector<1000x1xi1> to vector<1000x128xi1>
    %broadcast_in_dim3A_39 = vector.broadcast %jit3A : f32 to vector<1000x128xf32>
    %select_n3A = arith.select %broadcast_in_dim3A_38, %get3A_37, %broadcast_in_dim3A_39 : vector<1000x128xi1>, vector<1000x128xf32>
    %get3A_40 = arith.constant 0 : index
    %get3A_41 = arith.constant 0 : index
    %get3A_42 = vector.load %arg10[%get3A_40, %get3A_41] : memref<128x256xf32, #tpu.memory_space<vmem>>, vector<128x256xf32>
    %dot_general3A_43 = arith.constant dense<0.000000e+00> : vector<1000x256xf32>
    %dot_general3A_44 = tpu.matmul %select_n3A, %get3A_42, %dot_general3A_43 {dimension_numbers = #tpu.dot_dimension_numbers<[1], [0], [0], [1], [0, 0, 1, 1], [], []>, transpose_lhs_hint = false} : vector<1000x128xf32>, vector<128x256xf32>, vector<1000x256xf32> -> vector<1000x256xf32>
    %get3A_45 = arith.constant 0 : index
    %get3A_46 = arith.constant 0 : index
    %get3A_47 = vector.load %arg11[%get3A_45, %get3A_46] : memref<128x256xf32, #tpu.memory_space<vmem>>, vector<128x256xf32>
    %dot_general3A_48 = arith.constant dense<0.000000e+00> : vector<1000x256xf32>
    %dot_general3A_49 = tpu.matmul %add3A_32, %get3A_47, %dot_general3A_48 {dimension_numbers = #tpu.dot_dimension_numbers<[1], [0], [0], [1], [0, 0, 1, 1], [], []>, transpose_lhs_hint = false} : vector<1000x128xf32>, vector<128x256xf32>, vector<1000x256xf32> -> vector<1000x256xf32>
    %add3A_50 = arith.addf %dot_general3A_44, %dot_general3A_49 : vector<1000x256xf32>
    %get3A_51 = arith.constant 0 : index
    %get3A_52 = arith.constant 0 : index
    %get3A_53 = vector.load %arg12[%get3A_51, %get3A_52] : memref<1x256xf32, #tpu.memory_space<vmem>>, vector<1x256xf32>
    %add3A_54 = vector.broadcast %get3A_53 : vector<1x256xf32> to vector<1000x256xf32>
    %add3A_55 = arith.addf %add3A_50, %add3A_54 : vector<1000x256xf32>
    %max3A_56 = arith.constant 0.000000e+00 : f32
    %max3A_57 = vector.broadcast %max3A_56 : f32 to vector<1000x256xf32>
    %max3A_58 = arith.maximumf %add3A_55, %max3A_57 : vector<1000x256xf32>
    %get3A_59 = arith.constant 0 : index
    %get3A_60 = arith.constant 0 : index
    %get3A_61 = vector.load %arg13[%get3A_59, %get3A_60] : memref<256x128xf32, #tpu.memory_space<vmem>>, vector<256x128xf32>
    %dot_general3A_62 = arith.constant dense<0.000000e+00> : vector<1000x128xf32>
    %dot_general3A_63 = tpu.matmul %max3A_58, %get3A_61, %dot_general3A_62 {dimension_numbers = #tpu.dot_dimension_numbers<[1], [0], [0], [1], [0, 0, 1, 1], [], []>, transpose_lhs_hint = false} : vector<1000x256xf32>, vector<256x128xf32>, vector<1000x128xf32> -> vector<1000x128xf32>
    %get3A_64 = arith.constant 0 : index
    %get3A_65 = arith.constant 0 : index
    %get3A_66 = vector.load %arg14[%get3A_64, %get3A_65] : memref<1x128xf32, #tpu.memory_space<vmem>>, vector<1x128xf32>
    %add3A_67 = vector.broadcast %get3A_66 : vector<1x128xf32> to vector<1000x128xf32>
    %add3A_68 = arith.addf %dot_general3A_63, %add3A_67 : vector<1000x128xf32>
    %get3A_69 = arith.constant 0 : index
    %get3A_70 = arith.constant 0 : index
    %get3A_71 = vector.load %arg15[%get3A_69, %get3A_70] : memref<128x128xf32, #tpu.memory_space<vmem>>, vector<128x128xf32>
    %dot_general3A_72 = arith.constant dense<0.000000e+00> : vector<1000x128xf32>
    %dot_general3A_73 = tpu.matmul %add3A_68, %get3A_71, %dot_general3A_72 {dimension_numbers = #tpu.dot_dimension_numbers<[1], [0], [0], [1], [0, 0, 1, 1], [], []>, transpose_lhs_hint = false} : vector<1000x128xf32>, vector<128x128xf32>, vector<1000x128xf32> -> vector<1000x128xf32>
    %get3A_74 = arith.constant 0 : index
    %get3A_75 = arith.constant 0 : index
    %get3A_76 = vector.load %arg16[%get3A_74, %get3A_75] : memref<1x128xf32, #tpu.memory_space<vmem>>, vector<1x128xf32>
    %add3A_77 = vector.broadcast %get3A_76 : vector<1x128xf32> to vector<1000x128xf32>
    %add3A_78 = arith.addf %dot_general3A_73, %add3A_77 : vector<1000x128xf32>
    %max3A_79 = arith.constant 0.000000e+00 : f32
    %max3A_80 = vector.broadcast %max3A_79 : f32 to vector<1000x128xf32>
    %max3A_81 = arith.maximumf %add3A_78, %max3A_80 : vector<1000x128xf32>
    %get3A_82 = arith.constant 0 : index
    %get3A_83 = arith.constant 0 : index
    %get3A_84 = vector.load %arg1[%get3A_82, %get3A_83] : memref<1000x128xf32, #tpu.memory_space<vmem>>, vector<1000x128xf32>
    %get3A_85 = arith.constant 0 : index
    %get3A_86 = arith.constant 0 : index
    %get3A_87 = vector.load %arg17[%get3A_85, %get3A_86] : memref<128x128xf32, #tpu.memory_space<vmem>>, vector<128x128xf32>
    %dot_general3A_88 = arith.constant dense<0.000000e+00> : vector<1000x128xf32>
    %dot_general3A_89 = tpu.matmul %max3A_81, %get3A_87, %dot_general3A_88 {dimension_numbers = #tpu.dot_dimension_numbers<[1], [0], [0], [1], [0, 0, 1, 1], [], []>, transpose_lhs_hint = false} : vector<1000x128xf32>, vector<128x128xf32>, vector<1000x128xf32> -> vector<1000x128xf32>
    %add3A_90 = arith.addf %get3A_84, %dot_general3A_89 : vector<1000x128xf32>
    %get3A_91 = arith.constant 0 : index
    %get3A_92 = arith.constant 0 : index
    %get3A_93 = vector.load %arg18[%get3A_91, %get3A_92] : memref<1x128xf32, #tpu.memory_space<vmem>>, vector<1x128xf32>
    %add3A_94 = vector.broadcast %get3A_93 : vector<1x128xf32> to vector<1000x128xf32>
    %add3A_95 = arith.addf %add3A_90, %add3A_94 : vector<1000x128xf32>
    %swap3A = arith.constant 0 : index
    %swap3A_96 = arith.constant 0 : index
    %swap3A_97 = vector.load %arg19[%swap3A, %swap3A_96] : memref<1000x128xf32, #tpu.memory_space<vmem>>, vector<1000x128xf32>
    tpu.vector_store %arg19[%swap3A, %swap3A_96], %add3A_95 {strides = array<i32>} : memref<1000x128xf32, #tpu.memory_space<vmem>>, vector<1000x128xf32>,
    return
  }
  func.func @transform_0(%arg0: i32) -> (i32, i32) {
    %c0_i32 = arith.constant 0 : i32
    %c0_i32_0 = arith.constant 0 : i32
    return %arg0, %c0_i32 : i32, i32
  }
  func.func @transform_1(%arg0: i32) -> (i32, i32) {
    %c0_i32 = arith.constant 0 : i32
    %c0_i32_0 = arith.constant 0 : i32
    return %arg0, %c0_i32 : i32, i32
  }
  func.func @transform_2(%arg0: i32) -> (i32, i32) {
    %c0_i32 = arith.constant 0 : i32
    %c0_i32_0 = arith.constant 0 : i32
    return %arg0, %c0_i32 : i32, i32
  }
  func.func @transform_3(%arg0: i32) -> (i32, i32) {
    %c0_i32 = arith.constant 0 : i32
    %c0_i32_0 = arith.constant 0 : i32
    return %arg0, %c0_i32 : i32, i32
  }
  func.func @transform_4(%arg0: i32) -> (i32, i32) {
    %c0_i32 = arith.constant 0 : i32
    %c0_i32_0 = arith.constant 0 : i32
    return %arg0, %c0_i32 : i32, i32
  }
  func.func @transform_5(%arg0: i32) -> (i32, i32) {
    %c0_i32 = arith.constant 0 : i32
    %c0_i32_0 = arith.constant 0 : i32
    return %arg0, %c0_i32 : i32, i32
  }
  func.func @transform_6(%arg0: i32) -> (i32, i32) {
    %c0_i32 = arith.constant 0 : i32
    %c0_i32_0 = arith.constant 0 : i32
    %c0_i32_1 = arith.constant 0 : i32
    return %c0_i32, %c0_i32_0 : i32, i32
  }
  func.func @transform_7(%arg0: i32) -> (i32, i32) {
    %c0_i32 = arith.constant 0 : i32
    %c0_i32_0 = arith.constant 0 : i32
    %c0_i32_1 = arith.constant 0 : i32
    return %c0_i32, %c0_i32_0 : i32, i32
  }
  func.func @transform_8(%arg0: i32) -> (i32, i32) {
    %c0_i32 = arith.constant 0 : i32
    %c0_i32_0 = arith.constant 0 : i32
    %c0_i32_1 = arith.constant 0 : i32
    return %c0_i32, %c0_i32_0 : i32, i32
  }
  func.func @transform_9(%arg0: i32) -> (i32, i32) {
    %c0_i32 = arith.constant 0 : i32
    %c0_i32_0 = arith.constant 0 : i32
    %c0_i32_1 = arith.constant 0 : i32
    return %c0_i32, %c0_i32_0 : i32, i32
  }
  func.func @transform_10(%arg0: i32) -> (i32, i32) {
    %c0_i32 = arith.constant 0 : i32
    %c0_i32_0 = arith.constant 0 : i32
    %c0_i32_1 = arith.constant 0 : i32
    return %c0_i32, %c0_i32_0 : i32, i32
  }
  func.func @transform_11(%arg0: i32) -> (i32, i32) {
    %c0_i32 = arith.constant 0 : i32
    %c0_i32_0 = arith.constant 0 : i32
    %c0_i32_1 = arith.constant 0 : i32
    return %c0_i32, %c0_i32_0 : i32, i32
  }
  func.func @transform_12(%arg0: i32) -> (i32, i32) {
    %c0_i32 = arith.constant 0 : i32
    %c0_i32_0 = arith.constant 0 : i32
    %c0_i32_1 = arith.constant 0 : i32
    return %c0_i32, %c0_i32_0 : i32, i32
  }
  func.func @transform_13(%arg0: i32) -> (i32, i32) {
    %c0_i32 = arith.constant 0 : i32
    %c0_i32_0 = arith.constant 0 : i32
    %c0_i32_1 = arith.constant 0 : i32
    return %c0_i32, %c0_i32_0 : i32, i32
  }
  func.func @transform_14(%arg0: i32) -> (i32, i32) {
    %c0_i32 = arith.constant 0 : i32
    %c0_i32_0 = arith.constant 0 : i32
    %c0_i32_1 = arith.constant 0 : i32
    return %c0_i32, %c0_i32_0 : i32, i32
  }
  func.func @transform_15(%arg0: i32) -> (i32, i32) {
    %c0_i32 = arith.constant 0 : i32
    %c0_i32_0 = arith.constant 0 : i32
    %c0_i32_1 = arith.constant 0 : i32
    return %c0_i32, %c0_i32_0 : i32, i32
  }
  func.func @transform_16(%arg0: i32) -> (i32, i32) {
    %c0_i32 = arith.constant 0 : i32
    %c0_i32_0 = arith.constant 0 : i32
    %c0_i32_1 = arith.constant 0 : i32
    return %c0_i32, %c0_i32_0 : i32, i32
  }
  func.func @transform_17(%arg0: i32) -> (i32, i32) {
    %c0_i32 = arith.constant 0 : i32
    %c0_i32_0 = arith.constant 0 : i32
    %c0_i32_1 = arith.constant 0 : i32
    return %c0_i32, %c0_i32_0 : i32, i32
  }
  func.func @transform_18(%arg0: i32) -> (i32, i32) {
    %c0_i32 = arith.constant 0 : i32
    %c0_i32_0 = arith.constant 0 : i32
    return %arg0, %c0_i32 : i32, i32
  }
}

</mosaic_0001>

<sc_bundles>
// kernel: gather_offload_async_start.1
scs
__scs_entry_jumppad:
0x0: {  	(pc) =	sbr.rel $0x88, $3  }
0x1: {  	(tag) =	ssettag $0x0;
	lr =	simm.s32 $0x1  }
0x2: {  	[smem:$0x3F81] =	sst lr;
	_ =	strace $0xD0000000  }
0x3: {  	_ = 	snop  }
0x4: {  	_ = 	snop  }
0x5: {  	_ = 	snop  }
0x6: {  	_ = 	snop  }
0x7: {  	_ = 	snop  }
__scs_overlays_trampoline_lowered:
0x8: {  	[smem:$0x3F90] =	sst s0  }
0x9: {  	[smem:$0x3F91] =	sst s1  }
0xa: {  	[smem:$0x3F92] =	sst s2  }
0xb: {  	[smem:$0x3F93] =	sst s3  }
0xc: {  	[smem:$0x3F94] =	sst s4  }
0xd: {  	[smem:$0x3F95] =	sst s5  }
0xe: {  	[smem:$0x3F96] =	sst s6  }
0xf: {  	[smem:$0x3F97] =	sst s7  }
0x10: {  	[smem:$0x3F98] =	sst s8  }
0x11: {  	[smem:$0x3F99] =	sst s9;
	s0 =	simm.s32 @!p0 $0x0  }
0x12: {  	s1 =	sld [smem:$0x3F7F];
	s0 =	simm.s32 @p0 $0x1  }
0x13: {  	[smem:$0x3F9A] =	sst s0;
	s0 =	simm.s32 @!p1 $0x0  }
0x14: {  	s2 =	sld [smem:$0x3F7E];
	s0 =	simm.s32 @p1 $0x1  }
0x15: {  	[smem:$0x3F9B] =	sst s0;
	s0 =	simm.s32 @!p2 $0x0  }
0x16: {  	s3 =	sld [smem:$0x3FDB];
	s0 =	simm.s32 @p2 $0x1  }
0x17: {  	s4 =	simm.s32 $0x1BF5;
	[smem:$0x3F9D] =	sst s0  }
0x18: {  	s0 =	sld [smem:$0x3F80];
	_ =	swait.ge [sflag:s4], $0x0  }
0x19: {  	s7 =	sld [smem:$0x3F81]  }
0x1a: {  	s8 =	sadd.s32 $0xFFFFE003, lr  }
0x1b: {  	s9 =	sadd.s32 $0xFFFFFEF7, lr;
	s5 =	simm.s32 $0xFFFFFFFF;
	p2 =	slt.u32 s8, $0xFFFFF086  }
0x1c: {  	p1 =	slt.u32 s9, $0xF7A;
	s5 =	simm.s32 @!p2 $0x0  }
0x1d: {  	s5 =	simm.s32 @p1 $0x1;
	p0 =	seq.s32 s7, s2  }
0x1e: {  	s7 =	smul.u32 @!p0 $0xF7A, s2;
	p2 =	seq.s32 @!p0 s5, $0x0  }
0x1f: {  	s9 =	smul.u32 $0xF7A, s1;
	s8 =	simm.s32 @!p0 $0x1BF5;
	p2 =	por !p2, p0  }
0x20: {  	[sflag:s8] =	ssyncset.s32 @!p0 $0xFFFFF086;
	s6 =	sadd.s32 @!p0 s3, s7;
	s7 =	simm.s32 @!p0 $0x108  }
0x21: {  	s3 =	sadd.s32 s3, s9;
	s6 =	sadd.s32 @!p0 $0x88, s6;
	s7 =	simm.s32 @p2 $0x1082  }
0x22: {  	[simem:s7], [sflag:s8] =	dma.local @!p0 [hbm:s6], $0xF7A  }
0x23: {  	s9 =	sor.u32 $0xD0000000, s2;
	s6 =	simm.s32 $0x108;
	_ =	swait.ge @!p0 [sflag:s8], $0x0  }
0x24: {  	s3 =	sadd.s32 $0x88, s3;
	s6 =	simm.s32 @!p1 $0x1082;
	[sflag:s4] =	ssyncset.s32 $0xFFFFF086  }
0x25: {  	[simem:s6], [sflag:s4] =	dma.local [hbm:s3], $0xF7A  }
0x26: {  	[smem:$0x3F81] =	sst s1;
	(tag) =	ssettag s2;
	_ =	strace s9  }
0x27: {  	s1 =	sld [smem:$0x3F91]  }
0x28: {  	s2 =	sld [smem:$0x3F92]  }
0x29: {  	s4 =	sld [smem:$0x3F94]  }
0x2a: {  	p0 =	seq.s32 s5, $0x0;
	s5 =	sld [smem:$0x3F95]  }
0x2b: {  	s6 =	sld [smem:$0x3F96]  }
0x2c: {  	s7 =	sld [smem:$0x3F97]  }
0x2d: {  	s3 =	simm.s32 $0x108;
	s8 =	sld [smem:$0x3F98]  }
0x2e: {  	s3 =	simm.s32 @!p0 $0x1082;
	s9 =	sld [smem:$0x3F99]  }
0x2f: {  	lr =	sadd.s32 s0, s3;
	s0 =	sld [smem:$0x3F90]  }
0x30: {  	s3 =	sld [smem:$0x3F93]  }
0x31: {  	[smem:$0x3F9C] =	sst s10  }
0x32: {  	s10 =	sld [smem:$0x3F9A];
	_ =	sdelay $0x3  }
0x33: {  	p0 =	seq.s32 s10, $0x1;
	s10 =	sld [smem:$0x3F9C];
	_ =	sdelay $0x3  }
0x34: {  	[smem:$0x3F9C] =	sst s10  }
0x35: {  	s10 =	sld [smem:$0x3F9B];
	_ =	sdelay $0x3  }
0x36: {  	p1 =	seq.s32 s10, $0x1;
	s10 =	sld [smem:$0x3F9C];
	_ =	sdelay $0x3  }
0x37: {  	[smem:$0x3F9C] =	sst s10  }
0x38: {  	s10 =	sld [smem:$0x3F9D]  }
0x39: {  	_ = 	snop;
	(pc) =	sbr.ind lr, $3  }
0x3a: {  	_ = 	snop  }
0x3b: {  	_ = 	snop  }
0x3c: {  	p2 =	seq.s32 s10, $0x1;
	s10 =	sld [smem:$0x3F9C]  }
0x3d: {  	_ =	shalt  }
0x3e: {  	_ =	shalt  }
0x3f: {  	_ =	shalt  }
0x40: {  	_ =	shalt  }
0x41: {  	_ =	shalt  }
0x42: {  	_ =	shalt  }
0x43: {  	_ =	shalt  }
0x44: {  	_ =	shalt  }
0x45: {  	_ =	shalt  }
0x46: {  	_ =	shalt  }
0x47: {  	_ =	shalt  }
0x48: {  	_ =	shalt  }
0x49: {  	_ =	shalt  }
0x4a: {  	_ =	shalt  }
0x4b: {  	_ =	shalt  }
0x4c: {  	_ =	shalt  }
0x4d: {  	_ =	shalt  }
0x4e: {  	_ =	shalt  }
0x4f: {  	_ =	shalt  }
0x50: {  	_ =	shalt  }
0x51: {  	_ =	shalt  }
0x52: {  	_ =	shalt  }
0x53: {  	_ =	shalt  }
0x54: {  	_ =	shalt  }
0x55: {  	_ =	shalt  }
0x56: {  	_ =	shalt  }
0x57: {  	_ =	shalt  }
0x58: {  	_ =	shalt  }
0x59: {  	_ =	shalt  }
0x5a: {  	_ =	shalt  }
0x5b: {  	_ =	shalt  }
0x5c: {  	_ =	shalt  }
0x5d: {  	_ =	shalt  }
0x5e: {  	_ =	shalt  }
0x5f: {  	_ =	shalt  }
0x60: {  	_ =	shalt  }
0x61: {  	_ =	shalt  }
0x62: {  	_ =	shalt  }
0x63: {  	_ =	shalt  }
0x64: {  	_ =	shalt  }
0x65: {  	_ =	shalt  }
0x66: {  	_ =	shalt  }
0x67: {  	_ =	shalt  }
0x68: {  	_ =	shalt  }
0x69: {  	_ =	shalt  }
0x6a: {  	_ =	shalt  }
0x6b: {  	_ =	shalt  }
0x6c: {  	_ =	shalt  }
0x6d: {  	_ =	shalt  }
0x6e: {  	_ =	shalt  }
0x6f: {  	_ =	shalt  }
0x70: {  	_ =	shalt  }
0x71: {  	_ =	shalt  }
0x72: {  	_ =	shalt  }
0x73: {  	_ =	shalt  }
0x74: {  	_ =	shalt  }
0x75: {  	_ =	shalt  }
0x76: {  	_ =	shalt  }
0x77: {  	_ =	shalt  }
0x78: {  	_ =	shalt  }
0x79: {  	_ =	shalt  }
0x7a: {  	_ =	shalt  }
0x7b: {  	_ =	shalt  }
0x7c: {  	_ =	shalt  }
0x7d: {  	_ =	shalt  }
0x7e: {  	_ =	shalt  }
0x7f: {  	_ =	shalt  }
0x80: {  	_ =	shalt  }
0x81: {  	_ =	shalt  }
0x82: {  	_ =	shalt  }
0x83: {  	_ =	shalt  }
0x84: {  	_ =	shalt  }
0x85: {  	_ =	shalt  }
0x86: {  	_ =	shalt  }
0x87: {  	_ =	shalt  }
.Lfunc_end0:
.L_simem_size_0:
called_computation.5_lowered:
.L_overlay_start_0:
0x88: {  	s2 =	sld [smem:$0x3FD9]  }
0x89: {  	s3 =	sld [smem:$0x3FFE];
	_ =	sdelay $0x1  }
0x8a: {  	s1 =	srdreg.scid  }
0x8b: {  	s0 =	sand.u32 $0x1, s1  }
0x8c: {  	s16 =	sshll.u32 s0, $0xA;
	s2 =	sadd.s32 s3, s2  }
0x8d: {  	s2 =	sadd.s32 s2, s16  }
0x8e: {  	[smem:$0x3FA8] =	sst s2  }
0x8f: {  	_ = 	snop  }
0x90: {  	(tm) =	ssettm $0x1  }
0x91: {  	s17 =	sld [smem:$0x3FFB];
	_ =	sdelay $0x3  }
0x92: {  	_ =	strace s17  }
0x93: {  	s2 =	sld [smem:$0x3FFC];
	_ =	sdelay $0x3  }
0x94: {  	_ =	strace s2  }
0x95: {  	s2 =	sld [smem:$0x3FFD];
	_ =	sdelay $0x3  }
0x96: {  	_ =	strace s2  }
0x97: {  	_ =	strace $0x8FFFFFFF  }
0x98: {  	s18 =	sld [smem:$0x3FDB];
	_ =	sdelay $0x1  }
0x99: {  	s19 =	simm.s32 $_scs_section_size  }
0x9a: {  	s4 =	simm.s32 $_size__tile_overlayer_lowered;
	s5 =	simm.s32 $_tile_overlayer_lowered  }
0x9b: {  	s22 =	simm.s32 $0x1BFF;
	s21 =	sshll.u32 s5, $0x1;
	s2 =	sadd.s32 s19, s18  }
0x9c: {  	s6 =	simm.s32 $0x0;
	s20 =	sshll.u32 s4, $0x1;
	s4 =	sadd.s32 s21, s2  }
0x9d: {  	[timem:s6], [sflag:s22] =	dma.local [hbm:s4], s20  }
0x9e: {  	_ =	swait.ge [sflag:s22], s20  }
0x9f: {  	s3 =	ssub.s32 $0x0, s20;
	[sflag:s22] =	ssyncset.done $0x0  }
0xa0: {  	[sflag:s22] =	ssyncadd.s32 s3;
	_ =	sdelay $0x1  }
0xa1: {  	s23 =	simm.s32 $0x1B8B  }
0xa2: {  	_ =	swait.ge [sflag:s23], $0x1  }
0xa3: {  	[sflag:s23] =	ssyncset.done $0x0  }
0xa4: {  	s25 =	simm.s32 $0x1B8E;
	s24 =	sld [smem:$0x3FFE];
	[sflag:s23] =	ssyncadd.s32 $0xFFFFFFFF  }
0xa5: {  	s26 =	simm.s32 $execute0_lowered;
	[smem:$0x3FD2] =	sst s25  }
0xa6: {  	s4 =	sshll.u32 s26, $0x1;
	_ =	strace $0x80000046;
	[dreg:$0x1] =	wrdreg $0xFFFFFFFF  }
0xa7: {  	s28 =	simm.s32 $_size_execute0_lowered;
	s2 =	sadd.s32 s2, s4;
	[dreg:$0x0] =	wrdreg $0x0  }
0xa8: {  	s4 =	sshll.u32 s28, $0x1;
	[dreg:$0x2] =	wrdreg s2  }
0xa9: {  	[dreg:$0x3] =	wrdreg s4  }
0xaa: {  	[dreg:$0x4] =	wrdreg $0xC0  }
0xab: {  	_ =	task [dreg:s6], $0x5FFFF  }
0xac: {  	[dreg:$0x1] =	wrdreg $0xFFFFFFFF  }
0xad: {  	[dreg:$0x0] =	wrdreg $0x60  }
0xae: {  	[dreg:$0x2] =	wrdreg s24  }
0xaf: {  	[dreg:$0x3] =	wrdreg $0x9  }
0xb0: {  	_ =	task.clear_ibuf [dreg:s6], $0x4FFFF;
	_ =	strace $0x90000046  }
0xb1: {  	s29 =	simm.s32 $0x9;
	_ =	strace $0x80000048  }
0xb2: {  	_ =	swait.ge [sflag:s29], $0x1  }
0xb3: {  	[sflag:s29] =	ssyncadd.s32 $0xFFFFFFFF  }
0xb4: {  	_ =	strace $0x90000048  }
0xb5: {  	_ =	sfence  }
0xb6: {  	s30 =	sld [smem:$0x0];
	_ =	sdelay $0x2  }
0xb7: {  	s31 =	sshll.u32 s1, $0xD;
	s1 =	sshrl.u32 s1, $0x2  }
0xb8: {  	s3 =	sand.u32 $0x4000, s31;
	s1 =	sadd.s32 s1, s30  }
0xb9: {  	s0 =	sor.u32 s3, s0;
	s1 =	sshll.u32 s1, $0x11  }
0xba: {  	s0 =	sor.u32 s1, s0  }
0xbb: {  	s0 =	sadd.s32 $0x8F2B, s0  }
0xbc: {  	[sflag:s0] =	ssyncadd.remote.s32 $0x1  }
0xbd: {  	_ =	sfence.sel $0xFFFF  }
0xbe: {  	[dreg:$0x0] =	wrdreg $0xFFFFFFFF;
	(pc) =	sbr.abs _section_cstart, $3  }
0xbf: {  	[dreg:$0x1] =	wrdreg $0xFFFFFFFF  }
0xc0: {  	_ =	task.clear_ibuf [dreg:s6], $0x2FFFF;
	_ =	strace $0x9FFFFFFF  }
0xc1: {  	(tm) =	ssettm $0x7FFFFFFF  }
tec
execute0_lowered:
.L_overlay_start_1:
0x0: {  	(tag) =	ssettag $0x1  }
0x1: {  	s8 =	rddreg [dreg:$0x0]  }
0x2: {  	s0 =	rddreg [dreg:$0x1];
	_ =	strace $0x80000047;
	s1 =	stileid.u32  }
0x3: {  	s3 =	srdreg.scid;
	s4 =	simm.s32 $0x1;
	s7 =	simm.s32 $0x1  }
0x4: {  	s9 =	simm.s32 $0x1;
	s10 =	simm.s32 $0x3;
	s13 =	simm.s32 $0x0  }
0x5: {  	s12 =	simm.s32 $0x0;
	s5 =	sand.u32 $0x1, s3;
	s6 =	sshll.u32 s1, $0x1  }
0x6: {  	s2 =	sadd.s32 $0x43000, s8;
	s3 =	sadd.s32 $0x56C00, s8;
	s5 =	sor.u32 s6, s5  }
.Ltmp0:
0x7: {  	[sflag:s4] =	ssyncpa.u1 $0x0;
	p0 =	slt.u32 s5, $0x9;
	(pc) =	sbr.rel .LBB2_1-.Ltmp0, $4  }
0x8: {  	s6 =	simm.s32 $0x2;
	s7 =	simm.s32 @!p0 $0x0;
	p0 =	sne.s32 s5, $0x8  }
0x9: {  	[sflag:s6] =	ssyncpa.u1 $0x0;
	s5 =	smul.u32 $0x1F40, s5;
	s9 =	simm.s32 @!p0 $0x0  }
0xa: {  	s8 =	sadd.s32 $0x60A00, s8;
	[sflag:s10] =	ssyncpa.u1 $0x0;
	s7 =	sadd.s32 s9, s7  }
0xb: {  	vm0 =	vmmov $0xffff;
	s10 =	simm.s32 $0x0;
	s11 =	smov.u32 s5;
	s9 =	sadd.s32 $0x1, s7  }
.LBB2_4:
0xc: {  	v2 =	vnsel vm1, $0x0, v2  }
0xd: {  	vm1 =	vgt.s32 v0, $0x0;
	v2 =	vmin.u32 v2, $0x4E1FF  }
0xe: {  	v0 =	vnsel vm1, $0x0, v0  }
0xf: {  	v0 =	vmin.u32 v0, $0x4E1FF  }
0x10: {  	[tilespmem:s18], [sflag:$0x1] =	stream.indirect_vreg.gather [hbm4b:s2+s10], $0x1, v1, vm0, $0x4038;
	[tilespmem:$0x7D00] =	vst v63  }
0x11: {  	(ifvalue) =	ssetifvalue $0x7FFFFFFF  }
0x12: {  	[tilespmem:s15], [sflag:$0x1] =	stream.indirect_vreg.gather [hbm4b:s2+s10], $0x1, v2, vm0, $0x4038;
	[tilespmem:$0x7D00] =	vst v63  }
0x13: {  	s29 =	sadd.s32 $0x10, s15;
	(ifvalue) =	ssetifvalue $0x7FFFFFFF  }
0x14: {  	[tilespmem:s29], [sflag:$0x1] =	stream.indirect_vreg.gather [hbm4b:s2+s10], $0x1, v0, vm0, $0x4038;
	[tilespmem:$0x7D00] =	vst v63  }
0x15: {  	_ =	swait.ge [sflag:s4], $0x1F40  }
0x16: {  	s30 =	sshrl.u32 s13, $0x3;
	[sflag:s4] =	ssyncset.done $0x0  }
0x17: {  	s31 =	sand.u32 $0x7, s13;
	s15 =	sadd.s32 s8, s30;
	[sflag:s4] =	ssyncadd.s32 $0xFFFFE0C0  }
0x18: {  	[hbm4b:s15+s31] =	stream.linear.scatter [tilespmem:s14], [sflag:$0x3], $0x1F40, $0x38;
	[tilespmem:$0x7D00] =	vst v63  }
.LBB2_5:
0x19: {  	s15 =	sadd.s32 $0x3E800, s11  }
0x1a: {  	p1 =	sgt.s32 s15, $0x4E1FF  }
0x1b: {  	s15 =	smov.u32 @p1 s5;
	p1 =	sne.s32 s12, s9  }
.Ltmp1:
0x1c: {  	p0 =	slt.u32 s12, $0x2;
	(pc) =	sbr.rel @!p1 .LBB2_6-.Ltmp1, $4  }
0x1d: {  	s14 =	simm.s32 @!p0 $0x3  }
0x1e: {  	_ =	swait.ge @!p0 [sflag:s14], $0x1F40  }
0x1f: {  	s16 =	sadd.s32 $0x1, s12;
	s13 =	smov.u32 s11;
	[sflag:s14] =	ssyncset.done @!p0 $0x0  }
0x20: {  	s12 =	smov.u32 s16;
	s11 =	smov.u32 s15;
	[sflag:s14] =	ssyncadd.s32 @!p0 $0xFFFFE0C0  }
.LBB2_1:
0x21: {  	p0 =	sge.u32 s12, s7  }
0x22: {  	s14 =	sxor.u32 @!p0 $0x1, s12  }
0x23: {  	s14 =	smul.u32 @!p0 $0x7D00, s14  }
0x24: {  	s31 =	sadd.s32 $0xFFFFFFFF, s12;
	s15 =	sshrl.u32 @!p0 s11, $0x3  }
0x25: {  	s16 =	sand.u32 @!p0 $0x7, s11;
	s15 =	sadd.s32 @!p0 s3, s15;
	s14 =	sshra.s32 @!p0 s14, $0x2  }
0x26: {  	[tilespmem:s14], [sflag:$0x2] =	stream.linear.gather @!p0 [hbm4b:s15+s16], $0x1F40, $0x38;
	[tilespmem:$0x7D00] =	vst v63  }
0x27: {  	p0 =	sge.u32 s31, s7  }
.Ltmp2:
0x28: {  	_ = 	snop;
	(pc) =	sbr.rel @p0 .LBB2_5-.Ltmp2, $1  }
0x29: {  	_ =	sdelay $0x3  }
0x2a: {  	s14 =	sand.u32 $0x1, s12  }
0x2b: {  	_ =	swait.ge [sflag:s6], $0x1F40;
	p0 =	seq.s32 s14, $0x1;
	s14 =	simm.s32 $0x1F40  }
0x2c: {  	[sflag:s6] =	ssyncset.done $0x0;
	s14 =	simm.s32 @!p0 $0x0  }
0x2d: {  	[sflag:s6] =	ssyncadd.s32 $0xFFFFE0C0;
	(ifvalue) =	ssetifvalue $0x7FFFFFFF;
	v0 =	vld.msk [tilespmem:s14+$0x0 ss:$0x1], $0xffff;
	_ =	sdelay $0x4  }
0x2e: {  	s15 =	sadd.s32 $0x10, s14;
	vm1 =	vgt.s32 v0, $0x0  }
0x2f: {  	v2 =	vld.msk [tilespmem:s15+$0x0 ss:$0x1], $0xffff;
	v1 =	vnsel vm1, $0x0, v0  }
0x30: {  	v1 =	vmin.u32 v1, $0x4E1FF;
	_ =	sdelay $0x2  }
0x31: {  	s17 =	simm.s32 $0x20;
	s14 =	sadd.s32 $0x3E80, s14;
	s16 =	sadd.s32 $0x10, s15  }
0x32: {  	s15 =	sadd.s32 $0x10, s14;
	s18 =	smov.u32 s14;
	v0 =	vld.msk [tilespmem:s16+$0x0 ss:$0x1], $0xffff;
	vm1 =	vgt.s32 v2, $0x0;
	(ifvalue) =	ssetifvalue $0x7FFFFFFF  }
.LBB2_3:
0x33: {  	[tilespmem:s18], [sflag:$0x1] =	stream.indirect_vreg.gather [hbm4b:s2+s10], $0x1, v1, vm0, $0x4038;
	[tilespmem:$0x7D00] =	vst v63  }
0x34: {  	s17 =	sadd.s32 $0x10, s17  }
0x35: {  	v2 =	vnsel vm1, $0x0, v2;
	p0 =	slt.u32 s17, $0x1F30  }
.Ltmp3:
0x36: {  	s18 =	smov.u32 s15;
	v1 =	vmin.u32 v2, $0x4E1FF;
	(pc) =	sbr.rel @p0 .LBB2_3-.Ltmp3, $3  }
0x37: {  	_ =	sdelay $0x1  }
0x38: {  	s16 =	sadd.s32 $0x10, s16  }
0x39: {  	vm1 =	vgt.s32 v0, $0x0;
	s15 =	sadd.s32 $0x10, s15;
	v2 =	vmov v0;
	(ifvalue) =	ssetifvalue $0x7FFFFFFF;
	v0 =	vld.msk [tilespmem:s16+$0x0 ss:$0x1], $0xffff  }
.Ltmp4:
0x3a: {  	_ = 	snop;
	(pc) =	sbr.rel .LBB2_4-.Ltmp4, $1  }
0x3b: {  	_ =	sdelay $0x3  }
.LBB2_6:
0x3c: {  	_ =	sfence.sel $0x180000  }
0x3d: {  	s2 =	simm.s32 $0x2;
	[bflag:$0x0] =	sbarrier.arrive $0xFFFF  }
0x3e: {  	s30 =	simm.s32 $0x3;
	[sflag:s2] =	ssyncpa.u1 $0x1  }
0x3f: {  	s31 =	simm.s32 $0x1;
	[sflag:s30] =	ssyncpa.u1 $0x1  }
0x40: {  	[sflag:s31] =	ssyncpa.u1 $0x1  }
0x41: {  	p0 =	sne.s32 s1, $0x0;
	_ =	strace $0x90000047  }
0x42: {  	s0 =	sadd.s32 @!p0 $0x100000, s0;
	[bflag:$0x2] =	sbarrier.arrive $0xFFFF  }
0x43: {  	[sflag:s0] =	ssyncadd.tile.s32 @!p0 $0x1;
	_ =	shalt  }
.Lfunc_end2:
_tile_overlayer_lowered:
.L_overlay_start_2:
0x44: {  	(tag) =	ssettag $0x2  }
0x45: {  	s0 =	rddreg [dreg:$0x0];
	s2 =	stileid.u32  }
0x46: {  	s1 =	rddreg [dreg:$0x1];
	p0 =	sne.s32 s2, $0x0  }
0x47: {  	s3 =	rddreg [dreg:$0x2];
	[bflag:$0x3] =	sbarrier.arrive $0xFFFF;
	s2 =	simm.s32 @!p0 $0x1C01  }
0x48: {  	[timem:s3], [sflag:s2] =	dma.local @!p0 [hbm:s0], s1  }
0x49: {  	s0 =	simm.s32 @!p0 $0x1  }
0x4a: {  	_ =	swait.ge @!p0 [sflag:s0], s1  }
0x4b: {  	s1 =	ssub.s32 @!p0 $0x0, s1;
	[sflag:s0] =	ssyncset.done @!p0 $0x0  }
0x4c: {  	[sflag:s0] =	ssyncadd.s32 @!p0 s1  }
0x4d: {  	[bflag:$0x3] =	sbarrier.arrive $0xFFFF  }
0x4e: {  	_ =	shalt  }

// kernel: gather_offload_async_start.2
scs
__scs_entry_jumppad:
0x0: {  	(pc) =	sbr.rel $0x88, $3  }
0x1: {  	(tag) =	ssettag $0x0;
	lr =	simm.s32 $0x1  }
0x2: {  	[smem:$0x3F81] =	sst lr;
	_ =	strace $0xD0000000  }
0x3: {  	_ = 	snop  }
0x4: {  	_ = 	snop  }
0x5: {  	_ = 	snop  }
0x6: {  	_ = 	snop  }
0x7: {  	_ = 	snop  }
__scs_overlays_trampoline_lowered:
0x8: {  	[smem:$0x3F90] =	sst s0  }
0x9: {  	[smem:$0x3F91] =	sst s1  }
0xa: {  	[smem:$0x3F92] =	sst s2  }
0xb: {  	[smem:$0x3F93] =	sst s3  }
0xc: {  	[smem:$0x3F94] =	sst s4  }
0xd: {  	[smem:$0x3F95] =	sst s5  }
0xe: {  	[smem:$0x3F96] =	sst s6  }
0xf: {  	[smem:$0x3F97] =	sst s7  }
0x10: {  	[smem:$0x3F98] =	sst s8  }
0x11: {  	[smem:$0x3F99] =	sst s9;
	s0 =	simm.s32 @!p0 $0x0  }
0x12: {  	s1 =	sld [smem:$0x3F7F];
	s0 =	simm.s32 @p0 $0x1  }
0x13: {  	[smem:$0x3F9A] =	sst s0;
	s0 =	simm.s32 @!p1 $0x0  }
0x14: {  	s2 =	sld [smem:$0x3F7E];
	s0 =	simm.s32 @p1 $0x1  }
0x15: {  	[smem:$0x3F9B] =	sst s0;
	s0 =	simm.s32 @!p2 $0x0  }
0x16: {  	s3 =	sld [smem:$0x3FDB];
	s0 =	simm.s32 @p2 $0x1  }
0x17: {  	s4 =	simm.s32 $0x1BF5;
	[smem:$0x3F9D] =	sst s0  }
0x18: {  	s0 =	sld [smem:$0x3F80];
	_ =	swait.ge [sflag:s4], $0x0  }
0x19: {  	s7 =	sld [smem:$0x3F81]  }
0x1a: {  	s8 =	sadd.s32 $0xFFFFE003, lr  }
0x1b: {  	s9 =	sadd.s32 $0xFFFFFEF7, lr;
	s5 =	simm.s32 $0xFFFFFFFF;
	p2 =	slt.u32 s8, $0xFFFFF086  }
0x1c: {  	p1 =	slt.u32 s9, $0xF7A;
	s5 =	simm.s32 @!p2 $0x0  }
0x1d: {  	s5 =	simm.s32 @p1 $0x1;
	p0 =	seq.s32 s7, s2  }
0x1e: {  	s7 =	smul.u32 @!p0 $0xF7A, s2;
	p2 =	seq.s32 @!p0 s5, $0x0  }
0x1f: {  	s9 =	smul.u32 $0xF7A, s1;
	s8 =	simm.s32 @!p0 $0x1BF5;
	p2 =	por !p2, p0  }
0x20: {  	[sflag:s8] =	ssyncset.s32 @!p0 $0xFFFFF086;
	s6 =	sadd.s32 @!p0 s3, s7;
	s7 =	simm.s32 @!p0 $0x108  }
0x21: {  	s3 =	sadd.s32 s3, s9;
	s6 =	sadd.s32 @!p0 $0x88, s6;
	s7 =	simm.s32 @p2 $0x1082  }
0x22: {  	[simem:s7], [sflag:s8] =	dma.local @!p0 [hbm:s6], $0xF7A  }
0x23: {  	s9 =	sor.u32 $0xD0000000, s2;
	s6 =	simm.s32 $0x108;
	_ =	swait.ge @!p0 [sflag:s8], $0x0  }
0x24: {  	s3 =	sadd.s32 $0x88, s3;
	s6 =	simm.s32 @!p1 $0x1082;
	[sflag:s4] =	ssyncset.s32 $0xFFFFF086  }
0x25: {  	[simem:s6], [sflag:s4] =	dma.local [hbm:s3], $0xF7A  }
0x26: {  	[smem:$0x3F81] =	sst s1;
	(tag) =	ssettag s2;
	_ =	strace s9  }
0x27: {  	s1 =	sld [smem:$0x3F91]  }
0x28: {  	s2 =	sld [smem:$0x3F92]  }
0x29: {  	s4 =	sld [smem:$0x3F94]  }
0x2a: {  	p0 =	seq.s32 s5, $0x0;
	s5 =	sld [smem:$0x3F95]  }
0x2b: {  	s6 =	sld [smem:$0x3F96]  }
0x2c: {  	s7 =	sld [smem:$0x3F97]  }
0x2d: {  	s3 =	simm.s32 $0x108;
	s8 =	sld [smem:$0x3F98]  }
0x2e: {  	s3 =	simm.s32 @!p0 $0x1082;
	s9 =	sld [smem:$0x3F99]  }
0x2f: {  	lr =	sadd.s32 s0, s3;
	s0 =	sld [smem:$0x3F90]  }
0x30: {  	s3 =	sld [smem:$0x3F93]  }
0x31: {  	[smem:$0x3F9C] =	sst s10  }
0x32: {  	s10 =	sld [smem:$0x3F9A];
	_ =	sdelay $0x3  }
0x33: {  	p0 =	seq.s32 s10, $0x1;
	s10 =	sld [smem:$0x3F9C];
	_ =	sdelay $0x3  }
0x34: {  	[smem:$0x3F9C] =	sst s10  }
0x35: {  	s10 =	sld [smem:$0x3F9B];
	_ =	sdelay $0x3  }
0x36: {  	p1 =	seq.s32 s10, $0x1;
	s10 =	sld [smem:$0x3F9C];
	_ =	sdelay $0x3  }
0x37: {  	[smem:$0x3F9C] =	sst s10  }
0x38: {  	s10 =	sld [smem:$0x3F9D]  }
0x39: {  	_ = 	snop;
	(pc) =	sbr.ind lr, $3  }
0x3a: {  	_ = 	snop  }
0x3b: {  	_ = 	snop  }
0x3c: {  	p2 =	seq.s32 s10, $0x1;
	s10 =	sld [smem:$0x3F9C]  }
0x3d: {  	_ =	shalt  }
0x3e: {  	_ =	shalt  }
0x3f: {  	_ =	shalt  }
0x40: {  	_ =	shalt  }
0x41: {  	_ =	shalt  }
0x42: {  	_ =	shalt  }
0x43: {  	_ =	shalt  }
0x44: {  	_ =	shalt  }
0x45: {  	_ =	shalt  }
0x46: {  	_ =	shalt  }
0x47: {  	_ =	shalt  }
0x48: {  	_ =	shalt  }
0x49: {  	_ =	shalt  }
0x4a: {  	_ =	shalt  }
0x4b: {  	_ =	shalt  }
0x4c: {  	_ =	shalt  }
0x4d: {  	_ =	shalt  }
0x4e: {  	_ =	shalt  }
0x4f: {  	_ =	shalt  }
0x50: {  	_ =	shalt  }
0x51: {  	_ =	shalt  }
0x52: {  	_ =	shalt  }
0x53: {  	_ =	shalt  }
0x54: {  	_ =	shalt  }
0x55: {  	_ =	shalt  }
0x56: {  	_ =	shalt  }
0x57: {  	_ =	shalt  }
0x58: {  	_ =	shalt  }
0x59: {  	_ =	shalt  }
0x5a: {  	_ =	shalt  }
0x5b: {  	_ =	shalt  }
0x5c: {  	_ =	shalt  }
0x5d: {  	_ =	shalt  }
0x5e: {  	_ =	shalt  }
0x5f: {  	_ =	shalt  }
0x60: {  	_ =	shalt  }
0x61: {  	_ =	shalt  }
0x62: {  	_ =	shalt  }
0x63: {  	_ =	shalt  }
0x64: {  	_ =	shalt  }
0x65: {  	_ =	shalt  }
0x66: {  	_ =	shalt  }
0x67: {  	_ =	shalt  }
0x68: {  	_ =	shalt  }
0x69: {  	_ =	shalt  }
0x6a: {  	_ =	shalt  }
0x6b: {  	_ =	shalt  }
0x6c: {  	_ =	shalt  }
0x6d: {  	_ =	shalt  }
0x6e: {  	_ =	shalt  }
0x6f: {  	_ =	shalt  }
0x70: {  	_ =	shalt  }
0x71: {  	_ =	shalt  }
0x72: {  	_ =	shalt  }
0x73: {  	_ =	shalt  }
0x74: {  	_ =	shalt  }
0x75: {  	_ =	shalt  }
0x76: {  	_ =	shalt  }
0x77: {  	_ =	shalt  }
0x78: {  	_ =	shalt  }
0x79: {  	_ =	shalt  }
0x7a: {  	_ =	shalt  }
0x7b: {  	_ =	shalt  }
0x7c: {  	_ =	shalt  }
0x7d: {  	_ =	shalt  }
0x7e: {  	_ =	shalt  }
0x7f: {  	_ =	shalt  }
0x80: {  	_ =	shalt  }
0x81: {  	_ =	shalt  }
0x82: {  	_ =	shalt  }
0x83: {  	_ =	shalt  }
0x84: {  	_ =	shalt  }
0x85: {  	_ =	shalt  }
0x86: {  	_ =	shalt  }
0x87: {  	_ =	shalt  }
.Lfunc_end0:
.L_simem_size_0:
called_computation.6_lowered:
.L_overlay_start_0:
0x88: {  	s2 =	sld [smem:$0x3FD9]  }
0x89: {  	s3 =	sld [smem:$0x3FFE];
	_ =	sdelay $0x1  }
0x8a: {  	s1 =	srdreg.scid  }
0x8b: {  	s0 =	sand.u32 $0x1, s1  }
0x8c: {  	s16 =	sshll.u32 s0, $0xA;
	s2 =	sadd.s32 s3, s2  }
0x8d: {  	s2 =	sadd.s32 s2, s16  }
0x8e: {  	[smem:$0x3FA8] =	sst s2  }
0x8f: {  	_ = 	snop  }
0x90: {  	(tm) =	ssettm $0x1  }
0x91: {  	s17 =	sld [smem:$0x3FFB];
	_ =	sdelay $0x3  }
0x92: {  	_ =	strace s17  }
0x93: {  	s2 =	sld [smem:$0x3FFC];
	_ =	sdelay $0x3  }
0x94: {  	_ =	strace s2  }
0x95: {  	s2 =	sld [smem:$0x3FFD];
	_ =	sdelay $0x3  }
0x96: {  	_ =	strace s2  }
0x97: {  	_ =	strace $0x8FFFFFFF  }
0x98: {  	s18 =	sld [smem:$0x3FDB];
	_ =	sdelay $0x1  }
0x99: {  	s19 =	simm.s32 $_scs_section_size  }
0x9a: {  	s4 =	simm.s32 $_size__tile_overlayer_lowered;
	s5 =	simm.s32 $_tile_overlayer_lowered  }
0x9b: {  	s22 =	simm.s32 $0x1BFF;
	s21 =	sshll.u32 s5, $0x1;
	s2 =	sadd.s32 s19, s18  }
0x9c: {  	s6 =	simm.s32 $0x0;
	s20 =	sshll.u32 s4, $0x1;
	s4 =	sadd.s32 s21, s2  }
0x9d: {  	[timem:s6], [sflag:s22] =	dma.local [hbm:s4], s20  }
0x9e: {  	_ =	swait.ge [sflag:s22], s20  }
0x9f: {  	s3 =	ssub.s32 $0x0, s20;
	[sflag:s22] =	ssyncset.done $0x0  }
0xa0: {  	[sflag:s22] =	ssyncadd.s32 s3;
	_ =	sdelay $0x1  }
0xa1: {  	s23 =	simm.s32 $0x1B8B  }
0xa2: {  	_ =	swait.ge [sflag:s23], $0x1  }
0xa3: {  	[sflag:s23] =	ssyncset.done $0x0  }
0xa4: {  	s25 =	simm.s32 $0x1B8E;
	s24 =	sld [smem:$0x3FFE];
	[sflag:s23] =	ssyncadd.s32 $0xFFFFFFFF  }
0xa5: {  	s26 =	simm.s32 $execute0_lowered;
	[smem:$0x3FD2] =	sst s25  }
0xa6: {  	s4 =	sshll.u32 s26, $0x1;
	_ =	strace $0x8000004C;
	[dreg:$0x1] =	wrdreg $0xFFFFFFFF  }
0xa7: {  	s28 =	simm.s32 $_size_execute0_lowered;
	s2 =	sadd.s32 s2, s4;
	[dreg:$0x0] =	wrdreg $0x0  }
0xa8: {  	s4 =	sshll.u32 s28, $0x1;
	[dreg:$0x2] =	wrdreg s2  }
0xa9: {  	[dreg:$0x3] =	wrdreg s4  }
0xaa: {  	[dreg:$0x4] =	wrdreg $0xC0  }
0xab: {  	_ =	task [dreg:s6], $0x5FFFF  }
0xac: {  	[dreg:$0x1] =	wrdreg $0xFFFFFFFF  }
0xad: {  	[dreg:$0x0] =	wrdreg $0x60  }
0xae: {  	[dreg:$0x2] =	wrdreg s24  }
0xaf: {  	[dreg:$0x3] =	wrdreg $0x9  }
0xb0: {  	_ =	task.clear_ibuf [dreg:s6], $0x4FFFF;
	_ =	strace $0x9000004C  }
0xb1: {  	s29 =	simm.s32 $0x9;
	_ =	strace $0x8000004E  }
0xb2: {  	_ =	swait.ge [sflag:s29], $0x1  }
0xb3: {  	[sflag:s29] =	ssyncadd.s32 $0xFFFFFFFF  }
0xb4: {  	_ =	strace $0x9000004E  }
0xb5: {  	_ =	sfence  }
0xb6: {  	s30 =	sld [smem:$0x0];
	_ =	sdelay $0x2  }
0xb7: {  	s31 =	sshll.u32 s1, $0xD;
	s1 =	sshrl.u32 s1, $0x2  }
0xb8: {  	s3 =	sand.u32 $0x4000, s31;
	s1 =	sadd.s32 s1, s30  }
0xb9: {  	s0 =	sor.u32 s3, s0;
	s1 =	sshll.u32 s1, $0x11  }
0xba: {  	s0 =	sor.u32 s1, s0  }
0xbb: {  	s0 =	sadd.s32 $0x8F2B, s0  }
0xbc: {  	[sflag:s0] =	ssyncadd.remote.s32 $0x1  }
0xbd: {  	_ =	sfence.sel $0xFFFF  }
0xbe: {  	[dreg:$0x0] =	wrdreg $0xFFFFFFFF;
	(pc) =	sbr.abs _section_cstart, $3  }
0xbf: {  	[dreg:$0x1] =	wrdreg $0xFFFFFFFF  }
0xc0: {  	_ =	task.clear_ibuf [dreg:s6], $0x2FFFF;
	_ =	strace $0x9FFFFFFF  }
0xc1: {  	(tm) =	ssettm $0x7FFFFFFF  }
tec
execute0_lowered:
.L_overlay_start_1:
0x0: {  	(tag) =	ssettag $0x1  }
0x1: {  	s8 =	rddreg [dreg:$0x0]  }
0x2: {  	s0 =	rddreg [dreg:$0x1];
	_ =	strace $0x8000004D;
	s1 =	stileid.u32  }
0x3: {  	s3 =	srdreg.scid;
	s4 =	simm.s32 $0x1;
	s7 =	simm.s32 $0x1  }
0x4: {  	s9 =	simm.s32 $0x1;
	s10 =	simm.s32 $0x3;
	s13 =	simm.s32 $0x0  }
0x5: {  	s12 =	simm.s32 $0x0;
	s5 =	sand.u32 $0x1, s3;
	s6 =	sshll.u32 s1, $0x1  }
0x6: {  	s2 =	sadd.s32 $0x60A00, s8;
	s3 =	sadd.s32 $0x43000, s8;
	s5 =	sor.u32 s6, s5  }
.Ltmp0:
0x7: {  	[sflag:s4] =	ssyncpa.u1 $0x0;
	p0 =	slt.u32 s5, $0x9;
	(pc) =	sbr.rel .LBB2_1-.Ltmp0, $4  }
0x8: {  	s6 =	simm.s32 $0x2;
	s7 =	simm.s32 @!p0 $0x0;
	p0 =	sne.s32 s5, $0x8  }
0x9: {  	[sflag:s6] =	ssyncpa.u1 $0x0;
	s5 =	smul.u32 $0x1F40, s5;
	s9 =	simm.s32 @!p0 $0x0  }
0xa: {  	s8 =	sadd.s32 $0x7C00, s8;
	[sflag:s10] =	ssyncpa.u1 $0x0;
	s7 =	sadd.s32 s9, s7  }
0xb: {  	vm0 =	vmmov $0xffff;
	s10 =	simm.s32 $0x0;
	s11 =	smov.u32 s5;
	s9 =	sadd.s32 $0x1, s7  }
.LBB2_4:
0xc: {  	v2 =	vnsel vm1, $0x0, v2  }
0xd: {  	vm1 =	vgt.s32 v0, $0x0;
	v2 =	vmin.u32 v2, $0x4E1FF  }
0xe: {  	v0 =	vnsel vm1, $0x0, v0  }
0xf: {  	v0 =	vmin.u32 v0, $0x4E1FF  }
0x10: {  	[tilespmem:s18], [sflag:$0x1] =	stream.indirect_vreg.gather [hbm4b:s2+s10], $0x1, v1, vm0, $0x4038;
	[tilespmem:$0x7D00] =	vst v63  }
0x11: {  	(ifvalue) =	ssetifvalue $0x7FFFFFFF  }
0x12: {  	[tilespmem:s15], [sflag:$0x1] =	stream.indirect_vreg.gather [hbm4b:s2+s10], $0x1, v2, vm0, $0x4038;
	[tilespmem:$0x7D00] =	vst v63  }
0x13: {  	s29 =	sadd.s32 $0x10, s15;
	(ifvalue) =	ssetifvalue $0x7FFFFFFF  }
0x14: {  	[tilespmem:s29], [sflag:$0x1] =	stream.indirect_vreg.gather [hbm4b:s2+s10], $0x1, v0, vm0, $0x4038;
	[tilespmem:$0x7D00] =	vst v63  }
0x15: {  	_ =	swait.ge [sflag:s4], $0x1F40  }
0x16: {  	s30 =	sshrl.u32 s13, $0x3;
	[sflag:s4] =	ssyncset.done $0x0  }
0x17: {  	s31 =	sand.u32 $0x7, s13;
	s15 =	sadd.s32 s8, s30;
	[sflag:s4] =	ssyncadd.s32 $0xFFFFE0C0  }
0x18: {  	[hbm4b:s15+s31] =	stream.linear.scatter [tilespmem:s14], [sflag:$0x3], $0x1F40, $0x38;
	[tilespmem:$0x7D00] =	vst v63  }
.LBB2_5:
0x19: {  	s15 =	sadd.s32 $0x3E800, s11  }
0x1a: {  	p1 =	sgt.s32 s15, $0x4E1FF  }
0x1b: {  	s15 =	smov.u32 @p1 s5;
	p1 =	sne.s32 s12, s9  }
.Ltmp1:
0x1c: {  	p0 =	slt.u32 s12, $0x2;
	(pc) =	sbr.rel @!p1 .LBB2_6-.Ltmp1, $4  }
0x1d: {  	s14 =	simm.s32 @!p0 $0x3  }
0x1e: {  	_ =	swait.ge @!p0 [sflag:s14], $0x1F40  }
0x1f: {  	s16 =	sadd.s32 $0x1, s12;
	s13 =	smov.u32 s11;
	[sflag:s14] =	ssyncset.done @!p0 $0x0  }
0x20: {  	s12 =	smov.u32 s16;
	s11 =	smov.u32 s15;
	[sflag:s14] =	ssyncadd.s32 @!p0 $0xFFFFE0C0  }
.LBB2_1:
0x21: {  	p0 =	sge.u32 s12, s7  }
0x22: {  	s14 =	sxor.u32 @!p0 $0x1, s12  }
0x23: {  	s14 =	smul.u32 @!p0 $0x7D00, s14  }
0x24: {  	s31 =	sadd.s32 $0xFFFFFFFF, s12;
	s15 =	sshrl.u32 @!p0 s11, $0x3  }
0x25: {  	s16 =	sand.u32 @!p0 $0x7, s11;
	s15 =	sadd.s32 @!p0 s3, s15;
	s14 =	sshra.s32 @!p0 s14, $0x2  }
0x26: {  	[tilespmem:s14], [sflag:$0x2] =	stream.linear.gather @!p0 [hbm4b:s15+s16], $0x1F40, $0x38;
	[tilespmem:$0x7D00] =	vst v63  }
0x27: {  	p0 =	sge.u32 s31, s7  }
.Ltmp2:
0x28: {  	_ = 	snop;
	(pc) =	sbr.rel @p0 .LBB2_5-.Ltmp2, $1  }
0x29: {  	_ =	sdelay $0x3  }
0x2a: {  	s14 =	sand.u32 $0x1, s12  }
0x2b: {  	_ =	swait.ge [sflag:s6], $0x1F40;
	p0 =	seq.s32 s14, $0x1;
	s14 =	simm.s32 $0x1F40  }
0x2c: {  	[sflag:s6] =	ssyncset.done $0x0;
	s14 =	simm.s32 @!p0 $0x0  }
0x2d: {  	[sflag:s6] =	ssyncadd.s32 $0xFFFFE0C0;
	(ifvalue) =	ssetifvalue $0x7FFFFFFF;
	v0 =	vld.msk [tilespmem:s14+$0x0 ss:$0x1], $0xffff;
	_ =	sdelay $0x4  }
0x2e: {  	s15 =	sadd.s32 $0x10, s14;
	vm1 =	vgt.s32 v0, $0x0  }
0x2f: {  	v2 =	vld.msk [tilespmem:s15+$0x0 ss:$0x1], $0xffff;
	v1 =	vnsel vm1, $0x0, v0  }
0x30: {  	v1 =	vmin.u32 v1, $0x4E1FF;
	_ =	sdelay $0x2  }
0x31: {  	s17 =	simm.s32 $0x20;
	s14 =	sadd.s32 $0x3E80, s14;
	s16 =	sadd.s32 $0x10, s15  }
0x32: {  	s15 =	sadd.s32 $0x10, s14;
	s18 =	smov.u32 s14;
	v0 =	vld.msk [tilespmem:s16+$0x0 ss:$0x1], $0xffff;
	vm1 =	vgt.s32 v2, $0x0;
	(ifvalue) =	ssetifvalue $0x7FFFFFFF  }
.LBB2_3:
0x33: {  	[tilespmem:s18], [sflag:$0x1] =	stream.indirect_vreg.gather [hbm4b:s2+s10], $0x1, v1, vm0, $0x4038;
	[tilespmem:$0x7D00] =	vst v63  }
0x34: {  	s17 =	sadd.s32 $0x10, s17  }
0x35: {  	v2 =	vnsel vm1, $0x0, v2;
	p0 =	slt.u32 s17, $0x1F30  }
.Ltmp3:
0x36: {  	s18 =	smov.u32 s15;
	v1 =	vmin.u32 v2, $0x4E1FF;
	(pc) =	sbr.rel @p0 .LBB2_3-.Ltmp3, $3  }
0x37: {  	_ =	sdelay $0x1  }
0x38: {  	s16 =	sadd.s32 $0x10, s16  }
0x39: {  	vm1 =	vgt.s32 v0, $0x0;
	s15 =	sadd.s32 $0x10, s15;
	v2 =	vmov v0;
	(ifvalue) =	ssetifvalue $0x7FFFFFFF;
	v0 =	vld.msk [tilespmem:s16+$0x0 ss:$0x1], $0xffff  }
.Ltmp4:
0x3a: {  	_ = 	snop;
	(pc) =	sbr.rel .LBB2_4-.Ltmp4, $1  }
0x3b: {  	_ =	sdelay $0x3  }
.LBB2_6:
0x3c: {  	_ =	sfence.sel $0x180000  }
0x3d: {  	s2 =	simm.s32 $0x2;
	[bflag:$0x0] =	sbarrier.arrive $0xFFFF  }
0x3e: {  	s30 =	simm.s32 $0x3;
	[sflag:s2] =	ssyncpa.u1 $0x1  }
0x3f: {  	s31 =	simm.s32 $0x1;
	[sflag:s30] =	ssyncpa.u1 $0x1  }
0x40: {  	[sflag:s31] =	ssyncpa.u1 $0x1  }
0x41: {  	p0 =	sne.s32 s1, $0x0;
	_ =	strace $0x9000004D  }
0x42: {  	s0 =	sadd.s32 @!p0 $0x100000, s0;
	[bflag:$0x2] =	sbarrier.arrive $0xFFFF  }
0x43: {  	[sflag:s0] =	ssyncadd.tile.s32 @!p0 $0x1;
	_ =	shalt  }
.Lfunc_end2:
_tile_overlayer_lowered:
.L_overlay_start_2:
0x44: {  	(tag) =	ssettag $0x2  }
0x45: {  	s0 =	rddreg [dreg:$0x0];
	s2 =	stileid.u32  }
0x46: {  	s1 =	rddreg [dreg:$0x1];
	p0 =	sne.s32 s2, $0x0  }
0x47: {  	s3 =	rddreg [dreg:$0x2];
	[bflag:$0x3] =	sbarrier.arrive $0xFFFF;
	s2 =	simm.s32 @!p0 $0x1C01  }
0x48: {  	[timem:s3], [sflag:s2] =	dma.local @!p0 [hbm:s0], s1  }
0x49: {  	s0 =	simm.s32 @!p0 $0x1  }
0x4a: {  	_ =	swait.ge @!p0 [sflag:s0], s1  }
0x4b: {  	s1 =	ssub.s32 @!p0 $0x0, s1;
	[sflag:s0] =	ssyncset.done @!p0 $0x0  }
0x4c: {  	[sflag:s0] =	ssyncadd.s32 @!p0 s1  }
0x4d: {  	[bflag:$0x3] =	sbarrier.arrive $0xFFFF  }
0x4e: {  	_ =	shalt  }

// kernel: gather_offload_async_start.3
scs
__scs_entry_jumppad:
0x0: {  	(pc) =	sbr.rel $0x88, $3  }
0x1: {  	(tag) =	ssettag $0x0;
	lr =	simm.s32 $0x1  }
0x2: {  	[smem:$0x3F81] =	sst lr;
	_ =	strace $0xD0000000  }
0x3: {  	_ = 	snop  }
0x4: {  	_ = 	snop  }
0x5: {  	_ = 	snop  }
0x6: {  	_ = 	snop  }
0x7: {  	_ = 	snop  }
__scs_overlays_trampoline_lowered:
0x8: {  	[smem:$0x3F90] =	sst s0  }
0x9: {  	[smem:$0x3F91] =	sst s1  }
0xa: {  	[smem:$0x3F92] =	sst s2  }
0xb: {  	[smem:$0x3F93] =	sst s3  }
0xc: {  	[smem:$0x3F94] =	sst s4  }
0xd: {  	[smem:$0x3F95] =	sst s5  }
0xe: {  	[smem:$0x3F96] =	sst s6  }
0xf: {  	[smem:$0x3F97] =	sst s7  }
0x10: {  	[smem:$0x3F98] =	sst s8  }
0x11: {  	[smem:$0x3F99] =	sst s9;
	s0 =	simm.s32 @!p0 $0x0  }
0x12: {  	s1 =	sld [smem:$0x3F7F];
	s0 =	simm.s32 @p0 $0x1  }
0x13: {  	[smem:$0x3F9A] =	sst s0;
	s0 =	simm.s32 @!p1 $0x0  }
0x14: {  	s2 =	sld [smem:$0x3F7E];
	s0 =	simm.s32 @p1 $0x1  }
0x15: {  	[smem:$0x3F9B] =	sst s0;
	s0 =	simm.s32 @!p2 $0x0  }
0x16: {  	s3 =	sld [smem:$0x3FDB];
	s0 =	simm.s32 @p2 $0x1  }
0x17: {  	s4 =	simm.s32 $0x1BF5;
	[smem:$0x3F9D] =	sst s0  }
0x18: {  	s0 =	sld [smem:$0x3F80];
	_ =	swait.ge [sflag:s4], $0x0  }
0x19: {  	s7 =	sld [smem:$0x3F81]  }
0x1a: {  	s8 =	sadd.s32 $0xFFFFE003, lr  }
0x1b: {  	s9 =	sadd.s32 $0xFFFFFEF7, lr;
	s5 =	simm.s32 $0xFFFFFFFF;
	p2 =	slt.u32 s8, $0xFFFFF086  }
0x1c: {  	p1 =	slt.u32 s9, $0xF7A;
	s5 =	simm.s32 @!p2 $0x0  }
0x1d: {  	s5 =	simm.s32 @p1 $0x1;
	p0 =	seq.s32 s7, s2  }
0x1e: {  	s7 =	smul.u32 @!p0 $0xF7A, s2;
	p2 =	seq.s32 @!p0 s5, $0x0  }
0x1f: {  	s9 =	smul.u32 $0xF7A, s1;
	s8 =	simm.s32 @!p0 $0x1BF5;
	p2 =	por !p2, p0  }
0x20: {  	[sflag:s8] =	ssyncset.s32 @!p0 $0xFFFFF086;
	s6 =	sadd.s32 @!p0 s3, s7;
	s7 =	simm.s32 @!p0 $0x108  }
0x21: {  	s3 =	sadd.s32 s3, s9;
	s6 =	sadd.s32 @!p0 $0x88, s6;
	s7 =	simm.s32 @p2 $0x1082  }
0x22: {  	[simem:s7], [sflag:s8] =	dma.local @!p0 [hbm:s6], $0xF7A  }
0x23: {  	s9 =	sor.u32 $0xD0000000, s2;
	s6 =	simm.s32 $0x108;
	_ =	swait.ge @!p0 [sflag:s8], $0x0  }
0x24: {  	s3 =	sadd.s32 $0x88, s3;
	s6 =	simm.s32 @!p1 $0x1082;
	[sflag:s4] =	ssyncset.s32 $0xFFFFF086  }
0x25: {  	[simem:s6], [sflag:s4] =	dma.local [hbm:s3], $0xF7A  }
0x26: {  	[smem:$0x3F81] =	sst s1;
	(tag) =	ssettag s2;
	_ =	strace s9  }
0x27: {  	s1 =	sld [smem:$0x3F91]  }
0x28: {  	s2 =	sld [smem:$0x3F92]  }
0x29: {  	s4 =	sld [smem:$0x3F94]  }
0x2a: {  	p0 =	seq.s32 s5, $0x0;
	s5 =	sld [smem:$0x3F95]  }
0x2b: {  	s6 =	sld [smem:$0x3F96]  }
0x2c: {  	s7 =	sld [smem:$0x3F97]  }
0x2d: {  	s3 =	simm.s32 $0x108;
	s8 =	sld [smem:$0x3F98]  }
0x2e: {  	s3 =	simm.s32 @!p0 $0x1082;
	s9 =	sld [smem:$0x3F99]  }
0x2f: {  	lr =	sadd.s32 s0, s3;
	s0 =	sld [smem:$0x3F90]  }
0x30: {  	s3 =	sld [smem:$0x3F93]  }
0x31: {  	[smem:$0x3F9C] =	sst s10  }
0x32: {  	s10 =	sld [smem:$0x3F9A];
	_ =	sdelay $0x3  }
0x33: {  	p0 =	seq.s32 s10, $0x1;
	s10 =	sld [smem:$0x3F9C];
	_ =	sdelay $0x3  }
0x34: {  	[smem:$0x3F9C] =	sst s10  }
0x35: {  	s10 =	sld [smem:$0x3F9B];
	_ =	sdelay $0x3  }
0x36: {  	p1 =	seq.s32 s10, $0x1;
	s10 =	sld [smem:$0x3F9C];
	_ =	sdelay $0x3  }
0x37: {  	[smem:$0x3F9C] =	sst s10  }
0x38: {  	s10 =	sld [smem:$0x3F9D]  }
0x39: {  	_ = 	snop;
	(pc) =	sbr.ind lr, $3  }
0x3a: {  	_ = 	snop  }
0x3b: {  	_ = 	snop  }
0x3c: {  	p2 =	seq.s32 s10, $0x1;
	s10 =	sld [smem:$0x3F9C]  }
0x3d: {  	_ =	shalt  }
0x3e: {  	_ =	shalt  }
0x3f: {  	_ =	shalt  }
0x40: {  	_ =	shalt  }
0x41: {  	_ =	shalt  }
0x42: {  	_ =	shalt  }
0x43: {  	_ =	shalt  }
0x44: {  	_ =	shalt  }
0x45: {  	_ =	shalt  }
0x46: {  	_ =	shalt  }
0x47: {  	_ =	shalt  }
0x48: {  	_ =	shalt  }
0x49: {  	_ =	shalt  }
0x4a: {  	_ =	shalt  }
0x4b: {  	_ =	shalt  }
0x4c: {  	_ =	shalt  }
0x4d: {  	_ =	shalt  }
0x4e: {  	_ =	shalt  }
0x4f: {  	_ =	shalt  }
0x50: {  	_ =	shalt  }
0x51: {  	_ =	shalt  }
0x52: {  	_ =	shalt  }
0x53: {  	_ =	shalt  }
0x54: {  	_ =	shalt  }
0x55: {  	_ =	shalt  }
0x56: {  	_ =	shalt  }
0x57: {  	_ =	shalt  }
0x58: {  	_ =	shalt  }
0x59: {  	_ =	shalt  }
0x5a: {  	_ =	shalt  }
0x5b: {  	_ =	shalt  }
0x5c: {  	_ =	shalt  }
0x5d: {  	_ =	shalt  }
0x5e: {  	_ =	shalt  }
0x5f: {  	_ =	shalt  }
0x60: {  	_ =	shalt  }
0x61: {  	_ =	shalt  }
0x62: {  	_ =	shalt  }
0x63: {  	_ =	shalt  }
0x64: {  	_ =	shalt  }
0x65: {  	_ =	shalt  }
0x66: {  	_ =	shalt  }
0x67: {  	_ =	shalt  }
0x68: {  	_ =	shalt  }
0x69: {  	_ =	shalt  }
0x6a: {  	_ =	shalt  }
0x6b: {  	_ =	shalt  }
0x6c: {  	_ =	shalt  }
0x6d: {  	_ =	shalt  }
0x6e: {  	_ =	shalt  }
0x6f: {  	_ =	shalt  }
0x70: {  	_ =	shalt  }
0x71: {  	_ =	shalt  }
0x72: {  	_ =	shalt  }
0x73: {  	_ =	shalt  }
0x74: {  	_ =	shalt  }
0x75: {  	_ =	shalt  }
0x76: {  	_ =	shalt  }
0x77: {  	_ =	shalt  }
0x78: {  	_ =	shalt  }
0x79: {  	_ =	shalt  }
0x7a: {  	_ =	shalt  }
0x7b: {  	_ =	shalt  }
0x7c: {  	_ =	shalt  }
0x7d: {  	_ =	shalt  }
0x7e: {  	_ =	shalt  }
0x7f: {  	_ =	shalt  }
0x80: {  	_ =	shalt  }
0x81: {  	_ =	shalt  }
0x82: {  	_ =	shalt  }
0x83: {  	_ =	shalt  }
0x84: {  	_ =	shalt  }
0x85: {  	_ =	shalt  }
0x86: {  	_ =	shalt  }
0x87: {  	_ =	shalt  }
.Lfunc_end0:
.L_simem_size_0:
called_computation.7_lowered:
.L_overlay_start_0:
0x88: {  	s2 =	sld [smem:$0x3FD9]  }
0x89: {  	s3 =	sld [smem:$0x3FFE];
	_ =	sdelay $0x1  }
0x8a: {  	s1 =	srdreg.scid  }
0x8b: {  	s0 =	sand.u32 $0x1, s1  }
0x8c: {  	s14 =	sshll.u32 s0, $0xA;
	s2 =	sadd.s32 s3, s2  }
0x8d: {  	s2 =	sadd.s32 s2, s14  }
0x8e: {  	[smem:$0x3FA8] =	sst s2  }
0x8f: {  	_ = 	snop  }
0x90: {  	s2 =	sld [smem:$0x3FD0];
	_ =	sdelay $0x2  }
0x91: {  	s15 =	simm.s32 $0xF;
	s4 =	simm.s32 $0x10  }
0x92: {  	[smem:s4], [sflag:s15] =	dma.local [hbm:s2], $0x1  }
0x93: {  	_ =	swait.eq [sflag:s15], $0x1  }
0x94: {  	[sflag:s15] =	ssyncset.done $0x0  }
0x95: {  	[sflag:s15] =	ssyncadd.s32 $0xFFFFFFFF  }
0x96: {  	s16 =	sld [smem:$0x11];
	(tm) =	ssettm $0x1  }
0x97: {  	s17 =	sld [smem:$0x3FFB];
	_ =	sdelay $0x3  }
0x98: {  	_ =	strace s17  }
0x99: {  	s3 =	sld [smem:$0x3FFC];
	_ =	sdelay $0x3  }
0x9a: {  	_ =	strace s3  }
0x9b: {  	s3 =	sld [smem:$0x3FFD];
	_ =	sdelay $0x3  }
0x9c: {  	_ =	strace s3  }
0x9d: {  	_ =	strace $0x8FFFFFFF  }
0x9e: {  	s18 =	sld [smem:$0x3FDB];
	_ =	sdelay $0x1  }
0x9f: {  	s19 =	simm.s32 $_scs_section_size  }
0xa0: {  	s5 =	simm.s32 $_size__tile_overlayer_lowered;
	s6 =	simm.s32 $_tile_overlayer_lowered  }
0xa1: {  	s22 =	simm.s32 $0x1BFF;
	s21 =	sshll.u32 s6, $0x1;
	s3 =	sadd.s32 s19, s18  }
0xa2: {  	s7 =	simm.s32 $0x0;
	s20 =	sshll.u32 s5, $0x1;
	s5 =	sadd.s32 s21, s3  }
0xa3: {  	[timem:s7], [sflag:s22] =	dma.local [hbm:s5], s20  }
0xa4: {  	_ =	swait.ge [sflag:s22], s20  }
0xa5: {  	s4 =	ssub.s32 $0x0, s20;
	[sflag:s22] =	ssyncset.done $0x0  }
0xa6: {  	[sflag:s22] =	ssyncadd.s32 s4;
	_ =	sdelay $0x1  }
0xa7: {  	s23 =	simm.s32 $0x1B8B  }
0xa8: {  	_ =	swait.ge [sflag:s23], $0x1  }
0xa9: {  	[sflag:s23] =	ssyncset.done $0x0  }
0xaa: {  	s25 =	simm.s32 $0x1B8E;
	s24 =	sld [smem:$0x3FFE];
	[sflag:s23] =	ssyncadd.s32 $0xFFFFFFFF  }
0xab: {  	s26 =	simm.s32 $execute0_lowered;
	[smem:$0x3FD2] =	sst s25  }
0xac: {  	s5 =	sshll.u32 s26, $0x1;
	_ =	strace $0x80000049;
	[dreg:$0x1] =	wrdreg $0xFFFFFFFF  }
0xad: {  	s28 =	simm.s32 $_size_execute0_lowered;
	s3 =	sadd.s32 s3, s5;
	[dreg:$0x0] =	wrdreg $0x0  }
0xae: {  	s5 =	sshll.u32 s28, $0x1;
	[dreg:$0x2] =	wrdreg s3  }
0xaf: {  	[dreg:$0x3] =	wrdreg s5  }
0xb0: {  	[dreg:$0x4] =	wrdreg $0xC0  }
0xb1: {  	_ =	task [dreg:s7], $0x5FFFF  }
0xb2: {  	[dreg:$0x1] =	wrdreg $0xFFFFFFFF  }
0xb3: {  	[dreg:$0x0] =	wrdreg $0x60  }
0xb4: {  	[dreg:$0x2] =	wrdreg s24  }
0xb5: {  	[dreg:$0x3] =	wrdreg s16  }
0xb6: {  	[dreg:$0x4] =	wrdreg $0x9  }
0xb7: {  	_ =	task.clear_ibuf [dreg:s7], $0x5FFFF;
	_ =	strace $0x90000049  }
0xb8: {  	s29 =	simm.s32 $0x9;
	_ =	strace $0x8000004B  }
0xb9: {  	_ =	swait.ge [sflag:s29], $0x1  }
0xba: {  	[sflag:s29] =	ssyncadd.s32 $0xFFFFFFFF  }
0xbb: {  	_ =	strace $0x9000004B  }
0xbc: {  	_ =	sfence  }
0xbd: {  	s30 =	sld [smem:$0x0];
	_ =	sdelay $0x2  }
0xbe: {  	s31 =	sshll.u32 s1, $0xD;
	s1 =	sshrl.u32 s1, $0x2  }
0xbf: {  	s3 =	sand.u32 $0x4000, s31;
	s1 =	sadd.s32 s1, s30  }
0xc0: {  	s0 =	sor.u32 s3, s0;
	s1 =	sshll.u32 s1, $0x11  }
0xc1: {  	s0 =	sor.u32 s1, s0  }
0xc2: {  	s0 =	sadd.s32 $0x8F2B, s0  }
0xc3: {  	[sflag:s0] =	ssyncadd.remote.s32 $0x1  }
0xc4: {  	_ =	sfence.sel $0xFFFF  }
0xc5: {  	[dreg:$0x0] =	wrdreg $0xFFFFFFFF;
	(pc) =	sbr.abs _section_cstart, $3  }
0xc6: {  	[dreg:$0x1] =	wrdreg $0xFFFFFFFF  }
0xc7: {  	_ =	task.clear_ibuf [dreg:s7], $0x2FFFF;
	_ =	strace $0x9FFFFFFF  }
0xc8: {  	(tm) =	ssettm $0x7FFFFFFF  }
0xc9: {  	_ =	shalt  }
tec
execute0_lowered:
.L_overlay_start_1:
0x0: {  	(tag) =	ssettag $0x1  }
0x1: {  	s8 =	rddreg [dreg:$0x0]  }
0x2: {  	s2 =	rddreg [dreg:$0x1]  }
0x3: {  	s0 =	rddreg [dreg:$0x2];
	s1 =	stileid.u32  }
0x4: {  	s3 =	srdreg.scid;
	_ =	strace $0x8000004A;
	s4 =	simm.s32 $0x1  }
0x5: {  	s7 =	simm.s32 $0x1;
	s9 =	simm.s32 $0x1;
	s10 =	simm.s32 $0x3  }
0x6: {  	s13 =	simm.s32 $0x0;
	s5 =	sand.u32 $0x1, s3;
	s6 =	sshll.u32 s1, $0x1  }
0x7: {  	s12 =	simm.s32 $0x0;
	s3 =	sadd.s32 $0x4CE00, s8;
	s5 =	sor.u32 s6, s5  }
.Ltmp0:
0x8: {  	[sflag:s4] =	ssyncpa.u1 $0x0;
	p0 =	slt.u32 s5, $0x9;
	(pc) =	sbr.rel .LBB2_1-.Ltmp0, $4  }
0x9: {  	s6 =	simm.s32 $0x2;
	s7 =	simm.s32 @!p0 $0x0;
	p0 =	sne.s32 s5, $0x8  }
0xa: {  	[sflag:s6] =	ssyncpa.u1 $0x0;
	s5 =	smul.u32 $0x1F40, s5;
	s9 =	simm.s32 @!p0 $0x0  }
0xb: {  	s8 =	sadd.s32 $0x43000, s8;
	[sflag:s10] =	ssyncpa.u1 $0x0;
	s7 =	sadd.s32 s9, s7  }
0xc: {  	vm0 =	vmmov $0xffff;
	s10 =	simm.s32 $0x0;
	s11 =	smov.u32 s5;
	s9 =	sadd.s32 $0x1, s7  }
.LBB2_4:
0xd: {  	v2 =	vnsel vm1, $0x0, v2  }
0xe: {  	vm1 =	vgt.s32 v0, $0x0;
	v2 =	vmin.u32 v2, $0x4E1FF  }
0xf: {  	v0 =	vnsel vm1, $0x0, v0  }
0x10: {  	v0 =	vmin.u32 v0, $0x4E1FF  }
0x11: {  	[tilespmem:s18], [sflag:$0x1] =	stream.indirect_vreg.gather [hbm4b:s3+s10], $0x1, v1, vm0, $0x4038;
	[tilespmem:$0x7D00] =	vst v63  }
0x12: {  	(ifvalue) =	ssetifvalue $0x7FFFFFFF  }
0x13: {  	[tilespmem:s15], [sflag:$0x1] =	stream.indirect_vreg.gather [hbm4b:s3+s10], $0x1, v2, vm0, $0x4038;
	[tilespmem:$0x7D00] =	vst v63  }
0x14: {  	s29 =	sadd.s32 $0x10, s15;
	(ifvalue) =	ssetifvalue $0x7FFFFFFF  }
0x15: {  	[tilespmem:s29], [sflag:$0x1] =	stream.indirect_vreg.gather [hbm4b:s3+s10], $0x1, v0, vm0, $0x4038;
	[tilespmem:$0x7D00] =	vst v63  }
0x16: {  	_ =	swait.ge [sflag:s4], $0x1F40  }
0x17: {  	s30 =	sshrl.u32 s13, $0x3;
	[sflag:s4] =	ssyncset.done $0x0  }
0x18: {  	s31 =	sand.u32 $0x7, s13;
	s15 =	sadd.s32 s2, s30;
	[sflag:s4] =	ssyncadd.s32 $0xFFFFE0C0  }
0x19: {  	[hbm4b:s15+s31] =	stream.linear.scatter [tilespmem:s14], [sflag:$0x3], $0x1F40, $0x38;
	[tilespmem:$0x7D00] =	vst v63  }
.LBB2_5:
0x1a: {  	s15 =	sadd.s32 $0x3E800, s11  }
0x1b: {  	p1 =	sgt.s32 s15, $0x4E1FF  }
0x1c: {  	s15 =	smov.u32 @p1 s5;
	p1 =	sne.s32 s12, s9  }
.Ltmp1:
0x1d: {  	p0 =	slt.u32 s12, $0x2;
	(pc) =	sbr.rel @!p1 .LBB2_6-.Ltmp1, $4  }
0x1e: {  	s14 =	simm.s32 @!p0 $0x3  }
0x1f: {  	_ =	swait.ge @!p0 [sflag:s14], $0x1F40  }
0x20: {  	s16 =	sadd.s32 $0x1, s12;
	s13 =	smov.u32 s11;
	[sflag:s14] =	ssyncset.done @!p0 $0x0  }
0x21: {  	s12 =	smov.u32 s16;
	s11 =	smov.u32 s15;
	[sflag:s14] =	ssyncadd.s32 @!p0 $0xFFFFE0C0  }
.LBB2_1:
0x22: {  	p0 =	sge.u32 s12, s7  }
0x23: {  	s14 =	sxor.u32 @!p0 $0x1, s12  }
0x24: {  	s14 =	smul.u32 @!p0 $0x7D00, s14  }
0x25: {  	s31 =	sadd.s32 $0xFFFFFFFF, s12;
	s15 =	sshrl.u32 @!p0 s11, $0x3  }
0x26: {  	s16 =	sand.u32 @!p0 $0x7, s11;
	s15 =	sadd.s32 @!p0 s8, s15;
	s14 =	sshra.s32 @!p0 s14, $0x2  }
0x27: {  	[tilespmem:s14], [sflag:$0x2] =	stream.linear.gather @!p0 [hbm4b:s15+s16], $0x1F40, $0x38;
	[tilespmem:$0x7D00] =	vst v63  }
0x28: {  	p0 =	sge.u32 s31, s7  }
.Ltmp2:
0x29: {  	_ = 	snop;
	(pc) =	sbr.rel @p0 .LBB2_5-.Ltmp2, $1  }
0x2a: {  	_ =	sdelay $0x3  }
0x2b: {  	s14 =	sand.u32 $0x1, s12  }
0x2c: {  	_ =	swait.ge [sflag:s6], $0x1F40;
	p0 =	seq.s32 s14, $0x1;
	s14 =	simm.s32 $0x1F40  }
0x2d: {  	[sflag:s6] =	ssyncset.done $0x0;
	s14 =	simm.s32 @!p0 $0x0  }
0x2e: {  	[sflag:s6] =	ssyncadd.s32 $0xFFFFE0C0;
	(ifvalue) =	ssetifvalue $0x7FFFFFFF;
	v0 =	vld.msk [tilespmem:s14+$0x0 ss:$0x1], $0xffff;
	_ =	sdelay $0x4  }
0x2f: {  	s15 =	sadd.s32 $0x10, s14;
	vm1 =	vgt.s32 v0, $0x0  }
0x30: {  	v2 =	vld.msk [tilespmem:s15+$0x0 ss:$0x1], $0xffff;
	v1 =	vnsel vm1, $0x0, v0  }
0x31: {  	v1 =	vmin.u32 v1, $0x4E1FF;
	_ =	sdelay $0x2  }
0x32: {  	s17 =	simm.s32 $0x20;
	s14 =	sadd.s32 $0x3E80, s14;
	s16 =	sadd.s32 $0x10, s15  }
0x33: {  	s15 =	sadd.s32 $0x10, s14;
	s18 =	smov.u32 s14;
	v0 =	vld.msk [tilespmem:s16+$0x0 ss:$0x1], $0xffff;
	vm1 =	vgt.s32 v2, $0x0;
	(ifvalue) =	ssetifvalue $0x7FFFFFFF  }
.LBB2_3:
0x34: {  	[tilespmem:s18], [sflag:$0x1] =	stream.indirect_vreg.gather [hbm4b:s3+s10], $0x1, v1, vm0, $0x4038;
	[tilespmem:$0x7D00] =	vst v63  }
0x35: {  	s17 =	sadd.s32 $0x10, s17  }
0x36: {  	v2 =	vnsel vm1, $0x0, v2;
	p0 =	slt.u32 s17, $0x1F30  }
.Ltmp3:
0x37: {  	s18 =	smov.u32 s15;
	v1 =	vmin.u32 v2, $0x4E1FF;
	(pc) =	sbr.rel @p0 .LBB2_3-.Ltmp3, $3  }
0x38: {  	_ =	sdelay $0x1  }
0x39: {  	s16 =	sadd.s32 $0x10, s16  }
0x3a: {  	vm1 =	vgt.s32 v0, $0x0;
	s15 =	sadd.s32 $0x10, s15;
	v2 =	vmov v0;
	(ifvalue) =	ssetifvalue $0x7FFFFFFF;
	v0 =	vld.msk [tilespmem:s16+$0x0 ss:$0x1], $0xffff  }
.Ltmp4:
0x3b: {  	_ = 	snop;
	(pc) =	sbr.rel .LBB2_4-.Ltmp4, $1  }
0x3c: {  	_ =	sdelay $0x3  }
.LBB2_6:
0x3d: {  	_ =	sfence.sel $0x180000  }
0x3e: {  	s2 =	simm.s32 $0x2;
	[bflag:$0x0] =	sbarrier.arrive $0xFFFF  }
0x3f: {  	s30 =	simm.s32 $0x3;
	[sflag:s2] =	ssyncpa.u1 $0x1  }
0x40: {  	s31 =	simm.s32 $0x1;
	[sflag:s30] =	ssyncpa.u1 $0x1  }
0x41: {  	[sflag:s31] =	ssyncpa.u1 $0x1  }
0x42: {  	p0 =	sne.s32 s1, $0x0;
	_ =	strace $0x9000004A  }
0x43: {  	s0 =	sadd.s32 @!p0 $0x100000, s0;
	[bflag:$0x2] =	sbarrier.arrive $0xFFFF  }
0x44: {  	[sflag:s0] =	ssyncadd.tile.s32 @!p0 $0x1;
	_ =	shalt  }
.Lfunc_end2:
_tile_overlayer_lowered:
.L_overlay_start_2:
0x45: {  	(tag) =	ssettag $0x2  }
0x46: {  	s0 =	rddreg [dreg:$0x0];
	s2 =	stileid.u32  }
0x47: {  	s1 =	rddreg [dreg:$0x1];
	p0 =	sne.s32 s2, $0x0  }
0x48: {  	s3 =	rddreg [dreg:$0x2];
	[bflag:$0x3] =	sbarrier.arrive $0xFFFF;
	s2 =	simm.s32 @!p0 $0x1C01  }
0x49: {  	[timem:s3], [sflag:s2] =	dma.local @!p0 [hbm:s0], s1  }
0x4a: {  	s0 =	simm.s32 @!p0 $0x1  }
0x4b: {  	_ =	swait.ge @!p0 [sflag:s0], s1  }
0x4c: {  	s1 =	ssub.s32 @!p0 $0x0, s1;
	[sflag:s0] =	ssyncset.done @!p0 $0x0  }
0x4d: {  	[sflag:s0] =	ssyncadd.s32 @!p0 s1  }
0x4e: {  	[bflag:$0x3] =	sbarrier.arrive $0xFFFF  }
0x4f: {  	_ =	shalt  }

// kernel: gather_offload_async_start
scs
__scs_entry_jumppad:
0x0: {  	(pc) =	sbr.rel $0x88, $3  }
0x1: {  	(tag) =	ssettag $0x0;
	lr =	simm.s32 $0x1  }
0x2: {  	[smem:$0x3F81] =	sst lr;
	_ =	strace $0xD0000000  }
0x3: {  	_ = 	snop  }
0x4: {  	_ = 	snop  }
0x5: {  	_ = 	snop  }
0x6: {  	_ = 	snop  }
0x7: {  	_ = 	snop  }
__scs_overlays_trampoline_lowered:
0x8: {  	[smem:$0x3F90] =	sst s0  }
0x9: {  	[smem:$0x3F91] =	sst s1  }
0xa: {  	[smem:$0x3F92] =	sst s2  }
0xb: {  	[smem:$0x3F93] =	sst s3  }
0xc: {  	[smem:$0x3F94] =	sst s4  }
0xd: {  	[smem:$0x3F95] =	sst s5  }
0xe: {  	[smem:$0x3F96] =	sst s6  }
0xf: {  	[smem:$0x3F97] =	sst s7  }
0x10: {  	[smem:$0x3F98] =	sst s8  }
0x11: {  	[smem:$0x3F99] =	sst s9;
	s0 =	simm.s32 @!p0 $0x0  }
0x12: {  	s1 =	sld [smem:$0x3F7F];
	s0 =	simm.s32 @p0 $0x1  }
0x13: {  	[smem:$0x3F9A] =	sst s0;
	s0 =	simm.s32 @!p1 $0x0  }
0x14: {  	s2 =	sld [smem:$0x3F7E];
	s0 =	simm.s32 @p1 $0x1  }
0x15: {  	[smem:$0x3F9B] =	sst s0;
	s0 =	simm.s32 @!p2 $0x0  }
0x16: {  	s3 =	sld [smem:$0x3FDB];
	s0 =	simm.s32 @p2 $0x1  }
0x17: {  	s4 =	simm.s32 $0x1BF5;
	[smem:$0x3F9D] =	sst s0  }
0x18: {  	s0 =	sld [smem:$0x3F80];
	_ =	swait.ge [sflag:s4], $0x0  }
0x19: {  	s7 =	sld [smem:$0x3F81]  }
0x1a: {  	s8 =	sadd.s32 $0xFFFFE003, lr  }
0x1b: {  	s9 =	sadd.s32 $0xFFFFFEF7, lr;
	s5 =	simm.s32 $0xFFFFFFFF;
	p2 =	slt.u32 s8, $0xFFFFF086  }
0x1c: {  	p1 =	slt.u32 s9, $0xF7A;
	s5 =	simm.s32 @!p2 $0x0  }
0x1d: {  	s5 =	simm.s32 @p1 $0x1;
	p0 =	seq.s32 s7, s2  }
0x1e: {  	s7 =	smul.u32 @!p0 $0xF7A, s2;
	p2 =	seq.s32 @!p0 s5, $0x0  }
0x1f: {  	s9 =	smul.u32 $0xF7A, s1;
	s8 =	simm.s32 @!p0 $0x1BF5;
	p2 =	por !p2, p0  }
0x20: {  	[sflag:s8] =	ssyncset.s32 @!p0 $0xFFFFF086;
	s6 =	sadd.s32 @!p0 s3, s7;
	s7 =	simm.s32 @!p0 $0x108  }
0x21: {  	s3 =	sadd.s32 s3, s9;
	s6 =	sadd.s32 @!p0 $0x88, s6;
	s7 =	simm.s32 @p2 $0x1082  }
0x22: {  	[simem:s7], [sflag:s8] =	dma.local @!p0 [hbm:s6], $0xF7A  }
0x23: {  	s9 =	sor.u32 $0xD0000000, s2;
	s6 =	simm.s32 $0x108;
	_ =	swait.ge @!p0 [sflag:s8], $0x0  }
0x24: {  	s3 =	sadd.s32 $0x88, s3;
	s6 =	simm.s32 @!p1 $0x1082;
	[sflag:s4] =	ssyncset.s32 $0xFFFFF086  }
0x25: {  	[simem:s6], [sflag:s4] =	dma.local [hbm:s3], $0xF7A  }
0x26: {  	[smem:$0x3F81] =	sst s1;
	(tag) =	ssettag s2;
	_ =	strace s9  }
0x27: {  	s1 =	sld [smem:$0x3F91]  }
0x28: {  	s2 =	sld [smem:$0x3F92]  }
0x29: {  	s4 =	sld [smem:$0x3F94]  }
0x2a: {  	p0 =	seq.s32 s5, $0x0;
	s5 =	sld [smem:$0x3F95]  }
0x2b: {  	s6 =	sld [smem:$0x3F96]  }
0x2c: {  	s7 =	sld [smem:$0x3F97]  }
0x2d: {  	s3 =	simm.s32 $0x108;
	s8 =	sld [smem:$0x3F98]  }
0x2e: {  	s3 =	simm.s32 @!p0 $0x1082;
	s9 =	sld [smem:$0x3F99]  }
0x2f: {  	lr =	sadd.s32 s0, s3;
	s0 =	sld [smem:$0x3F90]  }
0x30: {  	s3 =	sld [smem:$0x3F93]  }
0x31: {  	[smem:$0x3F9C] =	sst s10  }
0x32: {  	s10 =	sld [smem:$0x3F9A];
	_ =	sdelay $0x3  }
0x33: {  	p0 =	seq.s32 s10, $0x1;
	s10 =	sld [smem:$0x3F9C];
	_ =	sdelay $0x3  }
0x34: {  	[smem:$0x3F9C] =	sst s10  }
0x35: {  	s10 =	sld [smem:$0x3F9B];
	_ =	sdelay $0x3  }
0x36: {  	p1 =	seq.s32 s10, $0x1;
	s10 =	sld [smem:$0x3F9C];
	_ =	sdelay $0x3  }
0x37: {  	[smem:$0x3F9C] =	sst s10  }
0x38: {  	s10 =	sld [smem:$0x3F9D]  }
0x39: {  	_ = 	snop;
	(pc) =	sbr.ind lr, $3  }
0x3a: {  	_ = 	snop  }
0x3b: {  	_ = 	snop  }
0x3c: {  	p2 =	seq.s32 s10, $0x1;
	s10 =	sld [smem:$0x3F9C]  }
0x3d: {  	_ =	shalt  }
0x3e: {  	_ =	shalt  }
0x3f: {  	_ =	shalt  }
0x40: {  	_ =	shalt  }
0x41: {  	_ =	shalt  }
0x42: {  	_ =	shalt  }
0x43: {  	_ =	shalt  }
0x44: {  	_ =	shalt  }
0x45: {  	_ =	shalt  }
0x46: {  	_ =	shalt  }
0x47: {  	_ =	shalt  }
0x48: {  	_ =	shalt  }
0x49: {  	_ =	shalt  }
0x4a: {  	_ =	shalt  }
0x4b: {  	_ =	shalt  }
0x4c: {  	_ =	shalt  }
0x4d: {  	_ =	shalt  }
0x4e: {  	_ =	shalt  }
0x4f: {  	_ =	shalt  }
0x50: {  	_ =	shalt  }
0x51: {  	_ =	shalt  }
0x52: {  	_ =	shalt  }
0x53: {  	_ =	shalt  }
0x54: {  	_ =	shalt  }
0x55: {  	_ =	shalt  }
0x56: {  	_ =	shalt  }
0x57: {  	_ =	shalt  }
0x58: {  	_ =	shalt  }
0x59: {  	_ =	shalt  }
0x5a: {  	_ =	shalt  }
0x5b: {  	_ =	shalt  }
0x5c: {  	_ =	shalt  }
0x5d: {  	_ =	shalt  }
0x5e: {  	_ =	shalt  }
0x5f: {  	_ =	shalt  }
0x60: {  	_ =	shalt  }
0x61: {  	_ =	shalt  }
0x62: {  	_ =	shalt  }
0x63: {  	_ =	shalt  }
0x64: {  	_ =	shalt  }
0x65: {  	_ =	shalt  }
0x66: {  	_ =	shalt  }
0x67: {  	_ =	shalt  }
0x68: {  	_ =	shalt  }
0x69: {  	_ =	shalt  }
0x6a: {  	_ =	shalt  }
0x6b: {  	_ =	shalt  }
0x6c: {  	_ =	shalt  }
0x6d: {  	_ =	shalt  }
0x6e: {  	_ =	shalt  }
0x6f: {  	_ =	shalt  }
0x70: {  	_ =	shalt  }
0x71: {  	_ =	shalt  }
0x72: {  	_ =	shalt  }
0x73: {  	_ =	shalt  }
0x74: {  	_ =	shalt  }
0x75: {  	_ =	shalt  }
0x76: {  	_ =	shalt  }
0x77: {  	_ =	shalt  }
0x78: {  	_ =	shalt  }
0x79: {  	_ =	shalt  }
0x7a: {  	_ =	shalt  }
0x7b: {  	_ =	shalt  }
0x7c: {  	_ =	shalt  }
0x7d: {  	_ =	shalt  }
0x7e: {  	_ =	shalt  }
0x7f: {  	_ =	shalt  }
0x80: {  	_ =	shalt  }
0x81: {  	_ =	shalt  }
0x82: {  	_ =	shalt  }
0x83: {  	_ =	shalt  }
0x84: {  	_ =	shalt  }
0x85: {  	_ =	shalt  }
0x86: {  	_ =	shalt  }
0x87: {  	_ =	shalt  }
.Lfunc_end0:
.L_simem_size_0:
called_computation.4_lowered:
.L_overlay_start_0:
0x88: {  	s2 =	sld [smem:$0x3FD9]  }
0x89: {  	s3 =	sld [smem:$0x3FFE];
	_ =	sdelay $0x1  }
0x8a: {  	s1 =	srdreg.scid  }
0x8b: {  	s0 =	sand.u32 $0x1, s1  }
0x8c: {  	s16 =	sshll.u32 s0, $0xA;
	s2 =	sadd.s32 s3, s2  }
0x8d: {  	s2 =	sadd.s32 s2, s16  }
0x8e: {  	[smem:$0x3FA8] =	sst s2  }
0x8f: {  	_ = 	snop  }
0x90: {  	(tm) =	ssettm $0x1  }
0x91: {  	s17 =	sld [smem:$0x3FFB];
	_ =	sdelay $0x3  }
0x92: {  	_ =	strace s17  }
0x93: {  	s2 =	sld [smem:$0x3FFC];
	_ =	sdelay $0x3  }
0x94: {  	_ =	strace s2  }
0x95: {  	s2 =	sld [smem:$0x3FFD];
	_ =	sdelay $0x3  }
0x96: {  	_ =	strace s2  }
0x97: {  	_ =	strace $0x8FFFFFFF  }
0x98: {  	s18 =	sld [smem:$0x3FDB];
	_ =	sdelay $0x1  }
0x99: {  	s19 =	simm.s32 $_scs_section_size  }
0x9a: {  	s4 =	simm.s32 $_size__tile_overlayer_lowered;
	s5 =	simm.s32 $_tile_overlayer_lowered  }
0x9b: {  	s22 =	simm.s32 $0x1BFF;
	s21 =	sshll.u32 s5, $0x1;
	s2 =	sadd.s32 s19, s18  }
0x9c: {  	s6 =	simm.s32 $0x0;
	s20 =	sshll.u32 s4, $0x1;
	s4 =	sadd.s32 s21, s2  }
0x9d: {  	[timem:s6], [sflag:s22] =	dma.local [hbm:s4], s20  }
0x9e: {  	_ =	swait.ge [sflag:s22], s20  }
0x9f: {  	s3 =	ssub.s32 $0x0, s20;
	[sflag:s22] =	ssyncset.done $0x0  }
0xa0: {  	[sflag:s22] =	ssyncadd.s32 s3;
	_ =	sdelay $0x1  }
0xa1: {  	s23 =	simm.s32 $0x1B8B  }
0xa2: {  	_ =	swait.ge [sflag:s23], $0x1  }
0xa3: {  	[sflag:s23] =	ssyncset.done $0x0  }
0xa4: {  	s25 =	simm.s32 $0x1B8E;
	s24 =	sld [smem:$0x3FFE];
	[sflag:s23] =	ssyncadd.s32 $0xFFFFFFFF  }
0xa5: {  	s26 =	simm.s32 $execute0_lowered;
	[smem:$0x3FD2] =	sst s25  }
0xa6: {  	s4 =	sshll.u32 s26, $0x1;
	_ =	strace $0x80000064;
	[dreg:$0x1] =	wrdreg $0xFFFFFFFF  }
0xa7: {  	s28 =	simm.s32 $_size_execute0_lowered;
	s2 =	sadd.s32 s2, s4;
	[dreg:$0x0] =	wrdreg $0x0  }
0xa8: {  	s4 =	sshll.u32 s28, $0x1;
	[dreg:$0x2] =	wrdreg s2  }
0xa9: {  	[dreg:$0x3] =	wrdreg s4  }
0xaa: {  	[dreg:$0x4] =	wrdreg $0xC0  }
0xab: {  	_ =	task [dreg:s6], $0x5FFFF  }
0xac: {  	[dreg:$0x1] =	wrdreg $0xFFFFFFFF  }
0xad: {  	[dreg:$0x0] =	wrdreg $0x60  }
0xae: {  	[dreg:$0x2] =	wrdreg s24  }
0xaf: {  	[dreg:$0x3] =	wrdreg $0x9  }
0xb0: {  	_ =	task.clear_ibuf [dreg:s6], $0x4FFFF;
	_ =	strace $0x90000064  }
0xb1: {  	s29 =	simm.s32 $0x9;
	_ =	strace $0x80000066  }
0xb2: {  	_ =	swait.ge [sflag:s29], $0x1  }
0xb3: {  	[sflag:s29] =	ssyncadd.s32 $0xFFFFFFFF  }
0xb4: {  	_ =	strace $0x90000066  }
0xb5: {  	_ =	sfence  }
0xb6: {  	s30 =	sld [smem:$0x0];
	_ =	sdelay $0x2  }
0xb7: {  	s31 =	sshll.u32 s1, $0xD;
	s1 =	sshrl.u32 s1, $0x2  }
0xb8: {  	s3 =	sand.u32 $0x4000, s31;
	s1 =	sadd.s32 s1, s30  }
0xb9: {  	s0 =	sor.u32 s3, s0;
	s1 =	sshll.u32 s1, $0x11  }
0xba: {  	s0 =	sor.u32 s1, s0  }
0xbb: {  	s0 =	sadd.s32 $0x8F2B, s0  }
0xbc: {  	[sflag:s0] =	ssyncadd.remote.s32 $0x1  }
0xbd: {  	_ =	sfence.sel $0xFFFF  }
0xbe: {  	[dreg:$0x0] =	wrdreg $0xFFFFFFFF;
	(pc) =	sbr.abs _section_cstart, $3  }
0xbf: {  	[dreg:$0x1] =	wrdreg $0xFFFFFFFF  }
0xc0: {  	_ =	task.clear_ibuf [dreg:s6], $0x2FFFF;
	_ =	strace $0x9FFFFFFF  }
0xc1: {  	(tm) =	ssettm $0x7FFFFFFF  }
tec
execute0_lowered:
.L_overlay_start_1:
0x0: {  	(tag) =	ssettag $0x1  }
0x1: {  	s8 =	rddreg [dreg:$0x0]  }
0x2: {  	s0 =	rddreg [dreg:$0x1];
	_ =	strace $0x80000065;
	s1 =	stileid.u32  }
0x3: {  	s3 =	srdreg.scid;
	s4 =	simm.s32 $0x1;
	s7 =	simm.s32 $0x1  }
0x4: {  	s9 =	simm.s32 $0x1;
	s10 =	simm.s32 $0x3;
	s13 =	simm.s32 $0x0  }
0x5: {  	s12 =	simm.s32 $0x0;
	s5 =	sand.u32 $0x1, s3;
	s6 =	sshll.u32 s1, $0x1  }
0x6: {  	s2 =	sadd.s32 $0x60A00, s8;
	s3 =	sadd.s32 $0x7C00, s8;
	s5 =	sor.u32 s6, s5  }
.Ltmp0:
0x7: {  	[sflag:s4] =	ssyncpa.u1 $0x0;
	p0 =	slt.u32 s5, $0x9;
	(pc) =	sbr.rel .LBB2_1-.Ltmp0, $4  }
0x8: {  	s6 =	simm.s32 $0x2;
	s7 =	simm.s32 @!p0 $0x0;
	p0 =	sne.s32 s5, $0x8  }
0x9: {  	[sflag:s6] =	ssyncpa.u1 $0x0;
	s5 =	smul.u32 $0x1F40, s5;
	s9 =	simm.s32 @!p0 $0x0  }
0xa: {  	s8 =	sadd.s32 $0x11A00, s8;
	[sflag:s10] =	ssyncpa.u1 $0x0;
	s7 =	sadd.s32 s9, s7  }
0xb: {  	vm0 =	vmmov $0xffff;
	s10 =	simm.s32 $0x0;
	s11 =	smov.u32 s5;
	s9 =	sadd.s32 $0x1, s7  }
.LBB2_4:
0xc: {  	v2 =	vnsel vm1, $0x0, v2  }
0xd: {  	vm1 =	vgt.s32 v0, $0x0;
	v2 =	vmin.u32 v2, $0x4E1FF  }
0xe: {  	v0 =	vnsel vm1, $0x0, v0  }
0xf: {  	v0 =	vmin.u32 v0, $0x4E1FF  }
0x10: {  	[tilespmem:s18], [sflag:$0x1] =	stream.indirect_vreg.gather [hbm4b:s2+s10], $0x1, v1, vm0, $0x4038;
	[tilespmem:$0x7D00] =	vst v63  }
0x11: {  	(ifvalue) =	ssetifvalue $0x7FFFFFFF  }
0x12: {  	[tilespmem:s15], [sflag:$0x1] =	stream.indirect_vreg.gather [hbm4b:s2+s10], $0x1, v2, vm0, $0x4038;
	[tilespmem:$0x7D00] =	vst v63  }
0x13: {  	s29 =	sadd.s32 $0x10, s15;
	(ifvalue) =	ssetifvalue $0x7FFFFFFF  }
0x14: {  	[tilespmem:s29], [sflag:$0x1] =	stream.indirect_vreg.gather [hbm4b:s2+s10], $0x1, v0, vm0, $0x4038;
	[tilespmem:$0x7D00] =	vst v63  }
0x15: {  	_ =	swait.ge [sflag:s4], $0x1F40  }
0x16: {  	s30 =	sshrl.u32 s13, $0x3;
	[sflag:s4] =	ssyncset.done $0x0  }
0x17: {  	s31 =	sand.u32 $0x7, s13;
	s15 =	sadd.s32 s8, s30;
	[sflag:s4] =	ssyncadd.s32 $0xFFFFE0C0  }
0x18: {  	[hbm4b:s15+s31] =	stream.linear.scatter [tilespmem:s14], [sflag:$0x3], $0x1F40, $0x38;
	[tilespmem:$0x7D00] =	vst v63  }
.LBB2_5:
0x19: {  	s15 =	sadd.s32 $0x3E800, s11  }
0x1a: {  	p1 =	sgt.s32 s15, $0x4E1FF  }
0x1b: {  	s15 =	smov.u32 @p1 s5;
	p1 =	sne.s32 s12, s9  }
.Ltmp1:
0x1c: {  	p0 =	slt.u32 s12, $0x2;
	(pc) =	sbr.rel @!p1 .LBB2_6-.Ltmp1, $4  }
0x1d: {  	s14 =	simm.s32 @!p0 $0x3  }
0x1e: {  	_ =	swait.ge @!p0 [sflag:s14], $0x1F40  }
0x1f: {  	s16 =	sadd.s32 $0x1, s12;
	s13 =	smov.u32 s11;
	[sflag:s14] =	ssyncset.done @!p0 $0x0  }
0x20: {  	s12 =	smov.u32 s16;
	s11 =	smov.u32 s15;
	[sflag:s14] =	ssyncadd.s32 @!p0 $0xFFFFE0C0  }
.LBB2_1:
0x21: {  	p0 =	sge.u32 s12, s7  }
0x22: {  	s14 =	sxor.u32 @!p0 $0x1, s12  }
0x23: {  	s14 =	smul.u32 @!p0 $0x7D00, s14  }
0x24: {  	s31 =	sadd.s32 $0xFFFFFFFF, s12;
	s15 =	sshrl.u32 @!p0 s11, $0x3  }
0x25: {  	s16 =	sand.u32 @!p0 $0x7, s11;
	s15 =	sadd.s32 @!p0 s3, s15;
	s14 =	sshra.s32 @!p0 s14, $0x2  }
0x26: {  	[tilespmem:s14], [sflag:$0x2] =	stream.linear.gather @!p0 [hbm4b:s15+s16], $0x1F40, $0x38;
	[tilespmem:$0x7D00] =	vst v63  }
0x27: {  	p0 =	sge.u32 s31, s7  }
.Ltmp2:
0x28: {  	_ = 	snop;
	(pc) =	sbr.rel @p0 .LBB2_5-.Ltmp2, $1  }
0x29: {  	_ =	sdelay $0x3  }
0x2a: {  	s14 =	sand.u32 $0x1, s12  }
0x2b: {  	_ =	swait.ge [sflag:s6], $0x1F40;
	p0 =	seq.s32 s14, $0x1;
	s14 =	simm.s32 $0x1F40  }
0x2c: {  	[sflag:s6] =	ssyncset.done $0x0;
	s14 =	simm.s32 @!p0 $0x0  }
0x2d: {  	[sflag:s6] =	ssyncadd.s32 $0xFFFFE0C0;
	(ifvalue) =	ssetifvalue $0x7FFFFFFF;
	v0 =	vld.msk [tilespmem:s14+$0x0 ss:$0x1], $0xffff;
	_ =	sdelay $0x4  }
0x2e: {  	s15 =	sadd.s32 $0x10, s14;
	vm1 =	vgt.s32 v0, $0x0  }
0x2f: {  	v2 =	vld.msk [tilespmem:s15+$0x0 ss:$0x1], $0xffff;
	v1 =	vnsel vm1, $0x0, v0  }
0x30: {  	v1 =	vmin.u32 v1, $0x4E1FF;
	_ =	sdelay $0x2  }
0x31: {  	s17 =	simm.s32 $0x20;
	s14 =	sadd.s32 $0x3E80, s14;
	s16 =	sadd.s32 $0x10, s15  }
0x32: {  	s15 =	sadd.s32 $0x10, s14;
	s18 =	smov.u32 s14;
	v0 =	vld.msk [tilespmem:s16+$0x0 ss:$0x1], $0xffff;
	vm1 =	vgt.s32 v2, $0x0;
	(ifvalue) =	ssetifvalue $0x7FFFFFFF  }
.LBB2_3:
0x33: {  	[tilespmem:s18], [sflag:$0x1] =	stream.indirect_vreg.gather [hbm4b:s2+s10], $0x1, v1, vm0, $0x4038;
	[tilespmem:$0x7D00] =	vst v63  }
0x34: {  	s17 =	sadd.s32 $0x10, s17  }
0x35: {  	v2 =	vnsel vm1, $0x0, v2;
	p0 =	slt.u32 s17, $0x1F30  }
.Ltmp3:
0x36: {  	s18 =	smov.u32 s15;
	v1 =	vmin.u32 v2, $0x4E1FF;
	(pc) =	sbr.rel @p0 .LBB2_3-.Ltmp3, $3  }
0x37: {  	_ =	sdelay $0x1  }
0x38: {  	s16 =	sadd.s32 $0x10, s16  }
0x39: {  	vm1 =	vgt.s32 v0, $0x0;
	s15 =	sadd.s32 $0x10, s15;
	v2 =	vmov v0;
	(ifvalue) =	ssetifvalue $0x7FFFFFFF;
	v0 =	vld.msk [tilespmem:s16+$0x0 ss:$0x1], $0xffff  }
.Ltmp4:
0x3a: {  	_ = 	snop;
	(pc) =	sbr.rel .LBB2_4-.Ltmp4, $1  }
0x3b: {  	_ =	sdelay $0x3  }
.LBB2_6:
0x3c: {  	_ =	sfence.sel $0x180000  }
0x3d: {  	s2 =	simm.s32 $0x2;
	[bflag:$0x0] =	sbarrier.arrive $0xFFFF  }
0x3e: {  	s30 =	simm.s32 $0x3;
	[sflag:s2] =	ssyncpa.u1 $0x1  }
0x3f: {  	s31 =	simm.s32 $0x1;
	[sflag:s30] =	ssyncpa.u1 $0x1  }
0x40: {  	[sflag:s31] =	ssyncpa.u1 $0x1  }
0x41: {  	p0 =	sne.s32 s1, $0x0;
	_ =	strace $0x90000065  }
0x42: {  	s0 =	sadd.s32 @!p0 $0x100000, s0;
	[bflag:$0x2] =	sbarrier.arrive $0xFFFF  }
0x43: {  	[sflag:s0] =	ssyncadd.tile.s32 @!p0 $0x1;
	_ =	shalt  }
.Lfunc_end2:
_tile_overlayer_lowered:
.L_overlay_start_2:
0x44: {  	(tag) =	ssettag $0x2  }
0x45: {  	s0 =	rddreg [dreg:$0x0];
	s2 =	stileid.u32  }
0x46: {  	s1 =	rddreg [dreg:$0x1];
	p0 =	sne.s32 s2, $0x0  }
0x47: {  	s3 =	rddreg [dreg:$0x2];
	[bflag:$0x3] =	sbarrier.arrive $0xFFFF;
	s2 =	simm.s32 @!p0 $0x1C01  }
0x48: {  	[timem:s3], [sflag:s2] =	dma.local @!p0 [hbm:s0], s1  }
0x49: {  	s0 =	simm.s32 @!p0 $0x1  }
0x4a: {  	_ =	swait.ge @!p0 [sflag:s0], s1  }
0x4b: {  	s1 =	ssub.s32 @!p0 $0x0, s1;
	[sflag:s0] =	ssyncset.done @!p0 $0x0  }
0x4c: {  	[sflag:s0] =	ssyncadd.s32 @!p0 s1  }
0x4d: {  	[bflag:$0x3] =	sbarrier.arrive $0xFFFF  }
0x4e: {  	_ =	shalt  }

// kernel: kernel.5.cloned.1.call-start
scs
__scs_entry_jumppad:
0x0: {  	(pc) =	sbr.rel $0x88, $3  }
0x1: {  	(tag) =	ssettag $0x0;
	lr =	simm.s32 $0x1  }
0x2: {  	[smem:$0x3F81] =	sst lr;
	_ =	strace $0xD0000000  }
0x3: {  	_ = 	snop  }
0x4: {  	_ = 	snop  }
0x5: {  	_ = 	snop  }
0x6: {  	_ = 	snop  }
0x7: {  	_ = 	snop  }
__scs_overlays_trampoline_lowered:
0x8: {  	[smem:$0x3F90] =	sst s0  }
0x9: {  	[smem:$0x3F91] =	sst s1  }
0xa: {  	[smem:$0x3F92] =	sst s2  }
0xb: {  	[smem:$0x3F93] =	sst s3  }
0xc: {  	[smem:$0x3F94] =	sst s4  }
0xd: {  	[smem:$0x3F95] =	sst s5  }
0xe: {  	[smem:$0x3F96] =	sst s6  }
0xf: {  	[smem:$0x3F97] =	sst s7  }
0x10: {  	[smem:$0x3F98] =	sst s8  }
0x11: {  	[smem:$0x3F99] =	sst s9;
	s0 =	simm.s32 @!p0 $0x0  }
0x12: {  	s1 =	sld [smem:$0x3F7F];
	s0 =	simm.s32 @p0 $0x1  }
0x13: {  	[smem:$0x3F9A] =	sst s0;
	s0 =	simm.s32 @!p1 $0x0  }
0x14: {  	s2 =	sld [smem:$0x3F7E];
	s0 =	simm.s32 @p1 $0x1  }
0x15: {  	[smem:$0x3F9B] =	sst s0;
	s0 =	simm.s32 @!p2 $0x0  }
0x16: {  	s3 =	sld [smem:$0x3FDB];
	s0 =	simm.s32 @p2 $0x1  }
0x17: {  	s4 =	simm.s32 $0x1BF5;
	[smem:$0x3F9D] =	sst s0  }
0x18: {  	s0 =	sld [smem:$0x3F80];
	_ =	swait.ge [sflag:s4], $0x0  }
0x19: {  	s7 =	sld [smem:$0x3F81]  }
0x1a: {  	s8 =	sadd.s32 $0xFFFFE003, lr  }
0x1b: {  	s9 =	sadd.s32 $0xFFFFFEF7, lr;
	s5 =	simm.s32 $0xFFFFFFFF;
	p2 =	slt.u32 s8, $0xFFFFF086  }
0x1c: {  	p1 =	slt.u32 s9, $0xF7A;
	s5 =	simm.s32 @!p2 $0x0  }
0x1d: {  	s5 =	simm.s32 @p1 $0x1;
	p0 =	seq.s32 s7, s2  }
0x1e: {  	s7 =	smul.u32 @!p0 $0xF7A, s2;
	p2 =	seq.s32 @!p0 s5, $0x0  }
0x1f: {  	s9 =	smul.u32 $0xF7A, s1;
	s8 =	simm.s32 @!p0 $0x1BF5;
	p2 =	por !p2, p0  }
0x20: {  	[sflag:s8] =	ssyncset.s32 @!p0 $0xFFFFF086;
	s6 =	sadd.s32 @!p0 s3, s7;
	s7 =	simm.s32 @!p0 $0x108  }
0x21: {  	s3 =	sadd.s32 s3, s9;
	s6 =	sadd.s32 @!p0 $0x88, s6;
	s7 =	simm.s32 @p2 $0x1082  }
0x22: {  	[simem:s7], [sflag:s8] =	dma.local @!p0 [hbm:s6], $0xF7A  }
0x23: {  	s9 =	sor.u32 $0xD0000000, s2;
	s6 =	simm.s32 $0x108;
	_ =	swait.ge @!p0 [sflag:s8], $0x0  }
0x24: {  	s3 =	sadd.s32 $0x88, s3;
	s6 =	simm.s32 @!p1 $0x1082;
	[sflag:s4] =	ssyncset.s32 $0xFFFFF086  }
0x25: {  	[simem:s6], [sflag:s4] =	dma.local [hbm:s3], $0xF7A  }
0x26: {  	[smem:$0x3F81] =	sst s1;
	(tag) =	ssettag s2;
	_ =	strace s9  }
0x27: {  	s1 =	sld [smem:$0x3F91]  }
0x28: {  	s2 =	sld [smem:$0x3F92]  }
0x29: {  	s4 =	sld [smem:$0x3F94]  }
0x2a: {  	p0 =	seq.s32 s5, $0x0;
	s5 =	sld [smem:$0x3F95]  }
0x2b: {  	s6 =	sld [smem:$0x3F96]  }
0x2c: {  	s7 =	sld [smem:$0x3F97]  }
0x2d: {  	s3 =	simm.s32 $0x108;
	s8 =	sld [smem:$0x3F98]  }
0x2e: {  	s3 =	simm.s32 @!p0 $0x1082;
	s9 =	sld [smem:$0x3F99]  }
0x2f: {  	lr =	sadd.s32 s0, s3;
	s0 =	sld [smem:$0x3F90]  }
0x30: {  	s3 =	sld [smem:$0x3F93]  }
0x31: {  	[smem:$0x3F9C] =	sst s10  }
0x32: {  	s10 =	sld [smem:$0x3F9A];
	_ =	sdelay $0x3  }
0x33: {  	p0 =	seq.s32 s10, $0x1;
	s10 =	sld [smem:$0x3F9C];
	_ =	sdelay $0x3  }
0x34: {  	[smem:$0x3F9C] =	sst s10  }
0x35: {  	s10 =	sld [smem:$0x3F9B];
	_ =	sdelay $0x3  }
0x36: {  	p1 =	seq.s32 s10, $0x1;
	s10 =	sld [smem:$0x3F9C];
	_ =	sdelay $0x3  }
0x37: {  	[smem:$0x3F9C] =	sst s10  }
0x38: {  	s10 =	sld [smem:$0x3F9D]  }
0x39: {  	_ = 	snop;
	(pc) =	sbr.ind lr, $3  }
0x3a: {  	_ = 	snop  }
0x3b: {  	_ = 	snop  }
0x3c: {  	p2 =	seq.s32 s10, $0x1;
	s10 =	sld [smem:$0x3F9C]  }
0x3d: {  	_ =	shalt  }
0x3e: {  	_ =	shalt  }
0x3f: {  	_ =	shalt  }
0x40: {  	_ =	shalt  }
0x41: {  	_ =	shalt  }
0x42: {  	_ =	shalt  }
0x43: {  	_ =	shalt  }
0x44: {  	_ =	shalt  }
0x45: {  	_ =	shalt  }
0x46: {  	_ =	shalt  }
0x47: {  	_ =	shalt  }
0x48: {  	_ =	shalt  }
0x49: {  	_ =	shalt  }
0x4a: {  	_ =	shalt  }
0x4b: {  	_ =	shalt  }
0x4c: {  	_ =	shalt  }
0x4d: {  	_ =	shalt  }
0x4e: {  	_ =	shalt  }
0x4f: {  	_ =	shalt  }
0x50: {  	_ =	shalt  }
0x51: {  	_ =	shalt  }
0x52: {  	_ =	shalt  }
0x53: {  	_ =	shalt  }
0x54: {  	_ =	shalt  }
0x55: {  	_ =	shalt  }
0x56: {  	_ =	shalt  }
0x57: {  	_ =	shalt  }
0x58: {  	_ =	shalt  }
0x59: {  	_ =	shalt  }
0x5a: {  	_ =	shalt  }
0x5b: {  	_ =	shalt  }
0x5c: {  	_ =	shalt  }
0x5d: {  	_ =	shalt  }
0x5e: {  	_ =	shalt  }
0x5f: {  	_ =	shalt  }
0x60: {  	_ =	shalt  }
0x61: {  	_ =	shalt  }
0x62: {  	_ =	shalt  }
0x63: {  	_ =	shalt  }
0x64: {  	_ =	shalt  }
0x65: {  	_ =	shalt  }
0x66: {  	_ =	shalt  }
0x67: {  	_ =	shalt  }
0x68: {  	_ =	shalt  }
0x69: {  	_ =	shalt  }
0x6a: {  	_ =	shalt  }
0x6b: {  	_ =	shalt  }
0x6c: {  	_ =	shalt  }
0x6d: {  	_ =	shalt  }
0x6e: {  	_ =	shalt  }
0x6f: {  	_ =	shalt  }
0x70: {  	_ =	shalt  }
0x71: {  	_ =	shalt  }
0x72: {  	_ =	shalt  }
0x73: {  	_ =	shalt  }
0x74: {  	_ =	shalt  }
0x75: {  	_ =	shalt  }
0x76: {  	_ =	shalt  }
0x77: {  	_ =	shalt  }
0x78: {  	_ =	shalt  }
0x79: {  	_ =	shalt  }
0x7a: {  	_ =	shalt  }
0x7b: {  	_ =	shalt  }
0x7c: {  	_ =	shalt  }
0x7d: {  	_ =	shalt  }
0x7e: {  	_ =	shalt  }
0x7f: {  	_ =	shalt  }
0x80: {  	_ =	shalt  }
0x81: {  	_ =	shalt  }
0x82: {  	_ =	shalt  }
0x83: {  	_ =	shalt  }
0x84: {  	_ =	shalt  }
0x85: {  	_ =	shalt  }
0x86: {  	_ =	shalt  }
0x87: {  	_ =	shalt  }
.Lfunc_end0:
.L_simem_size_0:
called_computation.8_lowered:
.L_overlay_start_0:
0x88: {  	s2 =	sld [smem:$0x3FD9]  }
0x89: {  	s3 =	sld [smem:$0x3FFE];
	_ =	sdelay $0x1  }
0x8a: {  	s1 =	srdreg.scid  }
0x8b: {  	s0 =	sand.u32 $0x1, s1  }
0x8c: {  	s17 =	sshll.u32 s0, $0xA;
	s2 =	sadd.s32 s3, s2  }
0x8d: {  	s2 =	sadd.s32 s2, s17  }
0x8e: {  	[smem:$0x3FA8] =	sst s2  }
0x8f: {  	_ = 	snop  }
0x90: {  	s18 =	sld [smem:$0x3FC9]  }
0x91: {  	s4 =	sld [smem:$0x3FC8];
	(tm) =	ssettm $0x1  }
0x92: {  	s19 =	sld [smem:$0x3FFB];
	_ =	sdelay $0x3  }
0x93: {  	_ =	strace s19  }
0x94: {  	s2 =	sld [smem:$0x3FFC];
	_ =	sdelay $0x3  }
0x95: {  	_ =	strace s2  }
0x96: {  	s2 =	sld [smem:$0x3FFD];
	_ =	sdelay $0x3  }
0x97: {  	_ =	strace s2  }
0x98: {  	_ =	strace $0x8FFFFFFF  }
0x99: {  	s20 =	sld [smem:$0x3FDB];
	_ =	sdelay $0x1  }
0x9a: {  	s5 =	simm.s32 $_scs_section_size  }
0x9b: {  	s6 =	simm.s32 $_size__tile_overlayer_lowered;
	s7 =	simm.s32 $_tile_overlayer_lowered  }
0x9c: {  	s8 =	simm.s32 $0x1BFF;
	s21 =	sshll.u32 s7, $0x1;
	s5 =	sadd.s32 s5, s20  }
0x9d: {  	s22 =	simm.s32 $0x0;
	s6 =	sshll.u32 s6, $0x1;
	s7 =	sadd.s32 s21, s5  }
0x9e: {  	[timem:s22], [sflag:s8] =	dma.local [hbm:s7], s6  }
0x9f: {  	_ =	swait.ge [sflag:s8], s6  }
0xa0: {  	s6 =	ssub.s32 $0x0, s6;
	[sflag:s8] =	ssyncset.done $0x0  }
0xa1: {  	[sflag:s8] =	ssyncadd.s32 s6;
	_ =	sdelay $0x1  }
0xa2: {  	s23 =	simm.s32 $0x1B8B  }
0xa3: {  	_ =	swait.ge [sflag:s23], $0x1  }
0xa4: {  	[sflag:s23] =	ssyncset.done $0x0  }
0xa5: {  	[sflag:s23] =	ssyncadd.s32 $0xFFFFFFFF  }
0xa6: {  	s6 =	sld [smem:$0x0]  }
0xa7: {  	s7 =	sand.u32 $0xFFFFFFFE, s1  }
0xa8: {  	p0 =	sne.s32 s1, s7  }
0xa9: {  	s7 =	sshll.u32 @p0 s7, $0xE  }
0xaa: {  	s7 =	sadd.s32 @p0 $0x11B8D, s7;
	s8 =	sshll.u32 @p0 s6, $0x11  }
0xab: {  	s7 =	sor.u32 @p0 s8, s7  }
0xac: {  	[sflag:s7] =	ssyncadd.remote.s32 @p0 $0x1;
	_ =	sdelay $0x1  }
0xad: {  	s7 =	simm.s32 @p0 $0x1B8D  }
0xae: {  	_ =	swait.eq @p0 [sflag:s7], $0x1  }
0xaf: {  	[sflag:s7] =	ssyncadd.s32 @p0 $0xFFFFFFFF  }
0xb0: {  	s8 =	sshll.u32 @!p0 s1, $0xE  }
0xb1: {  	s8 =	sor.u32 @!p0 $0x4000, s8;
	s7 =	simm.s32 @!p0 $0x1B8D  }
0xb2: {  	s6 =	sshll.u32 @!p0 s6, $0x11;
	s8 =	sadd.s32 @!p0 $0x11B8D, s8;
	_ =	swait.eq @!p0 [sflag:s7], $0x1  }
0xb3: {  	s6 =	sor.u32 @!p0 s6, s8;
	[sflag:s7] =	ssyncadd.s32 @!p0 $0xFFFFFFFF  }
0xb4: {  	s25 =	simm.s32 $0x1B8E;
	s24 =	sld [smem:$0x3FFE];
	[sflag:s6] =	ssyncadd.remote.s32 @!p0 $0x1  }
0xb5: {  	s26 =	simm.s32 $execute0_lowered;
	[smem:$0x3FD2] =	sst s25  }
0xb6: {  	s7 =	sshll.u32 s26, $0x1;
	_ =	strace $0x8000004F;
	[dreg:$0x1] =	wrdreg $0xFFFFFFFF  }
0xb7: {  	s28 =	simm.s32 $_size_execute0_lowered;
	s5 =	sadd.s32 s5, s7;
	[dreg:$0x0] =	wrdreg $0x0  }
0xb8: {  	s7 =	sshll.u32 s28, $0x1;
	[dreg:$0x2] =	wrdreg s5  }
0xb9: {  	[dreg:$0x3] =	wrdreg s7  }
0xba: {  	[dreg:$0x4] =	wrdreg $0xC0  }
0xbb: {  	_ =	task [dreg:s22], $0x5FFFF  }
0xbc: {  	[dreg:$0x1] =	wrdreg $0xFFFFFFFF  }
0xbd: {  	[dreg:$0x0] =	wrdreg $0x60  }
0xbe: {  	[dreg:$0x2] =	wrdreg s18  }
0xbf: {  	[dreg:$0x3] =	wrdreg s4  }
0xc0: {  	[dreg:$0x4] =	wrdreg s24  }
0xc1: {  	[dreg:$0x5] =	wrdreg $0xA  }
0xc2: {  	_ =	task.clear_ibuf [dreg:s22], $0x6FFFF;
	_ =	strace $0x9000004F  }
0xc3: {  	s29 =	simm.s32 $0xA;
	_ =	strace $0x80000051  }
0xc4: {  	_ =	swait.ge [sflag:s29], $0x1  }
0xc5: {  	[sflag:s29] =	ssyncadd.s32 $0xFFFFFFFF  }
0xc6: {  	_ =	strace $0x90000051  }
0xc7: {  	_ =	sfence  }
0xc8: {  	s30 =	sld [smem:$0x0];
	_ =	sdelay $0x2  }
0xc9: {  	s31 =	sshll.u32 s1, $0xD;
	s1 =	sshrl.u32 s1, $0x2  }
0xca: {  	s4 =	sand.u32 $0x4000, s31;
	s1 =	sadd.s32 s1, s30  }
0xcb: {  	s0 =	sor.u32 s4, s0;
	s1 =	sshll.u32 s1, $0x11  }
0xcc: {  	s0 =	sor.u32 s1, s0  }
0xcd: {  	s0 =	sadd.s32 $0x8F2B, s0  }
0xce: {  	[sflag:s0] =	ssyncadd.remote.s32 $0x1  }
0xcf: {  	_ =	sfence.sel $0xFFFF  }
0xd0: {  	[dreg:$0x0] =	wrdreg $0xFFFFFFFF;
	(pc) =	sbr.abs _section_cstart, $3  }
0xd1: {  	[dreg:$0x1] =	wrdreg $0xFFFFFFFF  }
0xd2: {  	_ =	task.clear_ibuf [dreg:s22], $0x2FFFF;
	_ =	strace $0x9FFFFFFF  }
0xd3: {  	(tm) =	ssettm $0x7FFFFFFF  }
tec
execute0_lowered:
.L_overlay_start_1:
0x0: {  	(tag) =	ssettag $0x1  }
0x1: {  	s1 =	rddreg [dreg:$0x0]  }
0x2: {  	s0 =	rddreg [dreg:$0x1]  }
0x3: {  	s5 =	rddreg [dreg:$0x2]  }
0x4: {  	s3 =	simm.s32 $0x0;
	s2 =	stileid.u32;
	s4 =	srdreg.scid  }
0x5: {  	s11 =	simm.s32 $0x400;
	s12 =	simm.s32 $0x2;
	[dreg:$0x4] =	wrdreg s0  }
0x6: {  	s13 =	simm.s32 $0x190;
	s14 =	simm.s32 $0x200;
	s0 =	rddreg [dreg:$0x3]  }
0x7: {  	s15 =	simm.s32 $0x1;
	s16 =	simm.s32 $0x0;
	[smem:$0x7FF] =	sst s3  }
0x8: {  	s6 =	smul.u32 $0x4E200, s2;
	s7 =	sand.u32 $0x1, s4;
	s4 =	sadd.s32 $0x6A800, s5  }
0x9: {  	s10 =	sshll.u32 s2, $0x1;
	_ =	strace $0x80000050;
	s9 =	smul.u32 $0x27100, s7  }
0xa: {  	s8 =	ssub.s32 $0x2, s7;
	s7 =	sor.u32 s7, s10;
	s5 =	sadd.s32 s6, s5  }
0xb: {  	s10 =	simm.s32 $0x80;
	s31 =	sshrl.u32 s8, $0x1;
	s9 =	sadd.s32 s9, s5  }
0xc: {  	s6 =	ssub.s32 s8, s31;
	s5 =	smul.u32 $0xA000, s7;
	s7 =	sadd.s32 $0x92800, s9  }
0xd: {  	s6 =	smax.u32 s6, $0x1;
	s8 =	sadd.s32 $0x574800, s9;
	s9 =	sadd.s32 $0xA56800, s9  }
.LBB2_1:
0xe: {  	s17 =	simm.s32 $0x0  }
0xf: {  	s18 =	simm.s32 $0x0;
	s17 =	sand.u32 $0x3000, s17  }
0x10: {  	s18 =	sand.u32 $0x380, s18;
	s17 =	sadd.s32 s5, s17  }
0x11: {  	s17 =	sor.u32 s18, s17  }
0x12: {  	s17 =	sshrl.u32 s17, $0x3  }
0x13: {  	s17 =	sadd.s32 s4, s17  }
0x14: {  	[tilespmem:s3], [sflag:$0x2] =	stream.strided.gather [hbm4b:s17+s10], $0x200, s11, s10, $0x38;
	[tilespmem:$0xCA00] =	vst v63  }
0x15: {  	_ =	swait.ge [sflag:s12], $0x200  }
0x16: {  	[sflag:s12] =	ssyncset.done $0x0  }
0x17: {  	[sflag:s12] =	ssyncadd.s32 $0xFFFFFE00  }
0x18: {  	[tilespmem:s14], [sflag:$0x1] =	stream.indirect.gather [hbm4b:s1+s13], $0x80, s3, s13, $0xb8;
	[tilespmem:$0xCA00] =	vst v63  }
0x19: {  	s28 =	simm.s32 $0x3200;
	_ =	swait.ge [sflag:s15], $0xC800  }
0x1a: {  	s29 =	simm.s32 $0xC80;
	s17 =	sand.u32 $0x7000, s28;
	[sflag:s15] =	ssyncset.done $0x0  }
0x1b: {  	s18 =	sand.u32 $0x380, s29;
	s17 =	sadd.s32 s5, s17;
	[sflag:s15] =	ssyncadd.s32 $0xFFFF3800  }
0x1c: {  	[hbm4b:s7+s3] =	stream.linear.scatter [tilespmem:s14], [sflag:$0x2], $0xC800, $0x38;
	[tilespmem:$0xCA00] =	vst v63  }
0x1d: {  	s17 =	sor.u32 s18, s17;
	_ =	swait.ge [sflag:s12], $0xC800  }
0x1e: {  	s17 =	sshrl.u32 s17, $0x3;
	[sflag:s12] =	ssyncset.done $0x0  }
0x1f: {  	s17 =	sadd.s32 s4, s17;
	[sflag:s12] =	ssyncadd.s32 $0xFFFF3800  }
0x20: {  	[tilespmem:s3], [sflag:$0x2] =	stream.strided.gather [hbm4b:s17+s10], $0x200, s11, s10, $0x38;
	[tilespmem:$0xCA00] =	vst v63  }
0x21: {  	_ =	swait.ge [sflag:s12], $0x200  }
0x22: {  	[sflag:s12] =	ssyncset.done $0x0  }
0x23: {  	s30 =	simm.s32 $0x6400;
	s31 =	simm.s32 $0x1900;
	[sflag:s12] =	ssyncadd.s32 $0xFFFFFE00  }
0x24: {  	[tilespmem:s14], [sflag:$0x1] =	stream.indirect.gather [hbm4b:s1+s13], $0x80, s3, s13, $0xb8;
	[tilespmem:$0xCA00] =	vst v63  }
0x25: {  	s19 =	simm.s32 $0x1980;
	s21 =	simm.s32 $0x200;
	_ =	swait.ge [sflag:s15], $0xC800  }
0x26: {  	s22 =	simm.s32 $0x80;
	s17 =	sand.u32 $0xF000, s30;
	[sflag:s15] =	ssyncset.done $0x0  }
0x27: {  	s18 =	sand.u32 $0x380, s31;
	s17 =	sadd.s32 s5, s17;
	[sflag:s15] =	ssyncadd.s32 $0xFFFF3800  }
0x28: {  	[hbm4b:s8+s3] =	stream.linear.scatter [tilespmem:s14], [sflag:$0x2], $0xC800, $0x38;
	[tilespmem:$0xCA00] =	vst v63  }
0x29: {  	s21 =	sand.u32 $0x3000, s21;
	s17 =	sor.u32 s18, s17;
	_ =	swait.ge [sflag:s12], $0xC800  }
0x2a: {  	s22 =	sand.u32 $0x380, s22;
	s17 =	sshrl.u32 s17, $0x3;
	[sflag:s12] =	ssyncset.done $0x0  }
0x2b: {  	s21 =	sadd.s32 s5, s21;
	s17 =	sadd.s32 s4, s17;
	[sflag:s12] =	ssyncadd.s32 $0xFFFF3800  }
0x2c: {  	[tilespmem:s3], [sflag:$0x2] =	stream.strided.gather [hbm4b:s17+s10], $0x200, s11, s10, $0x38;
	[tilespmem:$0xCA00] =	vst v63  }
0x2d: {  	s25 =	simm.s32 $0x1A00;
	s24 =	sor.u32 s22, s21;
	_ =	swait.ge [sflag:s12], $0x200  }
0x2e: {  	s21 =	sadd.s32 $0x1900, s7;
	s22 =	smov.u32 s9;
	[sflag:s12] =	ssyncset.done $0x0  }
0x2f: {  	s18 =	simm.s32 $0x6600;
	s20 =	rddreg [dreg:$0x4];
	[sflag:s12] =	ssyncadd.s32 $0xFFFFFE00  }
0x30: {  	[tilespmem:s14], [sflag:$0x1] =	stream.indirect.gather [hbm4b:s20+s13], $0x80, s3, s13, $0xb8;
	[tilespmem:$0xCA00] =	vst v63  }
0x31: {  	s17 =	sadd.s32 $0x1900, s9;
	s20 =	sadd.s32 $0x1900, s8;
	_ =	swait.ge [sflag:s15], $0xC800  }
.LBB2_2:
0x32: {  	[sflag:s15] =	ssyncset.done $0x0  }
0x33: {  	[sflag:s15] =	ssyncadd.s32 $0xFFFF3800  }
0x34: {  	[hbm4b:s22+s3] =	stream.linear.scatter [tilespmem:s14], [sflag:$0x2], $0xC800, $0x38;
	[tilespmem:$0xCA00] =	vst v63  }
0x35: {  	_ =	swait.ge [sflag:s12], $0xC800  }
0x36: {  	s26 =	sshrl.u32 s24, $0x3;
	[sflag:s12] =	ssyncset.done $0x0  }
0x37: {  	s26 =	sadd.s32 s4, s26;
	[sflag:s12] =	ssyncadd.s32 $0xFFFF3800  }
0x38: {  	[tilespmem:s3], [sflag:$0x2] =	stream.strided.gather [hbm4b:s26+s10], $0x200, s11, s10, $0x38;
	[tilespmem:$0xCA00] =	vst v63  }
0x39: {  	_ =	swait.ge [sflag:s12], $0x200  }
0x3a: {  	[sflag:s12] =	ssyncset.done $0x0  }
0x3b: {  	s24 =	smov.u32 s25;
	s23 =	sadd.s32 $0x80, s25;
	[sflag:s12] =	ssyncadd.s32 $0xFFFFFE00  }
0x3c: {  	[tilespmem:s14], [sflag:$0x1] =	stream.indirect.gather [hbm4b:s1+s13], $0x80, s3, s13, $0xb8;
	[tilespmem:$0xCA00] =	vst v63  }
0x3d: {  	p0 =	sne.s32 s25, $0x2500;
	s28 =	sadd.s32 $0xFFFFCE00, s18;
	_ =	swait.ge [sflag:s15], $0xC800  }
0x3e: {  	s29 =	sadd.s32 $0xFFFFF380, s19;
	s25 =	sand.u32 $0x7000, s28;
	[sflag:s15] =	ssyncset.done $0x0  }
0x3f: {  	s25 =	sadd.s32 s5, s25;
	s26 =	sand.u32 $0x380, s29;
	[sflag:s15] =	ssyncadd.s32 $0xFFFF3800  }
0x40: {  	[hbm4b:s21+s3] =	stream.linear.scatter [tilespmem:s14], [sflag:$0x2], $0xC800, $0x38;
	[tilespmem:$0xCA00] =	vst v63  }
0x41: {  	s25 =	sor.u32 s26, s25;
	_ =	swait.ge [sflag:s12], $0xC800  }
0x42: {  	s25 =	sshrl.u32 s25, $0x3;
	[sflag:s12] =	ssyncset.done $0x0  }
0x43: {  	s25 =	sadd.s32 s4, s25;
	[sflag:s12] =	ssyncadd.s32 $0xFFFF3800  }
0x44: {  	[tilespmem:s3], [sflag:$0x2] =	stream.strided.gather [hbm4b:s25+s10], $0x200, s11, s10, $0x38;
	[tilespmem:$0xCA00] =	vst v63  }
0x45: {  	_ =	swait.ge [sflag:s12], $0x200  }
0x46: {  	[sflag:s12] =	ssyncset.done $0x0  }
0x47: {  	s30 =	sand.u32 $0xF000, s18;
	[sflag:s12] =	ssyncadd.s32 $0xFFFFFE00  }
0x48: {  	[tilespmem:s14], [sflag:$0x1] =	stream.indirect.gather [hbm4b:s1+s13], $0x80, s3, s13, $0xb8;
	[tilespmem:$0xCA00] =	vst v63  }
0x49: {  	s31 =	sand.u32 $0x380, s19;
	s18 =	sadd.s32 $0x200, s18;
	_ =	swait.ge [sflag:s15], $0xC800  }
0x4a: {  	s19 =	smov.u32 s24;
	s22 =	smov.u32 s17;
	[sflag:s15] =	ssyncset.done $0x0  }
0x4b: {  	s17 =	sadd.s32 $0x1900, s17;
	s25 =	sadd.s32 s5, s30;
	[sflag:s15] =	ssyncadd.s32 $0xFFFF3800  }
0x4c: {  	[hbm4b:s20+s3] =	stream.linear.scatter [tilespmem:s14], [sflag:$0x2], $0xC800, $0x38;
	[tilespmem:$0xCA00] =	vst v63  }
0x4d: {  	s29 =	sadd.s32 $0xFFFF9C00, s18;
	s28 =	sor.u32 s31, s25;
	_ =	swait.ge [sflag:s12], $0xC800  }
0x4e: {  	s21 =	sadd.s32 $0x1900, s21;
	s24 =	sshrl.u32 s28, $0x3;
	[sflag:s12] =	ssyncset.done $0x0  }
0x4f: {  	s31 =	sadd.s32 $0xFFFFE700, s19;
	s24 =	sadd.s32 s4, s24;
	[sflag:s12] =	ssyncadd.s32 $0xFFFF3800  }
0x50: {  	[tilespmem:s3], [sflag:$0x2] =	stream.strided.gather [hbm4b:s24+s10], $0x200, s11, s10, $0x38;
	[tilespmem:$0xCA00] =	vst v63  }
.Ltmp0:
0x51: {  	s25 =	smov.u32 s23;
	_ =	swait.ge [sflag:s12], $0x200;
	(pc) =	sbr.rel @p0 .LBB2_2-.Ltmp0, $4  }
0x52: {  	s26 =	sand.u32 $0x380, s31;
	s24 =	sand.u32 $0x3000, s29;
	[sflag:s12] =	ssyncset.done $0x0  }
0x53: {  	s24 =	sadd.s32 s5, s24;
	s30 =	rddreg [dreg:$0x4];
	[sflag:s12] =	ssyncadd.s32 $0xFFFFFE00  }
0x54: {  	[tilespmem:s14], [sflag:$0x1] =	stream.indirect.gather [hbm4b:s30+s13], $0x80, s3, s13, $0xb8;
	[tilespmem:$0xCA00] =	vst v63  }
0x55: {  	s20 =	sadd.s32 $0x1900, s20;
	s24 =	sor.u32 s26, s24;
	_ =	swait.ge [sflag:s15], $0xC800  }
0x56: {  	[sflag:s15] =	ssyncset.done $0x0  }
0x57: {  	[sflag:s15] =	ssyncadd.s32 $0xFFFF3800  }
0x58: {  	[hbm4b:s22+s3] =	stream.linear.scatter [tilespmem:s14], [sflag:$0x2], $0xC800, $0x38;
	[tilespmem:$0xCA00] =	vst v63  }
0x59: {  	_ =	swait.ge [sflag:s12], $0xC800  }
0x5a: {  	s25 =	sshrl.u32 s24, $0x3;
	[sflag:s12] =	ssyncset.done $0x0  }
0x5b: {  	s22 =	sadd.s32 s4, s25;
	[sflag:s12] =	ssyncadd.s32 $0xFFFF3800  }
0x5c: {  	[tilespmem:s3], [sflag:$0x2] =	stream.strided.gather [hbm4b:s22+s10], $0x200, s11, s10, $0x38;
	[tilespmem:$0xCA00] =	vst v63  }
0x5d: {  	_ =	swait.ge [sflag:s12], $0x200  }
0x5e: {  	[sflag:s12] =	ssyncset.done $0x0  }
0x5f: {  	[sflag:s12] =	ssyncadd.s32 $0xFFFFFE00  }
0x60: {  	[tilespmem:s14], [sflag:$0x1] =	stream.indirect.gather [hbm4b:s1+s13], $0x80, s3, s13, $0xb8;
	[tilespmem:$0xCA00] =	vst v63  }
0x61: {  	s26 =	sadd.s32 $0xFFFFCE00, s18;
	_ =	swait.ge [sflag:s15], $0xC800  }
0x62: {  	s23 =	sadd.s32 $0xFFFFF380, s19;
	s22 =	sand.u32 $0x7000, s26;
	[sflag:s15] =	ssyncset.done $0x0  }
0x63: {  	s23 =	sand.u32 $0x380, s23;
	s22 =	sadd.s32 s5, s22;
	[sflag:s15] =	ssyncadd.s32 $0xFFFF3800  }
0x64: {  	[hbm4b:s21+s3] =	stream.linear.scatter [tilespmem:s14], [sflag:$0x2], $0xC800, $0x38;
	[tilespmem:$0xCA00] =	vst v63  }
0x65: {  	s28 =	sor.u32 s23, s22;
	_ =	swait.ge [sflag:s12], $0xC800  }
0x66: {  	s21 =	sshrl.u32 s28, $0x3;
	[sflag:s12] =	ssyncset.done $0x0  }
0x67: {  	s21 =	sadd.s32 s4, s21;
	[sflag:s12] =	ssyncadd.s32 $0xFFFF3800  }
0x68: {  	[tilespmem:s3], [sflag:$0x2] =	stream.strided.gather [hbm4b:s21+s10], $0x200, s11, s10, $0x38;
	[tilespmem:$0xCA00] =	vst v63  }
0x69: {  	_ =	swait.ge [sflag:s12], $0x200  }
0x6a: {  	[sflag:s12] =	ssyncset.done $0x0  }
0x6b: {  	[sflag:s12] =	ssyncadd.s32 $0xFFFFFE00  }
0x6c: {  	[tilespmem:s14], [sflag:$0x1] =	stream.indirect.gather [hbm4b:s1+s13], $0x80, s3, s13, $0xb8;
	[tilespmem:$0xCA00] =	vst v63  }
0x6d: {  	_ =	swait.ge [sflag:s15], $0xC800  }
0x6e: {  	s29 =	sand.u32 $0xF000, s18;
	[sflag:s15] =	ssyncset.done $0x0  }
0x6f: {  	s30 =	sand.u32 $0x380, s19;
	s18 =	sadd.s32 s5, s29;
	[sflag:s15] =	ssyncadd.s32 $0xFFFF3800  }
0x70: {  	[hbm4b:s20+s3] =	stream.linear.scatter [tilespmem:s14], [sflag:$0x2], $0xC800, $0x38;
	[tilespmem:$0xCA00] =	vst v63  }
0x71: {  	s18 =	sor.u32 s30, s18;
	_ =	swait.ge [sflag:s12], $0xC800  }
0x72: {  	s18 =	sshrl.u32 s18, $0x3;
	[sflag:s12] =	ssyncset.done $0x0  }
0x73: {  	s18 =	sadd.s32 s4, s18;
	[sflag:s12] =	ssyncadd.s32 $0xFFFF3800  }
0x74: {  	[tilespmem:s3], [sflag:$0x2] =	stream.strided.gather [hbm4b:s18+s10], $0x200, s11, s10, $0x38;
	[tilespmem:$0xCA00] =	vst v63  }
0x75: {  	_ =	swait.ge [sflag:s12], $0x200  }
0x76: {  	[sflag:s12] =	ssyncset.done $0x0  }
0x77: {  	s31 =	rddreg [dreg:$0x4];
	[sflag:s12] =	ssyncadd.s32 $0xFFFFFE00  }
0x78: {  	[tilespmem:s14], [sflag:$0x1] =	stream.indirect.gather [hbm4b:s31+s13], $0x80, s3, s13, $0xb8;
	[tilespmem:$0xCA00] =	vst v63  }
0x79: {  	s16 =	sadd.s32 $0x1, s16;
	_ =	swait.ge [sflag:s15], $0xC800  }
0x7a: {  	p0 =	sne.s32 s16, s6;
	[sflag:s15] =	ssyncset.done $0x0  }
.Ltmp1:
0x7b: {  	[sflag:s15] =	ssyncadd.s32 $0xFFFF3800;
	(pc) =	sbr.rel @p0 .LBB2_1-.Ltmp1, $4  }
0x7c: {  	[hbm4b:s17+s3] =	stream.linear.scatter [tilespmem:s14], [sflag:$0x2], $0xC800, $0x38;
	[tilespmem:$0xCA00] =	vst v63  }
0x7d: {  	_ =	swait.ge [sflag:s12], $0xC800  }
0x7e: {  	[sflag:s12] =	ssyncset.done $0x0  }
0x7f: {  	[sflag:s12] =	ssyncadd.s32 $0xFFFF3800  }
0x80: {  	_ =	sfence.sel $0x180000  }
0x81: {  	[bflag:$0x0] =	sbarrier.arrive $0xFFFF  }
0x82: {  	p0 =	sne.s32 s2, $0x0;
	_ =	strace $0x90000050  }
0x83: {  	s0 =	sadd.s32 @!p0 $0x100000, s0;
	[bflag:$0x2] =	sbarrier.arrive $0xFFFF  }
0x84: {  	[sflag:s0] =	ssyncadd.tile.s32 @!p0 $0x1;
	_ =	shalt  }
.Lfunc_end2:
_tile_overlayer_lowered:
.L_overlay_start_2:
0x85: {  	(tag) =	ssettag $0x2  }
0x86: {  	s0 =	rddreg [dreg:$0x0];
	s2 =	stileid.u32  }
0x87: {  	s1 =	rddreg [dreg:$0x1];
	p0 =	sne.s32 s2, $0x0  }
0x88: {  	s3 =	rddreg [dreg:$0x2];
	[bflag:$0x3] =	sbarrier.arrive $0xFFFF;
	s2 =	simm.s32 @!p0 $0x1C02  }
0x89: {  	[timem:s3], [sflag:s2] =	dma.local @!p0 [hbm:s0], s1  }
0x8a: {  	s0 =	simm.s32 @!p0 $0x2  }
0x8b: {  	_ =	swait.ge @!p0 [sflag:s0], s1  }
0x8c: {  	s1 =	ssub.s32 @!p0 $0x0, s1;
	[sflag:s0] =	ssyncset.done @!p0 $0x0  }
0x8d: {  	[sflag:s0] =	ssyncadd.s32 @!p0 s1  }
0x8e: {  	[bflag:$0x3] =	sbarrier.arrive $0xFFFF  }
0x8f: {  	_ =	shalt  }

// kernel: scatter_offload_async_start.1
scs
__scs_entry_jumppad:
0x0: {  	(pc) =	sbr.rel $0x88, $3  }
0x1: {  	(tag) =	ssettag $0x0;
	lr =	simm.s32 $0x1  }
0x2: {  	[smem:$0x3F81] =	sst lr;
	_ =	strace $0xD0000000  }
0x3: {  	_ = 	snop  }
0x4: {  	_ = 	snop  }
0x5: {  	_ = 	snop  }
0x6: {  	_ = 	snop  }
0x7: {  	_ = 	snop  }
__scs_overlays_trampoline_lowered:
0x8: {  	[smem:$0x3F90] =	sst s0  }
0x9: {  	[smem:$0x3F91] =	sst s1  }
0xa: {  	[smem:$0x3F92] =	sst s2  }
0xb: {  	[smem:$0x3F93] =	sst s3  }
0xc: {  	[smem:$0x3F94] =	sst s4  }
0xd: {  	[smem:$0x3F95] =	sst s5  }
0xe: {  	[smem:$0x3F96] =	sst s6  }
0xf: {  	[smem:$0x3F97] =	sst s7  }
0x10: {  	[smem:$0x3F98] =	sst s8  }
0x11: {  	[smem:$0x3F99] =	sst s9;
	s0 =	simm.s32 @!p0 $0x0  }
0x12: {  	s1 =	sld [smem:$0x3F7F];
	s0 =	simm.s32 @p0 $0x1  }
0x13: {  	[smem:$0x3F9A] =	sst s0;
	s0 =	simm.s32 @!p1 $0x0  }
0x14: {  	s2 =	sld [smem:$0x3F7E];
	s0 =	simm.s32 @p1 $0x1  }
0x15: {  	[smem:$0x3F9B] =	sst s0;
	s0 =	simm.s32 @!p2 $0x0  }
0x16: {  	s3 =	sld [smem:$0x3FDB];
	s0 =	simm.s32 @p2 $0x1  }
0x17: {  	s4 =	simm.s32 $0x1BF5;
	[smem:$0x3F9D] =	sst s0  }
0x18: {  	s0 =	sld [smem:$0x3F80];
	_ =	swait.ge [sflag:s4], $0x0  }
0x19: {  	s7 =	sld [smem:$0x3F81]  }
0x1a: {  	s8 =	sadd.s32 $0xFFFFE003, lr  }
0x1b: {  	s9 =	sadd.s32 $0xFFFFFEF7, lr;
	s5 =	simm.s32 $0xFFFFFFFF;
	p2 =	slt.u32 s8, $0xFFFFF086  }
0x1c: {  	p1 =	slt.u32 s9, $0xF7A;
	s5 =	simm.s32 @!p2 $0x0  }
0x1d: {  	s5 =	simm.s32 @p1 $0x1;
	p0 =	seq.s32 s7, s2  }
0x1e: {  	s7 =	smul.u32 @!p0 $0xF7A, s2;
	p2 =	seq.s32 @!p0 s5, $0x0  }
0x1f: {  	s9 =	smul.u32 $0xF7A, s1;
	s8 =	simm.s32 @!p0 $0x1BF5;
	p2 =	por !p2, p0  }
0x20: {  	[sflag:s8] =	ssyncset.s32 @!p0 $0xFFFFF086;
	s6 =	sadd.s32 @!p0 s3, s7;
	s7 =	simm.s32 @!p0 $0x108  }
0x21: {  	s3 =	sadd.s32 s3, s9;
	s6 =	sadd.s32 @!p0 $0x88, s6;
	s7 =	simm.s32 @p2 $0x1082  }
0x22: {  	[simem:s7], [sflag:s8] =	dma.local @!p0 [hbm:s6], $0xF7A  }
0x23: {  	s9 =	sor.u32 $0xD0000000, s2;
	s6 =	simm.s32 $0x108;
	_ =	swait.ge @!p0 [sflag:s8], $0x0  }
0x24: {  	s3 =	sadd.s32 $0x88, s3;
	s6 =	simm.s32 @!p1 $0x1082;
	[sflag:s4] =	ssyncset.s32 $0xFFFFF086  }
0x25: {  	[simem:s6], [sflag:s4] =	dma.local [hbm:s3], $0xF7A  }
0x26: {  	[smem:$0x3F81] =	sst s1;
	(tag) =	ssettag s2;
	_ =	strace s9  }
0x27: {  	s1 =	sld [smem:$0x3F91]  }
0x28: {  	s2 =	sld [smem:$0x3F92]  }
0x29: {  	s4 =	sld [smem:$0x3F94]  }
0x2a: {  	p0 =	seq.s32 s5, $0x0;
	s5 =	sld [smem:$0x3F95]  }
0x2b: {  	s6 =	sld [smem:$0x3F96]  }
0x2c: {  	s7 =	sld [smem:$0x3F97]  }
0x2d: {  	s3 =	simm.s32 $0x108;
	s8 =	sld [smem:$0x3F98]  }
0x2e: {  	s3 =	simm.s32 @!p0 $0x1082;
	s9 =	sld [smem:$0x3F99]  }
0x2f: {  	lr =	sadd.s32 s0, s3;
	s0 =	sld [smem:$0x3F90]  }
0x30: {  	s3 =	sld [smem:$0x3F93]  }
0x31: {  	[smem:$0x3F9C] =	sst s10  }
0x32: {  	s10 =	sld [smem:$0x3F9A];
	_ =	sdelay $0x3  }
0x33: {  	p0 =	seq.s32 s10, $0x1;
	s10 =	sld [smem:$0x3F9C];
	_ =	sdelay $0x3  }
0x34: {  	[smem:$0x3F9C] =	sst s10  }
0x35: {  	s10 =	sld [smem:$0x3F9B];
	_ =	sdelay $0x3  }
0x36: {  	p1 =	seq.s32 s10, $0x1;
	s10 =	sld [smem:$0x3F9C];
	_ =	sdelay $0x3  }
0x37: {  	[smem:$0x3F9C] =	sst s10  }
0x38: {  	s10 =	sld [smem:$0x3F9D]  }
0x39: {  	_ = 	snop;
	(pc) =	sbr.ind lr, $3  }
0x3a: {  	_ = 	snop  }
0x3b: {  	_ = 	snop  }
0x3c: {  	p2 =	seq.s32 s10, $0x1;
	s10 =	sld [smem:$0x3F9C]  }
0x3d: {  	_ =	shalt  }
0x3e: {  	_ =	shalt  }
0x3f: {  	_ =	shalt  }
0x40: {  	_ =	shalt  }
0x41: {  	_ =	shalt  }
0x42: {  	_ =	shalt  }
0x43: {  	_ =	shalt  }
0x44: {  	_ =	shalt  }
0x45: {  	_ =	shalt  }
0x46: {  	_ =	shalt  }
0x47: {  	_ =	shalt  }
0x48: {  	_ =	shalt  }
0x49: {  	_ =	shalt  }
0x4a: {  	_ =	shalt  }
0x4b: {  	_ =	shalt  }
0x4c: {  	_ =	shalt  }
0x4d: {  	_ =	shalt  }
0x4e: {  	_ =	shalt  }
0x4f: {  	_ =	shalt  }
0x50: {  	_ =	shalt  }
0x51: {  	_ =	shalt  }
0x52: {  	_ =	shalt  }
0x53: {  	_ =	shalt  }
0x54: {  	_ =	shalt  }
0x55: {  	_ =	shalt  }
0x56: {  	_ =	shalt  }
0x57: {  	_ =	shalt  }
0x58: {  	_ =	shalt  }
0x59: {  	_ =	shalt  }
0x5a: {  	_ =	shalt  }
0x5b: {  	_ =	shalt  }
0x5c: {  	_ =	shalt  }
0x5d: {  	_ =	shalt  }
0x5e: {  	_ =	shalt  }
0x5f: {  	_ =	shalt  }
0x60: {  	_ =	shalt  }
0x61: {  	_ =	shalt  }
0x62: {  	_ =	shalt  }
0x63: {  	_ =	shalt  }
0x64: {  	_ =	shalt  }
0x65: {  	_ =	shalt  }
0x66: {  	_ =	shalt  }
0x67: {  	_ =	shalt  }
0x68: {  	_ =	shalt  }
0x69: {  	_ =	shalt  }
0x6a: {  	_ =	shalt  }
0x6b: {  	_ =	shalt  }
0x6c: {  	_ =	shalt  }
0x6d: {  	_ =	shalt  }
0x6e: {  	_ =	shalt  }
0x6f: {  	_ =	shalt  }
0x70: {  	_ =	shalt  }
0x71: {  	_ =	shalt  }
0x72: {  	_ =	shalt  }
0x73: {  	_ =	shalt  }
0x74: {  	_ =	shalt  }
0x75: {  	_ =	shalt  }
0x76: {  	_ =	shalt  }
0x77: {  	_ =	shalt  }
0x78: {  	_ =	shalt  }
0x79: {  	_ =	shalt  }
0x7a: {  	_ =	shalt  }
0x7b: {  	_ =	shalt  }
0x7c: {  	_ =	shalt  }
0x7d: {  	_ =	shalt  }
0x7e: {  	_ =	shalt  }
0x7f: {  	_ =	shalt  }
0x80: {  	_ =	shalt  }
0x81: {  	_ =	shalt  }
0x82: {  	_ =	shalt  }
0x83: {  	_ =	shalt  }
0x84: {  	_ =	shalt  }
0x85: {  	_ =	shalt  }
0x86: {  	_ =	shalt  }
0x87: {  	_ =	shalt  }
.Lfunc_end0:
.L_simem_size_0:
called_computation.1_lowered:
.L_overlay_start_0:
0x88: {  	s2 =	sld [smem:$0x3FD9]  }
0x89: {  	s3 =	sld [smem:$0x3FFE];
	_ =	sdelay $0x1  }
0x8a: {  	s1 =	srdreg.scid  }
0x8b: {  	s0 =	sand.u32 $0x1, s1  }
0x8c: {  	s15 =	sshll.u32 s0, $0xA;
	s2 =	sadd.s32 s3, s2  }
0x8d: {  	s2 =	sadd.s32 s2, s15  }
0x8e: {  	[smem:$0x3FA8] =	sst s2  }
0x8f: {  	_ = 	snop  }
0x90: {  	s2 =	sld [smem:$0x3FD0];
	_ =	sdelay $0x2  }
0x91: {  	s16 =	simm.s32 $0xF;
	s4 =	simm.s32 $0x10  }
0x92: {  	[smem:s4], [sflag:s16] =	dma.local [hbm:s2], $0x1  }
0x93: {  	_ =	swait.eq [sflag:s16], $0x1  }
0x94: {  	[sflag:s16] =	ssyncset.done $0x0  }
0x95: {  	[sflag:s16] =	ssyncadd.s32 $0xFFFFFFFF  }
0x96: {  	s17 =	sld [smem:$0x10];
	(tm) =	ssettm $0x1  }
0x97: {  	s18 =	sld [smem:$0x3FFB];
	_ =	sdelay $0x3  }
0x98: {  	_ =	strace s18  }
0x99: {  	s2 =	sld [smem:$0x3FFC];
	_ =	sdelay $0x3  }
0x9a: {  	_ =	strace s2  }
0x9b: {  	s2 =	sld [smem:$0x3FFD];
	_ =	sdelay $0x3  }
0x9c: {  	_ =	strace s2  }
0x9d: {  	_ =	strace $0x8FFFFFFF  }
0x9e: {  	s19 =	sld [smem:$0x3FDB];
	_ =	sdelay $0x1  }
0x9f: {  	s20 =	simm.s32 $_scs_section_size  }
0xa0: {  	s5 =	simm.s32 $_size__tile_overlayer_lowered;
	s6 =	simm.s32 $_tile_overlayer_lowered  }
0xa1: {  	s7 =	simm.s32 $0x1BFF;
	s21 =	sshll.u32 s6, $0x1;
	s4 =	sadd.s32 s20, s19  }
0xa2: {  	s22 =	simm.s32 $0x0;
	s5 =	sshll.u32 s5, $0x1;
	s6 =	sadd.s32 s21, s4  }
0xa3: {  	[timem:s22], [sflag:s7] =	dma.local [hbm:s6], s5  }
0xa4: {  	_ =	swait.ge [sflag:s7], s5  }
0xa5: {  	s5 =	ssub.s32 $0x0, s5;
	[sflag:s7] =	ssyncset.done $0x0  }
0xa6: {  	[sflag:s7] =	ssyncadd.s32 s5;
	_ =	sdelay $0x1  }
0xa7: {  	s23 =	simm.s32 $0x1B8B  }
0xa8: {  	_ =	swait.ge [sflag:s23], $0x1  }
0xa9: {  	[sflag:s23] =	ssyncset.done $0x0  }
0xaa: {  	[sflag:s23] =	ssyncadd.s32 $0xFFFFFFFF  }
0xab: {  	s5 =	sld [smem:$0x0]  }
0xac: {  	s6 =	sand.u32 $0xFFFFFFFE, s1  }
0xad: {  	p0 =	sne.s32 s1, s6  }
0xae: {  	s6 =	sshll.u32 @p0 s6, $0xE  }
0xaf: {  	s6 =	sadd.s32 @p0 $0x11B8D, s6;
	s7 =	sshll.u32 @p0 s5, $0x11  }
0xb0: {  	s6 =	sor.u32 @p0 s7, s6  }
0xb1: {  	[sflag:s6] =	ssyncadd.remote.s32 @p0 $0x1;
	_ =	sdelay $0x1  }
0xb2: {  	s6 =	simm.s32 @p0 $0x1B8D  }
0xb3: {  	_ =	swait.eq @p0 [sflag:s6], $0x1  }
0xb4: {  	[sflag:s6] =	ssyncadd.s32 @p0 $0xFFFFFFFF  }
0xb5: {  	s7 =	sshll.u32 @!p0 s1, $0xE  }
0xb6: {  	s7 =	sor.u32 @!p0 $0x4000, s7;
	s6 =	simm.s32 @!p0 $0x1B8D  }
0xb7: {  	s8 =	sshll.u32 @!p0 s5, $0x11;
	s7 =	sadd.s32 @!p0 $0x11B8D, s7;
	_ =	swait.eq @!p0 [sflag:s6], $0x1  }
0xb8: {  	[sflag:s6] =	ssyncadd.s32 @!p0 $0xFFFFFFFF;
	s6 =	sor.u32 @!p0 s8, s7  }
0xb9: {  	s25 =	simm.s32 $0x1B8E;
	s24 =	sld [smem:$0x3FFE];
	[sflag:s6] =	ssyncadd.remote.s32 @!p0 $0x1  }
0xba: {  	s26 =	simm.s32 $execute0_lowered;
	[smem:$0x3FD2] =	sst s25  }
0xbb: {  	s7 =	sshll.u32 s26, $0x1;
	_ =	strace $0x80000055;
	[dreg:$0x1] =	wrdreg $0xFFFFFFFF  }
0xbc: {  	s28 =	simm.s32 $_size_execute0_lowered;
	s4 =	sadd.s32 s4, s7;
	[dreg:$0x0] =	wrdreg $0x0  }
0xbd: {  	s7 =	sshll.u32 s28, $0x1;
	[dreg:$0x2] =	wrdreg s4  }
0xbe: {  	[dreg:$0x3] =	wrdreg s7  }
0xbf: {  	[dreg:$0x4] =	wrdreg $0xC0  }
0xc0: {  	_ =	task [dreg:s22], $0x5FFFF  }
0xc1: {  	[dreg:$0x1] =	wrdreg $0xFFFFFFFF  }
0xc2: {  	[dreg:$0x0] =	wrdreg $0x60  }
0xc3: {  	[dreg:$0x2] =	wrdreg s17  }
0xc4: {  	[dreg:$0x3] =	wrdreg s24  }
0xc5: {  	[dreg:$0x4] =	wrdreg s1  }
0xc6: {  	[dreg:$0x5] =	wrdreg s5  }
0xc7: {  	[dreg:$0x6] =	wrdreg $0xA  }
0xc8: {  	_ =	task.clear_ibuf [dreg:s22], $0x7FFFF;
	_ =	strace $0x90000055  }
0xc9: {  	s29 =	simm.s32 $0xA;
	_ =	strace $0x80000057  }
0xca: {  	_ =	swait.ge [sflag:s29], $0x1  }
0xcb: {  	[sflag:s29] =	ssyncadd.s32 $0xFFFFFFFF  }
0xcc: {  	_ =	strace $0x90000057  }
0xcd: {  	_ =	sfence  }
0xce: {  	s30 =	sld [smem:$0x0];
	_ =	sdelay $0x2  }
0xcf: {  	s31 =	sshll.u32 s1, $0xD;
	s1 =	sshrl.u32 s1, $0x2  }
0xd0: {  	s4 =	sand.u32 $0x4000, s31;
	s1 =	sadd.s32 s1, s30  }
0xd1: {  	s0 =	sor.u32 s4, s0;
	s1 =	sshll.u32 s1, $0x11  }
0xd2: {  	s0 =	sor.u32 s1, s0  }
0xd3: {  	s0 =	sadd.s32 $0x8F2B, s0  }
0xd4: {  	[sflag:s0] =	ssyncadd.remote.s32 $0x1  }
0xd5: {  	_ =	sfence.sel $0xFFFF  }
0xd6: {  	[dreg:$0x0] =	wrdreg $0xFFFFFFFF;
	(pc) =	sbr.abs _section_cstart, $3  }
0xd7: {  	[dreg:$0x1] =	wrdreg $0xFFFFFFFF  }
0xd8: {  	_ =	task.clear_ibuf [dreg:s22], $0x2FFFF;
	_ =	strace $0x9FFFFFFF  }
0xd9: {  	(tm) =	ssettm $0x7FFFFFFF  }
tec
execute0_lowered:
.L_overlay_start_1:
0x0: {  	(tag) =	ssettag $0x1  }
0x1: {  	s1 =	rddreg [dreg:$0x0]  }
0x2: {  	s2 =	rddreg [dreg:$0x1]  }
0x3: {  	s3 =	rddreg [dreg:$0x2];
	_ =	strace $0x80000056;
	s0 =	simm.s32 $0x1  }
0x4: {  	v0 =	vimm.s32 $0x0;
	[sflag:s0] =	ssyncpa.u1 $0x0;
	s0 =	simm.s32 $0x108  }
0x5: {  	[tilespmem:s0+$0x70] =	vst v0  }
0x6: {  	[tilespmem:s0+$0x60] =	vst v0  }
0x7: {  	[tilespmem:s0+$0x50] =	vst v0  }
0x8: {  	[tilespmem:s0+$0x40] =	vst v0  }
0x9: {  	[tilespmem:s0+$0x30] =	vst v0  }
0xa: {  	s15 =	sadd.s32 $0x2F400, s2;
	s6 =	sadd.s32 $0x1DDE800, s2;
	[tilespmem:s0+$0x20] =	vst v0  }
0xb: {  	s14 =	sadd.s32 $0x39200, s2;
	s5 =	sand.u32 $0x1, s3;
	s3 =	simm.s32 $0x40;
	[tilespmem:s0+$0x10] =	vst v0  }
.LBB2_1:
0xc: {  	s3 =	sadd.s32 $0x40, s3;
	[tilespmem:s0+$0x0] =	vst v0;
	s0 =	sadd.s32 $0x80, s0  }
0xd: {  	p0 =	slt.u32 s3, $0x3C40;
	[tilespmem:s0+$0x70] =	vst v0  }
0xe: {  	[tilespmem:s0+$0x60] =	vst v0  }
.Ltmp0:
0xf: {  	[tilespmem:s0+$0x50] =	vst v0;
	(pc) =	sbr.rel @p0 .LBB2_1-.Ltmp0, $4  }
0x10: {  	[tilespmem:s0+$0x40] =	vst v0  }
0x11: {  	[tilespmem:s0+$0x30] =	vst v0  }
0x12: {  	[tilespmem:s0+$0x20] =	vst v0  }
0x13: {  	[tilespmem:s0+$0x10] =	vst v0  }
0x14: {  	s9 =	stileid.u32  }
0x15: {  	s2 =	smul.u32 $0x29, s9  }
0x16: {  	s3 =	smin.u32 s9, $0xB  }
0x17: {  	s2 =	sadd.s32 s3, s2  }
0x18: {  	p0 =	slt.u32 s9, $0xB;
	s7 =	smul.u32 $0xF0, s2;
	s2 =	simm.s32 $0x2760  }
0x19: {  	s2 =	simm.s32 @!p0 $0x2670  }
0x1a: {  	s2 =	sadd.s32 s2, s7  }
0x1b: {  	s8 =	smin.u32 s2, $0x27100  }
0x1c: {  	s2 =	ssub.s32 s8, s7  }
0x1d: {  	p0 =	sgt.s32 s2, $0x0  }
0x1e: {  	s29 =	simm.s32 $0x2;
	s10 =	simm.s32 $0x9;
	s2 =	simm.s32 @!p0 $0x0  }
0x1f: {  	s4 =	simm.s32 $0xA;
	s11 =	simm.s32 $0xB;
	s28 =	smulhi.u32 $0x88888889, s2  }
0x20: {  	[dreg:$0x5] =	wrdreg s5;
	s31 =	smul.u32 $0x4E20, s5;
	s12 =	simm.s32 $0x1  }
0x21: {  	s22 =	simm.s32 $0x0;
	s18 =	simm.s32 $0xC;
	s30 =	sshrl.u32 s28, $0x7  }
0x22: {  	s20 =	simm.s32 $0x0;
	s21 =	simm.s32 $0x0;
	s3 =	smul.u32 $0xF0, s30  }
.Ltmp1:
0x23: {  	[tilespmem:s0+$0x0] =	vst v0;
	v0 =	vimm.s32 $0xFFFFFFFF;
	[sflag:s29] =	ssyncpa.u1 $0x0;
	s16 =	sshll.u32 s9, $0x8;
	(pc) =	sbr.rel .LBB2_3-.Ltmp1, $4  }
0x24: {  	[tilespmem:$0xF208] =	vst v0;
	[sflag:s10] =	ssyncpa.u1 $0x0;
	p0 =	sne.s32 s2, s3;
	s2 =	simm.s32 $0x1  }
0x25: {  	s14 =	sadd.s32 s31, s14;
	[sflag:s4] =	ssyncpa.u1 $0x0;
	s2 =	simm.s32 @!p0 $0x0  }
0x26: {  	s15 =	sadd.s32 s31, s15;
	[sflag:s11] =	ssyncpa.u1 $0x0;
	s13 =	sadd.s32 s2, s30  }
0x27: {  	v0 =	vlaneseq.u32;
	s19 =	smov.u32 s7;
	p0 =	por $0x0, $0x0;
	s17 =	sadd.s32 $0x1, s13  }
.LBB2_18:
0x28: {  	s0 =	sshrl.u32 s31, $0x2  }
.LBB2_20:
0x29: {  	_ =	swait.ge [sflag:s18], s0  }
0x2a: {  	s31 =	ssub.s32 $0x0, s0;
	v1 =	vmov s24;
	vm0 =	veq.s32 v0, $0x0;
	[sflag:s18] =	ssyncset.done $0x0  }
0x2b: {  	vm15 =	veq.s32 v0, $0x2;
	v1 =	vsel vm0, s30, v1;
	[sflag:s18] =	ssyncadd.s32 s31  }
0x2c: {  	v1 =	vsel vm15, s22, v1;
	[sflag:s18] =	ssyncpa.u1 $0x1  }
0x2d: {  	[tilespmem:$0xF208] =	vst v1  }
.LBB2_21:
0x2e: {  	s0 =	sadd.s32 $0xF0, s19  }
0x2f: {  	s2 =	smov.u32 s7;
	p1 =	slt.s32 s0, s8  }
0x30: {  	s2 =	smov.u32 @p1 s0;
	p1 =	sne.s32 s21, s17  }
.Ltmp2:
0x31: {  	_ = 	snop;
	(pc) =	sbr.rel @!p1 .LBB2_22-.Ltmp2, $3  }
0x32: {  	_ =	sdelay $0x1  }
0x33: {  	s22 =	smov.u32 s20;
	s31 =	sadd.s32 $0x1, s21;
	s20 =	smov.u32 s19  }
0x34: {  	p0 =	por !p0, !p0;
	s21 =	smov.u32 s31;
	s19 =	smov.u32 s2  }
.LBB2_3:
0x35: {  	p1 =	sge.u32 s21, s13  }
0x36: {  	s0 =	smulhi.u32 @!p1 $0xAAAAAAAB, s21  }
0x37: {  	s2 =	smov.u32 s19;
	p2 =	sgt.s32 @!p1 s19, $0x27010  }
0x38: {  	s3 =	sshra.s32 @!p1 s19, $0x1F;
	p2 =	por !p2, p1;
	s0 =	sshrl.u32 @!p1 s0, $0x1  }
0x39: {  	s3 =	sand.u32 @!p1 s3, s19;
	s2 =	simm.s32 @p2 $0x27010;
	s0 =	smul.u32 @!p1 $0x3, s0  }
0x3a: {  	s2 =	ssub.s32 @!p1 s2, s3  }
0x3b: {  	s2 =	sadd.s32 @!p1 $0xFFFD8FF0, s2;
	s0 =	ssub.s32 @!p1 s21, s0  }
0x3c: {  	s3 =	sshll.u32 @!p1 s2, $0x2;
	p2 =	sgt.s32 @!p1 s2, $0xEF;
	s0 =	smul.u32 @!p1 $0x3C0, s0  }
0x3d: {  	s4 =	sand.u32 @!p1 $0x7, s19;
	s2 =	ssub.s32 @!p1 $0x3C0, s3;
	p2 =	por !p2, p1  }
0x3e: {  	s3 =	sshrl.u32 @!p1 s19, $0x3;
	s2 =	sshrl.u32 @!p1 s2, $0x2;
	s0 =	sshrl.u32 @!p1 s0, $0x2  }
0x3f: {  	s3 =	sadd.s32 @!p1 s3, s14;
	s2 =	simm.s32 @!p2 $0x0;
	s0 =	sadd.s32 @!p1 $0x10248, s0  }
0x40: {  	[tilespmem:s0], [sflag:$0xA] =	stream.linear.gather @!p1 [hbm4b:s3+s4], s2, $0x38;
	[tilespmem:$0x1F6F8] =	vst v63  }
0x41: {  	s0 =	sadd.s32 $0xFFFFFFFF, s21  }
0x42: {  	p1 =	sge.u32 s0, s13  }
0x43: {  	p2 =	sgt.s32 @!p1 s20, $0x27010  }
0x44: {  	s2 =	smov.u32 s20;
	s3 =	sshra.s32 @!p1 s20, $0x1F;
	p2 =	por !p2, p1  }
0x45: {  	s3 =	sand.u32 @!p1 s3, s20;
	s2 =	simm.s32 @p2 $0x27010  }
0x46: {  	s2 =	ssub.s32 @!p1 s2, s3  }
0x47: {  	s2 =	sadd.s32 @!p1 $0xFFFD8FF0, s2  }
0x48: {  	s4 =	sand.u32 @!p1 $0x1, s0;
	s3 =	sshll.u32 @!p1 s2, $0x2  }
0x49: {  	p2 =	sgt.s32 @!p1 s2, $0xEF;
	s2 =	ssub.s32 @!p1 $0x3C0, s3;
	s3 =	smulhi.u32 @!p1 $0xAAAAAAAB, s0  }
0x4a: {  	s23 =	smul.u32 @!p1 $0x3C0, s4;
	p2 =	por !p2, p1;
	s2 =	sshrl.u32 @!p1 s2, $0x2  }
0x4b: {  	s5 =	simm.s32 @!p1 $0xA;
	s2 =	simm.s32 @!p2 $0x0;
	s3 =	sshrl.u32 @!p1 s3, $0x1  }
0x4c: {  	s23 =	sshrl.u32 @!p1 s23, $0x2;
	_ =	swait.ge @!p1 [sflag:s5], s2;
	s3 =	smul.u32 @!p1 $0x3, s3  }
0x4d: {  	s23 =	sadd.s32 @!p1 $0x10518, s23;
	s24 =	ssub.s32 @!p1 $0x0, s2;
	[sflag:s5] =	ssyncset.done @!p1 $0x0  }
0x4e: {  	[sflag:s5] =	ssyncadd.s32 @!p1 s24;
	s5 =	sshrl.u32 @!p1 s20, $0x3;
	s0 =	ssub.s32 @!p1 s0, s3  }
0x4f: {  	s24 =	sand.u32 @!p1 $0x7, s20;
	s5 =	sadd.s32 @!p1 s5, s15;
	s0 =	smul.u32 @!p1 $0x3C0, s0  }
0x50: {  	[tilespmem:s23], [sflag:$0xB] =	stream.linear.gather @!p1 [hbm4b:s5+s24], s2, $0x38;
	[tilespmem:$0x1F6F8] =	vst v63  }
0x51: {  	s3 =	ssub.s32 @!p1 $0x27100, s20;
	s2 =	smul.u32 @!p1 $0x1E000, s4  }
0x52: {  	p2 =	slt.s32 @!p1 s3, $0xF0  }
0x53: {  	p2 =	por !p2, p1;
	s0 =	sshrl.u32 @!p1 s0, $0x2;
	s2 =	sshrl.u32 @!p1 s2, $0x2  }
0x54: {  	s3 =	simm.s32 @p2 $0xF0;
	s0 =	sadd.s32 @!p1 $0x10248, s0;
	s2 =	sor.u32 @!p1 $0x106F8, s2  }
0x55: {  	[tilespmem:s2], [sflag:$0x9] =	stream.indirect.gather @!p1 [hbm4b:s6+s3], $0x80, s0, s3, $0xb8;
	[tilespmem:$0x1F6F8] =	vst v63  }
0x56: {  	p1 =	slt.u32 s21, $0x2  }
.Ltmp3:
0x57: {  	_ = 	snop;
	(pc) =	sbr.rel @p1 .LBB2_21-.Ltmp3, $1  }
0x58: {  	_ =	sdelay $0x3  }
0x59: {  	p1 =	sgt.s32 s22, $0x27010  }
0x5a: {  	s0 =	smov.u32 s22;
	s2 =	sshra.s32 s22, $0x1F;
	s3 =	ssub.s32 $0x27100, s22  }
0x5b: {  	s0 =	simm.s32 @!p1 $0x27010;
	s2 =	sand.u32 s2, s22;
	p1 =	slt.s32 s3, $0xF0  }
0x5c: {  	s0 =	ssub.s32 s0, s2;
	s3 =	simm.s32 @!p1 $0xF0  }
0x5d: {  	s0 =	sadd.s32 $0xFFFD8FF0, s0;
	s25 =	sshll.u32 s3, $0x7  }
0x5e: {  	s26 =	sshll.u32 s0, $0x2;
	s2 =	sand.u32 $0x3FFFFF80, s25  }
0x5f: {  	p1 =	sgt.s32 s0, $0xEF;
	s29 =	ssub.s32 $0x3C0, s26;
	_ =	swait.ge [sflag:s10], s2  }
0x60: {  	s2 =	ssub.s32 $0x0, s2;
	[sflag:s10] =	ssyncset.done $0x0;
	s0 =	sshrl.u32 s29, $0x2  }
0x61: {  	[sflag:s10] =	ssyncadd.s32 s2;
	s0 =	simm.s32 @p1 $0x0  }
0x62: {  	_ =	swait.ge [sflag:s11], s0  }
0x63: {  	s0 =	ssub.s32 $0x0, s0;
	[sflag:s11] =	ssyncset.done $0x0  }
0x64: {  	[sflag:s11] =	ssyncadd.s32 s0  }
0x65: {  	v1 =	vld [tilespmem:$0xF208];
	_ =	sdelay $0x4  }
0x66: {  	(v2sf) =	vpush v1, $0x0  }
0x67: {  	(v2sf) =	vpush v1, $0x1  }
0x68: {  	(v2sf) =	vpush v1, $0x2;
	_ =	sdelay $0x3  }
0x69: {  	s0 =	sadd.s32 $0xF0, s22  }
0x6a: {  	s2 =	ssub.s32 $0x4E200, s22;
	p1 =	slt.s32 s8, s0  }
0x6b: {  	s0 =	smov.u32 @p1 s8;
	p1 =	sgt.s32 s2, $0x0  }
0x6c: {  	s26 =	ssub.s32 s0, s22;
	s2 =	simm.s32 @!p1 $0x0  }
0x6d: {  	p1 =	slt.s32 s2, s26  }
0x6e: {  	s26 =	smov.u32 @p1 s2  }
0x6f: {  	s25 =	simm.s32 $0x1;
	p1 =	slt.s32 s26, $0x1  }
.Ltmp4:
0x70: {  	s25 =	simm.s32 @!p0 $0x0;
	(pc) =	sbr.rel @p1 .LBB2_8-.Ltmp4, $4  }
0x71: {  	s31 =	smul.u32 $0x3C0, s25  }
0x72: {  	s28 =	spop (v2sf)  }
0x73: {  	s0 =	sshrl.u32 s31, $0x2;
	s30 =	spop (v2sf)  }
0x74: {  	s23 =	sadd.s32 $0x10518, s0;
	s22 =	spop (v2sf)  }
0x75: {  	s0 =	smin.u32 s26, $0x10  }
0x76: {  	v1 =	vmov s0  }
0x77: {  	p2 =	sgt.s32 s26, $0x10;
	vm1 =	vgt.u32 v1, v0  }
.Ltmp5:
0x78: {  	_ = 	snop;
	(pc) =	sbr.rel @!p2 .LBB2_7-.Ltmp5, $2  }
0x79: {  	_ =	sdelay $0x2  }
0x7a: {  	s4 =	simm.s32 $0x10;
	s24 =	sadd.s32 $0xFFFFFFF0, s26;
	s0 =	smov.u32 s23;
	vm0 =	vmmov vm1  }
.LBB2_6:
0x7b: {  	s2 =	smin.u32 s24, $0x10;
	s4 =	sadd.s32 $0x10, s4;
	v1 =	vld.msk [tilespmem:s0+$0x0 ss:$0x1], vm1  }
0x7c: {  	v2 =	vmov s2;
	p2 =	slt.s32 s4, s26  }
0x7d: {  	vm1 =	vgt.u32 v2, v0  }
.Ltmp6:
0x7e: {  	(pc) =	sbr.rel @p2 .LBB2_6-.Ltmp6, $3  }
0x7f: {  	_ =	sdelay $0x1  }
0x80: {  	v1 =	vshll.u32 v1, $0x4  }
0x81: {  	s24 =	sadd.s32 $0xFFFFFFF0, s24;
	[tilespmem:s0+$0x0] =	vst.msk vm0, v1;
	s0 =	sadd.s32 $0x10, s0;
	vm0 =	vmmov vm1  }
.LBB2_7:
0x82: {  	_ =	sdelay $0x4  }
0x83: {  	v1 =	vld.msk [tilespmem:s0+$0x0 ss:$0x1], vm1;
	_ =	sdelay $0x4  }
0x84: {  	v1 =	vshll.u32 v1, $0x4  }
0x85: {  	[tilespmem:s0+$0x0] =	vst.msk vm0, v1  }
.LBB2_8:
0x86: {  	s0 =	sand.u32 $0x1, s21  }
0x87: {  	s2 =	smul.u32 $0x7800, s0  }
0x88: {  	p2 =	sne.s32 s30, $0xFFFFFFFF  }
0x89: {  	v1 =	vld @!p2 [tilespmem:s2+$0x106F8];
	_ =	sdelay $0x2  }
0x8a: {  	s0 =	smul.u32 $0xF0, s0;
	_ =	sdelay $0x1  }
0x8b: {  	v2 =	vld.msk @!p2 [tilespmem:s0+$0x10518], $0x1;
	[tilespmem:$0x108] =	vst @!p2 v1  }
0x8c: {  	v1 =	vld @!p2 [tilespmem:s2+$0x10708];
	_ =	sdelay $0x4  }
0x8d: {  	[tilespmem:$0x118] =	vst @!p2 v1  }
0x8e: {  	v1 =	vld @!p2 [tilespmem:s2+$0x10718];
	_ =	sdelay $0x4  }
0x8f: {  	[tilespmem:$0x128] =	vst @!p2 v1  }
0x90: {  	v1 =	vld @!p2 [tilespmem:s2+$0x10728];
	_ =	sdelay $0x4  }
0x91: {  	[tilespmem:$0x138] =	vst @!p2 v1  }
0x92: {  	v1 =	vld @!p2 [tilespmem:s2+$0x10738];
	_ =	sdelay $0x4  }
0x93: {  	[tilespmem:$0x148] =	vst @!p2 v1  }
0x94: {  	(v2sf) =	vpush @!p2 v2, $0x0;
	v1 =	vld @!p2 [tilespmem:s2+$0x10748];
	_ =	sdelay $0x4  }
0x95: {  	[tilespmem:$0x158] =	vst @!p2 v1  }
0x96: {  	v1 =	vld @!p2 [tilespmem:s2+$0x10758];
	_ =	sdelay $0x4  }
0x97: {  	[tilespmem:$0x168] =	vst @!p2 v1  }
0x98: {  	v1 =	vld @!p2 [tilespmem:s2+$0x10768]  }
.Ltmp7:
0x99: {  	_ = 	snop;
	(pc) =	sbr.rel @p1 .LBB2_19-.Ltmp7, $4  }
0x9a: {  	_ = 	snop  }
0x9b: {  	s29 =	spop @!p2 (v2sf)  }
0x9c: {  	s22 =	simm.s32 @!p2 $0x0;
	s24 =	smov.u32 s29  }
0x9d: {  	s29 =	smov.u32 @p2 s28;
	s24 =	smov.u32 @p2 s30;
	[tilespmem:$0x178] =	vst @!p2 v1;
	[sflag:s18] =	ssyncpa.u1 $0x0  }
0x9e: {  	v1 =	vld.msk [tilespmem:s23+$0x0], $0x1;
	_ =	sdelay $0x4  }
0x9f: {  	(v2sf) =	vpush v1, $0x0;
	_ =	sdelay $0xe  }
0xa0: {  	s2 =	smul.u32 $0x1E000, s25;
	s0 =	spop (v2sf)  }
0xa1: {  	s26 =	ssub.s32 $0x0, s26;
	p1 =	seq.s32 s29, s0  }
0xa2: {  	s30 =	sadd.s32 $0x1, s26;
	s2 =	sshrl.u32 s2, $0x2;
	p2 =	sgt.s32 @!p1 s29, $0x0  }
0xa3: {  	s25 =	sor.u32 $0x10738, s2;
	s2 =	smov.u32 s29;
	p2 =	por !p2, p1  }
0xa4: {  	s2 =	simm.s32 @p2 $0x0;
	p2 =	seq.s32 s30, $0x0  }
.Ltmp8:
0xa5: {  	_ = 	snop;
	(pc) =	sbr.rel @p2 .LBB2_11-.Ltmp8, $4  }
0xa6: {  	_ = 	snop  }
0xa7: {  	s28 =	simm.s32 $0x0;
	s31 =	sadd.s32 $0x1, s23;
	s2 =	smin.u32 @!p1 s2, $0x270F0  }
0xa8: {  	s4 =	simm.s32 @!p1 $0x1;
	s5 =	simm.s32 @!p1 $0x7988;
	s3 =	sand.u32 @!p1 $0x3FFF8, s2  }
0xa9: {  	s4 =	smov.u32 @p1 s28;
	s2 =	sand.u32 @!p1 $0x7, s2;
	s3 =	sadd.s32 @!p1 s1, s3  }
.LBB2_10:
0xaa: {  	s9 =	smov.u32 s4  }
0xab: {  	[tilespmem:s5], [sflag:$0x2] =	stream.linear.gather @!p1 [hbm4b:s3+s2], $0x80, $0x38;
	[tilespmem:$0x1F6F8] =	vst v63  }
0xac: {  	s30 =	sadd.s32 $0x1, s30;
	s2 =	smov.u32 s0;
	v1 =	vld.msk [tilespmem:s31+$0x0], $0x1  }
0xad: {  	p2 =	seq.s32 s30, $0x0;
	_ =	sdelay $0x3  }
0xae: {  	(v2sf) =	vpush v1, $0x0;
	_ =	sdelay $0xe  }
0xaf: {  	s0 =	spop (v2sf)  }
0xb0: {  	p1 =	seq.s32 s2, s0  }
0xb1: {  	p3 =	sgt.s32 @!p1 s2, $0x0;
	s3 =	sshll.u32 @!p1 s4, $0x9;
	s4 =	sadd.s32 @!p1 $0x1, s4  }
.Ltmp9:
0xb2: {  	p3 =	por !p3, p1;
	s3 =	sshra.s32 @!p1 s3, $0x2;
	(pc) =	sbr.rel @!p2 .LBB2_10-.Ltmp9, $4  }
0xb3: {  	s4 =	smov.u32 @p1 s9;
	s2 =	simm.s32 @p3 $0x0;
	s5 =	sadd.s32 @!p1 $0x7988, s3  }
0xb4: {  	s2 =	smin.u32 @!p1 s2, $0x270F0  }
0xb5: {  	s3 =	sand.u32 @!p1 $0x3FFF8, s2;
	s2 =	sand.u32 @!p1 $0x7, s2  }
0xb6: {  	s31 =	sadd.s32 $0x1, s31;
	s3 =	sadd.s32 @!p1 s1, s3  }
.LBB2_11:
0xb7: {  	[tilespmem:s5], [sflag:$0x2] =	stream.linear.gather @!p1 [hbm4b:s3+s2], $0x80, $0x38;
	[tilespmem:$0x1F6F8] =	vst v63  }
.Ltmp10:
0xb8: {  	s0 =	sshll.u32 s4, $0x7;
	(pc) =	sbr.rel .LBB2_12-.Ltmp10, $4  }
0xb9: {  	s30 =	simm.s32 $0x2;
	s0 =	sand.u32 $0x3FFFFF80, s0  }
0xba: {  	_ =	swait.ge [sflag:s30], s0  }
0xbb: {  	s0 =	ssub.s32 $0x0, s0;
	[sflag:s30] =	ssyncset.done $0x0  }
0xbc: {  	s31 =	simm.s32 $0x0;
	[sflag:s30] =	ssyncadd.s32 s0  }
.LBB2_13:
0xbd: {  	s0 =	sshra.s32 s0, $0x2;
	v1 =	vld [tilespmem:s25+$0xFFFFFFC0]  }
0xbe: {  	v2 =	vld [tilespmem:s0+$0x108];
	_ =	sdelay $0x4  }
0xbf: {  	v1 =	vmax.f32 v1, v2  }
0xc0: {  	v2 =	vld [tilespmem:s0+$0x118];
	[tilespmem:s0+$0x108] =	vst v1  }
0xc1: {  	v1 =	vld [tilespmem:s25+$0xFFFFFFD0];
	_ =	sdelay $0x4  }
0xc2: {  	v1 =	vmax.f32 v1, v2  }
0xc3: {  	v2 =	vld [tilespmem:s0+$0x128];
	[tilespmem:s0+$0x118] =	vst v1  }
0xc4: {  	v1 =	vld [tilespmem:s25+$0xFFFFFFE0];
	_ =	sdelay $0x4  }
0xc5: {  	v1 =	vmax.f32 v1, v2  }
0xc6: {  	v2 =	vld [tilespmem:s0+$0x138];
	[tilespmem:s0+$0x128] =	vst v1  }
0xc7: {  	v1 =	vld [tilespmem:s25+$0xFFFFFFF0];
	_ =	sdelay $0x4  }
0xc8: {  	v1 =	vmax.f32 v1, v2  }
0xc9: {  	v2 =	vld [tilespmem:s0+$0x148];
	[tilespmem:s0+$0x138] =	vst v1  }
0xca: {  	v1 =	vld [tilespmem:s25+$0x0];
	_ =	sdelay $0x4  }
0xcb: {  	v1 =	vmax.f32 v1, v2  }
0xcc: {  	v2 =	vld [tilespmem:s0+$0x158];
	[tilespmem:s0+$0x148] =	vst v1  }
0xcd: {  	v1 =	vld [tilespmem:s25+$0x10];
	_ =	sdelay $0x4  }
0xce: {  	v1 =	vmax.f32 v1, v2  }
0xcf: {  	v2 =	vld [tilespmem:s0+$0x168];
	[tilespmem:s0+$0x158] =	vst v1  }
0xd0: {  	v1 =	vld [tilespmem:s25+$0x20];
	_ =	sdelay $0x4  }
0xd1: {  	v1 =	vmax.f32 v1, v2  }
0xd2: {  	v2 =	vld [tilespmem:s0+$0x178];
	[tilespmem:s0+$0x168] =	vst v1  }
0xd3: {  	v1 =	vld [tilespmem:s25+$0x30];
	_ =	sdelay $0x4  }
0xd4: {  	v1 =	vmax.f32 v1, v2  }
0xd5: {  	[tilespmem:s0+$0x178] =	vst v1  }
.LBB2_17:
0xd6: {  	s26 =	sadd.s32 $0x1, s26  }
0xd7: {  	p1 =	seq.s32 s26, $0x0  }
.Ltmp11:
0xd8: {  	_ = 	snop;
	(pc) =	sbr.rel @p1 .LBB2_18-.Ltmp11, $2  }
0xd9: {  	_ =	sdelay $0x2  }
0xda: {  	s23 =	sadd.s32 $0x1, s23;
	s25 =	sadd.s32 $0x80, s25;
	s29 =	smov.u32 s30  }
.LBB2_12:
0xdb: {  	v1 =	vld.msk [tilespmem:s23+$0x0], $0x1;
	_ =	sdelay $0x4  }
0xdc: {  	(v2sf) =	vpush v1, $0x0;
	_ =	sdelay $0xe  }
0xdd: {  	s30 =	spop (v2sf)  }
0xde: {  	p1 =	sne.s32 s29, s30  }
.Ltmp12:
0xdf: {  	_ = 	snop;
	(pc) =	sbr.rel @!p1 .LBB2_13-.Ltmp12, $2  }
0xe0: {  	_ =	sdelay $0x2  }
0xe1: {  	s0 =	sshll.u32 s22, $0x9  }
0xe2: {  	p1 =	seq.s32 s29, s24  }
.Ltmp13:
0xe3: {  	_ = 	snop;
	(pc) =	sbr.rel @!p1 .LBB2_15-.Ltmp13, $1  }
0xe4: {  	_ =	sdelay $0x3  }
0xe5: {  	s0 =	sshra.s32 s0, $0x2  }
.Ltmp14:
0xe6: {  	s0 =	sadd.s32 $0x108, s0;
	(pc) =	sbr.rel .LBB2_16-.Ltmp14, $4  }
0xe7: {  	[spmem:s16] =	stream.linear.scatter [tilespmem:s0], [sflag:$0x1], $0x80, $0x38;
	[tilespmem:$0x1F6F8] =	vst v63  }
0xe8: {  	_ =	swait.ge [sflag:s12], $0x80  }
0xe9: {  	[sflag:s12] =	ssyncset.done $0x0  }
0xea: {  	[sflag:s12] =	ssyncadd.s32 $0xFFFFFF80  }
.LBB2_15:
0xeb: {  	s2 =	sshll.u32 s28, $0x9;
	s0 =	sshra.s32 s0, $0x2  }
0xec: {  	s2 =	sshra.s32 s2, $0x2;
	v2 =	vld [tilespmem:s0+$0x108]  }
0xed: {  	v1 =	vld [tilespmem:s2+$0x7988];
	_ =	sdelay $0x4  }
0xee: {  	v1 =	vmax.f32 v1, v2  }
0xef: {  	v2 =	vld [tilespmem:s0+$0x118];
	[tilespmem:s0+$0x108] =	vst v1  }
0xf0: {  	v1 =	vld [tilespmem:s2+$0x7998];
	_ =	sdelay $0x4  }
0xf1: {  	v1 =	vmax.f32 v1, v2  }
0xf2: {  	v2 =	vld [tilespmem:s0+$0x128];
	[tilespmem:s0+$0x118] =	vst v1  }
0xf3: {  	v1 =	vld [tilespmem:s2+$0x79A8];
	_ =	sdelay $0x4  }
0xf4: {  	v1 =	vmax.f32 v1, v2  }
0xf5: {  	v2 =	vld [tilespmem:s0+$0x138];
	[tilespmem:s0+$0x128] =	vst v1  }
0xf6: {  	v1 =	vld [tilespmem:s2+$0x79B8];
	_ =	sdelay $0x4  }
0xf7: {  	v1 =	vmax.f32 v1, v2  }
0xf8: {  	v2 =	vld [tilespmem:s0+$0x148];
	[tilespmem:s0+$0x138] =	vst v1  }
0xf9: {  	v1 =	vld [tilespmem:s2+$0x79C8];
	_ =	sdelay $0x4  }
0xfa: {  	v1 =	vmax.f32 v1, v2  }
0xfb: {  	v2 =	vld [tilespmem:s0+$0x158];
	[tilespmem:s0+$0x148] =	vst v1  }
0xfc: {  	v1 =	vld [tilespmem:s2+$0x79D8];
	_ =	sdelay $0x4  }
0xfd: {  	v1 =	vmax.f32 v1, v2  }
0xfe: {  	v2 =	vld [tilespmem:s0+$0x168];
	[tilespmem:s0+$0x158] =	vst v1  }
0xff: {  	v1 =	vld [tilespmem:s2+$0x79E8];
	_ =	sdelay $0x4  }
0x100: {  	v1 =	vmax.f32 v1, v2  }
0x101: {  	v2 =	vld [tilespmem:s0+$0x178];
	[tilespmem:s0+$0x168] =	vst v1  }
0x102: {  	v1 =	vld [tilespmem:s2+$0x79F8];
	_ =	sdelay $0x3  }
0x103: {  	p1 =	sgt.u32 s29, $0x270F0  }
0x104: {  	s2 =	sand.u32 @!p1 $0x3FFF8, s29;
	v1 =	vmax.f32 v1, v2  }
0x105: {  	s3 =	sadd.s32 $0x108, s0;
	[tilespmem:s0+$0x178] =	vst v1;
	s0 =	sadd.s32 @!p1 s1, s2;
	s2 =	sand.u32 @!p1 $0x7, s29  }
0x106: {  	[hbm4b:s0+s2] =	stream.linear.scatter @!p1 [tilespmem:s3], [sflag:$0xC], $0x80, $0x38;
	[tilespmem:$0x1F6F8] =	vst v63  }
0x107: {  	s0 =	simm.s32 $0x0  }
0x108: {  	s0 =	simm.s32 @!p1 $0x200  }
0x109: {  	s31 =	sadd.s32 s0, s31  }
.LBB2_16:
0x10a: {  	s0 =	sadd.s32 $0x1, s22  }
0x10b: {  	s2 =	smulhi.u32 $0x88888889, s0;
	_ =	sdelay $0x1  }
0x10c: {  	v1 =	vld [tilespmem:s25+$0xFFFFFFC0];
	s2 =	sshrl.u32 s2, $0x7  }
0x10d: {  	s2 =	smul.u32 $0xF0, s2;
	_ =	sdelay $0x1  }
0x10e: {  	s22 =	ssub.s32 s0, s2  }
0x10f: {  	s0 =	sshll.u32 s22, $0x7  }
0x110: {  	[tilespmem:s0+$0x108] =	vst v1  }
0x111: {  	v1 =	vld [tilespmem:s25+$0xFFFFFFD0];
	_ =	sdelay $0x4  }
0x112: {  	[tilespmem:s0+$0x118] =	vst v1  }
0x113: {  	v1 =	vld [tilespmem:s25+$0xFFFFFFE0];
	_ =	sdelay $0x4  }
0x114: {  	[tilespmem:s0+$0x128] =	vst v1  }
0x115: {  	v1 =	vld [tilespmem:s25+$0xFFFFFFF0];
	_ =	sdelay $0x4  }
0x116: {  	[tilespmem:s0+$0x138] =	vst v1  }
0x117: {  	v1 =	vld [tilespmem:s25+$0x0];
	_ =	sdelay $0x4  }
0x118: {  	[tilespmem:s0+$0x148] =	vst v1  }
0x119: {  	v1 =	vld [tilespmem:s25+$0x10];
	_ =	sdelay $0x4  }
0x11a: {  	[tilespmem:s0+$0x158] =	vst v1  }
0x11b: {  	v1 =	vld [tilespmem:s25+$0x20];
	_ =	sdelay $0x4  }
0x11c: {  	[tilespmem:s0+$0x168] =	vst v1  }
0x11d: {  	v1 =	vld [tilespmem:s25+$0x30]  }
.Ltmp15:
0x11e: {  	_ = 	snop;
	(pc) =	sbr.rel .LBB2_17-.Ltmp15, $2  }
0x11f: {  	_ =	sdelay $0x2  }
0x120: {  	s28 =	sadd.s32 $0x1, s28;
	[tilespmem:s0+$0x178] =	vst v1  }
.LBB2_19:
.Ltmp16:
0x121: {  	(pc) =	sbr.rel .LBB2_20-.Ltmp16, $4  }
0x122: {  	_ = 	snop  }
0x123: {  	s0 =	simm.s32 $0x2  }
0x124: {  	_ =	swait.ge [sflag:s0], $0x0  }
0x125: {  	s30 =	smov.u32 s29;
	[sflag:s0] =	ssyncset.done $0x0;
	s0 =	simm.s32 $0x0  }
.LBB2_22:
0x126: {  	_ =	sfence.sel $0x180000  }
0x127: {  	s0 =	simm.s32 $0x9;
	[bflag:$0x0] =	sbarrier.arrive $0xFFFF  }
0x128: {  	s24 =	simm.s32 $0xA;
	[sflag:s0] =	ssyncpa.u1 $0x1  }
0x129: {  	s25 =	simm.s32 $0xB;
	[sflag:s24] =	ssyncpa.u1 $0x1  }
0x12a: {  	s26 =	simm.s32 $0x2;
	[sflag:s25] =	ssyncpa.u1 $0x1  }
0x12b: {  	[sflag:s26] =	ssyncpa.u1 $0x1  }
0x12c: {  	v0 =	vld [tilespmem:$0xF208];
	_ =	sdelay $0x4  }
0x12d: {  	(v2sf) =	vpush v0, $0x0  }
0x12e: {  	(v2sf) =	vpush v0, $0x1;
	_ =	sdelay $0x1  }
0x12f: {  	(v2sf) =	vpush v0, $0x2;
	_ =	sdelay $0xb  }
0x130: {  	s0 =	spop (v2sf)  }
0x131: {  	s2 =	spop (v2sf)  }
0x132: {  	s3 =	smov.u32 s0;
	p0 =	sne.s32 s0, s2  }
0x133: {  	s4 =	spop (v2sf);
	s3 =	simm.s32 @!p0 $0xFFFFFFFF  }
0x134: {  	v2 =	vimm.s32 $0x1;
	v3 =	vlaneseq.u32;
	p0 =	seq.s32 s4, $0xFFFFFFFF;
	v1 =	vmov s3  }
0x135: {  	s16 =	stileid.u32;
	v0 =	vperm.xlane v0, v2;
	p1 =	sne.s32 @!p0 s0, s2;
	v1 =	vperm.xlane v1, v3  }
0x136: {  	vm0 =	vcmask $0x3F04;
	s6 =	simm.s32 $0xF208;
	s0 =	simm.s32 @!p0 $0x1;
	p1 =	por !p1, p0  }
0x137: {  	s3 =	sshll.u32 s16, $0x1;
	s2 =	sshll.u32 @!p0 s4, $0x9;
	s0 =	simm.s32 @p1 $0x0;
	v0 =	vsel vm0, v1, v0  }
0x138: {  	s5 =	sor.u32 $0x1000, s3;
	s2 =	sshra.s32 @!p0 s2, $0x2;
	s0 =	sor.u32 @!p0 s0, s3;
	[tilespmem:$0xF208] =	vst v0  }
0x139: {  	[spmem:s5] =	stream.linear.scatter [tilespmem:s6], [sflag:$0x1], $0x2, $0x38;
	[tilespmem:$0x1F6F8] =	vst v63  }
0x13a: {  	s2 =	sadd.s32 @!p0 $0x108, s2;
	s0 =	sshll.u32 @!p0 s0, $0x7  }
0x13b: {  	[spmem:s0] =	stream.linear.scatter @!p0 [tilespmem:s2], [sflag:$0x1], $0x80, $0x38;
	[tilespmem:$0x1F6F8] =	vst v63  }
0x13c: {  	s0 =	simm.s32 @!p0 $0x82  }
0x13d: {  	s28 =	simm.s32 $0x1;
	s0 =	simm.s32 @p0 $0x2  }
0x13e: {  	_ =	swait.ge [sflag:s28], s0  }
0x13f: {  	s0 =	ssub.s32 $0x0, s0;
	[sflag:s28] =	ssyncset.done $0x0  }
0x140: {  	p0 =	sne.s32 s16, $0x0;
	[sflag:s28] =	ssyncadd.s32 s0  }
.Ltmp17:
0x141: {  	_ =	sfence.stream.spmem;
	(pc) =	sbr.rel @p0 .LBB2_39-.Ltmp17, $4  }
0x142: {  	s29 =	simm.s32 $0x3;
	[bflag:$0x0] =	sbarrier.arrive $0xFFFF  }
0x143: {  	s30 =	simm.s32 $0x4;
	[sflag:s29] =	ssyncpa.u1 $0x1  }
0x144: {  	s31 =	simm.s32 $0x3C;
	[sflag:s30] =	ssyncpa.u1 $0x1  }
0x145: {  	s15 =	rddreg [dreg:$0x5];
	[sflag:s31] =	ssyncpa.u1 $0x1  }
0x146: {  	_ =	sfence.stream.spmem;
	s0 =	simm.s32 $0x5  }
0x147: {  	s2 =	simm.s32 $0x1000;
	s3 =	simm.s32 $0xF218;
	[sflag:s0] =	ssyncpa.u1 $0x0  }
0x148: {  	[tilespmem:s3], [sflag:$0x5] =	stream.linear.gather [spmem:s2], $0x20, $0x38;
	[tilespmem:$0x1F6F8] =	vst v63  }
0x149: {  	s26 =	simm.s32 $0x0;
	s28 =	simm.s32 $0xF238  }
0x14a: {  	[tilespmem:s28], [sflag:$0x5] =	stream.linear.gather [spmem:s26], $0x1000, $0x38;
	[tilespmem:$0x1F6F8] =	vst v63  }
0x14b: {  	_ =	swait.ge [sflag:s0], $0x1020  }
0x14c: {  	[sflag:s0] =	ssyncset.done $0x0  }
0x14d: {  	s29 =	simm.s32 $0x0;
	[sflag:s0] =	ssyncadd.s32 $0xFFFFEFE0  }
0x14e: {  	v0 =	vld.msk [tilespmem:s29+$0xF218], $0x1;
	_ =	sdelay $0x1  }
0x14f: {  	s30 =	simm.s32 $0x1  }
0x150: {  	v1 =	vld.msk [tilespmem:s30+$0xF218], $0x1;
	_ =	sdelay $0x1  }
0x151: {  	(v2sf) =	vpush v0, $0x0;
	_ =	sdelay $0x2  }
0x152: {  	(v2sf) =	vpush v1, $0x0;
	_ =	sdelay $0x2  }
0x153: {  	s31 =	simm.s32 $0x2  }
0x154: {  	v0 =	vld.msk [tilespmem:s31+$0xF218], $0x1;
	_ =	sdelay $0x2  }
0x155: {  	s4 =	simm.s32 $0xFFFFFFFF;
	s5 =	simm.s32 $0xFFFFFFFF;
	s0 =	simm.s32 $0xC  }
.LBB2_24:
0x156: {  	s2 =	smov.u32 s5;
	s3 =	smov.u32 s4  }
0x157: {  	s4 =	sshra.s32 s0, $0x2;
	p1 =	sne.s32 s0, $0x7C;
	s0 =	sadd.s32 $0x4, s0;
	(v2sf) =	vpush v0, $0x0  }
0x158: {  	v0 =	vld.msk [tilespmem:s4+$0xF218], $0x1  }
.Ltmp18:
0x159: {  	(pc) =	sbr.rel @p1 .LBB2_24-.Ltmp18, $4  }
0x15a: {  	s5 =	spop (v2sf)  }
0x15b: {  	p2 =	sne.s32 s3, $0xFFFFFFFF;
	s4 =	smov.u32 s5  }
0x15c: {  	p3 =	seq.s32 s5, $0xFFFFFFFF;
	s4 =	smov.u32 @p2 s3  }
0x15d: {  	s5 =	smov.u32 @p3 s2;
	s4 =	smov.u32 @p3 s3  }
0x15e: {  	(v2sf) =	vpush v0, $0x0;
	_ =	sdelay $0x8  }
0x15f: {  	s0 =	spop (v2sf)  }
0x160: {  	p1 =	sne.s32 s4, $0xFFFFFFFF;
	s2 =	smov.u32 s0  }
0x161: {  	s9 =	simm.s32 $0x6;
	p2 =	seq.s32 s0, $0xFFFFFFFF;
	s2 =	smov.u32 @p1 s4  }
0x162: {  	s6 =	simm.s32 $0x0;
	s2 =	smov.u32 @p2 s4;
	s3 =	spop (v2sf)  }
0x163: {  	s0 =	smov.u32 @p2 s5;
	p1 =	sne.s32 s2, $0xFFFFFFFF;
	s4 =	smov.u32 s3  }
.Ltmp19:
0x164: {  	p2 =	seq.s32 s3, $0xFFFFFFFF;
	s4 =	smov.u32 @p1 s2;
	(pc) =	sbr.rel .LBB2_26-.Ltmp19, $4  }
0x165: {  	s10 =	simm.s32 $0xF188;
	s4 =	smov.u32 @p2 s2;
	s7 =	spop (v2sf)  }
0x166: {  	s11 =	simm.s32 $0x0;
	p1 =	sne.s32 s4, $0xFFFFFFFF;
	s8 =	smov.u32 s7  }
0x167: {  	s3 =	smov.u32 @p2 s0;
	p2 =	seq.s32 s7, $0xFFFFFFFF;
	s8 =	smov.u32 @p1 s4  }
0x168: {  	[sflag:s9] =	ssyncpa.u1 $0x0;
	s7 =	smov.u32 @p2 s3;
	s8 =	smov.u32 @p2 s4  }
.LBB2_32:
0x169: {  	p1 =	sgt.u32 s12, $0x270F0  }
0x16a: {  	p2 =	seq.s32 @!p1 s12, s8  }
0x16b: {  	p1 =	por p1, p2  }
0x16c: {  	p2 =	sne.s32 @!p1 s12, s7  }
0x16d: {  	p1 =	por p1, !p2  }
0x16e: {  	s0 =	sshll.u32 @p1 s11, $0x9  }
0x16f: {  	s0 =	sand.u32 @!p1 $0x3FFF8, s12  }
0x170: {  	s2 =	sand.u32 @!p1 $0x7, s12;
	s0 =	sadd.s32 @!p1 s1, s0  }
0x171: {  	[tilespmem:s10], [sflag:$0x6] =	stream.linear.gather @!p1 [hbm4b:s0+s2], $0x80, $0x38;
	[tilespmem:$0x1F6F8] =	vst v63  }
0x172: {  	_ =	swait.ge @!p1 [sflag:s9], $0x80  }
0x173: {  	[sflag:s9] =	ssyncset.done @!p1 $0x0  }
0x174: {  	s0 =	sshll.u32 @!p1 s11, $0x9;
	[sflag:s9] =	ssyncadd.s32 @!p1 $0xFFFFFF80  }
0x175: {  	s2 =	sshrl.u32 @!p1 s0, $0x2;
	v1 =	vld @!p1 [tilespmem:$0xF188]  }
0x176: {  	v2 =	vld @!p1 [tilespmem:s2+$0xF238];
	_ =	sdelay $0x4  }
0x177: {  	v1 =	vmax.f32 @!p1 v1, v2  }
0x178: {  	v2 =	vld @!p1 [tilespmem:s2+$0xF248];
	[tilespmem:s2+$0xF238] =	vst @!p1 v1  }
0x179: {  	v1 =	vld @!p1 [tilespmem:$0xF198];
	_ =	sdelay $0x4  }
0x17a: {  	v1 =	vmax.f32 @!p1 v1, v2  }
0x17b: {  	v2 =	vld @!p1 [tilespmem:s2+$0xF258];
	[tilespmem:s2+$0xF248] =	vst @!p1 v1  }
0x17c: {  	v1 =	vld @!p1 [tilespmem:$0xF1A8];
	_ =	sdelay $0x4  }
0x17d: {  	v1 =	vmax.f32 @!p1 v1, v2  }
0x17e: {  	v2 =	vld @!p1 [tilespmem:s2+$0xF268];
	[tilespmem:s2+$0xF258] =	vst @!p1 v1  }
0x17f: {  	v1 =	vld @!p1 [tilespmem:$0xF1B8];
	_ =	sdelay $0x4  }
0x180: {  	v1 =	vmax.f32 @!p1 v1, v2  }
0x181: {  	v2 =	vld @!p1 [tilespmem:s2+$0xF278];
	[tilespmem:s2+$0xF268] =	vst @!p1 v1  }
0x182: {  	v1 =	vld @!p1 [tilespmem:$0xF1C8];
	_ =	sdelay $0x4  }
0x183: {  	v1 =	vmax.f32 @!p1 v1, v2  }
0x184: {  	v2 =	vld @!p1 [tilespmem:s2+$0xF288];
	[tilespmem:s2+$0xF278] =	vst @!p1 v1  }
0x185: {  	v1 =	vld @!p1 [tilespmem:$0xF1D8];
	_ =	sdelay $0x4  }
0x186: {  	v1 =	vmax.f32 @!p1 v1, v2  }
0x187: {  	v2 =	vld @!p1 [tilespmem:s2+$0xF298];
	[tilespmem:s2+$0xF288] =	vst @!p1 v1  }
0x188: {  	v1 =	vld @!p1 [tilespmem:$0xF1E8];
	_ =	sdelay $0x4  }
0x189: {  	v1 =	vmax.f32 @!p1 v1, v2  }
0x18a: {  	v2 =	vld @!p1 [tilespmem:s2+$0xF2A8];
	[tilespmem:s2+$0xF298] =	vst @!p1 v1  }
0x18b: {  	v1 =	vld @!p1 [tilespmem:$0xF1F8];
	_ =	sdelay $0x4  }
0x18c: {  	v1 =	vmax.f32 @!p1 v1, v2  }
0x18d: {  	[tilespmem:s2+$0xF2A8] =	vst @!p1 v1  }
0x18e: {  	s0 =	sshrl.u32 s0, $0x2;
	[tilespmem:s6+$0xF218] =	vst.msk $0x1, v0  }
0x18f: {  	v0 =	vld [tilespmem:s0+$0xF238];
	_ =	sdelay $0x2  }
0x190: {  	s31 =	sshll.u32 s6, $0x9  }
0x191: {  	s2 =	sshra.s32 s31, $0x2  }
0x192: {  	[tilespmem:s2+$0xF238] =	vst v0  }
0x193: {  	v0 =	vld [tilespmem:s0+$0xF248];
	_ =	sdelay $0x4  }
0x194: {  	[tilespmem:s2+$0xF248] =	vst v0  }
0x195: {  	v0 =	vld [tilespmem:s0+$0xF258];
	_ =	sdelay $0x4  }
0x196: {  	[tilespmem:s2+$0xF258] =	vst v0  }
0x197: {  	v0 =	vld [tilespmem:s0+$0xF268];
	_ =	sdelay $0x4  }
0x198: {  	[tilespmem:s2+$0xF268] =	vst v0  }
0x199: {  	v0 =	vld [tilespmem:s0+$0xF278];
	_ =	sdelay $0x4  }
0x19a: {  	[tilespmem:s2+$0xF278] =	vst v0  }
0x19b: {  	v0 =	vld [tilespmem:s0+$0xF288];
	_ =	sdelay $0x4  }
0x19c: {  	[tilespmem:s2+$0xF288] =	vst v0  }
0x19d: {  	v0 =	vld [tilespmem:s0+$0xF298];
	_ =	sdelay $0x4  }
0x19e: {  	[tilespmem:s2+$0xF298] =	vst v0  }
0x19f: {  	v0 =	vld [tilespmem:s0+$0xF2A8];
	_ =	sdelay $0x4  }
0x1a0: {  	s6 =	sadd.s32 $0x1, s6;
	[tilespmem:s2+$0xF2A8] =	vst v0  }
.LBB2_33:
0x1a1: {  	s11 =	sadd.s32 $0x1, s11  }
0x1a2: {  	p1 =	sne.s32 s11, $0x20  }
.Ltmp20:
0x1a3: {  	_ = 	snop;
	(pc) =	sbr.rel @!p1 .LBB2_34-.Ltmp20, $1  }
0x1a4: {  	_ =	sdelay $0x3  }
.LBB2_26:
0x1a5: {  	v0 =	vld.msk [tilespmem:s11+$0xF218], $0x1;
	_ =	sdelay $0x4  }
0x1a6: {  	(v2sf) =	vpush v0, $0x0;
	_ =	sdelay $0xe  }
0x1a7: {  	s12 =	spop (v2sf)  }
0x1a8: {  	p1 =	seq.s32 s12, $0xFFFFFFFF  }
.Ltmp21:
0x1a9: {  	_ = 	snop;
	(pc) =	sbr.rel @p1 .LBB2_33-.Ltmp21, $1  }
0x1aa: {  	_ =	sdelay $0x3  }
0x1ab: {  	p1 =	slt.s32 s6, $0x1  }
.Ltmp22:
0x1ac: {  	_ = 	snop;
	(pc) =	sbr.rel @p1 .LBB2_32-.Ltmp22, $1  }
0x1ad: {  	_ =	sdelay $0x3  }
0x1ae: {  	s13 =	simm.s32 $0xF218;
	p1 =	por $0x0, $0x0  }
0x1af: {  	v1 =	vld.msk @!p1 [tilespmem:s13+$0x0], $0x1;
	_ =	sdelay $0x4  }
0x1b0: {  	(v2sf) =	vpush @!p1 v1, $0x0;
	_ =	sdelay $0xd  }
0x1b1: {  	p3 =	sne.s32 s6, $0x1  }
.Ltmp23:
0x1b2: {  	s0 =	spop @!p1 (v2sf);
	(pc) =	sbr.rel @!p3 .LBB2_30-.Ltmp23, $4  }
0x1b3: {  	p2 =	seq.s32 @!p1 s12, s0  }
0x1b4: {  	s14 =	simm.s32 $0x0;
	p2 =	por !p2, p1  }
0x1b5: {  	s2 =	simm.s32 $0xFFFFFFFF;
	s14 =	simm.s32 @p2 $0xFFFFFFFF  }
0x1b6: {  	s0 =	simm.s32 $0x1;
	s14 =	smov.u32 @p1 s2  }
.LBB2_29:
0x1b7: {  	s2 =	smov.u32 s14;
	p1 =	sne.s32 s14, $0xFFFFFFFF  }
0x1b8: {  	s13 =	sadd.s32 $0x1, s13;
	s14 =	smov.u32 s0;
	s0 =	sadd.s32 $0x1, s0  }
0x1b9: {  	p2 =	sne.s32 s6, s0;
	v1 =	vld.msk @!p1 [tilespmem:s13+$0x0], $0x1;
	_ =	sdelay $0x4  }
0x1ba: {  	(v2sf) =	vpush @!p1 v1, $0x0;
	_ =	sdelay $0xe  }
.Ltmp24:
0x1bb: {  	s3 =	spop @!p1 (v2sf);
	(pc) =	sbr.rel @p2 .LBB2_29-.Ltmp24, $4  }
0x1bc: {  	p3 =	seq.s32 @!p1 s12, s3  }
0x1bd: {  	p3 =	por !p3, p1  }
0x1be: {  	s14 =	simm.s32 @p3 $0xFFFFFFFF  }
0x1bf: {  	s14 =	smov.u32 @p1 s2  }
.LBB2_30:
0x1c0: {  	p1 =	seq.s32 s14, $0xFFFFFFFF  }
.Ltmp25:
0x1c1: {  	_ = 	snop;
	(pc) =	sbr.rel @p1 .LBB2_32-.Ltmp25, $1  }
0x1c2: {  	_ =	sdelay $0x3  }
0x1c3: {  	s0 =	sshll.u32 s11, $0x7  }
0x1c4: {  	s2 =	sshll.u32 s14, $0x9;
	s0 =	sand.u32 $0x3FFFFF80, s0  }
0x1c5: {  	s2 =	sshra.s32 s2, $0x2;
	v0 =	vld [tilespmem:s0+$0xF238]  }
0x1c6: {  	v1 =	vld [tilespmem:s2+$0xF238];
	_ =	sdelay $0x4  }
0x1c7: {  	v0 =	vmax.f32 v0, v1  }
0x1c8: {  	v57 =	vld [tilespmem:s2+$0xF248];
	[tilespmem:s2+$0xF238] =	vst v0  }
0x1c9: {  	v0 =	vld [tilespmem:s0+$0xF248];
	_ =	sdelay $0x4  }
0x1ca: {  	v0 =	vmax.f32 v0, v57  }
0x1cb: {  	v58 =	vld [tilespmem:s2+$0xF258];
	[tilespmem:s2+$0xF248] =	vst v0  }
0x1cc: {  	v0 =	vld [tilespmem:s0+$0xF258];
	_ =	sdelay $0x4  }
0x1cd: {  	v0 =	vmax.f32 v0, v58  }
0x1ce: {  	v59 =	vld [tilespmem:s2+$0xF268];
	[tilespmem:s2+$0xF258] =	vst v0  }
0x1cf: {  	v0 =	vld [tilespmem:s0+$0xF268];
	_ =	sdelay $0x4  }
0x1d0: {  	v0 =	vmax.f32 v0, v59  }
0x1d1: {  	v60 =	vld [tilespmem:s2+$0xF278];
	[tilespmem:s2+$0xF268] =	vst v0  }
0x1d2: {  	v0 =	vld [tilespmem:s0+$0xF278];
	_ =	sdelay $0x4  }
0x1d3: {  	v0 =	vmax.f32 v0, v60  }
0x1d4: {  	v61 =	vld [tilespmem:s2+$0xF288];
	[tilespmem:s2+$0xF278] =	vst v0  }
0x1d5: {  	v0 =	vld [tilespmem:s0+$0xF288];
	_ =	sdelay $0x4  }
0x1d6: {  	v0 =	vmax.f32 v0, v61  }
0x1d7: {  	v62 =	vld [tilespmem:s2+$0xF298];
	[tilespmem:s2+$0xF288] =	vst v0  }
0x1d8: {  	v0 =	vld [tilespmem:s0+$0xF298];
	_ =	sdelay $0x4  }
0x1d9: {  	v0 =	vmax.f32 v0, v62  }
0x1da: {  	v63 =	vld [tilespmem:s2+$0xF2A8];
	[tilespmem:s2+$0xF298] =	vst v0  }
0x1db: {  	v0 =	vld [tilespmem:s0+$0xF2A8];
	_ =	sdelay $0x1  }
.Ltmp26:
0x1dc: {  	_ = 	snop;
	(pc) =	sbr.rel .LBB2_33-.Ltmp26, $3  }
0x1dd: {  	_ =	sdelay $0x1  }
0x1de: {  	v0 =	vmax.f32 v0, v63  }
0x1df: {  	[tilespmem:s2+$0xF2A8] =	vst v0  }
.LBB2_34:
0x1e0: {  	s0 =	simm.s32 $0x6;
	p1 =	seq.s32 s6, $0x0  }
0x1e1: {  	[sflag:s0] =	ssyncpa.u1 $0x1;
	v0 =	vimm.s32 @p1 $0xFFFFFFFF  }
0x1e2: {  	s9 =	sadd.s32 $0xFFFFFFFF, s6;
	[tilespmem:$0x10238] =	vst @p1 v0  }
0x1e3: {  	v0 =	vld.msk @!p1 [tilespmem:s9+$0xF218], $0x1;
	_ =	sdelay $0x1  }
0x1e4: {  	v1 =	vld.msk @!p1 [tilespmem:$0xF218], $0x1;
	_ =	sdelay $0x2  }
0x1e5: {  	p2 =	seq.s32 @!p1 s9, $0x0;
	v0 =	vbroadcast @!p1 v0, $0x0  }
0x1e6: {  	vm0 =	vmmov @!p1 $0x1;
	p2 =	por !p2, p1  }
0x1e7: {  	v1 =	vnsel @!p1 vm0, $0xFFFFFFFF, v1;
	vm0 =	vcmask @!p1 $0x308;
	v0 =	vpsel !p2, $0xFFFFFFFF, v0  }
0x1e8: {  	p2 =	sne.s32 @!p1 s8, s7;
	v0 =	vsel @!p1 vm0, v1, v0  }
0x1e9: {  	s0 =	simm.s32 @!p1 $0xF238;
	s2 =	simm.s32 @!p1 $0x0;
	p3 =	por !p2, p1;
	[tilespmem:$0x10238] =	vst @!p1 v0  }
0x1ea: {  	[spmem:s2] =	stream.linear.scatter @!p1 [tilespmem:s0], [sflag:$0x1], $0x80, $0x38;
	[tilespmem:$0x1F6F8] =	vst v63  }
0x1eb: {  	s0 =	sshll.u32 @!p3 s9, $0x9  }
0x1ec: {  	s0 =	sshra.s32 @!p3 s0, $0x2  }
0x1ed: {  	s2 =	simm.s32 @!p3 $0x80;
	s0 =	sadd.s32 @!p3 $0xF238, s0  }
0x1ee: {  	[spmem:s2] =	stream.linear.scatter @!p3 [tilespmem:s0], [sflag:$0x1], $0x80, $0x38;
	[tilespmem:$0x1F6F8] =	vst v63  }
0x1ef: {  	s0 =	simm.s32 @!p3 $0x1  }
0x1f0: {  	_ =	swait.ge @!p3 [sflag:s0], $0x100  }
0x1f1: {  	p1 =	por p2, p1;
	[sflag:s0] =	ssyncset.done @!p3 $0x0  }
0x1f2: {  	[sflag:s0] =	ssyncadd.s32 @!p3 $0xFFFFFF00;
	s0 =	simm.s32 @!p1 $0x1  }
0x1f3: {  	_ =	swait.ge @!p1 [sflag:s0], $0x80  }
0x1f4: {  	s29 =	simm.s32 $0x10238;
	[sflag:s0] =	ssyncset.done @!p1 $0x0  }
0x1f5: {  	s30 =	simm.s32 $0x1000;
	s31 =	simm.s32 $0x1;
	[sflag:s0] =	ssyncadd.s32 @!p1 $0xFFFFFF80  }
0x1f6: {  	[spmem:s30] =	stream.linear.scatter [tilespmem:s29], [sflag:$0x1], $0x10, $0x38;
	[tilespmem:$0x1F6F8] =	vst v63  }
0x1f7: {  	_ =	swait.ge [sflag:s31], $0x10  }
0x1f8: {  	[sflag:s31] =	ssyncset.done $0x0  }
0x1f9: {  	p1 =	seq.s32 s15, $0x0;
	s8 =	rddreg [dreg:$0x2];
	[sflag:s31] =	ssyncadd.s32 $0xFFFFFFF0  }
0x1fa: {  	s2 =	sshll.u32 @p1 s8, $0xE;
	s7 =	rddreg [dreg:$0x3]  }
0x1fb: {  	s0 =	sadd.s32 @p1 $0x15C3C, s2;
	s2 =	sshll.u32 @p1 s7, $0x11  }
0x1fc: {  	_ =	sfence.stream.spmem;
	s0 =	sor.u32 @p1 s2, s0  }
0x1fd: {  	[sflag:s0] =	ssyncadd.remote.s32 @p1 $0x1;
	s0 =	simm.s32 @p1 $0x4  }
0x1fe: {  	s3 =	simm.s32 @!p1 $0x3C;
	s2 =	sand.u32 $0xFFFFFFFE, s8;
	_ =	swait.ge @p1 [sflag:s0], $0x22  }
0x1ff: {  	s4 =	simm.s32 @!p1 $0x0;
	s2 =	sadd.s32 @!p1 $0x4, s2;
	[sflag:s0] =	ssyncset.done @p1 $0x0  }
0x200: {  	s5 =	simm.s32 @!p1 $0x100;
	[sflag:s0] =	ssyncadd.s32 @p1 $0xFFFFFFDE;
	s0 =	sshll.u32 @!p1 s2, $0x1A  }
0x201: {  	s2 =	sshll.u32 @!p1 s2, $0xD;
	s0 =	sor.u32 @!p1 s0, s7;
	_ =	swait.eq @!p1 [sflag:s3], $0x1  }
0x202: {  	s2 =	sor.u32 @!p1 $0x1C04, s2;
	s3 =	simm.s32 @!p1 $0x1C03;
	s0 =	sor.u32 @!p1 $0x80004000, s0  }
0x203: {  	[spmem:s5], [sflag:s2] =	dma.general @!p1 [spmem:s4], [sflag:s3], length:$0x20, [dreg:$0x0], stride_count:$0x0, ici_dest:s0, dma_misc:DstOpCode:WRITE  }
0x204: {  	p2 =	slt.s32 s9, $0x2;
	s4 =	simm.s32 @!p1 $0x200;
	s5 =	simm.s32 @!p1 $0x202  }
0x205: {  	[spmem:s5], [sflag:s2] =	dma.general @!p1 [spmem:s4], [sflag:s3], length:$0x2, [dreg:$0x0], stride_count:$0x0, ici_dest:s0, dma_misc:DstOpCode:WRITE  }
.Ltmp27:
0x206: {  	s0 =	simm.s32 @!p1 $0x3;
	(pc) =	sbr.rel @p2 .LBB2_38-.Ltmp27, $4  }
0x207: {  	s2 =	sshll.u32 @!p1 s8, $0xE;
	_ =	swait.ge @!p1 [sflag:s0], $0x22  }
0x208: {  	s3 =	sshll.u32 @!p1 s7, $0x11;
	s2 =	sadd.s32 @!p1 $0x11C3C, s2;
	[sflag:s0] =	ssyncset.done @!p1 $0x0  }
0x209: {  	[sflag:s0] =	ssyncadd.s32 @!p1 $0xFFFFFFDE;
	s0 =	sor.u32 @!p1 s3, s2  }
0x20a: {  	[sflag:s0] =	ssyncadd.remote.s32 @!p1 $0xFFFFFFFF;
	s0 =	simm.s32 $0x0  }
0x20b: {  	s0 =	simm.s32 $0xF219  }
0x20c: {  	v0 =	vld.msk [tilespmem:s0+$0x0], $0x1;
	_ =	sdelay $0x4  }
0x20d: {  	(v2sf) =	vpush v0, $0x0;
	_ =	sdelay $0xb  }
0x20e: {  	s31 =	sadd.s32 $0xFFFFFFFE, s6  }
0x20f: {  	s0 =	sadd.s32 $0xFFFFFFFF, s31  }
0x210: {  	p2 =	sne.s32 s0, $0x0  }
.Ltmp28:
0x211: {  	s2 =	spop (v2sf);
	(pc) =	sbr.rel @!p2 .LBB2_37-.Ltmp28, $4  }
0x212: {  	s4 =	simm.s32 $0xF2B8;
	s7 =	simm.s32 $0x0;
	p1 =	sgt.u32 s2, $0x270F0  }
0x213: {  	s5 =	simm.s32 $0x0;
	s6 =	simm.s32 $0xF21A;
	s3 =	sand.u32 @!p1 $0x3FFF8, s2  }
0x214: {  	s2 =	sand.u32 @!p1 $0x7, s2;
	s7 =	simm.s32 @!p1 $0x200;
	s3 =	sadd.s32 @!p1 s1, s3  }
0x215: {  	[hbm4b:s3+s2] =	stream.linear.scatter @!p1 [tilespmem:s4], [sflag:$0x5], $0x80, $0x38;
	[tilespmem:$0x1F6F8] =	vst v63  }
.LBB2_36:
0x216: {  	v0 =	vld.msk [tilespmem:s6+$0x0], $0x1;
	s0 =	sadd.s32 $0xFFFFFFFF, s0;
	s5 =	sadd.s32 s5, s7  }
0x217: {  	p1 =	sne.s32 s0, $0x0;
	_ =	sdelay $0x3  }
0x218: {  	(v2sf) =	vpush v0, $0x0;
	_ =	sdelay $0xe  }
.Ltmp29:
0x219: {  	s2 =	spop (v2sf);
	(pc) =	sbr.rel @p1 .LBB2_36-.Ltmp29, $4  }
0x21a: {  	s7 =	simm.s32 $0x0;
	p2 =	sgt.u32 s2, $0x270F0  }
0x21b: {  	s4 =	sadd.s32 $0x80, s4;
	s7 =	simm.s32 @!p2 $0x200;
	s3 =	sand.u32 @!p2 $0x3FFF8, s2  }
0x21c: {  	s6 =	sadd.s32 $0x1, s6;
	s2 =	sand.u32 @!p2 $0x7, s2;
	s3 =	sadd.s32 @!p2 s1, s3  }
0x21d: {  	[hbm4b:s3+s2] =	stream.linear.scatter @!p2 [tilespmem:s4], [sflag:$0x5], $0x80, $0x38;
	[tilespmem:$0x1F6F8] =	vst v63  }
.LBB2_37:
0x21e: {  	s0 =	sadd.s32 s5, s7  }
0x21f: {  	s0 =	sshrl.u32 s0, $0x2  }
.LBB2_38:
0x220: {  	s2 =	simm.s32 $0x5  }
0x221: {  	_ =	swait.ge [sflag:s2], s0  }
0x222: {  	s31 =	ssub.s32 $0x0, s0;
	[sflag:s2] =	ssyncset.done $0x0  }
0x223: {  	[sflag:s2] =	ssyncadd.s32 s31  }
0x224: {  	[sflag:s2] =	ssyncpa.u1 $0x1  }
.LBB2_39:
0x225: {  	s0 =	sor.u32 s15, s16  }
0x226: {  	p1 =	sne.s32 s0, $0x0  }
.Ltmp30:
0x227: {  	_ = 	snop;
	(pc) =	sbr.rel @p1 .LBB2_54-.Ltmp30, $3  }
0x228: {  	_ =	sdelay $0x1  }
0x229: {  	[bflag:$0x0] =	sbarrier.arrive $0xFFFF  }
0x22a: {  	_ =	sfence  }
0x22b: {  	s0 =	simm.s32 $0x7  }
0x22c: {  	s2 =	simm.s32 $0x1000;
	s3 =	simm.s32 $0xF218;
	[sflag:s0] =	ssyncpa.u1 $0x0  }
0x22d: {  	[tilespmem:s3], [sflag:$0x7] =	stream.linear.gather [spmem:s2], $0x20, $0x38;
	[tilespmem:$0x1F6F8] =	vst v63  }
0x22e: {  	s30 =	simm.s32 $0xF238;
	s2 =	simm.s32 $0x0  }
0x22f: {  	[tilespmem:s30], [sflag:$0x7] =	stream.linear.gather [spmem:s2], $0x1000, $0x38;
	[tilespmem:$0x1F6F8] =	vst v63  }
.Ltmp31:
0x230: {  	_ = 	snop;
	(pc) =	sbr.rel .LBB2_41-.Ltmp31, $4  }
0x231: {  	_ =	swait.ge [sflag:s0], $0x1020  }
0x232: {  	[sflag:s0] =	ssyncset.done $0x0  }
0x233: {  	s31 =	simm.s32 $0x8;
	[sflag:s0] =	ssyncadd.s32 $0xFFFFEFE0  }
0x234: {  	s3 =	simm.s32 $0x0;
	[sflag:s31] =	ssyncpa.u1 $0x0  }
.LBB2_47:
0x235: {  	p1 =	slt.u32 s4, $0x270F1  }
0x236: {  	s0 =	sand.u32 @p1 $0x3FFF8, s4  }
0x237: {  	s4 =	sand.u32 @p1 $0x7, s4;
	s5 =	simm.s32 @p1 $0xF188;
	s0 =	sadd.s32 @p1 s1, s0  }
0x238: {  	[tilespmem:s5], [sflag:$0x8] =	stream.linear.gather @p1 [hbm4b:s0+s4], $0x80, $0x38;
	[tilespmem:$0x1F6F8] =	vst v63  }
0x239: {  	s0 =	simm.s32 @p1 $0x8  }
0x23a: {  	_ =	swait.ge @p1 [sflag:s0], $0x80  }
0x23b: {  	[sflag:s0] =	ssyncset.done @p1 $0x0  }
0x23c: {  	[sflag:s0] =	ssyncadd.s32 @p1 $0xFFFFFF80;
	s0 =	sshll.u32 @p1 s3, $0x9  }
0x23d: {  	s4 =	sshrl.u32 @p1 s0, $0x2;
	v1 =	vld @p1 [tilespmem:$0xF188]  }
0x23e: {  	v2 =	vld @p1 [tilespmem:s4+$0xF238];
	_ =	sdelay $0x4  }
0x23f: {  	v1 =	vmax.f32 @p1 v1, v2  }
0x240: {  	v2 =	vld @p1 [tilespmem:s4+$0xF248];
	[tilespmem:s4+$0xF238] =	vst @p1 v1  }
0x241: {  	v1 =	vld @p1 [tilespmem:$0xF198];
	_ =	sdelay $0x4  }
0x242: {  	v1 =	vmax.f32 @p1 v1, v2  }
0x243: {  	v2 =	vld @p1 [tilespmem:s4+$0xF258];
	[tilespmem:s4+$0xF248] =	vst @p1 v1  }
0x244: {  	v1 =	vld @p1 [tilespmem:$0xF1A8];
	_ =	sdelay $0x4  }
0x245: {  	v1 =	vmax.f32 @p1 v1, v2  }
0x246: {  	v2 =	vld @p1 [tilespmem:s4+$0xF268];
	[tilespmem:s4+$0xF258] =	vst @p1 v1  }
0x247: {  	v1 =	vld @p1 [tilespmem:$0xF1B8];
	_ =	sdelay $0x4  }
0x248: {  	v1 =	vmax.f32 @p1 v1, v2  }
0x249: {  	v2 =	vld @p1 [tilespmem:s4+$0xF278];
	[tilespmem:s4+$0xF268] =	vst @p1 v1  }
0x24a: {  	v1 =	vld @p1 [tilespmem:$0xF1C8];
	_ =	sdelay $0x4  }
0x24b: {  	v1 =	vmax.f32 @p1 v1, v2  }
0x24c: {  	v2 =	vld @p1 [tilespmem:s4+$0xF288];
	[tilespmem:s4+$0xF278] =	vst @p1 v1  }
0x24d: {  	v1 =	vld @p1 [tilespmem:$0xF1D8];
	_ =	sdelay $0x4  }
0x24e: {  	v1 =	vmax.f32 @p1 v1, v2  }
0x24f: {  	v2 =	vld @p1 [tilespmem:s4+$0xF298];
	[tilespmem:s4+$0xF288] =	vst @p1 v1  }
0x250: {  	v1 =	vld @p1 [tilespmem:$0xF1E8];
	_ =	sdelay $0x4  }
0x251: {  	v1 =	vmax.f32 @p1 v1, v2  }
0x252: {  	v2 =	vld @p1 [tilespmem:s4+$0xF2A8];
	[tilespmem:s4+$0xF298] =	vst @p1 v1  }
0x253: {  	v1 =	vld @p1 [tilespmem:$0xF1F8];
	_ =	sdelay $0x4  }
0x254: {  	s5 =	sshll.u32 @!p1 s3, $0x9;
	v1 =	vmax.f32 @p1 v1, v2  }
0x255: {  	s5 =	smov.u32 @p1 s0;
	[tilespmem:s4+$0xF2A8] =	vst @p1 v1  }
0x256: {  	s0 =	sshrl.u32 s5, $0x2;
	[tilespmem:s2+$0xF218] =	vst.msk $0x1, v0  }
0x257: {  	v0 =	vld [tilespmem:s0+$0xF238];
	_ =	sdelay $0x2  }
0x258: {  	s31 =	sshll.u32 s2, $0x9  }
0x259: {  	s4 =	sshra.s32 s31, $0x2  }
0x25a: {  	[tilespmem:s4+$0xF238] =	vst v0  }
0x25b: {  	v0 =	vld [tilespmem:s0+$0xF248];
	_ =	sdelay $0x4  }
0x25c: {  	[tilespmem:s4+$0xF248] =	vst v0  }
0x25d: {  	v0 =	vld [tilespmem:s0+$0xF258];
	_ =	sdelay $0x4  }
0x25e: {  	[tilespmem:s4+$0xF258] =	vst v0  }
0x25f: {  	v0 =	vld [tilespmem:s0+$0xF268];
	_ =	sdelay $0x4  }
0x260: {  	[tilespmem:s4+$0xF268] =	vst v0  }
0x261: {  	v0 =	vld [tilespmem:s0+$0xF278];
	_ =	sdelay $0x4  }
0x262: {  	[tilespmem:s4+$0xF278] =	vst v0  }
0x263: {  	v0 =	vld [tilespmem:s0+$0xF288];
	_ =	sdelay $0x4  }
0x264: {  	[tilespmem:s4+$0xF288] =	vst v0  }
0x265: {  	v0 =	vld [tilespmem:s0+$0xF298];
	_ =	sdelay $0x4  }
0x266: {  	[tilespmem:s4+$0xF298] =	vst v0  }
0x267: {  	v0 =	vld [tilespmem:s0+$0xF2A8];
	_ =	sdelay $0x4  }
0x268: {  	s2 =	sadd.s32 $0x1, s2;
	[tilespmem:s4+$0xF2A8] =	vst v0  }
.LBB2_48:
0x269: {  	s3 =	sadd.s32 $0x1, s3  }
0x26a: {  	p1 =	sne.s32 s3, $0x20  }
.Ltmp32:
0x26b: {  	_ = 	snop;
	(pc) =	sbr.rel @!p1 .LBB2_49-.Ltmp32, $1  }
0x26c: {  	_ =	sdelay $0x3  }
.LBB2_41:
0x26d: {  	v0 =	vld.msk [tilespmem:s3+$0xF218], $0x1;
	_ =	sdelay $0x4  }
0x26e: {  	(v2sf) =	vpush v0, $0x0;
	_ =	sdelay $0xe  }
0x26f: {  	s4 =	spop (v2sf)  }
0x270: {  	p1 =	seq.s32 s4, $0xFFFFFFFF  }
.Ltmp33:
0x271: {  	_ = 	snop;
	(pc) =	sbr.rel @p1 .LBB2_48-.Ltmp33, $1  }
0x272: {  	_ =	sdelay $0x3  }
0x273: {  	p1 =	slt.s32 s2, $0x1  }
.Ltmp34:
0x274: {  	_ = 	snop;
	(pc) =	sbr.rel @p1 .LBB2_47-.Ltmp34, $1  }
0x275: {  	_ =	sdelay $0x3  }
0x276: {  	s5 =	simm.s32 $0xF218;
	p1 =	por $0x0, $0x0  }
0x277: {  	v1 =	vld.msk @!p1 [tilespmem:s5+$0x0], $0x1;
	_ =	sdelay $0x4  }
0x278: {  	(v2sf) =	vpush @!p1 v1, $0x0;
	_ =	sdelay $0xd  }
0x279: {  	p3 =	sne.s32 s2, $0x1  }
.Ltmp35:
0x27a: {  	s0 =	spop @!p1 (v2sf);
	(pc) =	sbr.rel @!p3 .LBB2_45-.Ltmp35, $4  }
0x27b: {  	p2 =	seq.s32 @!p1 s4, s0  }
0x27c: {  	s6 =	simm.s32 $0x0;
	p2 =	por !p2, p1  }
0x27d: {  	s7 =	simm.s32 $0xFFFFFFFF;
	s6 =	simm.s32 @p2 $0xFFFFFFFF  }
0x27e: {  	s0 =	simm.s32 $0x1;
	s6 =	smov.u32 @p1 s7  }
.LBB2_44:
0x27f: {  	s7 =	smov.u32 s6;
	p1 =	sne.s32 s6, $0xFFFFFFFF  }
0x280: {  	s5 =	sadd.s32 $0x1, s5;
	s6 =	smov.u32 s0;
	s0 =	sadd.s32 $0x1, s0  }
0x281: {  	p2 =	sne.s32 s2, s0;
	v1 =	vld.msk @!p1 [tilespmem:s5+$0x0], $0x1;
	_ =	sdelay $0x4  }
0x282: {  	(v2sf) =	vpush @!p1 v1, $0x0;
	_ =	sdelay $0xe  }
.Ltmp36:
0x283: {  	s8 =	spop @!p1 (v2sf);
	(pc) =	sbr.rel @p2 .LBB2_44-.Ltmp36, $4  }
0x284: {  	p3 =	seq.s32 @!p1 s4, s8  }
0x285: {  	p3 =	por !p3, p1  }
0x286: {  	s6 =	simm.s32 @p3 $0xFFFFFFFF  }
0x287: {  	s6 =	smov.u32 @p1 s7  }
.LBB2_45:
0x288: {  	p1 =	seq.s32 s6, $0xFFFFFFFF  }
.Ltmp37:
0x289: {  	_ = 	snop;
	(pc) =	sbr.rel @p1 .LBB2_47-.Ltmp37, $1  }
0x28a: {  	_ =	sdelay $0x3  }
0x28b: {  	s0 =	sshll.u32 s3, $0x7  }
0x28c: {  	s4 =	sshll.u32 s6, $0x9;
	s0 =	sand.u32 $0x3FFFFF80, s0  }
0x28d: {  	s4 =	sshra.s32 s4, $0x2;
	v0 =	vld [tilespmem:s0+$0xF238]  }
0x28e: {  	v1 =	vld [tilespmem:s4+$0xF238];
	_ =	sdelay $0x4  }
0x28f: {  	v0 =	vmax.f32 v0, v1  }
0x290: {  	v57 =	vld [tilespmem:s4+$0xF248];
	[tilespmem:s4+$0xF238] =	vst v0  }
0x291: {  	v0 =	vld [tilespmem:s0+$0xF248];
	_ =	sdelay $0x4  }
0x292: {  	v0 =	vmax.f32 v0, v57  }
0x293: {  	v58 =	vld [tilespmem:s4+$0xF258];
	[tilespmem:s4+$0xF248] =	vst v0  }
0x294: {  	v0 =	vld [tilespmem:s0+$0xF258];
	_ =	sdelay $0x4  }
0x295: {  	v0 =	vmax.f32 v0, v58  }
0x296: {  	v59 =	vld [tilespmem:s4+$0xF268];
	[tilespmem:s4+$0xF258] =	vst v0  }
0x297: {  	v0 =	vld [tilespmem:s0+$0xF268];
	_ =	sdelay $0x4  }
0x298: {  	v0 =	vmax.f32 v0, v59  }
0x299: {  	v60 =	vld [tilespmem:s4+$0xF278];
	[tilespmem:s4+$0xF268] =	vst v0  }
0x29a: {  	v0 =	vld [tilespmem:s0+$0xF278];
	_ =	sdelay $0x4  }
0x29b: {  	v0 =	vmax.f32 v0, v60  }
0x29c: {  	v61 =	vld [tilespmem:s4+$0xF288];
	[tilespmem:s4+$0xF278] =	vst v0  }
0x29d: {  	v0 =	vld [tilespmem:s0+$0xF288];
	_ =	sdelay $0x4  }
0x29e: {  	v0 =	vmax.f32 v0, v61  }
0x29f: {  	v62 =	vld [tilespmem:s4+$0xF298];
	[tilespmem:s4+$0xF288] =	vst v0  }
0x2a0: {  	v0 =	vld [tilespmem:s0+$0xF298];
	_ =	sdelay $0x4  }
0x2a1: {  	v0 =	vmax.f32 v0, v62  }
0x2a2: {  	v63 =	vld [tilespmem:s4+$0xF2A8];
	[tilespmem:s4+$0xF298] =	vst v0  }
0x2a3: {  	v0 =	vld [tilespmem:s0+$0xF2A8];
	_ =	sdelay $0x1  }
.Ltmp38:
0x2a4: {  	_ = 	snop;
	(pc) =	sbr.rel .LBB2_48-.Ltmp38, $3  }
0x2a5: {  	_ =	sdelay $0x1  }
0x2a6: {  	v0 =	vmax.f32 v0, v63  }
0x2a7: {  	[tilespmem:s4+$0xF2A8] =	vst v0  }
.LBB2_49:
0x2a8: {  	p1 =	slt.s32 s2, $0x1  }
.Ltmp39:
0x2a9: {  	_ = 	snop;
	(pc) =	sbr.rel @p1 .LBB2_53-.Ltmp39, $3  }
0x2aa: {  	_ =	sdelay $0x1  }
0x2ab: {  	s0 =	simm.s32 $0x8  }
0x2ac: {  	s3 =	simm.s32 $0x0;
	[sflag:s0] =	ssyncpa.u1 $0x1  }
0x2ad: {  	s0 =	simm.s32 $0xF218  }
0x2ae: {  	v0 =	vld.msk [tilespmem:s0+$0x0], $0x1;
	_ =	sdelay $0x4  }
0x2af: {  	(v2sf) =	vpush v0, $0x0;
	_ =	sdelay $0xe  }
0x2b0: {  	s0 =	sadd.s32 $0xFFFFFFFF, s2;
	s5 =	spop (v2sf)  }
0x2b1: {  	p2 =	sne.s32 s0, $0x0;
	p1 =	sgt.u32 s5, $0x270F0  }
.Ltmp40:
0x2b2: {  	s6 =	sand.u32 @!p1 $0x3FFF8, s5;
	(pc) =	sbr.rel @!p2 .LBB2_52-.Ltmp40, $4  }
0x2b3: {  	s4 =	simm.s32 $0xF238;
	s5 =	sand.u32 @!p1 $0x7, s5;
	s2 =	sadd.s32 @!p1 s1, s6  }
0x2b4: {  	[hbm4b:s2+s5] =	stream.linear.scatter @!p1 [tilespmem:s4], [sflag:$0x7], $0x80, $0x38;
	[tilespmem:$0x1F6F8] =	vst v63  }
0x2b5: {  	s5 =	simm.s32 $0x0  }
0x2b6: {  	s2 =	simm.s32 $0xF219;
	s5 =	simm.s32 @!p1 $0x200  }
.LBB2_51:
0x2b7: {  	v0 =	vld.msk [tilespmem:s2+$0x0], $0x1;
	s0 =	sadd.s32 $0xFFFFFFFF, s0;
	s3 =	sadd.s32 s3, s5  }
0x2b8: {  	p1 =	sne.s32 s0, $0x0;
	_ =	sdelay $0x3  }
0x2b9: {  	(v2sf) =	vpush v0, $0x0;
	_ =	sdelay $0xe  }
.Ltmp41:
0x2ba: {  	s6 =	spop (v2sf);
	(pc) =	sbr.rel @p1 .LBB2_51-.Ltmp41, $4  }
0x2bb: {  	s5 =	simm.s32 $0x0;
	p2 =	sgt.u32 s6, $0x270F0  }
0x2bc: {  	s4 =	sadd.s32 $0x80, s4;
	s5 =	simm.s32 @!p2 $0x200;
	s7 =	sand.u32 @!p2 $0x3FFF8, s6  }
0x2bd: {  	s2 =	sadd.s32 $0x1, s2;
	s6 =	sand.u32 @!p2 $0x7, s6;
	s7 =	sadd.s32 @!p2 s1, s7  }
0x2be: {  	[hbm4b:s7+s6] =	stream.linear.scatter @!p2 [tilespmem:s4], [sflag:$0x7], $0x80, $0x38;
	[tilespmem:$0x1F6F8] =	vst v63  }
.LBB2_52:
0x2bf: {  	s0 =	sadd.s32 s3, s5  }
0x2c0: {  	s3 =	sshrl.u32 s0, $0x2  }
.LBB2_53:
0x2c1: {  	s0 =	simm.s32 $0x7  }
0x2c2: {  	_ =	swait.ge [sflag:s0], s3  }
0x2c3: {  	s1 =	ssub.s32 $0x0, s3;
	[sflag:s0] =	ssyncset.done $0x0  }
0x2c4: {  	[sflag:s0] =	ssyncadd.s32 s1  }
0x2c5: {  	[sflag:s0] =	ssyncpa.u1 $0x1  }
.LBB2_54:
0x2c6: {  	_ =	sfence;
	s0 =	simm.s32 $0x1  }
0x2c7: {  	[sflag:s0] =	ssyncpa.u1 $0x1  }
0x2c8: {  	_ =	strace $0x90000056  }
0x2c9: {  	[bflag:$0x2] =	sbarrier.arrive $0xFFFF  }
0x2ca: {  	s0 =	rddreg [dreg:$0x4]  }
0x2cb: {  	s0 =	sadd.s32 @!p0 $0x100000, s0  }
0x2cc: {  	[sflag:s0] =	ssyncadd.tile.s32 @!p0 $0x1;
	_ =	shalt  }
.Lfunc_end2:
_tile_overlayer_lowered:
.L_overlay_start_2:
0x2cd: {  	(tag) =	ssettag $0x2  }
0x2ce: {  	s0 =	rddreg [dreg:$0x0];
	s2 =	stileid.u32  }
0x2cf: {  	s1 =	rddreg [dreg:$0x1];
	p0 =	sne.s32 s2, $0x0  }
0x2d0: {  	s3 =	rddreg [dreg:$0x2];
	[bflag:$0x3] =	sbarrier.arrive $0xFFFF;
	s2 =	simm.s32 @!p0 $0x1C01  }
0x2d1: {  	[timem:s3], [sflag:s2] =	dma.local @!p0 [hbm:s0], s1  }
0x2d2: {  	s0 =	simm.s32 @!p0 $0x1  }
0x2d3: {  	_ =	swait.ge @!p0 [sflag:s0], s1  }
0x2d4: {  	s1 =	ssub.s32 @!p0 $0x0, s1;
	[sflag:s0] =	ssyncset.done @!p0 $0x0  }
0x2d5: {  	[sflag:s0] =	ssyncadd.s32 @!p0 s1  }
0x2d6: {  	[bflag:$0x3] =	sbarrier.arrive $0xFFFF  }
0x2d7: {  	_ =	shalt  }

// kernel: scatter_offload_async_start.2
scs
__scs_entry_jumppad:
0x0: {  	(pc) =	sbr.rel $0x88, $3  }
0x1: {  	(tag) =	ssettag $0x0;
	lr =	simm.s32 $0x1  }
0x2: {  	[smem:$0x3F81] =	sst lr;
	_ =	strace $0xD0000000  }
0x3: {  	_ = 	snop  }
0x4: {  	_ = 	snop  }
0x5: {  	_ = 	snop  }
0x6: {  	_ = 	snop  }
0x7: {  	_ = 	snop  }
__scs_overlays_trampoline_lowered:
0x8: {  	[smem:$0x3F90] =	sst s0  }
0x9: {  	[smem:$0x3F91] =	sst s1  }
0xa: {  	[smem:$0x3F92] =	sst s2  }
0xb: {  	[smem:$0x3F93] =	sst s3  }
0xc: {  	[smem:$0x3F94] =	sst s4  }
0xd: {  	[smem:$0x3F95] =	sst s5  }
0xe: {  	[smem:$0x3F96] =	sst s6  }
0xf: {  	[smem:$0x3F97] =	sst s7  }
0x10: {  	[smem:$0x3F98] =	sst s8  }
0x11: {  	[smem:$0x3F99] =	sst s9;
	s0 =	simm.s32 @!p0 $0x0  }
0x12: {  	s1 =	sld [smem:$0x3F7F];
	s0 =	simm.s32 @p0 $0x1  }
0x13: {  	[smem:$0x3F9A] =	sst s0;
	s0 =	simm.s32 @!p1 $0x0  }
0x14: {  	s2 =	sld [smem:$0x3F7E];
	s0 =	simm.s32 @p1 $0x1  }
0x15: {  	[smem:$0x3F9B] =	sst s0;
	s0 =	simm.s32 @!p2 $0x0  }
0x16: {  	s3 =	sld [smem:$0x3FDB];
	s0 =	simm.s32 @p2 $0x1  }
0x17: {  	s4 =	simm.s32 $0x1BF5;
	[smem:$0x3F9D] =	sst s0  }
0x18: {  	s0 =	sld [smem:$0x3F80];
	_ =	swait.ge [sflag:s4], $0x0  }
0x19: {  	s7 =	sld [smem:$0x3F81]  }
0x1a: {  	s8 =	sadd.s32 $0xFFFFE003, lr  }
0x1b: {  	s9 =	sadd.s32 $0xFFFFFEF7, lr;
	s5 =	simm.s32 $0xFFFFFFFF;
	p2 =	slt.u32 s8, $0xFFFFF086  }
0x1c: {  	p1 =	slt.u32 s9, $0xF7A;
	s5 =	simm.s32 @!p2 $0x0  }
0x1d: {  	s5 =	simm.s32 @p1 $0x1;
	p0 =	seq.s32 s7, s2  }
0x1e: {  	s7 =	smul.u32 @!p0 $0xF7A, s2;
	p2 =	seq.s32 @!p0 s5, $0x0  }
0x1f: {  	s9 =	smul.u32 $0xF7A, s1;
	s8 =	simm.s32 @!p0 $0x1BF5;
	p2 =	por !p2, p0  }
0x20: {  	[sflag:s8] =	ssyncset.s32 @!p0 $0xFFFFF086;
	s6 =	sadd.s32 @!p0 s3, s7;
	s7 =	simm.s32 @!p0 $0x108  }
0x21: {  	s3 =	sadd.s32 s3, s9;
	s6 =	sadd.s32 @!p0 $0x88, s6;
	s7 =	simm.s32 @p2 $0x1082  }
0x22: {  	[simem:s7], [sflag:s8] =	dma.local @!p0 [hbm:s6], $0xF7A  }
0x23: {  	s9 =	sor.u32 $0xD0000000, s2;
	s6 =	simm.s32 $0x108;
	_ =	swait.ge @!p0 [sflag:s8], $0x0  }
0x24: {  	s3 =	sadd.s32 $0x88, s3;
	s6 =	simm.s32 @!p1 $0x1082;
	[sflag:s4] =	ssyncset.s32 $0xFFFFF086  }
0x25: {  	[simem:s6], [sflag:s4] =	dma.local [hbm:s3], $0xF7A  }
0x26: {  	[smem:$0x3F81] =	sst s1;
	(tag) =	ssettag s2;
	_ =	strace s9  }
0x27: {  	s1 =	sld [smem:$0x3F91]  }
0x28: {  	s2 =	sld [smem:$0x3F92]  }
0x29: {  	s4 =	sld [smem:$0x3F94]  }
0x2a: {  	p0 =	seq.s32 s5, $0x0;
	s5 =	sld [smem:$0x3F95]  }
0x2b: {  	s6 =	sld [smem:$0x3F96]  }
0x2c: {  	s7 =	sld [smem:$0x3F97]  }
0x2d: {  	s3 =	simm.s32 $0x108;
	s8 =	sld [smem:$0x3F98]  }
0x2e: {  	s3 =	simm.s32 @!p0 $0x1082;
	s9 =	sld [smem:$0x3F99]  }
0x2f: {  	lr =	sadd.s32 s0, s3;
	s0 =	sld [smem:$0x3F90]  }
0x30: {  	s3 =	sld [smem:$0x3F93]  }
0x31: {  	[smem:$0x3F9C] =	sst s10  }
0x32: {  	s10 =	sld [smem:$0x3F9A];
	_ =	sdelay $0x3  }
0x33: {  	p0 =	seq.s32 s10, $0x1;
	s10 =	sld [smem:$0x3F9C];
	_ =	sdelay $0x3  }
0x34: {  	[smem:$0x3F9C] =	sst s10  }
0x35: {  	s10 =	sld [smem:$0x3F9B];
	_ =	sdelay $0x3  }
0x36: {  	p1 =	seq.s32 s10, $0x1;
	s10 =	sld [smem:$0x3F9C];
	_ =	sdelay $0x3  }
0x37: {  	[smem:$0x3F9C] =	sst s10  }
0x38: {  	s10 =	sld [smem:$0x3F9D]  }
0x39: {  	_ = 	snop;
	(pc) =	sbr.ind lr, $3  }
0x3a: {  	_ = 	snop  }
0x3b: {  	_ = 	snop  }
0x3c: {  	p2 =	seq.s32 s10, $0x1;
	s10 =	sld [smem:$0x3F9C]  }
0x3d: {  	_ =	shalt  }
0x3e: {  	_ =	shalt  }
0x3f: {  	_ =	shalt  }
0x40: {  	_ =	shalt  }
0x41: {  	_ =	shalt  }
0x42: {  	_ =	shalt  }
0x43: {  	_ =	shalt  }
0x44: {  	_ =	shalt  }
0x45: {  	_ =	shalt  }
0x46: {  	_ =	shalt  }
0x47: {  	_ =	shalt  }
0x48: {  	_ =	shalt  }
0x49: {  	_ =	shalt  }
0x4a: {  	_ =	shalt  }
0x4b: {  	_ =	shalt  }
0x4c: {  	_ =	shalt  }
0x4d: {  	_ =	shalt  }
0x4e: {  	_ =	shalt  }
0x4f: {  	_ =	shalt  }
0x50: {  	_ =	shalt  }
0x51: {  	_ =	shalt  }
0x52: {  	_ =	shalt  }
0x53: {  	_ =	shalt  }
0x54: {  	_ =	shalt  }
0x55: {  	_ =	shalt  }
0x56: {  	_ =	shalt  }
0x57: {  	_ =	shalt  }
0x58: {  	_ =	shalt  }
0x59: {  	_ =	shalt  }
0x5a: {  	_ =	shalt  }
0x5b: {  	_ =	shalt  }
0x5c: {  	_ =	shalt  }
0x5d: {  	_ =	shalt  }
0x5e: {  	_ =	shalt  }
0x5f: {  	_ =	shalt  }
0x60: {  	_ =	shalt  }
0x61: {  	_ =	shalt  }
0x62: {  	_ =	shalt  }
0x63: {  	_ =	shalt  }
0x64: {  	_ =	shalt  }
0x65: {  	_ =	shalt  }
0x66: {  	_ =	shalt  }
0x67: {  	_ =	shalt  }
0x68: {  	_ =	shalt  }
0x69: {  	_ =	shalt  }
0x6a: {  	_ =	shalt  }
0x6b: {  	_ =	shalt  }
0x6c: {  	_ =	shalt  }
0x6d: {  	_ =	shalt  }
0x6e: {  	_ =	shalt  }
0x6f: {  	_ =	shalt  }
0x70: {  	_ =	shalt  }
0x71: {  	_ =	shalt  }
0x72: {  	_ =	shalt  }
0x73: {  	_ =	shalt  }
0x74: {  	_ =	shalt  }
0x75: {  	_ =	shalt  }
0x76: {  	_ =	shalt  }
0x77: {  	_ =	shalt  }
0x78: {  	_ =	shalt  }
0x79: {  	_ =	shalt  }
0x7a: {  	_ =	shalt  }
0x7b: {  	_ =	shalt  }
0x7c: {  	_ =	shalt  }
0x7d: {  	_ =	shalt  }
0x7e: {  	_ =	shalt  }
0x7f: {  	_ =	shalt  }
0x80: {  	_ =	shalt  }
0x81: {  	_ =	shalt  }
0x82: {  	_ =	shalt  }
0x83: {  	_ =	shalt  }
0x84: {  	_ =	shalt  }
0x85: {  	_ =	shalt  }
0x86: {  	_ =	shalt  }
0x87: {  	_ =	shalt  }
.Lfunc_end0:
.L_simem_size_0:
called_computation.2_lowered:
.L_overlay_start_0:
0x88: {  	s2 =	sld [smem:$0x3FD9]  }
0x89: {  	s3 =	sld [smem:$0x3FFE];
	_ =	sdelay $0x1  }
0x8a: {  	s1 =	srdreg.scid  }
0x8b: {  	s0 =	sand.u32 $0x1, s1  }
0x8c: {  	s10 =	sshll.u32 s0, $0xA;
	s2 =	sadd.s32 s3, s2  }
0x8d: {  	s2 =	sadd.s32 s2, s10  }
0x8e: {  	[smem:$0x3FA8] =	sst s2  }
0x8f: {  	_ = 	snop  }
0x90: {  	s2 =	sld [smem:$0x3FD0];
	_ =	sdelay $0x2  }
0x91: {  	s11 =	simm.s32 $0xF;
	s4 =	simm.s32 $0x10  }
0x92: {  	[smem:s4], [sflag:s11] =	dma.local [hbm:s2], $0x1  }
0x93: {  	_ =	swait.eq [sflag:s11], $0x1  }
0x94: {  	[sflag:s11] =	ssyncset.done $0x0  }
0x95: {  	[sflag:s11] =	ssyncadd.s32 $0xFFFFFFFF  }
0x96: {  	s12 =	sld [smem:$0x11];
	(tm) =	ssettm $0x1  }
0x97: {  	s13 =	sld [smem:$0x3FFB];
	_ =	sdelay $0x3  }
0x98: {  	_ =	strace s13  }
0x99: {  	s2 =	sld [smem:$0x3FFC];
	_ =	sdelay $0x3  }
0x9a: {  	_ =	strace s2  }
0x9b: {  	s2 =	sld [smem:$0x3FFD];
	_ =	sdelay $0x3  }
0x9c: {  	_ =	strace s2  }
0x9d: {  	_ =	strace $0x8FFFFFFF  }
0x9e: {  	s14 =	sld [smem:$0x3FDB];
	_ =	sdelay $0x1  }
0x9f: {  	s15 =	simm.s32 $_scs_section_size  }
0xa0: {  	s5 =	simm.s32 $_size__tile_overlayer_lowered;
	s6 =	simm.s32 $_tile_overlayer_lowered  }
0xa1: {  	s19 =	simm.s32 $0x1BFF;
	s17 =	sshll.u32 s6, $0x1;
	s7 =	sadd.s32 s15, s14  }
0xa2: {  	s20 =	simm.s32 $0x0;
	s16 =	sshll.u32 s5, $0x1;
	s18 =	sadd.s32 s17, s7  }
0xa3: {  	[timem:s20], [sflag:s19] =	dma.local [hbm:s18], s16  }
0xa4: {  	_ =	swait.ge [sflag:s19], s16  }
0xa5: {  	s4 =	ssub.s32 $0x0, s16;
	[sflag:s19] =	ssyncset.done $0x0  }
0xa6: {  	[sflag:s19] =	ssyncadd.s32 s4;
	_ =	sdelay $0x1  }
0xa7: {  	s21 =	simm.s32 $0x1B8B  }
0xa8: {  	_ =	swait.ge [sflag:s21], $0x1  }
0xa9: {  	[sflag:s21] =	ssyncset.done $0x0  }
0xaa: {  	[sflag:s21] =	ssyncadd.s32 $0xFFFFFFFF  }
0xab: {  	s4 =	sld [smem:$0x0]  }
0xac: {  	s5 =	sand.u32 $0xFFFFFFFE, s1  }
0xad: {  	p0 =	sne.s32 s1, s5  }
0xae: {  	s5 =	sshll.u32 @p0 s5, $0xE  }
0xaf: {  	s6 =	sadd.s32 @p0 $0x11B8D, s5;
	s8 =	sshll.u32 @p0 s4, $0x11  }
0xb0: {  	s6 =	sor.u32 @p0 s8, s6  }
0xb1: {  	[sflag:s6] =	ssyncadd.remote.s32 @p0 $0x1;
	_ =	sdelay $0x1  }
0xb2: {  	s6 =	simm.s32 @p0 $0x1B8D  }
0xb3: {  	_ =	swait.eq @p0 [sflag:s6], $0x1  }
0xb4: {  	[sflag:s6] =	ssyncadd.s32 @p0 $0xFFFFFFFF  }
0xb5: {  	s8 =	sshll.u32 @!p0 s1, $0xE  }
0xb6: {  	s8 =	sor.u32 @!p0 $0x4000, s8;
	s6 =	simm.s32 @!p0 $0x1B8D  }
0xb7: {  	s10 =	sshll.u32 @!p0 s4, $0x11;
	s9 =	sadd.s32 @!p0 $0x11B8D, s8;
	_ =	swait.eq @!p0 [sflag:s6], $0x1  }
0xb8: {  	[sflag:s6] =	ssyncadd.s32 @!p0 $0xFFFFFFFF;
	s6 =	sor.u32 @!p0 s10, s9  }
0xb9: {  	s23 =	simm.s32 $0x1B8E;
	s22 =	sld [smem:$0x3FFE];
	[sflag:s6] =	ssyncadd.remote.s32 @!p0 $0x1  }
0xba: {  	s24 =	simm.s32 $execute0_lowered;
	[smem:$0x3FD2] =	sst s23  }
0xbb: {  	s9 =	sshll.u32 s24, $0x1;
	_ =	strace $0x8000005E;
	[dreg:$0x1] =	wrdreg $0xFFFFFFFF  }
0xbc: {  	s25 =	simm.s32 $_size_execute0_lowered;
	s9 =	sadd.s32 s7, s9;
	[dreg:$0x0] =	wrdreg $0x0  }
0xbd: {  	s10 =	sshll.u32 s25, $0x1;
	[dreg:$0x2] =	wrdreg s9  }
0xbe: {  	[dreg:$0x3] =	wrdreg s10  }
0xbf: {  	[dreg:$0x4] =	wrdreg $0xC0  }
0xc0: {  	s26 =	simm.s32 $execute1_lowered;
	_ =	task [dreg:s20], $0x5FFFF  }
0xc1: {  	s9 =	sshll.u32 s26, $0x1;
	[dreg:$0x1] =	wrdreg $0xFFFFFFFF  }
0xc2: {  	s7 =	sadd.s32 s7, s9;
	[dreg:$0x0] =	wrdreg $0x60  }
0xc3: {  	[dreg:$0x2] =	wrdreg s7  }
0xc4: {  	[dreg:$0x3] =	wrdreg s22  }
0xc5: {  	[dreg:$0x4] =	wrdreg $0xB  }
0xc6: {  	_ =	task.clear_ibuf [dreg:s20], $0x5FFFF;
	_ =	strace $0x9000005E  }
0xc7: {  	s28 =	simm.s32 $0xB;
	_ =	strace $0x80000060  }
0xc8: {  	_ =	swait.ge [sflag:s28], $0x1  }
0xc9: {  	[sflag:s28] =	ssyncadd.s32 $0xFFFFFFFF  }
0xca: {  	_ =	strace $0x90000060  }
0xcb: {  	s7 =	sld [smem:$0x0];
	_ =	sdelay $0x3  }
0xcc: {  	s5 =	sadd.s32 @p0 $0x11BF3, s5;
	s9 =	sshll.u32 @p0 s7, $0x11  }
0xcd: {  	s5 =	sor.u32 @p0 s9, s5  }
0xce: {  	[sflag:s5] =	ssyncadd.remote.s32 @p0 $0x1;
	_ =	sdelay $0x1  }
0xcf: {  	s5 =	simm.s32 @p0 $0x1BF3  }
0xd0: {  	_ =	swait.eq @p0 [sflag:s5], $0x1  }
0xd1: {  	[sflag:s5] =	ssyncadd.s32 @p0 $0xFFFFFFFF;
	_ =	sdelay $0x1  }
0xd2: {  	s5 =	simm.s32 @!p0 $0x1BF3  }
0xd3: {  	s8 =	sadd.s32 @!p0 $0x11BF3, s8;
	s7 =	sshll.u32 @!p0 s7, $0x11;
	_ =	swait.eq @!p0 [sflag:s5], $0x1  }
0xd4: {  	[sflag:s5] =	ssyncadd.s32 @!p0 $0xFFFFFFFF;
	s5 =	sor.u32 @!p0 s7, s8  }
0xd5: {  	[sflag:s5] =	ssyncadd.remote.s32 @!p0 $0x1  }
0xd6: {  	_ =	strace $0x80000061;
	[dreg:$0x1] =	wrdreg $0xFFFFFFFF  }
0xd7: {  	[dreg:$0x0] =	wrdreg $0x2030  }
0xd8: {  	[dreg:$0x2] =	wrdreg s22  }
0xd9: {  	[dreg:$0x3] =	wrdreg s12  }
0xda: {  	[dreg:$0x4] =	wrdreg s1  }
0xdb: {  	[dreg:$0x5] =	wrdreg s4  }
0xdc: {  	[dreg:$0x6] =	wrdreg $0xC  }
0xdd: {  	_ =	task.clear_ibuf [dreg:s20], $0x7FFFF;
	_ =	strace $0x90000061  }
0xde: {  	s29 =	simm.s32 $0xC;
	_ =	strace $0x80000063  }
0xdf: {  	_ =	swait.ge [sflag:s29], $0x1  }
0xe0: {  	[sflag:s29] =	ssyncadd.s32 $0xFFFFFFFF  }
0xe1: {  	_ =	strace $0x90000063  }
0xe2: {  	_ =	sfence  }
0xe3: {  	s30 =	sld [smem:$0x0];
	_ =	sdelay $0x2  }
0xe4: {  	s31 =	sshll.u32 s1, $0xD;
	s1 =	sshrl.u32 s1, $0x2  }
0xe5: {  	s4 =	sand.u32 $0x4000, s31;
	s1 =	sadd.s32 s1, s30  }
0xe6: {  	s0 =	sor.u32 s4, s0;
	s1 =	sshll.u32 s1, $0x11  }
0xe7: {  	s0 =	sor.u32 s1, s0  }
0xe8: {  	s0 =	sadd.s32 $0x8F2B, s0  }
0xe9: {  	[sflag:s0] =	ssyncadd.remote.s32 $0x1  }
0xea: {  	_ =	sfence.sel $0xFFFF  }
0xeb: {  	[dreg:$0x0] =	wrdreg $0xFFFFFFFF;
	(pc) =	sbr.abs _section_cstart, $3  }
0xec: {  	[dreg:$0x1] =	wrdreg $0xFFFFFFFF  }
0xed: {  	_ =	task.clear_ibuf [dreg:s20], $0x2FFFF;
	_ =	strace $0x9FFFFFFF  }
0xee: {  	(tm) =	ssettm $0x7FFFFFFF  }
0xef: {  	_ =	shalt  }
tec
execute0_lowered:
.L_overlay_start_1:
0x0: {  	(tag) =	ssettag $0x1  }
0x1: {  	s2 =	rddreg [dreg:$0x0]  }
0x2: {  	s4 =	rddreg [dreg:$0x1]  }
0x3: {  	s0 =	rddreg [dreg:$0x2];
	s3 =	stileid.u32  }
0x4: {  	[bflag:$0x3] =	sbarrier.arrive $0xFFFF;
	s1 =	simm.s32 $_size_execute1_lowered;
	s29 =	srdreg.scid  }
0x5: {  	s7 =	simm.s32 $0x2;
	s8 =	simm.s32 $0x0;
	p0 =	sne.s32 s3, $0x0  }
0x6: {  	s1 =	sshll.u32 s1, $0x1;
	s5 =	simm.s32 @!p0 $0x1C3F;
	s6 =	simm.s32 @!p0 $0x4060  }
0x7: {  	[timem:s6], [sflag:s5] =	dma.local @!p0 [hbm:s2], s1  }
0x8: {  	s12 =	simm.s32 $0x0;
	s10 =	simm.s32 $0x0;
	s2 =	sshll.u32 s29, $0x7  }
.Ltmp0:
0x9: {  	s3 =	sshll.u32 s3, $0x8;
	s30 =	sand.u32 $0x80, s2;
	(pc) =	sbr.rel .LBB2_1-.Ltmp0, $4  }
0xa: {  	s11 =	simm.s32 $0x0;
	s5 =	simm.s32 $0x1;
	s3 =	sor.u32 s3, s30  }
0xb: {  	_ =	strace $0x8000005F;
	s2 =	sadd.s32 $0x6A800, s4;
	s31 =	ssub.s32 $0x2700, s3  }
0xc: {  	s4 =	sadd.s32 $0xB8C00, s4;
	[sflag:s5] =	ssyncpa.u1 $0x0;
	s6 =	sshrl.u32 s31, $0xC  }
0xd: {  	[sflag:s7] =	ssyncpa.u1 $0x0;
	s9 =	smov.u32 s3;
	s7 =	sadd.s32 $0x2, s6  }
.LBB2_4:
0xe: {  	_ = 	snop  }
.LBB2_7:
0xf: {  	_ =	sdelay $0x3  }
0x10: {  	[tilespmem:v0+s16+$0x0 ss:$0x1] =	vst.idx.msk @p1 $0xffff, v2  }
0x11: {  	v56 =	vld.idx.msk [tilespmem:v1+s15+$0x0 ss:$0x1], $0xffff;
	s24 =	sor.u32 $0x70, s15;
	[tilespmem:v0+s17+$0x0 ss:$0x1] =	vst.idx.msk @p1 $0xffff, v4  }
0x12: {  	s25 =	sor.u32 $0x10, s15;
	[tilespmem:v0+s18+$0x0 ss:$0x1] =	vst.idx.msk @p1 $0xffff, v3;
	v57 =	vld.idx.msk [tilespmem:v1+s24+$0x0 ss:$0x1], $0xffff  }
0x13: {  	s26 =	sor.u32 $0x20, s15;
	[tilespmem:v0+s19+$0x0 ss:$0x1] =	vst.idx.msk @p1 $0xffff, v5;
	v58 =	vld.idx.msk [tilespmem:v1+s25+$0x0 ss:$0x1], $0xffff  }
0x14: {  	s28 =	sor.u32 $0x30, s15;
	[tilespmem:v0+s20+$0x0 ss:$0x1] =	vst.idx.msk @p1 $0xffff, v6;
	v59 =	vld.idx.msk [tilespmem:v1+s26+$0x0 ss:$0x1], $0xffff  }
0x15: {  	s29 =	sor.u32 $0x40, s15;
	[tilespmem:v0+s21+$0x0 ss:$0x1] =	vst.idx.msk @p1 $0xffff, v7;
	v60 =	vld.idx.msk [tilespmem:v1+s28+$0x0 ss:$0x1], $0xffff  }
0x16: {  	s30 =	sor.u32 $0x50, s15;
	v61 =	vld.idx.msk [tilespmem:v1+s29+$0x0 ss:$0x1], $0xffff;
	[tilespmem:v0+s15+$0x0 ss:$0x1] =	vst.idx.msk $0xffff, v56  }
0x17: {  	s31 =	sor.u32 $0x60, s15;
	v62 =	vld.idx.msk [tilespmem:v1+s30+$0x0 ss:$0x1], $0xffff;
	[tilespmem:v0+s24+$0x0 ss:$0x1] =	vst.idx.msk $0xffff, v57  }
0x18: {  	v63 =	vld.idx.msk [tilespmem:v1+s31+$0x0 ss:$0x1], $0xffff;
	[tilespmem:v0+s25+$0x0 ss:$0x1] =	vst.idx.msk $0xffff, v58  }
0x19: {  	[tilespmem:v0+s26+$0x0 ss:$0x1] =	vst.idx.msk $0xffff, v59  }
0x1a: {  	[tilespmem:v0+s28+$0x0 ss:$0x1] =	vst.idx.msk $0xffff, v60  }
0x1b: {  	[tilespmem:v0+s29+$0x0 ss:$0x1] =	vst.idx.msk $0xffff, v61  }
0x1c: {  	[tilespmem:v0+s30+$0x0 ss:$0x1] =	vst.idx.msk $0xffff, v62  }
0x1d: {  	[tilespmem:v0+s31+$0x0 ss:$0x1] =	vst.idx.msk $0xffff, v63  }
.LBB2_8:
0x1e: {  	s15 =	sand.u32 $0x1FFFFFF, s10  }
0x1f: {  	s16 =	smulhi.u32 $0x1A36E2F, s15;
	_ =	sdelay $0x1  }
0x20: {  	s16 =	sshrl.u32 s16, $0x6  }
0x21: {  	s16 =	smul.u32 $0x2710, s16;
	_ =	sdelay $0x1  }
0x22: {  	s15 =	ssub.s32 s15, s16  }
0x23: {  	s15 =	sshll.u32 s15, $0x4  }
0x24: {  	s15 =	sadd.s32 s4, s15  }
0x25: {  	[hbm4b:s15+s8] =	stream.linear.scatter [tilespmem:s14], [sflag:$0x2], s13, $0x38;
	[tilespmem:$0x10000] =	vst v63  }
.LBB2_9:
0x26: {  	p1 =	slt.u32 s11, $0x2  }
0x27: {  	p2 =	sgt.s32 @!p1 s12, $0x2690  }
0x28: {  	s13 =	smov.u32 s12;
	s14 =	sshra.s32 @!p1 s12, $0x1F;
	p2 =	por !p2, p1  }
0x29: {  	s12 =	sand.u32 @!p1 s14, s12;
	s13 =	simm.s32 @p2 $0x2690  }
0x2a: {  	s12 =	ssub.s32 @!p1 s13, s12  }
0x2b: {  	s12 =	sadd.s32 @!p1 $0xFFFFD970, s12  }
0x2c: {  	s13 =	sshll.u32 @!p1 s12, $0x9  }
0x2d: {  	p2 =	sgt.s32 @!p1 s12, $0x7F;
	s12 =	ssub.s32 @!p1 $0x10000, s13  }
0x2e: {  	s14 =	sadd.s32 $0x1000, s9;
	p2 =	por !p2, p1;
	s12 =	sshrl.u32 @!p1 s12, $0x2  }
0x2f: {  	s12 =	simm.s32 @!p2 $0x0;
	p2 =	sgt.s32 s14, $0x270F  }
0x30: {  	s14 =	smov.u32 @p2 s3;
	p2 =	sne.s32 s11, s7  }
.Ltmp1:
0x31: {  	_ = 	snop;
	(pc) =	sbr.rel @!p2 .LBB2_10-.Ltmp1, $4  }
0x32: {  	s13 =	simm.s32 @!p1 $0x2  }
0x33: {  	_ =	swait.ge @!p1 [sflag:s13], s12;
	s15 =	ssub.s32 @!p1 $0x0, s12  }
0x34: {  	s12 =	smov.u32 s10;
	s11 =	sadd.s32 $0x1, s11;
	[sflag:s13] =	ssyncset.done @!p1 $0x0  }
0x35: {  	s10 =	smov.u32 s9;
	s9 =	smov.u32 s14;
	[sflag:s13] =	ssyncadd.s32 @!p1 s15  }
.LBB2_1:
0x36: {  	p1 =	sgt.u32 s11, s6  }
0x37: {  	s13 =	sand.u32 @!p1 $0x1FFFFFF, s9  }
0x38: {  	p2 =	sgt.s32 @!p1 s9, $0x2690;
	s14 =	smulhi.u32 @!p1 $0x1A36E2F, s13  }
0x39: {  	s15 =	smov.u32 s9;
	s16 =	sshra.s32 @!p1 s9, $0x1F;
	p2 =	por !p2, p1  }
0x3a: {  	s16 =	sand.u32 @!p1 s16, s9;
	s15 =	simm.s32 @p2 $0x2690;
	s14 =	sshrl.u32 @!p1 s14, $0x6  }
0x3b: {  	s15 =	ssub.s32 @!p1 s15, s16;
	s14 =	smul.u32 @!p1 $0x2710, s14  }
0x3c: {  	s16 =	sxor.u32 @!p1 $0xFFFFFFFF, s11;
	s15 =	sadd.s32 @!p1 $0xFFFFD970, s15  }
0x3d: {  	s16 =	sshll.u32 @!p1 s16, $0xE;
	s13 =	ssub.s32 @!p1 s13, s14;
	s14 =	sshll.u32 @!p1 s15, $0x9  }
0x3e: {  	s16 =	sand.u32 @!p1 $0x4000, s16;
	p2 =	sgt.s32 @!p1 s15, $0x7F;
	s14 =	ssub.s32 @!p1 $0x10000, s14  }
0x3f: {  	p2 =	por !p2, p1;
	s13 =	sshll.u32 @!p1 s13, $0x4;
	s14 =	sshrl.u32 @!p1 s14, $0x2  }
0x40: {  	s15 =	simm.s32 @!p1 $0x0;
	s13 =	sadd.s32 @!p1 s2, s13;
	s14 =	simm.s32 @!p2 $0x0  }
0x41: {  	[tilespmem:s16], [sflag:$0x1] =	stream.linear.gather @!p1 [hbm4b:s13+s15], s14, $0x38;
	[tilespmem:$0x10000] =	vst v63  }
0x42: {  	p1 =	seq.s32 s11, $0x0  }
0x43: {  	p2 =	sge.u32 @!p1 s11, s7  }
0x44: {  	p1 =	por p1, p2  }
.Ltmp2:
0x45: {  	_ = 	snop;
	(pc) =	sbr.rel @p1 .LBB2_9-.Ltmp2, $1  }
0x46: {  	_ =	sdelay $0x3  }
0x47: {  	p1 =	sgt.s32 s10, $0x2690;
	s13 =	smov.u32 s10;
	s14 =	sshra.s32 s10, $0x1F  }
0x48: {  	s13 =	simm.s32 @!p1 $0x2690;
	s14 =	sand.u32 s14, s10  }
0x49: {  	s13 =	ssub.s32 s13, s14  }
0x4a: {  	s13 =	sadd.s32 $0xFFFFD970, s13  }
0x4b: {  	s31 =	sshll.u32 s13, $0x9  }
0x4c: {  	s14 =	ssub.s32 $0x10000, s31  }
0x4d: {  	p1 =	sgt.s32 s13, $0x7F;
	s13 =	sshrl.u32 s14, $0x2;
	s14 =	sadd.s32 $0x80, s10  }
0x4e: {  	s13 =	simm.s32 @p1 $0x0;
	p1 =	slt.s32 s14, $0x2710  }
0x4f: {  	s14 =	simm.s32 @!p1 $0x2710  }
0x50: {  	s16 =	ssub.s32 s14, s10  }
0x51: {  	p1 =	slt.s32 s16, $0x1  }
.Ltmp3:
0x52: {  	_ = 	snop;
	(pc) =	sbr.rel @p1 .LBB2_8-.Ltmp3, $4  }
0x53: {  	_ = 	snop  }
0x54: {  	s15 =	sshll.u32 s11, $0xE;
	_ =	swait.ge [sflag:s5], s13  }
0x55: {  	s15 =	sand.u32 $0x4000, s15;
	s17 =	ssub.s32 $0x0, s13;
	[sflag:s5] =	ssyncset.done $0x0  }
0x56: {  	s14 =	sor.u32 $0x8000, s15;
	[sflag:s5] =	ssyncadd.s32 s17  }
0x57: {  	p2 =	sne.s32 s16, $0x1  }
.Ltmp4:
0x58: {  	v1 =	vmov s15;
	v0 =	vmov s14;
	(pc) =	sbr.rel @!p2 .LBB2_4-.Ltmp4, $3  }
0x59: {  	_ =	sdelay $0x1  }
0x5a: {  	s17 =	simm.s32 $0x0  }
0x5b: {  	s23 =	sadd.s32 $0xFFFFFFFF, s16;
	p1 =	por $0x0, $0x0;
	s15 =	sand.u32 $0x3F80, s17  }
0x5c: {  	_ =	sdelay $0x3  }
0x5d: {  	v6 =	vld.idx.msk [tilespmem:v1+s15+$0x0 ss:$0x1], $0xffff;
	s24 =	sor.u32 $0x70, s15  }
0x5e: {  	s16 =	sor.u32 $0x10, s15;
	v8 =	vld.idx.msk [tilespmem:v1+s24+$0x0 ss:$0x1], $0xffff  }
0x5f: {  	s17 =	sor.u32 $0x20, s15;
	p2 =	sne.s32 s23, $0x1;
	v2 =	vld.idx.msk [tilespmem:v1+s16+$0x0 ss:$0x1], $0xffff  }
.Ltmp5:
0x60: {  	s18 =	sor.u32 $0x30, s15;
	v4 =	vld.idx.msk [tilespmem:v1+s17+$0x0 ss:$0x1], $0xffff;
	(pc) =	sbr.rel @!p2 .LBB2_7-.Ltmp5, $4  }
0x61: {  	s19 =	sor.u32 $0x40, s15;
	v3 =	vld.idx.msk [tilespmem:v1+s18+$0x0 ss:$0x1], $0xffff  }
0x62: {  	s21 =	sor.u32 $0x60, s15;
	v5 =	vld.idx.msk [tilespmem:v1+s19+$0x0 ss:$0x1], $0xffff  }
0x63: {  	s20 =	sor.u32 $0x50, s15;
	s22 =	simm.s32 $0x80;
	v7 =	vld.idx.msk [tilespmem:v1+s21+$0x0 ss:$0x1], $0xffff;
	[tilespmem:v0+s15+$0x0 ss:$0x1] =	vst.idx.msk $0xffff, v6  }
0x64: {  	s23 =	sadd.s32 $0xFFFFFFFF, s23;
	p1 =	por $0x1, $0x1;
	v6 =	vld.idx.msk [tilespmem:v1+s20+$0x0 ss:$0x1], $0xffff;
	s15 =	sand.u32 $0x3F80, s22;
	[tilespmem:v0+s24+$0x0 ss:$0x1] =	vst.idx.msk $0xffff, v8  }
.LBB2_6:
0x65: {  	p2 =	sne.s32 s23, $0x1;
	v8 =	vld.idx.msk [tilespmem:v1+s15+$0x0 ss:$0x1], $0xffff;
	s24 =	sor.u32 $0x70, s15;
	[tilespmem:v0+s16+$0x0 ss:$0x1] =	vst.idx.msk $0xffff, v2;
	s16 =	sor.u32 $0x10, s15  }
0x66: {  	s25 =	sor.u32 $0x30, s15;
	s26 =	sor.u32 $0x40, s15;
	v9 =	vld.idx.msk [tilespmem:v1+s24+$0x0 ss:$0x1], $0xffff;
	[tilespmem:v0+s17+$0x0 ss:$0x1] =	vst.idx.msk $0xffff, v4;
	s17 =	sor.u32 $0x20, s15  }
0x67: {  	s28 =	sor.u32 $0x50, s15;
	s29 =	sor.u32 $0x60, s15;
	v2 =	vld.idx.msk [tilespmem:v1+s16+$0x0 ss:$0x1], $0xffff;
	[tilespmem:v0+s18+$0x0 ss:$0x1] =	vst.idx.msk $0xffff, v3;
	s18 =	smov.u32 s25  }
.Ltmp6:
0x68: {  	v4 =	vld.idx.msk [tilespmem:v1+s17+$0x0 ss:$0x1], $0xffff;
	[tilespmem:v0+s19+$0x0 ss:$0x1] =	vst.idx.msk $0xffff, v5;
	s19 =	smov.u32 s26;
	(pc) =	sbr.rel @p2 .LBB2_6-.Ltmp6, $4  }
0x69: {  	v3 =	vld.idx.msk [tilespmem:v1+s18+$0x0 ss:$0x1], $0xffff;
	[tilespmem:v0+s20+$0x0 ss:$0x1] =	vst.idx.msk $0xffff, v6;
	s20 =	smov.u32 s28  }
0x6a: {  	v5 =	vld.idx.msk [tilespmem:v1+s19+$0x0 ss:$0x1], $0xffff;
	[tilespmem:v0+s21+$0x0 ss:$0x1] =	vst.idx.msk $0xffff, v7;
	s21 =	smov.u32 s29  }
0x6b: {  	s22 =	sadd.s32 $0x80, s22;
	[tilespmem:v0+s15+$0x0 ss:$0x1] =	vst.idx.msk $0xffff, v8;
	v6 =	vld.idx.msk [tilespmem:v1+s20+$0x0 ss:$0x1], $0xffff  }
0x6c: {  	s23 =	sadd.s32 $0xFFFFFFFF, s23;
	s15 =	sand.u32 $0x3F80, s22;
	v7 =	vld.idx.msk [tilespmem:v1+s21+$0x0 ss:$0x1], $0xffff;
	[tilespmem:v0+s24+$0x0 ss:$0x1] =	vst.idx.msk $0xffff, v9  }
.Ltmp7:
0x6d: {  	_ = 	snop;
	(pc) =	sbr.rel .LBB2_7-.Ltmp7, $1  }
0x6e: {  	_ =	sdelay $0x3  }
.LBB2_10:
0x6f: {  	_ =	sfence.sel $0x180000  }
0x70: {  	s2 =	simm.s32 $0x1;
	[bflag:$0x0] =	sbarrier.arrive $0xFFFF  }
0x71: {  	s31 =	simm.s32 $0x2;
	[sflag:s2] =	ssyncpa.u1 $0x1  }
0x72: {  	[sflag:s31] =	ssyncpa.u1 $0x1  }
0x73: {  	_ =	strace $0x9000005F  }
0x74: {  	s0 =	sadd.s32 @!p0 $0x100000, s0;
	[bflag:$0x2] =	sbarrier.arrive $0xFFFF  }
0x75: {  	[sflag:s0] =	ssyncadd.tile.s32 @!p0 $0x1;
	s0 =	simm.s32 @!p0 $0x3F  }
0x76: {  	_ =	swait.ge @!p0 [sflag:s0], s1  }
0x77: {  	s1 =	ssub.s32 @!p0 $0x0, s1;
	[sflag:s0] =	ssyncset.done @!p0 $0x0  }
0x78: {  	[sflag:s0] =	ssyncadd.s32 @!p0 s1  }
0x79: {  	[bflag:$0x3] =	sbarrier.arrive $0xFFFF  }
0x7a: {  	_ =	shalt  }
.Lfunc_end2:
execute1_lowered:
.L_overlay_start_2:
0x7b: {  	(tag) =	ssettag $0x2  }
0x7c: {  	s2 =	rddreg [dreg:$0x0]  }
0x7d: {  	s9 =	rddreg [dreg:$0x1]  }
0x7e: {  	s3 =	rddreg [dreg:$0x2];
	_ =	strace $0x80000062;
	s0 =	simm.s32 $0x1  }
0x7f: {  	v0 =	vimm.s32 $0x0;
	[sflag:s0] =	ssyncpa.u1 $0x0;
	s0 =	simm.s32 $0x108  }
0x80: {  	[tilespmem:s0+$0x70] =	vst v0  }
0x81: {  	[tilespmem:s0+$0x60] =	vst v0  }
0x82: {  	[tilespmem:s0+$0x50] =	vst v0  }
0x83: {  	[tilespmem:s0+$0x40] =	vst v0  }
0x84: {  	[tilespmem:s0+$0x30] =	vst v0  }
0x85: {  	s1 =	sadd.s32 $0xB8C00, s2;
	s15 =	sadd.s32 $0x2F400, s2;
	[tilespmem:s0+$0x20] =	vst v0  }
0x86: {  	s14 =	sadd.s32 $0x39200, s2;
	s5 =	sand.u32 $0x1, s3;
	s3 =	simm.s32 $0x40;
	[tilespmem:s0+$0x10] =	vst v0  }
.LBB3_1:
0x87: {  	s3 =	sadd.s32 $0x40, s3;
	[tilespmem:s0+$0x0] =	vst v0;
	s0 =	sadd.s32 $0x80, s0  }
0x88: {  	p0 =	slt.u32 s3, $0x3C40;
	[tilespmem:s0+$0x70] =	vst v0  }
0x89: {  	[tilespmem:s0+$0x60] =	vst v0  }
.Ltmp8:
0x8a: {  	[tilespmem:s0+$0x50] =	vst v0;
	(pc) =	sbr.rel @p0 .LBB3_1-.Ltmp8, $4  }
0x8b: {  	[tilespmem:s0+$0x40] =	vst v0  }
0x8c: {  	[tilespmem:s0+$0x30] =	vst v0  }
0x8d: {  	[tilespmem:s0+$0x20] =	vst v0  }
0x8e: {  	[tilespmem:s0+$0x10] =	vst v0  }
0x8f: {  	s6 =	stileid.u32  }
0x90: {  	s2 =	smul.u32 $0x29, s6  }
0x91: {  	s3 =	smin.u32 s6, $0xB  }
0x92: {  	s2 =	sadd.s32 s3, s2  }
0x93: {  	p0 =	slt.u32 s6, $0xB;
	s7 =	smul.u32 $0xF0, s2;
	s2 =	simm.s32 $0x2760  }
0x94: {  	s2 =	simm.s32 @!p0 $0x2670  }
0x95: {  	s2 =	sadd.s32 s2, s7  }
0x96: {  	s8 =	smin.u32 s2, $0x27100  }
0x97: {  	s2 =	ssub.s32 s8, s7  }
0x98: {  	p0 =	sgt.s32 s2, $0x0  }
0x99: {  	s29 =	simm.s32 $0x2;
	s10 =	simm.s32 $0x9;
	s2 =	simm.s32 @!p0 $0x0  }
0x9a: {  	s4 =	simm.s32 $0xA;
	s11 =	simm.s32 $0xB;
	s28 =	smulhi.u32 $0x88888889, s2  }
0x9b: {  	[dreg:$0x5] =	wrdreg s5;
	s31 =	smul.u32 $0x4E20, s5;
	s12 =	simm.s32 $0x1  }
0x9c: {  	s22 =	simm.s32 $0x0;
	s18 =	simm.s32 $0xC;
	s30 =	sshrl.u32 s28, $0x7  }
0x9d: {  	s20 =	simm.s32 $0x0;
	s21 =	simm.s32 $0x0;
	s3 =	smul.u32 $0xF0, s30  }
.Ltmp9:
0x9e: {  	[tilespmem:s0+$0x0] =	vst v0;
	v0 =	vimm.s32 $0xFFFFFFFF;
	[sflag:s29] =	ssyncpa.u1 $0x0;
	s16 =	sshll.u32 s6, $0x8;
	(pc) =	sbr.rel .LBB3_3-.Ltmp9, $4  }
0x9f: {  	[tilespmem:$0xF208] =	vst v0;
	[sflag:s10] =	ssyncpa.u1 $0x0;
	p0 =	sne.s32 s2, s3;
	s2 =	simm.s32 $0x1  }
0xa0: {  	s14 =	sadd.s32 s31, s14;
	[sflag:s4] =	ssyncpa.u1 $0x0;
	s2 =	simm.s32 @!p0 $0x0  }
0xa1: {  	s15 =	sadd.s32 s31, s15;
	[sflag:s11] =	ssyncpa.u1 $0x0;
	s13 =	sadd.s32 s2, s30  }
0xa2: {  	v0 =	vlaneseq.u32;
	s19 =	smov.u32 s7;
	p0 =	por $0x0, $0x0;
	s17 =	sadd.s32 $0x1, s13  }
.LBB3_18:
0xa3: {  	s0 =	sshrl.u32 s31, $0x2  }
.LBB3_20:
0xa4: {  	_ =	swait.ge [sflag:s18], s0  }
0xa5: {  	s31 =	ssub.s32 $0x0, s0;
	v1 =	vmov s24;
	vm0 =	veq.s32 v0, $0x0;
	[sflag:s18] =	ssyncset.done $0x0  }
0xa6: {  	vm15 =	veq.s32 v0, $0x2;
	v1 =	vsel vm0, s30, v1;
	[sflag:s18] =	ssyncadd.s32 s31  }
0xa7: {  	v1 =	vsel vm15, s22, v1;
	[sflag:s18] =	ssyncpa.u1 $0x1  }
0xa8: {  	[tilespmem:$0xF208] =	vst v1  }
.LBB3_21:
0xa9: {  	s0 =	sadd.s32 $0xF0, s19  }
0xaa: {  	s2 =	smov.u32 s7;
	p1 =	slt.s32 s0, s8  }
0xab: {  	s2 =	smov.u32 @p1 s0;
	p1 =	sne.s32 s21, s17  }
.Ltmp10:
0xac: {  	_ = 	snop;
	(pc) =	sbr.rel @!p1 .LBB3_22-.Ltmp10, $3  }
0xad: {  	_ =	sdelay $0x1  }
0xae: {  	s22 =	smov.u32 s20;
	s31 =	sadd.s32 $0x1, s21;
	s20 =	smov.u32 s19  }
0xaf: {  	p0 =	por !p0, !p0;
	s21 =	smov.u32 s31;
	s19 =	smov.u32 s2  }
.LBB3_3:
0xb0: {  	p1 =	sge.u32 s21, s13  }
0xb1: {  	s0 =	smulhi.u32 @!p1 $0xAAAAAAAB, s21  }
0xb2: {  	s2 =	smov.u32 s19;
	p2 =	sgt.s32 @!p1 s19, $0x27010  }
0xb3: {  	s3 =	sshra.s32 @!p1 s19, $0x1F;
	p2 =	por !p2, p1;
	s0 =	sshrl.u32 @!p1 s0, $0x1  }
0xb4: {  	s3 =	sand.u32 @!p1 s3, s19;
	s2 =	simm.s32 @p2 $0x27010;
	s0 =	smul.u32 @!p1 $0x3, s0  }
0xb5: {  	s2 =	ssub.s32 @!p1 s2, s3  }
0xb6: {  	s2 =	sadd.s32 @!p1 $0xFFFD8FF0, s2;
	s0 =	ssub.s32 @!p1 s21, s0  }
0xb7: {  	s3 =	sshll.u32 @!p1 s2, $0x2;
	p2 =	sgt.s32 @!p1 s2, $0xEF;
	s0 =	smul.u32 @!p1 $0x3C0, s0  }
0xb8: {  	s4 =	sand.u32 @!p1 $0x7, s19;
	s2 =	ssub.s32 @!p1 $0x3C0, s3;
	p2 =	por !p2, p1  }
0xb9: {  	s3 =	sshrl.u32 @!p1 s19, $0x3;
	s2 =	sshrl.u32 @!p1 s2, $0x2;
	s0 =	sshrl.u32 @!p1 s0, $0x2  }
0xba: {  	s3 =	sadd.s32 @!p1 s3, s14;
	s2 =	simm.s32 @!p2 $0x0;
	s0 =	sadd.s32 @!p1 $0x10248, s0  }
0xbb: {  	[tilespmem:s0], [sflag:$0xA] =	stream.linear.gather @!p1 [hbm4b:s3+s4], s2, $0x38;
	[tilespmem:$0x1F6F8] =	vst v63  }
0xbc: {  	s0 =	sadd.s32 $0xFFFFFFFF, s21  }
0xbd: {  	p1 =	sge.u32 s0, s13  }
0xbe: {  	p2 =	sgt.s32 @!p1 s20, $0x27010  }
0xbf: {  	s2 =	smov.u32 s20;
	s3 =	sshra.s32 @!p1 s20, $0x1F;
	p2 =	por !p2, p1  }
0xc0: {  	s3 =	sand.u32 @!p1 s3, s20;
	s2 =	simm.s32 @p2 $0x27010  }
0xc1: {  	s2 =	ssub.s32 @!p1 s2, s3  }
0xc2: {  	s2 =	sadd.s32 @!p1 $0xFFFD8FF0, s2  }
0xc3: {  	s4 =	sand.u32 @!p1 $0x1, s0;
	s3 =	sshll.u32 @!p1 s2, $0x2  }
0xc4: {  	p2 =	sgt.s32 @!p1 s2, $0xEF;
	s2 =	ssub.s32 @!p1 $0x3C0, s3;
	s3 =	smulhi.u32 @!p1 $0xAAAAAAAB, s0  }
0xc5: {  	s23 =	smul.u32 @!p1 $0x3C0, s4;
	p2 =	por !p2, p1;
	s2 =	sshrl.u32 @!p1 s2, $0x2  }
0xc6: {  	s5 =	simm.s32 @!p1 $0xA;
	s2 =	simm.s32 @!p2 $0x0;
	s3 =	sshrl.u32 @!p1 s3, $0x1  }
0xc7: {  	s23 =	sshrl.u32 @!p1 s23, $0x2;
	_ =	swait.ge @!p1 [sflag:s5], s2;
	s3 =	smul.u32 @!p1 $0x3, s3  }
0xc8: {  	s23 =	sadd.s32 @!p1 $0x10518, s23;
	s24 =	ssub.s32 @!p1 $0x0, s2;
	[sflag:s5] =	ssyncset.done @!p1 $0x0  }
0xc9: {  	[sflag:s5] =	ssyncadd.s32 @!p1 s24;
	s5 =	sshrl.u32 @!p1 s20, $0x3;
	s0 =	ssub.s32 @!p1 s0, s3  }
0xca: {  	s24 =	sand.u32 @!p1 $0x7, s20;
	s5 =	sadd.s32 @!p1 s5, s15;
	s0 =	smul.u32 @!p1 $0x3C0, s0  }
0xcb: {  	[tilespmem:s23], [sflag:$0xB] =	stream.linear.gather @!p1 [hbm4b:s5+s24], s2, $0x38;
	[tilespmem:$0x1F6F8] =	vst v63  }
0xcc: {  	s3 =	ssub.s32 @!p1 $0x27100, s20;
	s2 =	smul.u32 @!p1 $0x1E000, s4  }
0xcd: {  	p2 =	slt.s32 @!p1 s3, $0xF0  }
0xce: {  	p2 =	por !p2, p1;
	s0 =	sshrl.u32 @!p1 s0, $0x2;
	s2 =	sshrl.u32 @!p1 s2, $0x2  }
0xcf: {  	s3 =	simm.s32 @p2 $0xF0;
	s0 =	sadd.s32 @!p1 $0x10248, s0;
	s2 =	sor.u32 @!p1 $0x106F8, s2  }
0xd0: {  	[tilespmem:s2], [sflag:$0x9] =	stream.indirect.gather @!p1 [hbm4b:s9+s3], $0x80, s0, s3, $0xb8;
	[tilespmem:$0x1F6F8] =	vst v63  }
0xd1: {  	p1 =	slt.u32 s21, $0x2  }
.Ltmp11:
0xd2: {  	_ = 	snop;
	(pc) =	sbr.rel @p1 .LBB3_21-.Ltmp11, $1  }
0xd3: {  	_ =	sdelay $0x3  }
0xd4: {  	p1 =	sgt.s32 s22, $0x27010  }
0xd5: {  	s0 =	smov.u32 s22;
	s2 =	sshra.s32 s22, $0x1F;
	s3 =	ssub.s32 $0x27100, s22  }
0xd6: {  	s0 =	simm.s32 @!p1 $0x27010;
	s2 =	sand.u32 s2, s22;
	p1 =	slt.s32 s3, $0xF0  }
0xd7: {  	s0 =	ssub.s32 s0, s2;
	s3 =	simm.s32 @!p1 $0xF0  }
0xd8: {  	s0 =	sadd.s32 $0xFFFD8FF0, s0;
	s25 =	sshll.u32 s3, $0x7  }
0xd9: {  	s26 =	sshll.u32 s0, $0x2;
	s2 =	sand.u32 $0x3FFFFF80, s25  }
0xda: {  	p1 =	sgt.s32 s0, $0xEF;
	s29 =	ssub.s32 $0x3C0, s26;
	_ =	swait.ge [sflag:s10], s2  }
0xdb: {  	s2 =	ssub.s32 $0x0, s2;
	[sflag:s10] =	ssyncset.done $0x0;
	s0 =	sshrl.u32 s29, $0x2  }
0xdc: {  	[sflag:s10] =	ssyncadd.s32 s2;
	s0 =	simm.s32 @p1 $0x0  }
0xdd: {  	_ =	swait.ge [sflag:s11], s0  }
0xde: {  	s0 =	ssub.s32 $0x0, s0;
	[sflag:s11] =	ssyncset.done $0x0  }
0xdf: {  	[sflag:s11] =	ssyncadd.s32 s0  }
0xe0: {  	v1 =	vld [tilespmem:$0xF208];
	_ =	sdelay $0x4  }
0xe1: {  	(v2sf) =	vpush v1, $0x0  }
0xe2: {  	(v2sf) =	vpush v1, $0x1  }
0xe3: {  	(v2sf) =	vpush v1, $0x2;
	_ =	sdelay $0x3  }
0xe4: {  	s0 =	sadd.s32 $0xF0, s22  }
0xe5: {  	s2 =	ssub.s32 $0x4E200, s22;
	p1 =	slt.s32 s8, s0  }
0xe6: {  	s0 =	smov.u32 @p1 s8;
	p1 =	sgt.s32 s2, $0x0  }
0xe7: {  	s26 =	ssub.s32 s0, s22;
	s2 =	simm.s32 @!p1 $0x0  }
0xe8: {  	p1 =	slt.s32 s2, s26  }
0xe9: {  	s26 =	smov.u32 @p1 s2  }
0xea: {  	s25 =	simm.s32 $0x1;
	p1 =	slt.s32 s26, $0x1  }
.Ltmp12:
0xeb: {  	s25 =	simm.s32 @!p0 $0x0;
	(pc) =	sbr.rel @p1 .LBB3_8-.Ltmp12, $4  }
0xec: {  	s31 =	smul.u32 $0x3C0, s25  }
0xed: {  	s28 =	spop (v2sf)  }
0xee: {  	s0 =	sshrl.u32 s31, $0x2;
	s30 =	spop (v2sf)  }
0xef: {  	s23 =	sadd.s32 $0x10518, s0;
	s22 =	spop (v2sf)  }
0xf0: {  	s0 =	smin.u32 s26, $0x10  }
0xf1: {  	v1 =	vmov s0  }
0xf2: {  	p2 =	sgt.s32 s26, $0x10;
	vm1 =	vgt.u32 v1, v0  }
.Ltmp13:
0xf3: {  	_ = 	snop;
	(pc) =	sbr.rel @!p2 .LBB3_7-.Ltmp13, $2  }
0xf4: {  	_ =	sdelay $0x2  }
0xf5: {  	s4 =	simm.s32 $0x10;
	s24 =	sadd.s32 $0xFFFFFFF0, s26;
	s0 =	smov.u32 s23;
	vm0 =	vmmov vm1  }
.LBB3_6:
0xf6: {  	s2 =	smin.u32 s24, $0x10;
	s4 =	sadd.s32 $0x10, s4;
	v1 =	vld.msk [tilespmem:s0+$0x0 ss:$0x1], vm1  }
0xf7: {  	v2 =	vmov s2;
	p2 =	slt.s32 s4, s26  }
0xf8: {  	vm1 =	vgt.u32 v2, v0  }
.Ltmp14:
0xf9: {  	(pc) =	sbr.rel @p2 .LBB3_6-.Ltmp14, $3  }
0xfa: {  	_ =	sdelay $0x1  }
0xfb: {  	v1 =	vshll.u32 v1, $0x4  }
0xfc: {  	s24 =	sadd.s32 $0xFFFFFFF0, s24;
	[tilespmem:s0+$0x0] =	vst.msk vm0, v1;
	s0 =	sadd.s32 $0x10, s0;
	vm0 =	vmmov vm1  }
.LBB3_7:
0xfd: {  	_ =	sdelay $0x4  }
0xfe: {  	v1 =	vld.msk [tilespmem:s0+$0x0 ss:$0x1], vm1;
	_ =	sdelay $0x4  }
0xff: {  	v1 =	vshll.u32 v1, $0x4  }
0x100: {  	[tilespmem:s0+$0x0] =	vst.msk vm0, v1  }
.LBB3_8:
0x101: {  	s0 =	sand.u32 $0x1, s21  }
0x102: {  	s0 =	smul.u32 $0xF0, s0  }
0x103: {  	p2 =	sne.s32 s30, $0xFFFFFFFF  }
0x104: {  	v1 =	vld.msk @!p2 [tilespmem:s0+$0x10518], $0x1;
	_ =	sdelay $0x4  }
0x105: {  	(v2sf) =	vpush @!p2 v1, $0x0;
	_ =	sdelay $0xc  }
.Ltmp15:
0x106: {  	_ = 	snop;
	(pc) =	sbr.rel @p1 .LBB3_19-.Ltmp15, $4  }
0x107: {  	_ = 	snop  }
0x108: {  	s29 =	spop @!p2 (v2sf)  }
0x109: {  	s22 =	simm.s32 @!p2 $0x0;
	s24 =	smov.u32 s29  }
0x10a: {  	[sflag:s18] =	ssyncpa.u1 $0x0;
	s29 =	smov.u32 @p2 s28;
	s24 =	smov.u32 @p2 s30  }
0x10b: {  	v1 =	vld.msk [tilespmem:s23+$0x0], $0x1;
	_ =	sdelay $0x4  }
0x10c: {  	(v2sf) =	vpush v1, $0x0;
	_ =	sdelay $0xe  }
0x10d: {  	s2 =	smul.u32 $0x1E000, s25;
	s0 =	spop (v2sf)  }
0x10e: {  	s26 =	ssub.s32 $0x0, s26;
	p1 =	seq.s32 s29, s0  }
0x10f: {  	s30 =	sadd.s32 $0x1, s26;
	s2 =	sshrl.u32 s2, $0x2;
	p2 =	sgt.s32 @!p1 s29, $0x0  }
0x110: {  	s25 =	sor.u32 $0x10738, s2;
	s2 =	smov.u32 s29;
	p2 =	por !p2, p1  }
0x111: {  	s2 =	simm.s32 @p2 $0x0;
	p2 =	seq.s32 s30, $0x0  }
.Ltmp16:
0x112: {  	_ = 	snop;
	(pc) =	sbr.rel @p2 .LBB3_11-.Ltmp16, $4  }
0x113: {  	_ = 	snop  }
0x114: {  	s28 =	simm.s32 $0x0;
	s31 =	sadd.s32 $0x1, s23;
	s2 =	smin.u32 @!p1 s2, $0x270F0  }
0x115: {  	s4 =	simm.s32 @!p1 $0x1;
	s5 =	simm.s32 @!p1 $0x7988;
	s3 =	sand.u32 @!p1 $0x3FFF8, s2  }
0x116: {  	s4 =	smov.u32 @p1 s28;
	s2 =	sand.u32 @!p1 $0x7, s2;
	s3 =	sadd.s32 @!p1 s1, s3  }
.LBB3_10:
0x117: {  	s6 =	smov.u32 s4  }
0x118: {  	[tilespmem:s5], [sflag:$0x2] =	stream.linear.gather @!p1 [hbm4b:s3+s2], $0x80, $0x38;
	[tilespmem:$0x1F6F8] =	vst v63  }
0x119: {  	s30 =	sadd.s32 $0x1, s30;
	s2 =	smov.u32 s0;
	v1 =	vld.msk [tilespmem:s31+$0x0], $0x1  }
0x11a: {  	p2 =	seq.s32 s30, $0x0;
	_ =	sdelay $0x3  }
0x11b: {  	(v2sf) =	vpush v1, $0x0;
	_ =	sdelay $0xe  }
0x11c: {  	s0 =	spop (v2sf)  }
0x11d: {  	p1 =	seq.s32 s2, s0  }
0x11e: {  	p3 =	sgt.s32 @!p1 s2, $0x0;
	s3 =	sshll.u32 @!p1 s4, $0x9;
	s4 =	sadd.s32 @!p1 $0x1, s4  }
.Ltmp17:
0x11f: {  	p3 =	por !p3, p1;
	s3 =	sshra.s32 @!p1 s3, $0x2;
	(pc) =	sbr.rel @!p2 .LBB3_10-.Ltmp17, $4  }
0x120: {  	s4 =	smov.u32 @p1 s6;
	s2 =	simm.s32 @p3 $0x0;
	s5 =	sadd.s32 @!p1 $0x7988, s3  }
0x121: {  	s2 =	smin.u32 @!p1 s2, $0x270F0  }
0x122: {  	s3 =	sand.u32 @!p1 $0x3FFF8, s2;
	s2 =	sand.u32 @!p1 $0x7, s2  }
0x123: {  	s31 =	sadd.s32 $0x1, s31;
	s3 =	sadd.s32 @!p1 s1, s3  }
.LBB3_11:
0x124: {  	[tilespmem:s5], [sflag:$0x2] =	stream.linear.gather @!p1 [hbm4b:s3+s2], $0x80, $0x38;
	[tilespmem:$0x1F6F8] =	vst v63  }
.Ltmp18:
0x125: {  	s0 =	sshll.u32 s4, $0x7;
	(pc) =	sbr.rel .LBB3_12-.Ltmp18, $4  }
0x126: {  	s30 =	simm.s32 $0x2;
	s0 =	sand.u32 $0x3FFFFF80, s0  }
0x127: {  	_ =	swait.ge [sflag:s30], s0  }
0x128: {  	s0 =	ssub.s32 $0x0, s0;
	[sflag:s30] =	ssyncset.done $0x0  }
0x129: {  	s31 =	simm.s32 $0x0;
	[sflag:s30] =	ssyncadd.s32 s0  }
.LBB3_13:
0x12a: {  	v1 =	vld [tilespmem:s25+$0xFFFFFFC0];
	_ =	sdelay $0x3  }
0x12b: {  	s0 =	sshra.s32 s0, $0x2  }
0x12c: {  	[tilespmem:s0+$0x108] =	vst.add.f32.msk $0xffff, v1  }
0x12d: {  	v1 =	vld [tilespmem:s25+$0xFFFFFFD0];
	_ =	sdelay $0x4  }
0x12e: {  	[tilespmem:s0+$0x118] =	vst.add.f32.msk $0xffff, v1  }
0x12f: {  	v1 =	vld [tilespmem:s25+$0xFFFFFFE0];
	_ =	sdelay $0x4  }
0x130: {  	[tilespmem:s0+$0x128] =	vst.add.f32.msk $0xffff, v1  }
0x131: {  	v1 =	vld [tilespmem:s25+$0xFFFFFFF0];
	_ =	sdelay $0x4  }
0x132: {  	[tilespmem:s0+$0x138] =	vst.add.f32.msk $0xffff, v1  }
0x133: {  	v1 =	vld [tilespmem:s25+$0x0];
	_ =	sdelay $0x4  }
0x134: {  	[tilespmem:s0+$0x148] =	vst.add.f32.msk $0xffff, v1  }
0x135: {  	v1 =	vld [tilespmem:s25+$0x10];
	_ =	sdelay $0x4  }
0x136: {  	[tilespmem:s0+$0x158] =	vst.add.f32.msk $0xffff, v1  }
0x137: {  	v1 =	vld [tilespmem:s25+$0x20];
	_ =	sdelay $0x4  }
0x138: {  	[tilespmem:s0+$0x168] =	vst.add.f32.msk $0xffff, v1  }
0x139: {  	v1 =	vld [tilespmem:s25+$0x30];
	_ =	sdelay $0x4  }
0x13a: {  	[tilespmem:s0+$0x178] =	vst.add.f32.msk $0xffff, v1  }
.LBB3_17:
0x13b: {  	s26 =	sadd.s32 $0x1, s26  }
0x13c: {  	p1 =	seq.s32 s26, $0x0  }
.Ltmp19:
0x13d: {  	_ = 	snop;
	(pc) =	sbr.rel @p1 .LBB3_18-.Ltmp19, $2  }
0x13e: {  	_ =	sdelay $0x2  }
0x13f: {  	s23 =	sadd.s32 $0x1, s23;
	s25 =	sadd.s32 $0x80, s25;
	s29 =	smov.u32 s30  }
.LBB3_12:
0x140: {  	v1 =	vld.msk [tilespmem:s23+$0x0], $0x1;
	_ =	sdelay $0x4  }
0x141: {  	(v2sf) =	vpush v1, $0x0;
	_ =	sdelay $0xe  }
0x142: {  	s30 =	spop (v2sf)  }
0x143: {  	p1 =	sne.s32 s29, s30  }
.Ltmp20:
0x144: {  	_ = 	snop;
	(pc) =	sbr.rel @!p1 .LBB3_13-.Ltmp20, $2  }
0x145: {  	_ =	sdelay $0x2  }
0x146: {  	s0 =	sshll.u32 s22, $0x9  }
0x147: {  	p1 =	seq.s32 s29, s24  }
.Ltmp21:
0x148: {  	_ = 	snop;
	(pc) =	sbr.rel @!p1 .LBB3_15-.Ltmp21, $1  }
0x149: {  	_ =	sdelay $0x3  }
0x14a: {  	s0 =	sshra.s32 s0, $0x2  }
.Ltmp22:
0x14b: {  	s0 =	sadd.s32 $0x108, s0;
	(pc) =	sbr.rel .LBB3_16-.Ltmp22, $4  }
0x14c: {  	[spmem:s16] =	stream.linear.scatter [tilespmem:s0], [sflag:$0x1], $0x80, $0x38;
	[tilespmem:$0x1F6F8] =	vst v63  }
0x14d: {  	_ =	swait.ge [sflag:s12], $0x80  }
0x14e: {  	[sflag:s12] =	ssyncset.done $0x0  }
0x14f: {  	[sflag:s12] =	ssyncadd.s32 $0xFFFFFF80  }
.LBB3_15:
0x150: {  	s2 =	sshll.u32 s28, $0x9  }
0x151: {  	s2 =	sshra.s32 s2, $0x2  }
0x152: {  	v1 =	vld [tilespmem:s2+$0x7988];
	_ =	sdelay $0x3  }
0x153: {  	s0 =	sshra.s32 s0, $0x2  }
0x154: {  	[tilespmem:s0+$0x108] =	vst.add.f32.msk $0xffff, v1  }
0x155: {  	v1 =	vld [tilespmem:s2+$0x7998];
	_ =	sdelay $0x4  }
0x156: {  	[tilespmem:s0+$0x118] =	vst.add.f32.msk $0xffff, v1  }
0x157: {  	v1 =	vld [tilespmem:s2+$0x79A8];
	_ =	sdelay $0x4  }
0x158: {  	[tilespmem:s0+$0x128] =	vst.add.f32.msk $0xffff, v1  }
0x159: {  	v1 =	vld [tilespmem:s2+$0x79B8];
	_ =	sdelay $0x4  }
0x15a: {  	[tilespmem:s0+$0x138] =	vst.add.f32.msk $0xffff, v1  }
0x15b: {  	v1 =	vld [tilespmem:s2+$0x79C8];
	_ =	sdelay $0x4  }
0x15c: {  	[tilespmem:s0+$0x148] =	vst.add.f32.msk $0xffff, v1  }
0x15d: {  	v1 =	vld [tilespmem:s2+$0x79D8];
	_ =	sdelay $0x4  }
0x15e: {  	[tilespmem:s0+$0x158] =	vst.add.f32.msk $0xffff, v1  }
0x15f: {  	v1 =	vld [tilespmem:s2+$0x79E8];
	_ =	sdelay $0x4  }
0x160: {  	[tilespmem:s0+$0x168] =	vst.add.f32.msk $0xffff, v1  }
0x161: {  	v1 =	vld [tilespmem:s2+$0x79F8];
	_ =	sdelay $0x2  }
0x162: {  	p1 =	sgt.u32 s29, $0x270F0  }
0x163: {  	s2 =	sand.u32 @!p1 $0x3FFF8, s29  }
0x164: {  	s3 =	sadd.s32 $0x108, s0;
	[tilespmem:s0+$0x178] =	vst.add.f32.msk $0xffff, v1;
	s0 =	sadd.s32 @!p1 s1, s2;
	s2 =	sand.u32 @!p1 $0x7, s29  }
0x165: {  	[hbm4b:s0+s2] =	stream.linear.scatter @!p1 [tilespmem:s3], [sflag:$0xC], $0x80, $0x38;
	[tilespmem:$0x1F6F8] =	vst v63  }
0x166: {  	s0 =	simm.s32 $0x0  }
0x167: {  	s0 =	simm.s32 @!p1 $0x200  }
0x168: {  	s31 =	sadd.s32 s0, s31  }
.LBB3_16:
0x169: {  	s0 =	sadd.s32 $0x1, s22  }
0x16a: {  	s2 =	smulhi.u32 $0x88888889, s0;
	_ =	sdelay $0x1  }
0x16b: {  	v1 =	vld [tilespmem:s25+$0xFFFFFFC0];
	s2 =	sshrl.u32 s2, $0x7  }
0x16c: {  	s2 =	smul.u32 $0xF0, s2;
	_ =	sdelay $0x1  }
0x16d: {  	s22 =	ssub.s32 s0, s2  }
0x16e: {  	s0 =	sshll.u32 s22, $0x7  }
0x16f: {  	[tilespmem:s0+$0x108] =	vst v1  }
0x170: {  	v1 =	vld [tilespmem:s25+$0xFFFFFFD0];
	_ =	sdelay $0x4  }
0x171: {  	[tilespmem:s0+$0x118] =	vst v1  }
0x172: {  	v1 =	vld [tilespmem:s25+$0xFFFFFFE0];
	_ =	sdelay $0x4  }
0x173: {  	[tilespmem:s0+$0x128] =	vst v1  }
0x174: {  	v1 =	vld [tilespmem:s25+$0xFFFFFFF0];
	_ =	sdelay $0x4  }
0x175: {  	[tilespmem:s0+$0x138] =	vst v1  }
0x176: {  	v1 =	vld [tilespmem:s25+$0x0];
	_ =	sdelay $0x4  }
0x177: {  	[tilespmem:s0+$0x148] =	vst v1  }
0x178: {  	v1 =	vld [tilespmem:s25+$0x10];
	_ =	sdelay $0x4  }
0x179: {  	[tilespmem:s0+$0x158] =	vst v1  }
0x17a: {  	v1 =	vld [tilespmem:s25+$0x20];
	_ =	sdelay $0x4  }
0x17b: {  	[tilespmem:s0+$0x168] =	vst v1  }
0x17c: {  	v1 =	vld [tilespmem:s25+$0x30]  }
.Ltmp23:
0x17d: {  	_ = 	snop;
	(pc) =	sbr.rel .LBB3_17-.Ltmp23, $2  }
0x17e: {  	_ =	sdelay $0x2  }
0x17f: {  	s28 =	sadd.s32 $0x1, s28;
	[tilespmem:s0+$0x178] =	vst v1  }
.LBB3_19:
.Ltmp24:
0x180: {  	(pc) =	sbr.rel .LBB3_20-.Ltmp24, $4  }
0x181: {  	_ = 	snop  }
0x182: {  	s0 =	simm.s32 $0x2  }
0x183: {  	_ =	swait.ge [sflag:s0], $0x0  }
0x184: {  	s30 =	smov.u32 s29;
	[sflag:s0] =	ssyncset.done $0x0;
	s0 =	simm.s32 $0x0  }
.LBB3_22:
0x185: {  	_ =	sfence.sel $0x180000  }
0x186: {  	s0 =	simm.s32 $0x9;
	[bflag:$0x0] =	sbarrier.arrive $0xFFFF  }
0x187: {  	s24 =	simm.s32 $0xA;
	[sflag:s0] =	ssyncpa.u1 $0x1  }
0x188: {  	s25 =	simm.s32 $0xB;
	[sflag:s24] =	ssyncpa.u1 $0x1  }
0x189: {  	s26 =	simm.s32 $0x2;
	[sflag:s25] =	ssyncpa.u1 $0x1  }
0x18a: {  	[sflag:s26] =	ssyncpa.u1 $0x1  }
0x18b: {  	v0 =	vld [tilespmem:$0xF208];
	_ =	sdelay $0x4  }
0x18c: {  	(v2sf) =	vpush v0, $0x0  }
0x18d: {  	(v2sf) =	vpush v0, $0x1;
	_ =	sdelay $0x1  }
0x18e: {  	(v2sf) =	vpush v0, $0x2;
	_ =	sdelay $0xb  }
0x18f: {  	s0 =	spop (v2sf)  }
0x190: {  	s2 =	spop (v2sf)  }
0x191: {  	s3 =	smov.u32 s0;
	p0 =	sne.s32 s0, s2  }
0x192: {  	s4 =	spop (v2sf);
	s3 =	simm.s32 @!p0 $0xFFFFFFFF  }
0x193: {  	v2 =	vimm.s32 $0x1;
	v3 =	vlaneseq.u32;
	p0 =	seq.s32 s4, $0xFFFFFFFF;
	v1 =	vmov s3  }
0x194: {  	s16 =	stileid.u32;
	v0 =	vperm.xlane v0, v2;
	p1 =	sne.s32 @!p0 s0, s2;
	v1 =	vperm.xlane v1, v3  }
0x195: {  	vm0 =	vcmask $0x3F04;
	s6 =	simm.s32 $0xF208;
	s0 =	simm.s32 @!p0 $0x1;
	p1 =	por !p1, p0  }
0x196: {  	s3 =	sshll.u32 s16, $0x1;
	s2 =	sshll.u32 @!p0 s4, $0x9;
	s0 =	simm.s32 @p1 $0x0;
	v0 =	vsel vm0, v1, v0  }
0x197: {  	s5 =	sor.u32 $0x1000, s3;
	s2 =	sshra.s32 @!p0 s2, $0x2;
	s0 =	sor.u32 @!p0 s0, s3;
	[tilespmem:$0xF208] =	vst v0  }
0x198: {  	[spmem:s5] =	stream.linear.scatter [tilespmem:s6], [sflag:$0x1], $0x2, $0x38;
	[tilespmem:$0x1F6F8] =	vst v63  }
0x199: {  	s2 =	sadd.s32 @!p0 $0x108, s2;
	s0 =	sshll.u32 @!p0 s0, $0x7  }
0x19a: {  	[spmem:s0] =	stream.linear.scatter @!p0 [tilespmem:s2], [sflag:$0x1], $0x80, $0x38;
	[tilespmem:$0x1F6F8] =	vst v63  }
0x19b: {  	s0 =	simm.s32 @!p0 $0x82  }
0x19c: {  	s28 =	simm.s32 $0x1;
	s0 =	simm.s32 @p0 $0x2  }
0x19d: {  	_ =	swait.ge [sflag:s28], s0  }
0x19e: {  	s0 =	ssub.s32 $0x0, s0;
	[sflag:s28] =	ssyncset.done $0x0  }
0x19f: {  	p0 =	sne.s32 s16, $0x0;
	[sflag:s28] =	ssyncadd.s32 s0  }
.Ltmp25:
0x1a0: {  	_ =	sfence.stream.spmem;
	(pc) =	sbr.rel @p0 .LBB3_39-.Ltmp25, $4  }
0x1a1: {  	s29 =	simm.s32 $0x3;
	[bflag:$0x0] =	sbarrier.arrive $0xFFFF  }
0x1a2: {  	s30 =	simm.s32 $0x4;
	[sflag:s29] =	ssyncpa.u1 $0x1  }
0x1a3: {  	s31 =	simm.s32 $0x3C;
	[sflag:s30] =	ssyncpa.u1 $0x1  }
0x1a4: {  	s15 =	rddreg [dreg:$0x5];
	[sflag:s31] =	ssyncpa.u1 $0x1  }
0x1a5: {  	_ =	sfence.stream.spmem;
	s0 =	simm.s32 $0x5  }
0x1a6: {  	s2 =	simm.s32 $0x1000;
	s3 =	simm.s32 $0xF218;
	[sflag:s0] =	ssyncpa.u1 $0x0  }
0x1a7: {  	[tilespmem:s3], [sflag:$0x5] =	stream.linear.gather [spmem:s2], $0x20, $0x38;
	[tilespmem:$0x1F6F8] =	vst v63  }
0x1a8: {  	s26 =	simm.s32 $0x0;
	s28 =	simm.s32 $0xF238  }
0x1a9: {  	[tilespmem:s28], [sflag:$0x5] =	stream.linear.gather [spmem:s26], $0x1000, $0x38;
	[tilespmem:$0x1F6F8] =	vst v63  }
0x1aa: {  	_ =	swait.ge [sflag:s0], $0x1020  }
0x1ab: {  	[sflag:s0] =	ssyncset.done $0x0  }
0x1ac: {  	s29 =	simm.s32 $0x0;
	[sflag:s0] =	ssyncadd.s32 $0xFFFFEFE0  }
0x1ad: {  	v0 =	vld.msk [tilespmem:s29+$0xF218], $0x1;
	_ =	sdelay $0x1  }
0x1ae: {  	s30 =	simm.s32 $0x1  }
0x1af: {  	v1 =	vld.msk [tilespmem:s30+$0xF218], $0x1;
	_ =	sdelay $0x1  }
0x1b0: {  	(v2sf) =	vpush v0, $0x0;
	_ =	sdelay $0x2  }
0x1b1: {  	(v2sf) =	vpush v1, $0x0;
	_ =	sdelay $0x2  }
0x1b2: {  	s31 =	simm.s32 $0x2  }
0x1b3: {  	v0 =	vld.msk [tilespmem:s31+$0xF218], $0x1;
	_ =	sdelay $0x2  }
0x1b4: {  	s4 =	simm.s32 $0xFFFFFFFF;
	s5 =	simm.s32 $0xFFFFFFFF;
	s0 =	simm.s32 $0xC  }
.LBB3_24:
0x1b5: {  	s2 =	smov.u32 s5;
	s3 =	smov.u32 s4  }
0x1b6: {  	s4 =	sshra.s32 s0, $0x2;
	p1 =	sne.s32 s0, $0x7C;
	s0 =	sadd.s32 $0x4, s0;
	(v2sf) =	vpush v0, $0x0  }
0x1b7: {  	v0 =	vld.msk [tilespmem:s4+$0xF218], $0x1  }
.Ltmp26:
0x1b8: {  	(pc) =	sbr.rel @p1 .LBB3_24-.Ltmp26, $4  }
0x1b9: {  	s5 =	spop (v2sf)  }
0x1ba: {  	p2 =	sne.s32 s3, $0xFFFFFFFF;
	s4 =	smov.u32 s5  }
0x1bb: {  	p3 =	seq.s32 s5, $0xFFFFFFFF;
	s4 =	smov.u32 @p2 s3  }
0x1bc: {  	s5 =	smov.u32 @p3 s2;
	s4 =	smov.u32 @p3 s3  }
0x1bd: {  	(v2sf) =	vpush v0, $0x0;
	_ =	sdelay $0x8  }
0x1be: {  	s0 =	spop (v2sf)  }
0x1bf: {  	p1 =	sne.s32 s4, $0xFFFFFFFF;
	s2 =	smov.u32 s0  }
0x1c0: {  	s9 =	simm.s32 $0x6;
	p2 =	seq.s32 s0, $0xFFFFFFFF;
	s2 =	smov.u32 @p1 s4  }
0x1c1: {  	s6 =	simm.s32 $0x0;
	s2 =	smov.u32 @p2 s4;
	s3 =	spop (v2sf)  }
0x1c2: {  	s0 =	smov.u32 @p2 s5;
	p1 =	sne.s32 s2, $0xFFFFFFFF;
	s4 =	smov.u32 s3  }
.Ltmp27:
0x1c3: {  	p2 =	seq.s32 s3, $0xFFFFFFFF;
	s4 =	smov.u32 @p1 s2;
	(pc) =	sbr.rel .LBB3_26-.Ltmp27, $4  }
0x1c4: {  	s10 =	simm.s32 $0xF188;
	s4 =	smov.u32 @p2 s2;
	s7 =	spop (v2sf)  }
0x1c5: {  	s11 =	simm.s32 $0x0;
	p1 =	sne.s32 s4, $0xFFFFFFFF;
	s8 =	smov.u32 s7  }
0x1c6: {  	s3 =	smov.u32 @p2 s0;
	p2 =	seq.s32 s7, $0xFFFFFFFF;
	s8 =	smov.u32 @p1 s4  }
0x1c7: {  	[sflag:s9] =	ssyncpa.u1 $0x0;
	s7 =	smov.u32 @p2 s3;
	s8 =	smov.u32 @p2 s4  }
.LBB3_32:
0x1c8: {  	p1 =	sgt.u32 s12, $0x270F0  }
0x1c9: {  	p2 =	seq.s32 @!p1 s12, s8  }
0x1ca: {  	p1 =	por p1, p2  }
0x1cb: {  	p2 =	sne.s32 @!p1 s12, s7  }
0x1cc: {  	p1 =	por p1, !p2  }
0x1cd: {  	s0 =	sshll.u32 @p1 s11, $0x9  }
0x1ce: {  	s0 =	sand.u32 @!p1 $0x3FFF8, s12  }
0x1cf: {  	s2 =	sand.u32 @!p1 $0x7, s12;
	s0 =	sadd.s32 @!p1 s1, s0  }
0x1d0: {  	[tilespmem:s10], [sflag:$0x6] =	stream.linear.gather @!p1 [hbm4b:s0+s2], $0x80, $0x38;
	[tilespmem:$0x1F6F8] =	vst v63  }
0x1d1: {  	_ =	swait.ge @!p1 [sflag:s9], $0x80  }
0x1d2: {  	[sflag:s9] =	ssyncset.done @!p1 $0x0  }
0x1d3: {  	[sflag:s9] =	ssyncadd.s32 @!p1 $0xFFFFFF80  }
0x1d4: {  	v1 =	vld @!p1 [tilespmem:$0xF188];
	_ =	sdelay $0x2  }
0x1d5: {  	s0 =	sshll.u32 @!p1 s11, $0x9  }
0x1d6: {  	s2 =	sshrl.u32 @!p1 s0, $0x2  }
0x1d7: {  	[tilespmem:s2+$0xF238] =	vst.add.f32.msk @!p1 $0xffff, v1  }
0x1d8: {  	v1 =	vld @!p1 [tilespmem:$0xF198];
	_ =	sdelay $0x4  }
0x1d9: {  	[tilespmem:s2+$0xF248] =	vst.add.f32.msk @!p1 $0xffff, v1  }
0x1da: {  	v1 =	vld @!p1 [tilespmem:$0xF1A8];
	_ =	sdelay $0x4  }
0x1db: {  	[tilespmem:s2+$0xF258] =	vst.add.f32.msk @!p1 $0xffff, v1  }
0x1dc: {  	v1 =	vld @!p1 [tilespmem:$0xF1B8];
	_ =	sdelay $0x4  }
0x1dd: {  	[tilespmem:s2+$0xF268] =	vst.add.f32.msk @!p1 $0xffff, v1  }
0x1de: {  	v1 =	vld @!p1 [tilespmem:$0xF1C8];
	_ =	sdelay $0x4  }
0x1df: {  	[tilespmem:s2+$0xF278] =	vst.add.f32.msk @!p1 $0xffff, v1  }
0x1e0: {  	v1 =	vld @!p1 [tilespmem:$0xF1D8];
	_ =	sdelay $0x4  }
0x1e1: {  	[tilespmem:s2+$0xF288] =	vst.add.f32.msk @!p1 $0xffff, v1  }
0x1e2: {  	v1 =	vld @!p1 [tilespmem:$0xF1E8];
	_ =	sdelay $0x4  }
0x1e3: {  	[tilespmem:s2+$0xF298] =	vst.add.f32.msk @!p1 $0xffff, v1  }
0x1e4: {  	v1 =	vld @!p1 [tilespmem:$0xF1F8];
	_ =	sdelay $0x4  }
0x1e5: {  	[tilespmem:s2+$0xF2A8] =	vst.add.f32.msk @!p1 $0xffff, v1  }
0x1e6: {  	s0 =	sshrl.u32 s0, $0x2;
	[tilespmem:s6+$0xF218] =	vst.msk $0x1, v0  }
0x1e7: {  	v0 =	vld [tilespmem:s0+$0xF238];
	_ =	sdelay $0x2  }
0x1e8: {  	s31 =	sshll.u32 s6, $0x9  }
0x1e9: {  	s2 =	sshra.s32 s31, $0x2  }
0x1ea: {  	[tilespmem:s2+$0xF238] =	vst v0  }
0x1eb: {  	v0 =	vld [tilespmem:s0+$0xF248];
	_ =	sdelay $0x4  }
0x1ec: {  	[tilespmem:s2+$0xF248] =	vst v0  }
0x1ed: {  	v0 =	vld [tilespmem:s0+$0xF258];
	_ =	sdelay $0x4  }
0x1ee: {  	[tilespmem:s2+$0xF258] =	vst v0  }
0x1ef: {  	v0 =	vld [tilespmem:s0+$0xF268];
	_ =	sdelay $0x4  }
0x1f0: {  	[tilespmem:s2+$0xF268] =	vst v0  }
0x1f1: {  	v0 =	vld [tilespmem:s0+$0xF278];
	_ =	sdelay $0x4  }
0x1f2: {  	[tilespmem:s2+$0xF278] =	vst v0  }
0x1f3: {  	v0 =	vld [tilespmem:s0+$0xF288];
	_ =	sdelay $0x4  }
0x1f4: {  	[tilespmem:s2+$0xF288] =	vst v0  }
0x1f5: {  	v0 =	vld [tilespmem:s0+$0xF298];
	_ =	sdelay $0x4  }
0x1f6: {  	[tilespmem:s2+$0xF298] =	vst v0  }
0x1f7: {  	v0 =	vld [tilespmem:s0+$0xF2A8];
	_ =	sdelay $0x4  }
0x1f8: {  	s6 =	sadd.s32 $0x1, s6;
	[tilespmem:s2+$0xF2A8] =	vst v0  }
.LBB3_33:
0x1f9: {  	s11 =	sadd.s32 $0x1, s11  }
0x1fa: {  	p1 =	sne.s32 s11, $0x20  }
.Ltmp28:
0x1fb: {  	_ = 	snop;
	(pc) =	sbr.rel @!p1 .LBB3_34-.Ltmp28, $1  }
0x1fc: {  	_ =	sdelay $0x3  }
.LBB3_26:
0x1fd: {  	v0 =	vld.msk [tilespmem:s11+$0xF218], $0x1;
	_ =	sdelay $0x4  }
0x1fe: {  	(v2sf) =	vpush v0, $0x0;
	_ =	sdelay $0xe  }
0x1ff: {  	s12 =	spop (v2sf)  }
0x200: {  	p1 =	seq.s32 s12, $0xFFFFFFFF  }
.Ltmp29:
0x201: {  	_ = 	snop;
	(pc) =	sbr.rel @p1 .LBB3_33-.Ltmp29, $1  }
0x202: {  	_ =	sdelay $0x3  }
0x203: {  	p1 =	slt.s32 s6, $0x1  }
.Ltmp30:
0x204: {  	_ = 	snop;
	(pc) =	sbr.rel @p1 .LBB3_32-.Ltmp30, $1  }
0x205: {  	_ =	sdelay $0x3  }
0x206: {  	s13 =	simm.s32 $0xF218;
	p1 =	por $0x0, $0x0  }
0x207: {  	v1 =	vld.msk @!p1 [tilespmem:s13+$0x0], $0x1;
	_ =	sdelay $0x4  }
0x208: {  	(v2sf) =	vpush @!p1 v1, $0x0;
	_ =	sdelay $0xd  }
0x209: {  	p3 =	sne.s32 s6, $0x1  }
.Ltmp31:
0x20a: {  	s0 =	spop @!p1 (v2sf);
	(pc) =	sbr.rel @!p3 .LBB3_30-.Ltmp31, $4  }
0x20b: {  	p2 =	seq.s32 @!p1 s12, s0  }
0x20c: {  	s14 =	simm.s32 $0x0;
	p2 =	por !p2, p1  }
0x20d: {  	s2 =	simm.s32 $0xFFFFFFFF;
	s14 =	simm.s32 @p2 $0xFFFFFFFF  }
0x20e: {  	s0 =	simm.s32 $0x1;
	s14 =	smov.u32 @p1 s2  }
.LBB3_29:
0x20f: {  	s2 =	smov.u32 s14;
	p1 =	sne.s32 s14, $0xFFFFFFFF  }
0x210: {  	s13 =	sadd.s32 $0x1, s13;
	s14 =	smov.u32 s0;
	s0 =	sadd.s32 $0x1, s0  }
0x211: {  	p2 =	sne.s32 s6, s0;
	v1 =	vld.msk @!p1 [tilespmem:s13+$0x0], $0x1;
	_ =	sdelay $0x4  }
0x212: {  	(v2sf) =	vpush @!p1 v1, $0x0;
	_ =	sdelay $0xe  }
.Ltmp32:
0x213: {  	s3 =	spop @!p1 (v2sf);
	(pc) =	sbr.rel @p2 .LBB3_29-.Ltmp32, $4  }
0x214: {  	p3 =	seq.s32 @!p1 s12, s3  }
0x215: {  	p3 =	por !p3, p1  }
0x216: {  	s14 =	simm.s32 @p3 $0xFFFFFFFF  }
0x217: {  	s14 =	smov.u32 @p1 s2  }
.LBB3_30:
0x218: {  	p1 =	seq.s32 s14, $0xFFFFFFFF  }
.Ltmp33:
0x219: {  	_ = 	snop;
	(pc) =	sbr.rel @p1 .LBB3_32-.Ltmp33, $1  }
0x21a: {  	_ =	sdelay $0x3  }
0x21b: {  	s0 =	sshll.u32 s11, $0x7  }
0x21c: {  	s0 =	sand.u32 $0x3FFFFF80, s0  }
0x21d: {  	v0 =	vld [tilespmem:s0+$0xF238];
	_ =	sdelay $0x2  }
0x21e: {  	s2 =	sshll.u32 s14, $0x9  }
0x21f: {  	s2 =	sshra.s32 s2, $0x2  }
0x220: {  	[tilespmem:s2+$0xF238] =	vst.add.f32.msk $0xffff, v0  }
0x221: {  	v0 =	vld [tilespmem:s0+$0xF248];
	_ =	sdelay $0x4  }
0x222: {  	[tilespmem:s2+$0xF248] =	vst.add.f32.msk $0xffff, v0  }
0x223: {  	v0 =	vld [tilespmem:s0+$0xF258];
	_ =	sdelay $0x4  }
0x224: {  	[tilespmem:s2+$0xF258] =	vst.add.f32.msk $0xffff, v0  }
0x225: {  	v0 =	vld [tilespmem:s0+$0xF268];
	_ =	sdelay $0x4  }
0x226: {  	[tilespmem:s2+$0xF268] =	vst.add.f32.msk $0xffff, v0  }
0x227: {  	v0 =	vld [tilespmem:s0+$0xF278];
	_ =	sdelay $0x4  }
0x228: {  	[tilespmem:s2+$0xF278] =	vst.add.f32.msk $0xffff, v0  }
0x229: {  	v0 =	vld [tilespmem:s0+$0xF288];
	_ =	sdelay $0x4  }
0x22a: {  	[tilespmem:s2+$0xF288] =	vst.add.f32.msk $0xffff, v0  }
0x22b: {  	v0 =	vld [tilespmem:s0+$0xF298];
	_ =	sdelay $0x4  }
0x22c: {  	[tilespmem:s2+$0xF298] =	vst.add.f32.msk $0xffff, v0  }
0x22d: {  	v0 =	vld [tilespmem:s0+$0xF2A8]  }
.Ltmp34:
0x22e: {  	_ = 	snop;
	(pc) =	sbr.rel .LBB3_33-.Ltmp34, $2  }
0x22f: {  	_ =	sdelay $0x2  }
0x230: {  	[tilespmem:s2+$0xF2A8] =	vst.add.f32.msk $0xffff, v0  }
.LBB3_34:
0x231: {  	s0 =	simm.s32 $0x6;
	p1 =	seq.s32 s6, $0x0  }
0x232: {  	[sflag:s0] =	ssyncpa.u1 $0x1;
	v0 =	vimm.s32 @p1 $0xFFFFFFFF  }
0x233: {  	s9 =	sadd.s32 $0xFFFFFFFF, s6;
	[tilespmem:$0x10238] =	vst @p1 v0  }
0x234: {  	v0 =	vld.msk @!p1 [tilespmem:s9+$0xF218], $0x1;
	_ =	sdelay $0x1  }
0x235: {  	v1 =	vld.msk @!p1 [tilespmem:$0xF218], $0x1;
	_ =	sdelay $0x2  }
0x236: {  	p2 =	seq.s32 @!p1 s9, $0x0;
	v0 =	vbroadcast @!p1 v0, $0x0  }
0x237: {  	vm0 =	vmmov @!p1 $0x1;
	p2 =	por !p2, p1  }
0x238: {  	v1 =	vnsel @!p1 vm0, $0xFFFFFFFF, v1;
	vm0 =	vcmask @!p1 $0x308;
	v0 =	vpsel !p2, $0xFFFFFFFF, v0  }
0x239: {  	p2 =	sne.s32 @!p1 s8, s7;
	v0 =	vsel @!p1 vm0, v1, v0  }
0x23a: {  	s0 =	simm.s32 @!p1 $0xF238;
	s2 =	simm.s32 @!p1 $0x0;
	p3 =	por !p2, p1;
	[tilespmem:$0x10238] =	vst @!p1 v0  }
0x23b: {  	[spmem:s2] =	stream.linear.scatter @!p1 [tilespmem:s0], [sflag:$0x1], $0x80, $0x38;
	[tilespmem:$0x1F6F8] =	vst v63  }
0x23c: {  	s0 =	sshll.u32 @!p3 s9, $0x9  }
0x23d: {  	s0 =	sshra.s32 @!p3 s0, $0x2  }
0x23e: {  	s2 =	simm.s32 @!p3 $0x80;
	s0 =	sadd.s32 @!p3 $0xF238, s0  }
0x23f: {  	[spmem:s2] =	stream.linear.scatter @!p3 [tilespmem:s0], [sflag:$0x1], $0x80, $0x38;
	[tilespmem:$0x1F6F8] =	vst v63  }
0x240: {  	s0 =	simm.s32 @!p3 $0x1  }
0x241: {  	_ =	swait.ge @!p3 [sflag:s0], $0x100  }
0x242: {  	p1 =	por p2, p1;
	[sflag:s0] =	ssyncset.done @!p3 $0x0  }
0x243: {  	[sflag:s0] =	ssyncadd.s32 @!p3 $0xFFFFFF00;
	s0 =	simm.s32 @!p1 $0x1  }
0x244: {  	_ =	swait.ge @!p1 [sflag:s0], $0x80  }
0x245: {  	s29 =	simm.s32 $0x10238;
	[sflag:s0] =	ssyncset.done @!p1 $0x0  }
0x246: {  	s30 =	simm.s32 $0x1000;
	s31 =	simm.s32 $0x1;
	[sflag:s0] =	ssyncadd.s32 @!p1 $0xFFFFFF80  }
0x247: {  	[spmem:s30] =	stream.linear.scatter [tilespmem:s29], [sflag:$0x1], $0x10, $0x38;
	[tilespmem:$0x1F6F8] =	vst v63  }
0x248: {  	_ =	swait.ge [sflag:s31], $0x10  }
0x249: {  	[sflag:s31] =	ssyncset.done $0x0  }
0x24a: {  	p1 =	seq.s32 s15, $0x0;
	s8 =	rddreg [dreg:$0x2];
	[sflag:s31] =	ssyncadd.s32 $0xFFFFFFF0  }
0x24b: {  	s2 =	sshll.u32 @p1 s8, $0xE;
	s7 =	rddreg [dreg:$0x3]  }
0x24c: {  	s0 =	sadd.s32 @p1 $0x15C3C, s2;
	s2 =	sshll.u32 @p1 s7, $0x11  }
0x24d: {  	_ =	sfence.stream.spmem;
	s0 =	sor.u32 @p1 s2, s0  }
0x24e: {  	[sflag:s0] =	ssyncadd.remote.s32 @p1 $0x1;
	s0 =	simm.s32 @p1 $0x4  }
0x24f: {  	s3 =	simm.s32 @!p1 $0x3C;
	s2 =	sand.u32 $0xFFFFFFFE, s8;
	_ =	swait.ge @p1 [sflag:s0], $0x22  }
0x250: {  	s4 =	simm.s32 @!p1 $0x0;
	s2 =	sadd.s32 @!p1 $0x4, s2;
	[sflag:s0] =	ssyncset.done @p1 $0x0  }
0x251: {  	s5 =	simm.s32 @!p1 $0x100;
	[sflag:s0] =	ssyncadd.s32 @p1 $0xFFFFFFDE;
	s0 =	sshll.u32 @!p1 s2, $0x1A  }
0x252: {  	s2 =	sshll.u32 @!p1 s2, $0xD;
	s0 =	sor.u32 @!p1 s0, s7;
	_ =	swait.eq @!p1 [sflag:s3], $0x1  }
0x253: {  	s2 =	sor.u32 @!p1 $0x1C04, s2;
	s3 =	simm.s32 @!p1 $0x1C03;
	s0 =	sor.u32 @!p1 $0x80004000, s0  }
0x254: {  	[spmem:s5], [sflag:s2] =	dma.general @!p1 [spmem:s4], [sflag:s3], length:$0x20, [dreg:$0x0], stride_count:$0x0, ici_dest:s0, dma_misc:DstOpCode:WRITE  }
0x255: {  	p2 =	slt.s32 s9, $0x2;
	s4 =	simm.s32 @!p1 $0x200;
	s5 =	simm.s32 @!p1 $0x202  }
0x256: {  	[spmem:s5], [sflag:s2] =	dma.general @!p1 [spmem:s4], [sflag:s3], length:$0x2, [dreg:$0x0], stride_count:$0x0, ici_dest:s0, dma_misc:DstOpCode:WRITE  }
.Ltmp35:
0x257: {  	s0 =	simm.s32 @!p1 $0x3;
	(pc) =	sbr.rel @p2 .LBB3_38-.Ltmp35, $4  }
0x258: {  	s2 =	sshll.u32 @!p1 s8, $0xE;
	_ =	swait.ge @!p1 [sflag:s0], $0x22  }
0x259: {  	s3 =	sshll.u32 @!p1 s7, $0x11;
	s2 =	sadd.s32 @!p1 $0x11C3C, s2;
	[sflag:s0] =	ssyncset.done @!p1 $0x0  }
0x25a: {  	[sflag:s0] =	ssyncadd.s32 @!p1 $0xFFFFFFDE;
	s0 =	sor.u32 @!p1 s3, s2  }
0x25b: {  	[sflag:s0] =	ssyncadd.remote.s32 @!p1 $0xFFFFFFFF;
	s0 =	simm.s32 $0x0  }
0x25c: {  	s0 =	simm.s32 $0xF219  }
0x25d: {  	v0 =	vld.msk [tilespmem:s0+$0x0], $0x1;
	_ =	sdelay $0x4  }
0x25e: {  	(v2sf) =	vpush v0, $0x0;
	_ =	sdelay $0xb  }
0x25f: {  	s31 =	sadd.s32 $0xFFFFFFFE, s6  }
0x260: {  	s0 =	sadd.s32 $0xFFFFFFFF, s31  }
0x261: {  	p2 =	sne.s32 s0, $0x0  }
.Ltmp36:
0x262: {  	s2 =	spop (v2sf);
	(pc) =	sbr.rel @!p2 .LBB3_37-.Ltmp36, $4  }
0x263: {  	s4 =	simm.s32 $0xF2B8;
	s7 =	simm.s32 $0x0;
	p1 =	sgt.u32 s2, $0x270F0  }
0x264: {  	s5 =	simm.s32 $0x0;
	s6 =	simm.s32 $0xF21A;
	s3 =	sand.u32 @!p1 $0x3FFF8, s2  }
0x265: {  	s2 =	sand.u32 @!p1 $0x7, s2;
	s7 =	simm.s32 @!p1 $0x200;
	s3 =	sadd.s32 @!p1 s1, s3  }
0x266: {  	[hbm4b:s3+s2] =	stream.linear.scatter @!p1 [tilespmem:s4], [sflag:$0x5], $0x80, $0x38;
	[tilespmem:$0x1F6F8] =	vst v63  }
.LBB3_36:
0x267: {  	v0 =	vld.msk [tilespmem:s6+$0x0], $0x1;
	s0 =	sadd.s32 $0xFFFFFFFF, s0;
	s5 =	sadd.s32 s5, s7  }
0x268: {  	p1 =	sne.s32 s0, $0x0;
	_ =	sdelay $0x3  }
0x269: {  	(v2sf) =	vpush v0, $0x0;
	_ =	sdelay $0xe  }
.Ltmp37:
0x26a: {  	s2 =	spop (v2sf);
	(pc) =	sbr.rel @p1 .LBB3_36-.Ltmp37, $4  }
0x26b: {  	s7 =	simm.s32 $0x0;
	p2 =	sgt.u32 s2, $0x270F0  }
0x26c: {  	s4 =	sadd.s32 $0x80, s4;
	s7 =	simm.s32 @!p2 $0x200;
	s3 =	sand.u32 @!p2 $0x3FFF8, s2  }
0x26d: {  	s6 =	sadd.s32 $0x1, s6;
	s2 =	sand.u32 @!p2 $0x7, s2;
	s3 =	sadd.s32 @!p2 s1, s3  }
0x26e: {  	[hbm4b:s3+s2] =	stream.linear.scatter @!p2 [tilespmem:s4], [sflag:$0x5], $0x80, $0x38;
	[tilespmem:$0x1F6F8] =	vst v63  }
.LBB3_37:
0x26f: {  	s0 =	sadd.s32 s5, s7  }
0x270: {  	s0 =	sshrl.u32 s0, $0x2  }
.LBB3_38:
0x271: {  	s2 =	simm.s32 $0x5  }
0x272: {  	_ =	swait.ge [sflag:s2], s0  }
0x273: {  	s31 =	ssub.s32 $0x0, s0;
	[sflag:s2] =	ssyncset.done $0x0  }
0x274: {  	[sflag:s2] =	ssyncadd.s32 s31  }
0x275: {  	[sflag:s2] =	ssyncpa.u1 $0x1  }
.LBB3_39:
0x276: {  	s0 =	sor.u32 s15, s16  }
0x277: {  	p1 =	sne.s32 s0, $0x0  }
.Ltmp38:
0x278: {  	_ = 	snop;
	(pc) =	sbr.rel @p1 .LBB3_54-.Ltmp38, $3  }
0x279: {  	_ =	sdelay $0x1  }
0x27a: {  	[bflag:$0x0] =	sbarrier.arrive $0xFFFF  }
0x27b: {  	_ =	sfence  }
0x27c: {  	s0 =	simm.s32 $0x7  }
0x27d: {  	s2 =	simm.s32 $0x1000;
	s3 =	simm.s32 $0xF218;
	[sflag:s0] =	ssyncpa.u1 $0x0  }
0x27e: {  	[tilespmem:s3], [sflag:$0x7] =	stream.linear.gather [spmem:s2], $0x20, $0x38;
	[tilespmem:$0x1F6F8] =	vst v63  }
0x27f: {  	s30 =	simm.s32 $0xF238;
	s2 =	simm.s32 $0x0  }
0x280: {  	[tilespmem:s30], [sflag:$0x7] =	stream.linear.gather [spmem:s2], $0x1000, $0x38;
	[tilespmem:$0x1F6F8] =	vst v63  }
.Ltmp39:
0x281: {  	_ = 	snop;
	(pc) =	sbr.rel .LBB3_41-.Ltmp39, $4  }
0x282: {  	_ =	swait.ge [sflag:s0], $0x1020  }
0x283: {  	[sflag:s0] =	ssyncset.done $0x0  }
0x284: {  	s31 =	simm.s32 $0x8;
	[sflag:s0] =	ssyncadd.s32 $0xFFFFEFE0  }
0x285: {  	s3 =	simm.s32 $0x0;
	[sflag:s31] =	ssyncpa.u1 $0x0  }
.LBB3_47:
0x286: {  	p1 =	slt.u32 s4, $0x270F1  }
0x287: {  	s0 =	sand.u32 @p1 $0x3FFF8, s4  }
0x288: {  	s4 =	sand.u32 @p1 $0x7, s4;
	s5 =	simm.s32 @p1 $0xF188;
	s0 =	sadd.s32 @p1 s1, s0  }
0x289: {  	[tilespmem:s5], [sflag:$0x8] =	stream.linear.gather @p1 [hbm4b:s0+s4], $0x80, $0x38;
	[tilespmem:$0x1F6F8] =	vst v63  }
0x28a: {  	s0 =	simm.s32 @p1 $0x8  }
0x28b: {  	_ =	swait.ge @p1 [sflag:s0], $0x80  }
0x28c: {  	[sflag:s0] =	ssyncset.done @p1 $0x0  }
0x28d: {  	[sflag:s0] =	ssyncadd.s32 @p1 $0xFFFFFF80  }
0x28e: {  	v1 =	vld @p1 [tilespmem:$0xF188];
	_ =	sdelay $0x2  }
0x28f: {  	s0 =	sshll.u32 @p1 s3, $0x9  }
0x290: {  	s4 =	sshrl.u32 @p1 s0, $0x2  }
0x291: {  	[tilespmem:s4+$0xF238] =	vst.add.f32.msk @p1 $0xffff, v1  }
0x292: {  	v1 =	vld @p1 [tilespmem:$0xF198];
	_ =	sdelay $0x4  }
0x293: {  	[tilespmem:s4+$0xF248] =	vst.add.f32.msk @p1 $0xffff, v1  }
0x294: {  	v1 =	vld @p1 [tilespmem:$0xF1A8];
	_ =	sdelay $0x4  }
0x295: {  	[tilespmem:s4+$0xF258] =	vst.add.f32.msk @p1 $0xffff, v1  }
0x296: {  	v1 =	vld @p1 [tilespmem:$0xF1B8];
	_ =	sdelay $0x4  }
0x297: {  	[tilespmem:s4+$0xF268] =	vst.add.f32.msk @p1 $0xffff, v1  }
0x298: {  	v1 =	vld @p1 [tilespmem:$0xF1C8];
	_ =	sdelay $0x4  }
0x299: {  	[tilespmem:s4+$0xF278] =	vst.add.f32.msk @p1 $0xffff, v1  }
0x29a: {  	v1 =	vld @p1 [tilespmem:$0xF1D8];
	_ =	sdelay $0x4  }
0x29b: {  	[tilespmem:s4+$0xF288] =	vst.add.f32.msk @p1 $0xffff, v1  }
0x29c: {  	v1 =	vld @p1 [tilespmem:$0xF1E8];
	_ =	sdelay $0x4  }
0x29d: {  	[tilespmem:s4+$0xF298] =	vst.add.f32.msk @p1 $0xffff, v1  }
0x29e: {  	v1 =	vld @p1 [tilespmem:$0xF1F8];
	_ =	sdelay $0x3  }
0x29f: {  	s5 =	sshll.u32 @!p1 s3, $0x9  }
0x2a0: {  	s5 =	smov.u32 @p1 s0;
	[tilespmem:s4+$0xF2A8] =	vst.add.f32.msk @p1 $0xffff, v1  }
0x2a1: {  	s0 =	sshrl.u32 s5, $0x2;
	[tilespmem:s2+$0xF218] =	vst.msk $0x1, v0  }
0x2a2: {  	v0 =	vld [tilespmem:s0+$0xF238];
	_ =	sdelay $0x2  }
0x2a3: {  	s31 =	sshll.u32 s2, $0x9  }
0x2a4: {  	s4 =	sshra.s32 s31, $0x2  }
0x2a5: {  	[tilespmem:s4+$0xF238] =	vst v0  }
0x2a6: {  	v0 =	vld [tilespmem:s0+$0xF248];
	_ =	sdelay $0x4  }
0x2a7: {  	[tilespmem:s4+$0xF248] =	vst v0  }
0x2a8: {  	v0 =	vld [tilespmem:s0+$0xF258];
	_ =	sdelay $0x4  }
0x2a9: {  	[tilespmem:s4+$0xF258] =	vst v0  }
0x2aa: {  	v0 =	vld [tilespmem:s0+$0xF268];
	_ =	sdelay $0x4  }
0x2ab: {  	[tilespmem:s4+$0xF268] =	vst v0  }
0x2ac: {  	v0 =	vld [tilespmem:s0+$0xF278];
	_ =	sdelay $0x4  }
0x2ad: {  	[tilespmem:s4+$0xF278] =	vst v0  }
0x2ae: {  	v0 =	vld [tilespmem:s0+$0xF288];
	_ =	sdelay $0x4  }
0x2af: {  	[tilespmem:s4+$0xF288] =	vst v0  }
0x2b0: {  	v0 =	vld [tilespmem:s0+$0xF298];
	_ =	sdelay $0x4  }
0x2b1: {  	[tilespmem:s4+$0xF298] =	vst v0  }
0x2b2: {  	v0 =	vld [tilespmem:s0+$0xF2A8];
	_ =	sdelay $0x4  }
0x2b3: {  	s2 =	sadd.s32 $0x1, s2;
	[tilespmem:s4+$0xF2A8] =	vst v0  }
.LBB3_48:
0x2b4: {  	s3 =	sadd.s32 $0x1, s3  }
0x2b5: {  	p1 =	sne.s32 s3, $0x20  }
.Ltmp40:
0x2b6: {  	_ = 	snop;
	(pc) =	sbr.rel @!p1 .LBB3_49-.Ltmp40, $1  }
0x2b7: {  	_ =	sdelay $0x3  }
.LBB3_41:
0x2b8: {  	v0 =	vld.msk [tilespmem:s3+$0xF218], $0x1;
	_ =	sdelay $0x4  }
0x2b9: {  	(v2sf) =	vpush v0, $0x0;
	_ =	sdelay $0xe  }
0x2ba: {  	s4 =	spop (v2sf)  }
0x2bb: {  	p1 =	seq.s32 s4, $0xFFFFFFFF  }
.Ltmp41:
0x2bc: {  	_ = 	snop;
	(pc) =	sbr.rel @p1 .LBB3_48-.Ltmp41, $1  }
0x2bd: {  	_ =	sdelay $0x3  }
0x2be: {  	p1 =	slt.s32 s2, $0x1  }
.Ltmp42:
0x2bf: {  	_ = 	snop;
	(pc) =	sbr.rel @p1 .LBB3_47-.Ltmp42, $1  }
0x2c0: {  	_ =	sdelay $0x3  }
0x2c1: {  	s5 =	simm.s32 $0xF218;
	p1 =	por $0x0, $0x0  }
0x2c2: {  	v1 =	vld.msk @!p1 [tilespmem:s5+$0x0], $0x1;
	_ =	sdelay $0x4  }
0x2c3: {  	(v2sf) =	vpush @!p1 v1, $0x0;
	_ =	sdelay $0xd  }
0x2c4: {  	p3 =	sne.s32 s2, $0x1  }
.Ltmp43:
0x2c5: {  	s0 =	spop @!p1 (v2sf);
	(pc) =	sbr.rel @!p3 .LBB3_45-.Ltmp43, $4  }
0x2c6: {  	p2 =	seq.s32 @!p1 s4, s0  }
0x2c7: {  	s6 =	simm.s32 $0x0;
	p2 =	por !p2, p1  }
0x2c8: {  	s7 =	simm.s32 $0xFFFFFFFF;
	s6 =	simm.s32 @p2 $0xFFFFFFFF  }
0x2c9: {  	s0 =	simm.s32 $0x1;
	s6 =	smov.u32 @p1 s7  }
.LBB3_44:
0x2ca: {  	s7 =	smov.u32 s6;
	p1 =	sne.s32 s6, $0xFFFFFFFF  }
0x2cb: {  	s5 =	sadd.s32 $0x1, s5;
	s6 =	smov.u32 s0;
	s0 =	sadd.s32 $0x1, s0  }
0x2cc: {  	p2 =	sne.s32 s2, s0;
	v1 =	vld.msk @!p1 [tilespmem:s5+$0x0], $0x1;
	_ =	sdelay $0x4  }
0x2cd: {  	(v2sf) =	vpush @!p1 v1, $0x0;
	_ =	sdelay $0xe  }
.Ltmp44:
0x2ce: {  	s8 =	spop @!p1 (v2sf);
	(pc) =	sbr.rel @p2 .LBB3_44-.Ltmp44, $4  }
0x2cf: {  	p3 =	seq.s32 @!p1 s4, s8  }
0x2d0: {  	p3 =	por !p3, p1  }
0x2d1: {  	s6 =	simm.s32 @p3 $0xFFFFFFFF  }
0x2d2: {  	s6 =	smov.u32 @p1 s7  }
.LBB3_45:
0x2d3: {  	p1 =	seq.s32 s6, $0xFFFFFFFF  }
.Ltmp45:
0x2d4: {  	_ = 	snop;
	(pc) =	sbr.rel @p1 .LBB3_47-.Ltmp45, $1  }
0x2d5: {  	_ =	sdelay $0x3  }
0x2d6: {  	s0 =	sshll.u32 s3, $0x7  }
0x2d7: {  	s0 =	sand.u32 $0x3FFFFF80, s0  }
0x2d8: {  	v0 =	vld [tilespmem:s0+$0xF238];
	_ =	sdelay $0x2  }
0x2d9: {  	s4 =	sshll.u32 s6, $0x9  }
0x2da: {  	s4 =	sshra.s32 s4, $0x2  }
0x2db: {  	[tilespmem:s4+$0xF238] =	vst.add.f32.msk $0xffff, v0  }
0x2dc: {  	v0 =	vld [tilespmem:s0+$0xF248];
	_ =	sdelay $0x4  }
0x2dd: {  	[tilespmem:s4+$0xF248] =	vst.add.f32.msk $0xffff, v0  }
0x2de: {  	v0 =	vld [tilespmem:s0+$0xF258];
	_ =	sdelay $0x4  }
0x2df: {  	[tilespmem:s4+$0xF258] =	vst.add.f32.msk $0xffff, v0  }
0x2e0: {  	v0 =	vld [tilespmem:s0+$0xF268];
	_ =	sdelay $0x4  }
0x2e1: {  	[tilespmem:s4+$0xF268] =	vst.add.f32.msk $0xffff, v0  }
0x2e2: {  	v0 =	vld [tilespmem:s0+$0xF278];
	_ =	sdelay $0x4  }
0x2e3: {  	[tilespmem:s4+$0xF278] =	vst.add.f32.msk $0xffff, v0  }
0x2e4: {  	v0 =	vld [tilespmem:s0+$0xF288];
	_ =	sdelay $0x4  }
0x2e5: {  	[tilespmem:s4+$0xF288] =	vst.add.f32.msk $0xffff, v0  }
0x2e6: {  	v0 =	vld [tilespmem:s0+$0xF298];
	_ =	sdelay $0x4  }
0x2e7: {  	[tilespmem:s4+$0xF298] =	vst.add.f32.msk $0xffff, v0  }
0x2e8: {  	v0 =	vld [tilespmem:s0+$0xF2A8]  }
.Ltmp46:
0x2e9: {  	_ = 	snop;
	(pc) =	sbr.rel .LBB3_48-.Ltmp46, $2  }
0x2ea: {  	_ =	sdelay $0x2  }
0x2eb: {  	[tilespmem:s4+$0xF2A8] =	vst.add.f32.msk $0xffff, v0  }
.LBB3_49:
0x2ec: {  	p1 =	slt.s32 s2, $0x1  }
.Ltmp47:
0x2ed: {  	_ = 	snop;
	(pc) =	sbr.rel @p1 .LBB3_53-.Ltmp47, $3  }
0x2ee: {  	_ =	sdelay $0x1  }
0x2ef: {  	s0 =	simm.s32 $0x8  }
0x2f0: {  	s3 =	simm.s32 $0x0;
	[sflag:s0] =	ssyncpa.u1 $0x1  }
0x2f1: {  	s0 =	simm.s32 $0xF218  }
0x2f2: {  	v0 =	vld.msk [tilespmem:s0+$0x0], $0x1;
	_ =	sdelay $0x4  }
0x2f3: {  	(v2sf) =	vpush v0, $0x0;
	_ =	sdelay $0xe  }
0x2f4: {  	s0 =	sadd.s32 $0xFFFFFFFF, s2;
	s5 =	spop (v2sf)  }
0x2f5: {  	p2 =	sne.s32 s0, $0x0;
	p1 =	sgt.u32 s5, $0x270F0  }
.Ltmp48:
0x2f6: {  	s6 =	sand.u32 @!p1 $0x3FFF8, s5;
	(pc) =	sbr.rel @!p2 .LBB3_52-.Ltmp48, $4  }
0x2f7: {  	s4 =	simm.s32 $0xF238;
	s5 =	sand.u32 @!p1 $0x7, s5;
	s2 =	sadd.s32 @!p1 s1, s6  }
0x2f8: {  	[hbm4b:s2+s5] =	stream.linear.scatter @!p1 [tilespmem:s4], [sflag:$0x7], $0x80, $0x38;
	[tilespmem:$0x1F6F8] =	vst v63  }
0x2f9: {  	s5 =	simm.s32 $0x0  }
0x2fa: {  	s2 =	simm.s32 $0xF219;
	s5 =	simm.s32 @!p1 $0x200  }
.LBB3_51:
0x2fb: {  	v0 =	vld.msk [tilespmem:s2+$0x0], $0x1;
	s0 =	sadd.s32 $0xFFFFFFFF, s0;
	s3 =	sadd.s32 s3, s5  }
0x2fc: {  	p1 =	sne.s32 s0, $0x0;
	_ =	sdelay $0x3  }
0x2fd: {  	(v2sf) =	vpush v0, $0x0;
	_ =	sdelay $0xe  }
.Ltmp49:
0x2fe: {  	s6 =	spop (v2sf);
	(pc) =	sbr.rel @p1 .LBB3_51-.Ltmp49, $4  }
0x2ff: {  	s5 =	simm.s32 $0x0;
	p2 =	sgt.u32 s6, $0x270F0  }
0x300: {  	s4 =	sadd.s32 $0x80, s4;
	s5 =	simm.s32 @!p2 $0x200;
	s7 =	sand.u32 @!p2 $0x3FFF8, s6  }
0x301: {  	s2 =	sadd.s32 $0x1, s2;
	s6 =	sand.u32 @!p2 $0x7, s6;
	s7 =	sadd.s32 @!p2 s1, s7  }
0x302: {  	[hbm4b:s7+s6] =	stream.linear.scatter @!p2 [tilespmem:s4], [sflag:$0x7], $0x80, $0x38;
	[tilespmem:$0x1F6F8] =	vst v63  }
.LBB3_52:
0x303: {  	s0 =	sadd.s32 s3, s5  }
0x304: {  	s3 =	sshrl.u32 s0, $0x2  }
.LBB3_53:
0x305: {  	s0 =	simm.s32 $0x7  }
0x306: {  	_ =	swait.ge [sflag:s0], s3  }
0x307: {  	s1 =	ssub.s32 $0x0, s3;
	[sflag:s0] =	ssyncset.done $0x0  }
0x308: {  	[sflag:s0] =	ssyncadd.s32 s1  }
0x309: {  	[sflag:s0] =	ssyncpa.u1 $0x1  }
.LBB3_54:
0x30a: {  	_ =	sfence;
	s0 =	simm.s32 $0x1  }
0x30b: {  	[sflag:s0] =	ssyncpa.u1 $0x1  }
0x30c: {  	_ =	strace $0x90000062  }
0x30d: {  	[bflag:$0x2] =	sbarrier.arrive $0xFFFF  }
0x30e: {  	s0 =	rddreg [dreg:$0x4]  }
0x30f: {  	s0 =	sadd.s32 @!p0 $0x100000, s0  }
0x310: {  	[sflag:s0] =	ssyncadd.tile.s32 @!p0 $0x1;
	_ =	shalt  }
.Lfunc_end3:
_tile_overlayer_lowered:
.L_overlay_start_3:
0x311: {  	(tag) =	ssettag $0x3  }
0x312: {  	s0 =	rddreg [dreg:$0x0];
	s2 =	stileid.u32  }
0x313: {  	s1 =	rddreg [dreg:$0x1];
	p0 =	sne.s32 s2, $0x0  }
0x314: {  	s3 =	rddreg [dreg:$0x2];
	[bflag:$0x3] =	sbarrier.arrive $0xFFFF;
	s2 =	simm.s32 @!p0 $0x1C01  }
0x315: {  	[timem:s3], [sflag:s2] =	dma.local @!p0 [hbm:s0], s1  }
0x316: {  	s0 =	simm.s32 @!p0 $0x1  }
0x317: {  	_ =	swait.ge @!p0 [sflag:s0], s1  }
0x318: {  	s1 =	ssub.s32 @!p0 $0x0, s1;
	[sflag:s0] =	ssyncset.done @!p0 $0x0  }
0x319: {  	[sflag:s0] =	ssyncadd.s32 @!p0 s1  }
0x31a: {  	[bflag:$0x3] =	sbarrier.arrive $0xFFFF  }
0x31b: {  	_ =	shalt  }

// kernel: scatter_offload_async_start.3
scs
__scs_entry_jumppad:
0x0: {  	(pc) =	sbr.rel $0x88, $3  }
0x1: {  	(tag) =	ssettag $0x0;
	lr =	simm.s32 $0x1  }
0x2: {  	[smem:$0x3F81] =	sst lr;
	_ =	strace $0xD0000000  }
0x3: {  	_ = 	snop  }
0x4: {  	_ = 	snop  }
0x5: {  	_ = 	snop  }
0x6: {  	_ = 	snop  }
0x7: {  	_ = 	snop  }
__scs_overlays_trampoline_lowered:
0x8: {  	[smem:$0x3F90] =	sst s0  }
0x9: {  	[smem:$0x3F91] =	sst s1  }
0xa: {  	[smem:$0x3F92] =	sst s2  }
0xb: {  	[smem:$0x3F93] =	sst s3  }
0xc: {  	[smem:$0x3F94] =	sst s4  }
0xd: {  	[smem:$0x3F95] =	sst s5  }
0xe: {  	[smem:$0x3F96] =	sst s6  }
0xf: {  	[smem:$0x3F97] =	sst s7  }
0x10: {  	[smem:$0x3F98] =	sst s8  }
0x11: {  	[smem:$0x3F99] =	sst s9;
	s0 =	simm.s32 @!p0 $0x0  }
0x12: {  	s1 =	sld [smem:$0x3F7F];
	s0 =	simm.s32 @p0 $0x1  }
0x13: {  	[smem:$0x3F9A] =	sst s0;
	s0 =	simm.s32 @!p1 $0x0  }
0x14: {  	s2 =	sld [smem:$0x3F7E];
	s0 =	simm.s32 @p1 $0x1  }
0x15: {  	[smem:$0x3F9B] =	sst s0;
	s0 =	simm.s32 @!p2 $0x0  }
0x16: {  	s3 =	sld [smem:$0x3FDB];
	s0 =	simm.s32 @p2 $0x1  }
0x17: {  	s4 =	simm.s32 $0x1BF5;
	[smem:$0x3F9D] =	sst s0  }
0x18: {  	s0 =	sld [smem:$0x3F80];
	_ =	swait.ge [sflag:s4], $0x0  }
0x19: {  	s7 =	sld [smem:$0x3F81]  }
0x1a: {  	s8 =	sadd.s32 $0xFFFFE003, lr  }
0x1b: {  	s9 =	sadd.s32 $0xFFFFFEF7, lr;
	s5 =	simm.s32 $0xFFFFFFFF;
	p2 =	slt.u32 s8, $0xFFFFF086  }
0x1c: {  	p1 =	slt.u32 s9, $0xF7A;
	s5 =	simm.s32 @!p2 $0x0  }
0x1d: {  	s5 =	simm.s32 @p1 $0x1;
	p0 =	seq.s32 s7, s2  }
0x1e: {  	s7 =	smul.u32 @!p0 $0xF7A, s2;
	p2 =	seq.s32 @!p0 s5, $0x0  }
0x1f: {  	s9 =	smul.u32 $0xF7A, s1;
	s8 =	simm.s32 @!p0 $0x1BF5;
	p2 =	por !p2, p0  }
0x20: {  	[sflag:s8] =	ssyncset.s32 @!p0 $0xFFFFF086;
	s6 =	sadd.s32 @!p0 s3, s7;
	s7 =	simm.s32 @!p0 $0x108  }
0x21: {  	s3 =	sadd.s32 s3, s9;
	s6 =	sadd.s32 @!p0 $0x88, s6;
	s7 =	simm.s32 @p2 $0x1082  }
0x22: {  	[simem:s7], [sflag:s8] =	dma.local @!p0 [hbm:s6], $0xF7A  }
0x23: {  	s9 =	sor.u32 $0xD0000000, s2;
	s6 =	simm.s32 $0x108;
	_ =	swait.ge @!p0 [sflag:s8], $0x0  }
0x24: {  	s3 =	sadd.s32 $0x88, s3;
	s6 =	simm.s32 @!p1 $0x1082;
	[sflag:s4] =	ssyncset.s32 $0xFFFFF086  }
0x25: {  	[simem:s6], [sflag:s4] =	dma.local [hbm:s3], $0xF7A  }
0x26: {  	[smem:$0x3F81] =	sst s1;
	(tag) =	ssettag s2;
	_ =	strace s9  }
0x27: {  	s1 =	sld [smem:$0x3F91]  }
0x28: {  	s2 =	sld [smem:$0x3F92]  }
0x29: {  	s4 =	sld [smem:$0x3F94]  }
0x2a: {  	p0 =	seq.s32 s5, $0x0;
	s5 =	sld [smem:$0x3F95]  }
0x2b: {  	s6 =	sld [smem:$0x3F96]  }
0x2c: {  	s7 =	sld [smem:$0x3F97]  }
0x2d: {  	s3 =	simm.s32 $0x108;
	s8 =	sld [smem:$0x3F98]  }
0x2e: {  	s3 =	simm.s32 @!p0 $0x1082;
	s9 =	sld [smem:$0x3F99]  }
0x2f: {  	lr =	sadd.s32 s0, s3;
	s0 =	sld [smem:$0x3F90]  }
0x30: {  	s3 =	sld [smem:$0x3F93]  }
0x31: {  	[smem:$0x3F9C] =	sst s10  }
0x32: {  	s10 =	sld [smem:$0x3F9A];
	_ =	sdelay $0x3  }
0x33: {  	p0 =	seq.s32 s10, $0x1;
	s10 =	sld [smem:$0x3F9C];
	_ =	sdelay $0x3  }
0x34: {  	[smem:$0x3F9C] =	sst s10  }
0x35: {  	s10 =	sld [smem:$0x3F9B];
	_ =	sdelay $0x3  }
0x36: {  	p1 =	seq.s32 s10, $0x1;
	s10 =	sld [smem:$0x3F9C];
	_ =	sdelay $0x3  }
0x37: {  	[smem:$0x3F9C] =	sst s10  }
0x38: {  	s10 =	sld [smem:$0x3F9D]  }
0x39: {  	_ = 	snop;
	(pc) =	sbr.ind lr, $3  }
0x3a: {  	_ = 	snop  }
0x3b: {  	_ = 	snop  }
0x3c: {  	p2 =	seq.s32 s10, $0x1;
	s10 =	sld [smem:$0x3F9C]  }
0x3d: {  	_ =	shalt  }
0x3e: {  	_ =	shalt  }
0x3f: {  	_ =	shalt  }
0x40: {  	_ =	shalt  }
0x41: {  	_ =	shalt  }
0x42: {  	_ =	shalt  }
0x43: {  	_ =	shalt  }
0x44: {  	_ =	shalt  }
0x45: {  	_ =	shalt  }
0x46: {  	_ =	shalt  }
0x47: {  	_ =	shalt  }
0x48: {  	_ =	shalt  }
0x49: {  	_ =	shalt  }
0x4a: {  	_ =	shalt  }
0x4b: {  	_ =	shalt  }
0x4c: {  	_ =	shalt  }
0x4d: {  	_ =	shalt  }
0x4e: {  	_ =	shalt  }
0x4f: {  	_ =	shalt  }
0x50: {  	_ =	shalt  }
0x51: {  	_ =	shalt  }
0x52: {  	_ =	shalt  }
0x53: {  	_ =	shalt  }
0x54: {  	_ =	shalt  }
0x55: {  	_ =	shalt  }
0x56: {  	_ =	shalt  }
0x57: {  	_ =	shalt  }
0x58: {  	_ =	shalt  }
0x59: {  	_ =	shalt  }
0x5a: {  	_ =	shalt  }
0x5b: {  	_ =	shalt  }
0x5c: {  	_ =	shalt  }
0x5d: {  	_ =	shalt  }
0x5e: {  	_ =	shalt  }
0x5f: {  	_ =	shalt  }
0x60: {  	_ =	shalt  }
0x61: {  	_ =	shalt  }
0x62: {  	_ =	shalt  }
0x63: {  	_ =	shalt  }
0x64: {  	_ =	shalt  }
0x65: {  	_ =	shalt  }
0x66: {  	_ =	shalt  }
0x67: {  	_ =	shalt  }
0x68: {  	_ =	shalt  }
0x69: {  	_ =	shalt  }
0x6a: {  	_ =	shalt  }
0x6b: {  	_ =	shalt  }
0x6c: {  	_ =	shalt  }
0x6d: {  	_ =	shalt  }
0x6e: {  	_ =	shalt  }
0x6f: {  	_ =	shalt  }
0x70: {  	_ =	shalt  }
0x71: {  	_ =	shalt  }
0x72: {  	_ =	shalt  }
0x73: {  	_ =	shalt  }
0x74: {  	_ =	shalt  }
0x75: {  	_ =	shalt  }
0x76: {  	_ =	shalt  }
0x77: {  	_ =	shalt  }
0x78: {  	_ =	shalt  }
0x79: {  	_ =	shalt  }
0x7a: {  	_ =	shalt  }
0x7b: {  	_ =	shalt  }
0x7c: {  	_ =	shalt  }
0x7d: {  	_ =	shalt  }
0x7e: {  	_ =	shalt  }
0x7f: {  	_ =	shalt  }
0x80: {  	_ =	shalt  }
0x81: {  	_ =	shalt  }
0x82: {  	_ =	shalt  }
0x83: {  	_ =	shalt  }
0x84: {  	_ =	shalt  }
0x85: {  	_ =	shalt  }
0x86: {  	_ =	shalt  }
0x87: {  	_ =	shalt  }
.Lfunc_end0:
.L_simem_size_0:
called_computation.3_lowered:
.L_overlay_start_0:
0x88: {  	s2 =	sld [smem:$0x3FD9]  }
0x89: {  	s3 =	sld [smem:$0x3FFE];
	_ =	sdelay $0x1  }
0x8a: {  	s1 =	srdreg.scid  }
0x8b: {  	s0 =	sand.u32 $0x1, s1  }
0x8c: {  	s10 =	sshll.u32 s0, $0xA;
	s2 =	sadd.s32 s3, s2  }
0x8d: {  	s2 =	sadd.s32 s2, s10  }
0x8e: {  	[smem:$0x3FA8] =	sst s2  }
0x8f: {  	_ = 	snop  }
0x90: {  	s2 =	sld [smem:$0x3FD0];
	_ =	sdelay $0x2  }
0x91: {  	s11 =	simm.s32 $0xF;
	s4 =	simm.s32 $0x10  }
0x92: {  	[smem:s4], [sflag:s11] =	dma.local [hbm:s2], $0x1  }
0x93: {  	_ =	swait.eq [sflag:s11], $0x1  }
0x94: {  	[sflag:s11] =	ssyncset.done $0x0  }
0x95: {  	[sflag:s11] =	ssyncadd.s32 $0xFFFFFFFF  }
0x96: {  	s12 =	sld [smem:$0x11];
	(tm) =	ssettm $0x1  }
0x97: {  	s13 =	sld [smem:$0x3FFB];
	_ =	sdelay $0x3  }
0x98: {  	_ =	strace s13  }
0x99: {  	s2 =	sld [smem:$0x3FFC];
	_ =	sdelay $0x3  }
0x9a: {  	_ =	strace s2  }
0x9b: {  	s2 =	sld [smem:$0x3FFD];
	_ =	sdelay $0x3  }
0x9c: {  	_ =	strace s2  }
0x9d: {  	_ =	strace $0x8FFFFFFF  }
0x9e: {  	s14 =	sld [smem:$0x3FDB];
	_ =	sdelay $0x1  }
0x9f: {  	s15 =	simm.s32 $_scs_section_size  }
0xa0: {  	s5 =	simm.s32 $_size__tile_overlayer_lowered;
	s6 =	simm.s32 $_tile_overlayer_lowered  }
0xa1: {  	s19 =	simm.s32 $0x1BFF;
	s17 =	sshll.u32 s6, $0x1;
	s7 =	sadd.s32 s15, s14  }
0xa2: {  	s20 =	simm.s32 $0x0;
	s16 =	sshll.u32 s5, $0x1;
	s18 =	sadd.s32 s17, s7  }
0xa3: {  	[timem:s20], [sflag:s19] =	dma.local [hbm:s18], s16  }
0xa4: {  	_ =	swait.ge [sflag:s19], s16  }
0xa5: {  	s4 =	ssub.s32 $0x0, s16;
	[sflag:s19] =	ssyncset.done $0x0  }
0xa6: {  	[sflag:s19] =	ssyncadd.s32 s4;
	_ =	sdelay $0x1  }
0xa7: {  	s21 =	simm.s32 $0x1B8B  }
0xa8: {  	_ =	swait.ge [sflag:s21], $0x1  }
0xa9: {  	[sflag:s21] =	ssyncset.done $0x0  }
0xaa: {  	[sflag:s21] =	ssyncadd.s32 $0xFFFFFFFF  }
0xab: {  	s4 =	sld [smem:$0x0]  }
0xac: {  	s5 =	sand.u32 $0xFFFFFFFE, s1  }
0xad: {  	p0 =	sne.s32 s1, s5  }
0xae: {  	s5 =	sshll.u32 @p0 s5, $0xE  }
0xaf: {  	s6 =	sadd.s32 @p0 $0x11B8D, s5;
	s8 =	sshll.u32 @p0 s4, $0x11  }
0xb0: {  	s6 =	sor.u32 @p0 s8, s6  }
0xb1: {  	[sflag:s6] =	ssyncadd.remote.s32 @p0 $0x1;
	_ =	sdelay $0x1  }
0xb2: {  	s6 =	simm.s32 @p0 $0x1B8D  }
0xb3: {  	_ =	swait.eq @p0 [sflag:s6], $0x1  }
0xb4: {  	[sflag:s6] =	ssyncadd.s32 @p0 $0xFFFFFFFF  }
0xb5: {  	s8 =	sshll.u32 @!p0 s1, $0xE  }
0xb6: {  	s8 =	sor.u32 @!p0 $0x4000, s8;
	s6 =	simm.s32 @!p0 $0x1B8D  }
0xb7: {  	s10 =	sshll.u32 @!p0 s4, $0x11;
	s9 =	sadd.s32 @!p0 $0x11B8D, s8;
	_ =	swait.eq @!p0 [sflag:s6], $0x1  }
0xb8: {  	[sflag:s6] =	ssyncadd.s32 @!p0 $0xFFFFFFFF;
	s6 =	sor.u32 @!p0 s10, s9  }
0xb9: {  	s23 =	simm.s32 $0x1B8E;
	s22 =	sld [smem:$0x3FFE];
	[sflag:s6] =	ssyncadd.remote.s32 @!p0 $0x1  }
0xba: {  	s24 =	simm.s32 $execute0_lowered;
	[smem:$0x3FD2] =	sst s23  }
0xbb: {  	s9 =	sshll.u32 s24, $0x1;
	_ =	strace $0x80000058;
	[dreg:$0x1] =	wrdreg $0xFFFFFFFF  }
0xbc: {  	s25 =	simm.s32 $_size_execute0_lowered;
	s9 =	sadd.s32 s7, s9;
	[dreg:$0x0] =	wrdreg $0x0  }
0xbd: {  	s10 =	sshll.u32 s25, $0x1;
	[dreg:$0x2] =	wrdreg s9  }
0xbe: {  	[dreg:$0x3] =	wrdreg s10  }
0xbf: {  	[dreg:$0x4] =	wrdreg $0xC0  }
0xc0: {  	s26 =	simm.s32 $execute1_lowered;
	_ =	task [dreg:s20], $0x5FFFF  }
0xc1: {  	s9 =	sshll.u32 s26, $0x1;
	[dreg:$0x1] =	wrdreg $0xFFFFFFFF  }
0xc2: {  	s7 =	sadd.s32 s7, s9;
	[dreg:$0x0] =	wrdreg $0x60  }
0xc3: {  	[dreg:$0x2] =	wrdreg s7  }
0xc4: {  	[dreg:$0x3] =	wrdreg s22  }
0xc5: {  	[dreg:$0x4] =	wrdreg $0xD  }
0xc6: {  	_ =	task.clear_ibuf [dreg:s20], $0x5FFFF;
	_ =	strace $0x90000058  }
0xc7: {  	s28 =	simm.s32 $0xD;
	_ =	strace $0x8000005A  }
0xc8: {  	_ =	swait.ge [sflag:s28], $0x1  }
0xc9: {  	[sflag:s28] =	ssyncadd.s32 $0xFFFFFFFF  }
0xca: {  	_ =	strace $0x9000005A  }
0xcb: {  	s7 =	sld [smem:$0x0];
	_ =	sdelay $0x3  }
0xcc: {  	s5 =	sadd.s32 @p0 $0x11BF3, s5;
	s9 =	sshll.u32 @p0 s7, $0x11  }
0xcd: {  	s5 =	sor.u32 @p0 s9, s5  }
0xce: {  	[sflag:s5] =	ssyncadd.remote.s32 @p0 $0x1;
	_ =	sdelay $0x1  }
0xcf: {  	s5 =	simm.s32 @p0 $0x1BF3  }
0xd0: {  	_ =	swait.eq @p0 [sflag:s5], $0x1  }
0xd1: {  	[sflag:s5] =	ssyncadd.s32 @p0 $0xFFFFFFFF;
	_ =	sdelay $0x1  }
0xd2: {  	s5 =	simm.s32 @!p0 $0x1BF3  }
0xd3: {  	s8 =	sadd.s32 @!p0 $0x11BF3, s8;
	s7 =	sshll.u32 @!p0 s7, $0x11;
	_ =	swait.eq @!p0 [sflag:s5], $0x1  }
0xd4: {  	[sflag:s5] =	ssyncadd.s32 @!p0 $0xFFFFFFFF;
	s5 =	sor.u32 @!p0 s7, s8  }
0xd5: {  	[sflag:s5] =	ssyncadd.remote.s32 @!p0 $0x1  }
0xd6: {  	_ =	strace $0x8000005B;
	[dreg:$0x1] =	wrdreg $0xFFFFFFFF  }
0xd7: {  	[dreg:$0x0] =	wrdreg $0x2030  }
0xd8: {  	[dreg:$0x2] =	wrdreg s22  }
0xd9: {  	[dreg:$0x3] =	wrdreg s12  }
0xda: {  	[dreg:$0x4] =	wrdreg s1  }
0xdb: {  	[dreg:$0x5] =	wrdreg s4  }
0xdc: {  	[dreg:$0x6] =	wrdreg $0xE  }
0xdd: {  	_ =	task.clear_ibuf [dreg:s20], $0x7FFFF;
	_ =	strace $0x9000005B  }
0xde: {  	s29 =	simm.s32 $0xE;
	_ =	strace $0x8000005D  }
0xdf: {  	_ =	swait.ge [sflag:s29], $0x1  }
0xe0: {  	[sflag:s29] =	ssyncadd.s32 $0xFFFFFFFF  }
0xe1: {  	_ =	strace $0x9000005D  }
0xe2: {  	_ =	sfence  }
0xe3: {  	s30 =	sld [smem:$0x0];
	_ =	sdelay $0x2  }
0xe4: {  	s31 =	sshll.u32 s1, $0xD;
	s1 =	sshrl.u32 s1, $0x2  }
0xe5: {  	s4 =	sand.u32 $0x4000, s31;
	s1 =	sadd.s32 s1, s30  }
0xe6: {  	s0 =	sor.u32 s4, s0;
	s1 =	sshll.u32 s1, $0x11  }
0xe7: {  	s0 =	sor.u32 s1, s0  }
0xe8: {  	s0 =	sadd.s32 $0x8F2B, s0  }
0xe9: {  	[sflag:s0] =	ssyncadd.remote.s32 $0x1  }
0xea: {  	_ =	sfence.sel $0xFFFF  }
0xeb: {  	[dreg:$0x0] =	wrdreg $0xFFFFFFFF;
	(pc) =	sbr.abs _section_cstart, $3  }
0xec: {  	[dreg:$0x1] =	wrdreg $0xFFFFFFFF  }
0xed: {  	_ =	task.clear_ibuf [dreg:s20], $0x2FFFF;
	_ =	strace $0x9FFFFFFF  }
0xee: {  	(tm) =	ssettm $0x7FFFFFFF  }
0xef: {  	_ =	shalt  }
tec
execute0_lowered:
.L_overlay_start_1:
0x0: {  	(tag) =	ssettag $0x1  }
0x1: {  	s2 =	rddreg [dreg:$0x0]  }
0x2: {  	s4 =	rddreg [dreg:$0x1]  }
0x3: {  	s0 =	rddreg [dreg:$0x2];
	s3 =	stileid.u32  }
0x4: {  	[bflag:$0x3] =	sbarrier.arrive $0xFFFF;
	s1 =	simm.s32 $_size_execute1_lowered;
	s29 =	srdreg.scid  }
0x5: {  	s7 =	simm.s32 $0x2;
	s8 =	simm.s32 $0x0;
	p0 =	sne.s32 s3, $0x0  }
0x6: {  	s1 =	sshll.u32 s1, $0x1;
	s5 =	simm.s32 @!p0 $0x1C3F;
	s6 =	simm.s32 @!p0 $0x4060  }
0x7: {  	[timem:s6], [sflag:s5] =	dma.local @!p0 [hbm:s2], s1  }
0x8: {  	s12 =	simm.s32 $0x0;
	s10 =	simm.s32 $0x0;
	s2 =	sshll.u32 s29, $0x7  }
.Ltmp0:
0x9: {  	s3 =	sshll.u32 s3, $0x8;
	s30 =	sand.u32 $0x80, s2;
	(pc) =	sbr.rel .LBB2_1-.Ltmp0, $4  }
0xa: {  	s11 =	simm.s32 $0x0;
	s5 =	simm.s32 $0x1;
	s3 =	sor.u32 s3, s30  }
0xb: {  	_ =	strace $0x80000059;
	s2 =	sadd.s32 $0x6A800, s4;
	s31 =	ssub.s32 $0x2700, s3  }
0xc: {  	s4 =	sadd.s32 $0x91A00, s4;
	[sflag:s5] =	ssyncpa.u1 $0x0;
	s6 =	sshrl.u32 s31, $0xC  }
0xd: {  	[sflag:s7] =	ssyncpa.u1 $0x0;
	s9 =	smov.u32 s3;
	s7 =	sadd.s32 $0x2, s6  }
.LBB2_4:
0xe: {  	_ = 	snop  }
.LBB2_7:
0xf: {  	_ =	sdelay $0x3  }
0x10: {  	[tilespmem:v0+s16+$0x0 ss:$0x1] =	vst.idx.msk @p1 $0xffff, v2  }
0x11: {  	v56 =	vld.idx.msk [tilespmem:v1+s15+$0x0 ss:$0x1], $0xffff;
	s24 =	sor.u32 $0x70, s15;
	[tilespmem:v0+s17+$0x0 ss:$0x1] =	vst.idx.msk @p1 $0xffff, v4  }
0x12: {  	s25 =	sor.u32 $0x10, s15;
	[tilespmem:v0+s18+$0x0 ss:$0x1] =	vst.idx.msk @p1 $0xffff, v3;
	v57 =	vld.idx.msk [tilespmem:v1+s24+$0x0 ss:$0x1], $0xffff  }
0x13: {  	s26 =	sor.u32 $0x20, s15;
	[tilespmem:v0+s19+$0x0 ss:$0x1] =	vst.idx.msk @p1 $0xffff, v5;
	v58 =	vld.idx.msk [tilespmem:v1+s25+$0x0 ss:$0x1], $0xffff  }
0x14: {  	s28 =	sor.u32 $0x30, s15;
	[tilespmem:v0+s20+$0x0 ss:$0x1] =	vst.idx.msk @p1 $0xffff, v6;
	v59 =	vld.idx.msk [tilespmem:v1+s26+$0x0 ss:$0x1], $0xffff  }
0x15: {  	s29 =	sor.u32 $0x40, s15;
	[tilespmem:v0+s21+$0x0 ss:$0x1] =	vst.idx.msk @p1 $0xffff, v7;
	v60 =	vld.idx.msk [tilespmem:v1+s28+$0x0 ss:$0x1], $0xffff  }
0x16: {  	s30 =	sor.u32 $0x50, s15;
	v61 =	vld.idx.msk [tilespmem:v1+s29+$0x0 ss:$0x1], $0xffff;
	[tilespmem:v0+s15+$0x0 ss:$0x1] =	vst.idx.msk $0xffff, v56  }
0x17: {  	s31 =	sor.u32 $0x60, s15;
	v62 =	vld.idx.msk [tilespmem:v1+s30+$0x0 ss:$0x1], $0xffff;
	[tilespmem:v0+s24+$0x0 ss:$0x1] =	vst.idx.msk $0xffff, v57  }
0x18: {  	v63 =	vld.idx.msk [tilespmem:v1+s31+$0x0 ss:$0x1], $0xffff;
	[tilespmem:v0+s25+$0x0 ss:$0x1] =	vst.idx.msk $0xffff, v58  }
0x19: {  	[tilespmem:v0+s26+$0x0 ss:$0x1] =	vst.idx.msk $0xffff, v59  }
0x1a: {  	[tilespmem:v0+s28+$0x0 ss:$0x1] =	vst.idx.msk $0xffff, v60  }
0x1b: {  	[tilespmem:v0+s29+$0x0 ss:$0x1] =	vst.idx.msk $0xffff, v61  }
0x1c: {  	[tilespmem:v0+s30+$0x0 ss:$0x1] =	vst.idx.msk $0xffff, v62  }
0x1d: {  	[tilespmem:v0+s31+$0x0 ss:$0x1] =	vst.idx.msk $0xffff, v63  }
.LBB2_8:
0x1e: {  	s15 =	sand.u32 $0x1FFFFFF, s10  }
0x1f: {  	s16 =	smulhi.u32 $0x1A36E2F, s15;
	_ =	sdelay $0x1  }
0x20: {  	s16 =	sshrl.u32 s16, $0x6  }
0x21: {  	s16 =	smul.u32 $0x2710, s16;
	_ =	sdelay $0x1  }
0x22: {  	s15 =	ssub.s32 s15, s16  }
0x23: {  	s15 =	sshll.u32 s15, $0x4  }
0x24: {  	s15 =	sadd.s32 s4, s15  }
0x25: {  	[hbm4b:s15+s8] =	stream.linear.scatter [tilespmem:s14], [sflag:$0x2], s13, $0x38;
	[tilespmem:$0x10000] =	vst v63  }
.LBB2_9:
0x26: {  	p1 =	slt.u32 s11, $0x2  }
0x27: {  	p2 =	sgt.s32 @!p1 s12, $0x2690  }
0x28: {  	s13 =	smov.u32 s12;
	s14 =	sshra.s32 @!p1 s12, $0x1F;
	p2 =	por !p2, p1  }
0x29: {  	s12 =	sand.u32 @!p1 s14, s12;
	s13 =	simm.s32 @p2 $0x2690  }
0x2a: {  	s12 =	ssub.s32 @!p1 s13, s12  }
0x2b: {  	s12 =	sadd.s32 @!p1 $0xFFFFD970, s12  }
0x2c: {  	s13 =	sshll.u32 @!p1 s12, $0x9  }
0x2d: {  	p2 =	sgt.s32 @!p1 s12, $0x7F;
	s12 =	ssub.s32 @!p1 $0x10000, s13  }
0x2e: {  	s14 =	sadd.s32 $0x1000, s9;
	p2 =	por !p2, p1;
	s12 =	sshrl.u32 @!p1 s12, $0x2  }
0x2f: {  	s12 =	simm.s32 @!p2 $0x0;
	p2 =	sgt.s32 s14, $0x270F  }
0x30: {  	s14 =	smov.u32 @p2 s3;
	p2 =	sne.s32 s11, s7  }
.Ltmp1:
0x31: {  	_ = 	snop;
	(pc) =	sbr.rel @!p2 .LBB2_10-.Ltmp1, $4  }
0x32: {  	s13 =	simm.s32 @!p1 $0x2  }
0x33: {  	_ =	swait.ge @!p1 [sflag:s13], s12;
	s15 =	ssub.s32 @!p1 $0x0, s12  }
0x34: {  	s12 =	smov.u32 s10;
	s11 =	sadd.s32 $0x1, s11;
	[sflag:s13] =	ssyncset.done @!p1 $0x0  }
0x35: {  	s10 =	smov.u32 s9;
	s9 =	smov.u32 s14;
	[sflag:s13] =	ssyncadd.s32 @!p1 s15  }
.LBB2_1:
0x36: {  	p1 =	sgt.u32 s11, s6  }
0x37: {  	s13 =	sand.u32 @!p1 $0x1FFFFFF, s9  }
0x38: {  	p2 =	sgt.s32 @!p1 s9, $0x2690;
	s14 =	smulhi.u32 @!p1 $0x1A36E2F, s13  }
0x39: {  	s15 =	smov.u32 s9;
	s16 =	sshra.s32 @!p1 s9, $0x1F;
	p2 =	por !p2, p1  }
0x3a: {  	s16 =	sand.u32 @!p1 s16, s9;
	s15 =	simm.s32 @p2 $0x2690;
	s14 =	sshrl.u32 @!p1 s14, $0x6  }
0x3b: {  	s15 =	ssub.s32 @!p1 s15, s16;
	s14 =	smul.u32 @!p1 $0x2710, s14  }
0x3c: {  	s16 =	sxor.u32 @!p1 $0xFFFFFFFF, s11;
	s15 =	sadd.s32 @!p1 $0xFFFFD970, s15  }
0x3d: {  	s16 =	sshll.u32 @!p1 s16, $0xE;
	s13 =	ssub.s32 @!p1 s13, s14;
	s14 =	sshll.u32 @!p1 s15, $0x9  }
0x3e: {  	s16 =	sand.u32 @!p1 $0x4000, s16;
	p2 =	sgt.s32 @!p1 s15, $0x7F;
	s14 =	ssub.s32 @!p1 $0x10000, s14  }
0x3f: {  	p2 =	por !p2, p1;
	s13 =	sshll.u32 @!p1 s13, $0x4;
	s14 =	sshrl.u32 @!p1 s14, $0x2  }
0x40: {  	s15 =	simm.s32 @!p1 $0x0;
	s13 =	sadd.s32 @!p1 s2, s13;
	s14 =	simm.s32 @!p2 $0x0  }
0x41: {  	[tilespmem:s16], [sflag:$0x1] =	stream.linear.gather @!p1 [hbm4b:s13+s15], s14, $0x38;
	[tilespmem:$0x10000] =	vst v63  }
0x42: {  	p1 =	seq.s32 s11, $0x0  }
0x43: {  	p2 =	sge.u32 @!p1 s11, s7  }
0x44: {  	p1 =	por p1, p2  }
.Ltmp2:
0x45: {  	_ = 	snop;
	(pc) =	sbr.rel @p1 .LBB2_9-.Ltmp2, $1  }
0x46: {  	_ =	sdelay $0x3  }
0x47: {  	p1 =	sgt.s32 s10, $0x2690;
	s13 =	smov.u32 s10;
	s14 =	sshra.s32 s10, $0x1F  }
0x48: {  	s13 =	simm.s32 @!p1 $0x2690;
	s14 =	sand.u32 s14, s10  }
0x49: {  	s13 =	ssub.s32 s13, s14  }
0x4a: {  	s13 =	sadd.s32 $0xFFFFD970, s13  }
0x4b: {  	s31 =	sshll.u32 s13, $0x9  }
0x4c: {  	s14 =	ssub.s32 $0x10000, s31  }
0x4d: {  	p1 =	sgt.s32 s13, $0x7F;
	s13 =	sshrl.u32 s14, $0x2;
	s14 =	sadd.s32 $0x80, s10  }
0x4e: {  	s13 =	simm.s32 @p1 $0x0;
	p1 =	slt.s32 s14, $0x2710  }
0x4f: {  	s14 =	simm.s32 @!p1 $0x2710  }
0x50: {  	s16 =	ssub.s32 s14, s10  }
0x51: {  	p1 =	slt.s32 s16, $0x1  }
.Ltmp3:
0x52: {  	_ = 	snop;
	(pc) =	sbr.rel @p1 .LBB2_8-.Ltmp3, $4  }
0x53: {  	_ = 	snop  }
0x54: {  	s15 =	sshll.u32 s11, $0xE;
	_ =	swait.ge [sflag:s5], s13  }
0x55: {  	s15 =	sand.u32 $0x4000, s15;
	s17 =	ssub.s32 $0x0, s13;
	[sflag:s5] =	ssyncset.done $0x0  }
0x56: {  	s14 =	sor.u32 $0x8000, s15;
	[sflag:s5] =	ssyncadd.s32 s17  }
0x57: {  	p2 =	sne.s32 s16, $0x1  }
.Ltmp4:
0x58: {  	v1 =	vmov s15;
	v0 =	vmov s14;
	(pc) =	sbr.rel @!p2 .LBB2_4-.Ltmp4, $3  }
0x59: {  	_ =	sdelay $0x1  }
0x5a: {  	s17 =	simm.s32 $0x0  }
0x5b: {  	s23 =	sadd.s32 $0xFFFFFFFF, s16;
	p1 =	por $0x0, $0x0;
	s15 =	sand.u32 $0x3F80, s17  }
0x5c: {  	_ =	sdelay $0x3  }
0x5d: {  	v6 =	vld.idx.msk [tilespmem:v1+s15+$0x0 ss:$0x1], $0xffff;
	s24 =	sor.u32 $0x70, s15  }
0x5e: {  	s16 =	sor.u32 $0x10, s15;
	v8 =	vld.idx.msk [tilespmem:v1+s24+$0x0 ss:$0x1], $0xffff  }
0x5f: {  	s17 =	sor.u32 $0x20, s15;
	p2 =	sne.s32 s23, $0x1;
	v2 =	vld.idx.msk [tilespmem:v1+s16+$0x0 ss:$0x1], $0xffff  }
.Ltmp5:
0x60: {  	s18 =	sor.u32 $0x30, s15;
	v4 =	vld.idx.msk [tilespmem:v1+s17+$0x0 ss:$0x1], $0xffff;
	(pc) =	sbr.rel @!p2 .LBB2_7-.Ltmp5, $4  }
0x61: {  	s19 =	sor.u32 $0x40, s15;
	v3 =	vld.idx.msk [tilespmem:v1+s18+$0x0 ss:$0x1], $0xffff  }
0x62: {  	s21 =	sor.u32 $0x60, s15;
	v5 =	vld.idx.msk [tilespmem:v1+s19+$0x0 ss:$0x1], $0xffff  }
0x63: {  	s20 =	sor.u32 $0x50, s15;
	s22 =	simm.s32 $0x80;
	v7 =	vld.idx.msk [tilespmem:v1+s21+$0x0 ss:$0x1], $0xffff;
	[tilespmem:v0+s15+$0x0 ss:$0x1] =	vst.idx.msk $0xffff, v6  }
0x64: {  	s23 =	sadd.s32 $0xFFFFFFFF, s23;
	p1 =	por $0x1, $0x1;
	v6 =	vld.idx.msk [tilespmem:v1+s20+$0x0 ss:$0x1], $0xffff;
	s15 =	sand.u32 $0x3F80, s22;
	[tilespmem:v0+s24+$0x0 ss:$0x1] =	vst.idx.msk $0xffff, v8  }
.LBB2_6:
0x65: {  	p2 =	sne.s32 s23, $0x1;
	v8 =	vld.idx.msk [tilespmem:v1+s15+$0x0 ss:$0x1], $0xffff;
	s24 =	sor.u32 $0x70, s15;
	[tilespmem:v0+s16+$0x0 ss:$0x1] =	vst.idx.msk $0xffff, v2;
	s16 =	sor.u32 $0x10, s15  }
0x66: {  	s25 =	sor.u32 $0x30, s15;
	s26 =	sor.u32 $0x40, s15;
	v9 =	vld.idx.msk [tilespmem:v1+s24+$0x0 ss:$0x1], $0xffff;
	[tilespmem:v0+s17+$0x0 ss:$0x1] =	vst.idx.msk $0xffff, v4;
	s17 =	sor.u32 $0x20, s15  }
0x67: {  	s28 =	sor.u32 $0x50, s15;
	s29 =	sor.u32 $0x60, s15;
	v2 =	vld.idx.msk [tilespmem:v1+s16+$0x0 ss:$0x1], $0xffff;
	[tilespmem:v0+s18+$0x0 ss:$0x1] =	vst.idx.msk $0xffff, v3;
	s18 =	smov.u32 s25  }
.Ltmp6:
0x68: {  	v4 =	vld.idx.msk [tilespmem:v1+s17+$0x0 ss:$0x1], $0xffff;
	[tilespmem:v0+s19+$0x0 ss:$0x1] =	vst.idx.msk $0xffff, v5;
	s19 =	smov.u32 s26;
	(pc) =	sbr.rel @p2 .LBB2_6-.Ltmp6, $4  }
0x69: {  	v3 =	vld.idx.msk [tilespmem:v1+s18+$0x0 ss:$0x1], $0xffff;
	[tilespmem:v0+s20+$0x0 ss:$0x1] =	vst.idx.msk $0xffff, v6;
	s20 =	smov.u32 s28  }
0x6a: {  	v5 =	vld.idx.msk [tilespmem:v1+s19+$0x0 ss:$0x1], $0xffff;
	[tilespmem:v0+s21+$0x0 ss:$0x1] =	vst.idx.msk $0xffff, v7;
	s21 =	smov.u32 s29  }
0x6b: {  	s22 =	sadd.s32 $0x80, s22;
	[tilespmem:v0+s15+$0x0 ss:$0x1] =	vst.idx.msk $0xffff, v8;
	v6 =	vld.idx.msk [tilespmem:v1+s20+$0x0 ss:$0x1], $0xffff  }
0x6c: {  	s23 =	sadd.s32 $0xFFFFFFFF, s23;
	s15 =	sand.u32 $0x3F80, s22;
	v7 =	vld.idx.msk [tilespmem:v1+s21+$0x0 ss:$0x1], $0xffff;
	[tilespmem:v0+s24+$0x0 ss:$0x1] =	vst.idx.msk $0xffff, v9  }
.Ltmp7:
0x6d: {  	_ = 	snop;
	(pc) =	sbr.rel .LBB2_7-.Ltmp7, $1  }
0x6e: {  	_ =	sdelay $0x3  }
.LBB2_10:
0x6f: {  	_ =	sfence.sel $0x180000  }
0x70: {  	s2 =	simm.s32 $0x1;
	[bflag:$0x0] =	sbarrier.arrive $0xFFFF  }
0x71: {  	s31 =	simm.s32 $0x2;
	[sflag:s2] =	ssyncpa.u1 $0x1  }
0x72: {  	[sflag:s31] =	ssyncpa.u1 $0x1  }
0x73: {  	_ =	strace $0x90000059  }
0x74: {  	s0 =	sadd.s32 @!p0 $0x100000, s0;
	[bflag:$0x2] =	sbarrier.arrive $0xFFFF  }
0x75: {  	[sflag:s0] =	ssyncadd.tile.s32 @!p0 $0x1;
	s0 =	simm.s32 @!p0 $0x3F  }
0x76: {  	_ =	swait.ge @!p0 [sflag:s0], s1  }
0x77: {  	s1 =	ssub.s32 @!p0 $0x0, s1;
	[sflag:s0] =	ssyncset.done @!p0 $0x0  }
0x78: {  	[sflag:s0] =	ssyncadd.s32 @!p0 s1  }
0x79: {  	[bflag:$0x3] =	sbarrier.arrive $0xFFFF  }
0x7a: {  	_ =	shalt  }
.Lfunc_end2:
execute1_lowered:
.L_overlay_start_2:
0x7b: {  	(tag) =	ssettag $0x2  }
0x7c: {  	s2 =	rddreg [dreg:$0x0]  }
0x7d: {  	s9 =	rddreg [dreg:$0x1]  }
0x7e: {  	s3 =	rddreg [dreg:$0x2];
	_ =	strace $0x8000005C;
	s0 =	simm.s32 $0x1  }
0x7f: {  	v0 =	vimm.s32 $0x0;
	[sflag:s0] =	ssyncpa.u1 $0x0;
	s0 =	simm.s32 $0x108  }
0x80: {  	[tilespmem:s0+$0x70] =	vst v0  }
0x81: {  	[tilespmem:s0+$0x60] =	vst v0  }
0x82: {  	[tilespmem:s0+$0x50] =	vst v0  }
0x83: {  	[tilespmem:s0+$0x40] =	vst v0  }
0x84: {  	[tilespmem:s0+$0x30] =	vst v0  }
0x85: {  	s1 =	sadd.s32 $0x91A00, s2;
	s15 =	sadd.s32 $0x43000, s2;
	[tilespmem:s0+$0x20] =	vst v0  }
0x86: {  	s14 =	sadd.s32 $0x7C00, s2;
	s5 =	sand.u32 $0x1, s3;
	s3 =	simm.s32 $0x40;
	[tilespmem:s0+$0x10] =	vst v0  }
.LBB3_1:
0x87: {  	s3 =	sadd.s32 $0x40, s3;
	[tilespmem:s0+$0x0] =	vst v0;
	s0 =	sadd.s32 $0x80, s0  }
0x88: {  	p0 =	slt.u32 s3, $0x3C40;
	[tilespmem:s0+$0x70] =	vst v0  }
0x89: {  	[tilespmem:s0+$0x60] =	vst v0  }
.Ltmp8:
0x8a: {  	[tilespmem:s0+$0x50] =	vst v0;
	(pc) =	sbr.rel @p0 .LBB3_1-.Ltmp8, $4  }
0x8b: {  	[tilespmem:s0+$0x40] =	vst v0  }
0x8c: {  	[tilespmem:s0+$0x30] =	vst v0  }
0x8d: {  	[tilespmem:s0+$0x20] =	vst v0  }
0x8e: {  	[tilespmem:s0+$0x10] =	vst v0  }
0x8f: {  	s6 =	stileid.u32  }
0x90: {  	s2 =	smul.u32 $0x29, s6  }
0x91: {  	s3 =	smin.u32 s6, $0xB  }
0x92: {  	s2 =	sadd.s32 s3, s2  }
0x93: {  	p0 =	slt.u32 s6, $0xB;
	s7 =	smul.u32 $0xF0, s2;
	s2 =	simm.s32 $0x2760  }
0x94: {  	s2 =	simm.s32 @!p0 $0x2670  }
0x95: {  	s2 =	sadd.s32 s2, s7  }
0x96: {  	s8 =	smin.u32 s2, $0x27100  }
0x97: {  	s2 =	ssub.s32 s8, s7  }
0x98: {  	p0 =	sgt.s32 s2, $0x0  }
0x99: {  	s29 =	simm.s32 $0x2;
	s10 =	simm.s32 $0x9;
	s2 =	simm.s32 @!p0 $0x0  }
0x9a: {  	s4 =	simm.s32 $0xA;
	s11 =	simm.s32 $0xB;
	s28 =	smulhi.u32 $0x88888889, s2  }
0x9b: {  	[dreg:$0x5] =	wrdreg s5;
	s31 =	smul.u32 $0x4E20, s5;
	s12 =	simm.s32 $0x1  }
0x9c: {  	s22 =	simm.s32 $0x0;
	s18 =	simm.s32 $0xC;
	s30 =	sshrl.u32 s28, $0x7  }
0x9d: {  	s20 =	simm.s32 $0x0;
	s21 =	simm.s32 $0x0;
	s3 =	smul.u32 $0xF0, s30  }
.Ltmp9:
0x9e: {  	[tilespmem:s0+$0x0] =	vst v0;
	v0 =	vimm.s32 $0xFFFFFFFF;
	[sflag:s29] =	ssyncpa.u1 $0x0;
	s16 =	sshll.u32 s6, $0x8;
	(pc) =	sbr.rel .LBB3_3-.Ltmp9, $4  }
0x9f: {  	[tilespmem:$0xF208] =	vst v0;
	[sflag:s10] =	ssyncpa.u1 $0x0;
	p0 =	sne.s32 s2, s3;
	s2 =	simm.s32 $0x1  }
0xa0: {  	s14 =	sadd.s32 s31, s14;
	[sflag:s4] =	ssyncpa.u1 $0x0;
	s2 =	simm.s32 @!p0 $0x0  }
0xa1: {  	s15 =	sadd.s32 s31, s15;
	[sflag:s11] =	ssyncpa.u1 $0x0;
	s13 =	sadd.s32 s2, s30  }
0xa2: {  	v0 =	vlaneseq.u32;
	s19 =	smov.u32 s7;
	p0 =	por $0x0, $0x0;
	s17 =	sadd.s32 $0x1, s13  }
.LBB3_18:
0xa3: {  	s0 =	sshrl.u32 s31, $0x2  }
.LBB3_20:
0xa4: {  	_ =	swait.ge [sflag:s18], s0  }
0xa5: {  	s31 =	ssub.s32 $0x0, s0;
	v1 =	vmov s24;
	vm0 =	veq.s32 v0, $0x0;
	[sflag:s18] =	ssyncset.done $0x0  }
0xa6: {  	vm15 =	veq.s32 v0, $0x2;
	v1 =	vsel vm0, s30, v1;
	[sflag:s18] =	ssyncadd.s32 s31  }
0xa7: {  	v1 =	vsel vm15, s22, v1;
	[sflag:s18] =	ssyncpa.u1 $0x1  }
0xa8: {  	[tilespmem:$0xF208] =	vst v1  }
.LBB3_21:
0xa9: {  	s0 =	sadd.s32 $0xF0, s19  }
0xaa: {  	s2 =	smov.u32 s7;
	p1 =	slt.s32 s0, s8  }
0xab: {  	s2 =	smov.u32 @p1 s0;
	p1 =	sne.s32 s21, s17  }
.Ltmp10:
0xac: {  	_ = 	snop;
	(pc) =	sbr.rel @!p1 .LBB3_22-.Ltmp10, $3  }
0xad: {  	_ =	sdelay $0x1  }
0xae: {  	s22 =	smov.u32 s20;
	s31 =	sadd.s32 $0x1, s21;
	s20 =	smov.u32 s19  }
0xaf: {  	p0 =	por !p0, !p0;
	s21 =	smov.u32 s31;
	s19 =	smov.u32 s2  }
.LBB3_3:
0xb0: {  	p1 =	sge.u32 s21, s13  }
0xb1: {  	s0 =	smulhi.u32 @!p1 $0xAAAAAAAB, s21  }
0xb2: {  	s2 =	smov.u32 s19;
	p2 =	sgt.s32 @!p1 s19, $0x27010  }
0xb3: {  	s3 =	sshra.s32 @!p1 s19, $0x1F;
	p2 =	por !p2, p1;
	s0 =	sshrl.u32 @!p1 s0, $0x1  }
0xb4: {  	s3 =	sand.u32 @!p1 s3, s19;
	s2 =	simm.s32 @p2 $0x27010;
	s0 =	smul.u32 @!p1 $0x3, s0  }
0xb5: {  	s2 =	ssub.s32 @!p1 s2, s3  }
0xb6: {  	s2 =	sadd.s32 @!p1 $0xFFFD8FF0, s2;
	s0 =	ssub.s32 @!p1 s21, s0  }
0xb7: {  	s3 =	sshll.u32 @!p1 s2, $0x2;
	p2 =	sgt.s32 @!p1 s2, $0xEF;
	s0 =	smul.u32 @!p1 $0x3C0, s0  }
0xb8: {  	s4 =	sand.u32 @!p1 $0x7, s19;
	s2 =	ssub.s32 @!p1 $0x3C0, s3;
	p2 =	por !p2, p1  }
0xb9: {  	s3 =	sshrl.u32 @!p1 s19, $0x3;
	s2 =	sshrl.u32 @!p1 s2, $0x2;
	s0 =	sshrl.u32 @!p1 s0, $0x2  }
0xba: {  	s3 =	sadd.s32 @!p1 s3, s14;
	s2 =	simm.s32 @!p2 $0x0;
	s0 =	sadd.s32 @!p1 $0x10248, s0  }
0xbb: {  	[tilespmem:s0], [sflag:$0xA] =	stream.linear.gather @!p1 [hbm4b:s3+s4], s2, $0x38;
	[tilespmem:$0x1F6F8] =	vst v63  }
0xbc: {  	s0 =	sadd.s32 $0xFFFFFFFF, s21  }
0xbd: {  	p1 =	sge.u32 s0, s13  }
0xbe: {  	p2 =	sgt.s32 @!p1 s20, $0x27010  }
0xbf: {  	s2 =	smov.u32 s20;
	s3 =	sshra.s32 @!p1 s20, $0x1F;
	p2 =	por !p2, p1  }
0xc0: {  	s3 =	sand.u32 @!p1 s3, s20;
	s2 =	simm.s32 @p2 $0x27010  }
0xc1: {  	s2 =	ssub.s32 @!p1 s2, s3  }
0xc2: {  	s2 =	sadd.s32 @!p1 $0xFFFD8FF0, s2  }
0xc3: {  	s4 =	sand.u32 @!p1 $0x1, s0;
	s3 =	sshll.u32 @!p1 s2, $0x2  }
0xc4: {  	p2 =	sgt.s32 @!p1 s2, $0xEF;
	s2 =	ssub.s32 @!p1 $0x3C0, s3;
	s3 =	smulhi.u32 @!p1 $0xAAAAAAAB, s0  }
0xc5: {  	s23 =	smul.u32 @!p1 $0x3C0, s4;
	p2 =	por !p2, p1;
	s2 =	sshrl.u32 @!p1 s2, $0x2  }
0xc6: {  	s5 =	simm.s32 @!p1 $0xA;
	s2 =	simm.s32 @!p2 $0x0;
	s3 =	sshrl.u32 @!p1 s3, $0x1  }
0xc7: {  	s23 =	sshrl.u32 @!p1 s23, $0x2;
	_ =	swait.ge @!p1 [sflag:s5], s2;
	s3 =	smul.u32 @!p1 $0x3, s3  }
0xc8: {  	s23 =	sadd.s32 @!p1 $0x10518, s23;
	s24 =	ssub.s32 @!p1 $0x0, s2;
	[sflag:s5] =	ssyncset.done @!p1 $0x0  }
0xc9: {  	[sflag:s5] =	ssyncadd.s32 @!p1 s24;
	s5 =	sshrl.u32 @!p1 s20, $0x3;
	s0 =	ssub.s32 @!p1 s0, s3  }
0xca: {  	s24 =	sand.u32 @!p1 $0x7, s20;
	s5 =	sadd.s32 @!p1 s5, s15;
	s0 =	smul.u32 @!p1 $0x3C0, s0  }
0xcb: {  	[tilespmem:s23], [sflag:$0xB] =	stream.linear.gather @!p1 [hbm4b:s5+s24], s2, $0x38;
	[tilespmem:$0x1F6F8] =	vst v63  }
0xcc: {  	s3 =	ssub.s32 @!p1 $0x27100, s20;
	s2 =	smul.u32 @!p1 $0x1E000, s4  }
0xcd: {  	p2 =	slt.s32 @!p1 s3, $0xF0  }
0xce: {  	p2 =	por !p2, p1;
	s0 =	sshrl.u32 @!p1 s0, $0x2;
	s2 =	sshrl.u32 @!p1 s2, $0x2  }
0xcf: {  	s3 =	simm.s32 @p2 $0xF0;
	s0 =	sadd.s32 @!p1 $0x10248, s0;
	s2 =	sor.u32 @!p1 $0x106F8, s2  }
0xd0: {  	[tilespmem:s2], [sflag:$0x9] =	stream.indirect.gather @!p1 [hbm4b:s9+s3], $0x80, s0, s3, $0xb8;
	[tilespmem:$0x1F6F8] =	vst v63  }
0xd1: {  	p1 =	slt.u32 s21, $0x2  }
.Ltmp11:
0xd2: {  	_ = 	snop;
	(pc) =	sbr.rel @p1 .LBB3_21-.Ltmp11, $1  }
0xd3: {  	_ =	sdelay $0x3  }
0xd4: {  	p1 =	sgt.s32 s22, $0x27010  }
0xd5: {  	s0 =	smov.u32 s22;
	s2 =	sshra.s32 s22, $0x1F;
	s3 =	ssub.s32 $0x27100, s22  }
0xd6: {  	s0 =	simm.s32 @!p1 $0x27010;
	s2 =	sand.u32 s2, s22;
	p1 =	slt.s32 s3, $0xF0  }
0xd7: {  	s0 =	ssub.s32 s0, s2;
	s3 =	simm.s32 @!p1 $0xF0  }
0xd8: {  	s0 =	sadd.s32 $0xFFFD8FF0, s0;
	s25 =	sshll.u32 s3, $0x7  }
0xd9: {  	s26 =	sshll.u32 s0, $0x2;
	s2 =	sand.u32 $0x3FFFFF80, s25  }
0xda: {  	p1 =	sgt.s32 s0, $0xEF;
	s29 =	ssub.s32 $0x3C0, s26;
	_ =	swait.ge [sflag:s10], s2  }
0xdb: {  	s2 =	ssub.s32 $0x0, s2;
	[sflag:s10] =	ssyncset.done $0x0;
	s0 =	sshrl.u32 s29, $0x2  }
0xdc: {  	[sflag:s10] =	ssyncadd.s32 s2;
	s0 =	simm.s32 @p1 $0x0  }
0xdd: {  	_ =	swait.ge [sflag:s11], s0  }
0xde: {  	s0 =	ssub.s32 $0x0, s0;
	[sflag:s11] =	ssyncset.done $0x0  }
0xdf: {  	[sflag:s11] =	ssyncadd.s32 s0  }
0xe0: {  	v1 =	vld [tilespmem:$0xF208];
	_ =	sdelay $0x4  }
0xe1: {  	(v2sf) =	vpush v1, $0x0  }
0xe2: {  	(v2sf) =	vpush v1, $0x1  }
0xe3: {  	(v2sf) =	vpush v1, $0x2;
	_ =	sdelay $0x3  }
0xe4: {  	s0 =	sadd.s32 $0xF0, s22  }
0xe5: {  	s2 =	ssub.s32 $0x4E200, s22;
	p1 =	slt.s32 s8, s0  }
0xe6: {  	s0 =	smov.u32 @p1 s8;
	p1 =	sgt.s32 s2, $0x0  }
0xe7: {  	s26 =	ssub.s32 s0, s22;
	s2 =	simm.s32 @!p1 $0x0  }
0xe8: {  	p1 =	slt.s32 s2, s26  }
0xe9: {  	s26 =	smov.u32 @p1 s2  }
0xea: {  	s25 =	simm.s32 $0x1;
	p1 =	slt.s32 s26, $0x1  }
.Ltmp12:
0xeb: {  	s25 =	simm.s32 @!p0 $0x0;
	(pc) =	sbr.rel @p1 .LBB3_8-.Ltmp12, $4  }
0xec: {  	s31 =	smul.u32 $0x3C0, s25  }
0xed: {  	s28 =	spop (v2sf)  }
0xee: {  	s0 =	sshrl.u32 s31, $0x2;
	s30 =	spop (v2sf)  }
0xef: {  	s23 =	sadd.s32 $0x10518, s0;
	s22 =	spop (v2sf)  }
0xf0: {  	s0 =	smin.u32 s26, $0x10  }
0xf1: {  	v1 =	vmov s0  }
0xf2: {  	p2 =	sgt.s32 s26, $0x10;
	vm1 =	vgt.u32 v1, v0  }
.Ltmp13:
0xf3: {  	_ = 	snop;
	(pc) =	sbr.rel @!p2 .LBB3_7-.Ltmp13, $2  }
0xf4: {  	_ =	sdelay $0x2  }
0xf5: {  	s4 =	simm.s32 $0x10;
	s24 =	sadd.s32 $0xFFFFFFF0, s26;
	s0 =	smov.u32 s23;
	vm0 =	vmmov vm1  }
.LBB3_6:
0xf6: {  	s2 =	smin.u32 s24, $0x10;
	s4 =	sadd.s32 $0x10, s4;
	v1 =	vld.msk [tilespmem:s0+$0x0 ss:$0x1], vm1  }
0xf7: {  	v2 =	vmov s2;
	p2 =	slt.s32 s4, s26  }
0xf8: {  	vm1 =	vgt.u32 v2, v0  }
.Ltmp14:
0xf9: {  	(pc) =	sbr.rel @p2 .LBB3_6-.Ltmp14, $3  }
0xfa: {  	_ =	sdelay $0x1  }
0xfb: {  	v1 =	vshll.u32 v1, $0x4  }
0xfc: {  	s24 =	sadd.s32 $0xFFFFFFF0, s24;
	[tilespmem:s0+$0x0] =	vst.msk vm0, v1;
	s0 =	sadd.s32 $0x10, s0;
	vm0 =	vmmov vm1  }
.LBB3_7:
0xfd: {  	_ =	sdelay $0x4  }
0xfe: {  	v1 =	vld.msk [tilespmem:s0+$0x0 ss:$0x1], vm1;
	_ =	sdelay $0x4  }
0xff: {  	v1 =	vshll.u32 v1, $0x4  }
0x100: {  	[tilespmem:s0+$0x0] =	vst.msk vm0, v1  }
.LBB3_8:
0x101: {  	s0 =	sand.u32 $0x1, s21  }
0x102: {  	s0 =	smul.u32 $0xF0, s0  }
0x103: {  	p2 =	sne.s32 s30, $0xFFFFFFFF  }
0x104: {  	v1 =	vld.msk @!p2 [tilespmem:s0+$0x10518], $0x1;
	_ =	sdelay $0x4  }
0x105: {  	(v2sf) =	vpush @!p2 v1, $0x0;
	_ =	sdelay $0xc  }
.Ltmp15:
0x106: {  	_ = 	snop;
	(pc) =	sbr.rel @p1 .LBB3_19-.Ltmp15, $4  }
0x107: {  	_ = 	snop  }
0x108: {  	s29 =	spop @!p2 (v2sf)  }
0x109: {  	s22 =	simm.s32 @!p2 $0x0;
	s24 =	smov.u32 s29  }
0x10a: {  	[sflag:s18] =	ssyncpa.u1 $0x0;
	s29 =	smov.u32 @p2 s28;
	s24 =	smov.u32 @p2 s30  }
0x10b: {  	v1 =	vld.msk [tilespmem:s23+$0x0], $0x1;
	_ =	sdelay $0x4  }
0x10c: {  	(v2sf) =	vpush v1, $0x0;
	_ =	sdelay $0xe  }
0x10d: {  	s2 =	smul.u32 $0x1E000, s25;
	s0 =	spop (v2sf)  }
0x10e: {  	s26 =	ssub.s32 $0x0, s26;
	p1 =	seq.s32 s29, s0  }
0x10f: {  	s30 =	sadd.s32 $0x1, s26;
	s2 =	sshrl.u32 s2, $0x2;
	p2 =	sgt.s32 @!p1 s29, $0x0  }
0x110: {  	s25 =	sor.u32 $0x10738, s2;
	s2 =	smov.u32 s29;
	p2 =	por !p2, p1  }
0x111: {  	s2 =	simm.s32 @p2 $0x0;
	p2 =	seq.s32 s30, $0x0  }
.Ltmp16:
0x112: {  	_ = 	snop;
	(pc) =	sbr.rel @p2 .LBB3_11-.Ltmp16, $4  }
0x113: {  	_ = 	snop  }
0x114: {  	s28 =	simm.s32 $0x0;
	s31 =	sadd.s32 $0x1, s23;
	s2 =	smin.u32 @!p1 s2, $0x270F0  }
0x115: {  	s4 =	simm.s32 @!p1 $0x1;
	s5 =	simm.s32 @!p1 $0x7988;
	s3 =	sand.u32 @!p1 $0x3FFF8, s2  }
0x116: {  	s4 =	smov.u32 @p1 s28;
	s2 =	sand.u32 @!p1 $0x7, s2;
	s3 =	sadd.s32 @!p1 s1, s3  }
.LBB3_10:
0x117: {  	s6 =	smov.u32 s4  }
0x118: {  	[tilespmem:s5], [sflag:$0x2] =	stream.linear.gather @!p1 [hbm4b:s3+s2], $0x80, $0x38;
	[tilespmem:$0x1F6F8] =	vst v63  }
0x119: {  	s30 =	sadd.s32 $0x1, s30;
	s2 =	smov.u32 s0;
	v1 =	vld.msk [tilespmem:s31+$0x0], $0x1  }
0x11a: {  	p2 =	seq.s32 s30, $0x0;
	_ =	sdelay $0x3  }
0x11b: {  	(v2sf) =	vpush v1, $0x0;
	_ =	sdelay $0xe  }
0x11c: {  	s0 =	spop (v2sf)  }
0x11d: {  	p1 =	seq.s32 s2, s0  }
0x11e: {  	p3 =	sgt.s32 @!p1 s2, $0x0;
	s3 =	sshll.u32 @!p1 s4, $0x9;
	s4 =	sadd.s32 @!p1 $0x1, s4  }
.Ltmp17:
0x11f: {  	p3 =	por !p3, p1;
	s3 =	sshra.s32 @!p1 s3, $0x2;
	(pc) =	sbr.rel @!p2 .LBB3_10-.Ltmp17, $4  }
0x120: {  	s4 =	smov.u32 @p1 s6;
	s2 =	simm.s32 @p3 $0x0;
	s5 =	sadd.s32 @!p1 $0x7988, s3  }
0x121: {  	s2 =	smin.u32 @!p1 s2, $0x270F0  }
0x122: {  	s3 =	sand.u32 @!p1 $0x3FFF8, s2;
	s2 =	sand.u32 @!p1 $0x7, s2  }
0x123: {  	s31 =	sadd.s32 $0x1, s31;
	s3 =	sadd.s32 @!p1 s1, s3  }
.LBB3_11:
0x124: {  	[tilespmem:s5], [sflag:$0x2] =	stream.linear.gather @!p1 [hbm4b:s3+s2], $0x80, $0x38;
	[tilespmem:$0x1F6F8] =	vst v63  }
.Ltmp18:
0x125: {  	s0 =	sshll.u32 s4, $0x7;
	(pc) =	sbr.rel .LBB3_12-.Ltmp18, $4  }
0x126: {  	s30 =	simm.s32 $0x2;
	s0 =	sand.u32 $0x3FFFFF80, s0  }
0x127: {  	_ =	swait.ge [sflag:s30], s0  }
0x128: {  	s0 =	ssub.s32 $0x0, s0;
	[sflag:s30] =	ssyncset.done $0x0  }
0x129: {  	s31 =	simm.s32 $0x0;
	[sflag:s30] =	ssyncadd.s32 s0  }
.LBB3_13:
0x12a: {  	v1 =	vld [tilespmem:s25+$0xFFFFFFC0];
	_ =	sdelay $0x3  }
0x12b: {  	s0 =	sshra.s32 s0, $0x2  }
0x12c: {  	[tilespmem:s0+$0x108] =	vst.add.f32.msk $0xffff, v1  }
0x12d: {  	v1 =	vld [tilespmem:s25+$0xFFFFFFD0];
	_ =	sdelay $0x4  }
0x12e: {  	[tilespmem:s0+$0x118] =	vst.add.f32.msk $0xffff, v1  }
0x12f: {  	v1 =	vld [tilespmem:s25+$0xFFFFFFE0];
	_ =	sdelay $0x4  }
0x130: {  	[tilespmem:s0+$0x128] =	vst.add.f32.msk $0xffff, v1  }
0x131: {  	v1 =	vld [tilespmem:s25+$0xFFFFFFF0];
	_ =	sdelay $0x4  }
0x132: {  	[tilespmem:s0+$0x138] =	vst.add.f32.msk $0xffff, v1  }
0x133: {  	v1 =	vld [tilespmem:s25+$0x0];
	_ =	sdelay $0x4  }
0x134: {  	[tilespmem:s0+$0x148] =	vst.add.f32.msk $0xffff, v1  }
0x135: {  	v1 =	vld [tilespmem:s25+$0x10];
	_ =	sdelay $0x4  }
0x136: {  	[tilespmem:s0+$0x158] =	vst.add.f32.msk $0xffff, v1  }
0x137: {  	v1 =	vld [tilespmem:s25+$0x20];
	_ =	sdelay $0x4  }
0x138: {  	[tilespmem:s0+$0x168] =	vst.add.f32.msk $0xffff, v1  }
0x139: {  	v1 =	vld [tilespmem:s25+$0x30];
	_ =	sdelay $0x4  }
0x13a: {  	[tilespmem:s0+$0x178] =	vst.add.f32.msk $0xffff, v1  }
.LBB3_17:
0x13b: {  	s26 =	sadd.s32 $0x1, s26  }
0x13c: {  	p1 =	seq.s32 s26, $0x0  }
.Ltmp19:
0x13d: {  	_ = 	snop;
	(pc) =	sbr.rel @p1 .LBB3_18-.Ltmp19, $2  }
0x13e: {  	_ =	sdelay $0x2  }
0x13f: {  	s23 =	sadd.s32 $0x1, s23;
	s25 =	sadd.s32 $0x80, s25;
	s29 =	smov.u32 s30  }
.LBB3_12:
0x140: {  	v1 =	vld.msk [tilespmem:s23+$0x0], $0x1;
	_ =	sdelay $0x4  }
0x141: {  	(v2sf) =	vpush v1, $0x0;
	_ =	sdelay $0xe  }
0x142: {  	s30 =	spop (v2sf)  }
0x143: {  	p1 =	sne.s32 s29, s30  }
.Ltmp20:
0x144: {  	_ = 	snop;
	(pc) =	sbr.rel @!p1 .LBB3_13-.Ltmp20, $2  }
0x145: {  	_ =	sdelay $0x2  }
0x146: {  	s0 =	sshll.u32 s22, $0x9  }
0x147: {  	p1 =	seq.s32 s29, s24  }
.Ltmp21:
0x148: {  	_ = 	snop;
	(pc) =	sbr.rel @!p1 .LBB3_15-.Ltmp21, $1  }
0x149: {  	_ =	sdelay $0x3  }
0x14a: {  	s0 =	sshra.s32 s0, $0x2  }
.Ltmp22:
0x14b: {  	s0 =	sadd.s32 $0x108, s0;
	(pc) =	sbr.rel .LBB3_16-.Ltmp22, $4  }
0x14c: {  	[spmem:s16] =	stream.linear.scatter [tilespmem:s0], [sflag:$0x1], $0x80, $0x38;
	[tilespmem:$0x1F6F8] =	vst v63  }
0x14d: {  	_ =	swait.ge [sflag:s12], $0x80  }
0x14e: {  	[sflag:s12] =	ssyncset.done $0x0  }
0x14f: {  	[sflag:s12] =	ssyncadd.s32 $0xFFFFFF80  }
.LBB3_15:
0x150: {  	s2 =	sshll.u32 s28, $0x9  }
0x151: {  	s2 =	sshra.s32 s2, $0x2  }
0x152: {  	v1 =	vld [tilespmem:s2+$0x7988];
	_ =	sdelay $0x3  }
0x153: {  	s0 =	sshra.s32 s0, $0x2  }
0x154: {  	[tilespmem:s0+$0x108] =	vst.add.f32.msk $0xffff, v1  }
0x155: {  	v1 =	vld [tilespmem:s2+$0x7998];
	_ =	sdelay $0x4  }
0x156: {  	[tilespmem:s0+$0x118] =	vst.add.f32.msk $0xffff, v1  }
0x157: {  	v1 =	vld [tilespmem:s2+$0x79A8];
	_ =	sdelay $0x4  }
0x158: {  	[tilespmem:s0+$0x128] =	vst.add.f32.msk $0xffff, v1  }
0x159: {  	v1 =	vld [tilespmem:s2+$0x79B8];
	_ =	sdelay $0x4  }
0x15a: {  	[tilespmem:s0+$0x138] =	vst.add.f32.msk $0xffff, v1  }
0x15b: {  	v1 =	vld [tilespmem:s2+$0x79C8];
	_ =	sdelay $0x4  }
0x15c: {  	[tilespmem:s0+$0x148] =	vst.add.f32.msk $0xffff, v1  }
0x15d: {  	v1 =	vld [tilespmem:s2+$0x79D8];
	_ =	sdelay $0x4  }
0x15e: {  	[tilespmem:s0+$0x158] =	vst.add.f32.msk $0xffff, v1  }
0x15f: {  	v1 =	vld [tilespmem:s2+$0x79E8];
	_ =	sdelay $0x4  }
0x160: {  	[tilespmem:s0+$0x168] =	vst.add.f32.msk $0xffff, v1  }
0x161: {  	v1 =	vld [tilespmem:s2+$0x79F8];
	_ =	sdelay $0x2  }
0x162: {  	p1 =	sgt.u32 s29, $0x270F0  }
0x163: {  	s2 =	sand.u32 @!p1 $0x3FFF8, s29  }
0x164: {  	s3 =	sadd.s32 $0x108, s0;
	[tilespmem:s0+$0x178] =	vst.add.f32.msk $0xffff, v1;
	s0 =	sadd.s32 @!p1 s1, s2;
	s2 =	sand.u32 @!p1 $0x7, s29  }
0x165: {  	[hbm4b:s0+s2] =	stream.linear.scatter @!p1 [tilespmem:s3], [sflag:$0xC], $0x80, $0x38;
	[tilespmem:$0x1F6F8] =	vst v63  }
0x166: {  	s0 =	simm.s32 $0x0  }
0x167: {  	s0 =	simm.s32 @!p1 $0x200  }
0x168: {  	s31 =	sadd.s32 s0, s31  }
.LBB3_16:
0x169: {  	s0 =	sadd.s32 $0x1, s22  }
0x16a: {  	s2 =	smulhi.u32 $0x88888889, s0;
	_ =	sdelay $0x1  }
0x16b: {  	v1 =	vld [tilespmem:s25+$0xFFFFFFC0];
	s2 =	sshrl.u32 s2, $0x7  }
0x16c: {  	s2 =	smul.u32 $0xF0, s2;
	_ =	sdelay $0x1  }
0x16d: {  	s22 =	ssub.s32 s0, s2  }
0x16e: {  	s0 =	sshll.u32 s22, $0x7  }
0x16f: {  	[tilespmem:s0+$0x108] =	vst v1  }
0x170: {  	v1 =	vld [tilespmem:s25+$0xFFFFFFD0];
	_ =	sdelay $0x4  }
0x171: {  	[tilespmem:s0+$0x118] =	vst v1  }
0x172: {  	v1 =	vld [tilespmem:s25+$0xFFFFFFE0];
	_ =	sdelay $0x4  }
0x173: {  	[tilespmem:s0+$0x128] =	vst v1  }
0x174: {  	v1 =	vld [tilespmem:s25+$0xFFFFFFF0];
	_ =	sdelay $0x4  }
0x175: {  	[tilespmem:s0+$0x138] =	vst v1  }
0x176: {  	v1 =	vld [tilespmem:s25+$0x0];
	_ =	sdelay $0x4  }
0x177: {  	[tilespmem:s0+$0x148] =	vst v1  }
0x178: {  	v1 =	vld [tilespmem:s25+$0x10];
	_ =	sdelay $0x4  }
0x179: {  	[tilespmem:s0+$0x158] =	vst v1  }
0x17a: {  	v1 =	vld [tilespmem:s25+$0x20];
	_ =	sdelay $0x4  }
0x17b: {  	[tilespmem:s0+$0x168] =	vst v1  }
0x17c: {  	v1 =	vld [tilespmem:s25+$0x30]  }
.Ltmp23:
0x17d: {  	_ = 	snop;
	(pc) =	sbr.rel .LBB3_17-.Ltmp23, $2  }
0x17e: {  	_ =	sdelay $0x2  }
0x17f: {  	s28 =	sadd.s32 $0x1, s28;
	[tilespmem:s0+$0x178] =	vst v1  }
.LBB3_19:
.Ltmp24:
0x180: {  	(pc) =	sbr.rel .LBB3_20-.Ltmp24, $4  }
0x181: {  	_ = 	snop  }
0x182: {  	s0 =	simm.s32 $0x2  }
0x183: {  	_ =	swait.ge [sflag:s0], $0x0  }
0x184: {  	s30 =	smov.u32 s29;
	[sflag:s0] =	ssyncset.done $0x0;
	s0 =	simm.s32 $0x0  }
.LBB3_22:
0x185: {  	_ =	sfence.sel $0x180000  }
0x186: {  	s0 =	simm.s32 $0x9;
	[bflag:$0x0] =	sbarrier.arrive $0xFFFF  }
0x187: {  	s24 =	simm.s32 $0xA;
	[sflag:s0] =	ssyncpa.u1 $0x1  }
0x188: {  	s25 =	simm.s32 $0xB;
	[sflag:s24] =	ssyncpa.u1 $0x1  }
0x189: {  	s26 =	simm.s32 $0x2;
	[sflag:s25] =	ssyncpa.u1 $0x1  }
0x18a: {  	[sflag:s26] =	ssyncpa.u1 $0x1  }
0x18b: {  	v0 =	vld [tilespmem:$0xF208];
	_ =	sdelay $0x4  }
0x18c: {  	(v2sf) =	vpush v0, $0x0  }
0x18d: {  	(v2sf) =	vpush v0, $0x1;
	_ =	sdelay $0x1  }
0x18e: {  	(v2sf) =	vpush v0, $0x2;
	_ =	sdelay $0xb  }
0x18f: {  	s0 =	spop (v2sf)  }
0x190: {  	s2 =	spop (v2sf)  }
0x191: {  	s3 =	smov.u32 s0;
	p0 =	sne.s32 s0, s2  }
0x192: {  	s4 =	spop (v2sf);
	s3 =	simm.s32 @!p0 $0xFFFFFFFF  }
0x193: {  	v2 =	vimm.s32 $0x1;
	v3 =	vlaneseq.u32;
	p0 =	seq.s32 s4, $0xFFFFFFFF;
	v1 =	vmov s3  }
0x194: {  	s16 =	stileid.u32;
	v0 =	vperm.xlane v0, v2;
	p1 =	sne.s32 @!p0 s0, s2;
	v1 =	vperm.xlane v1, v3  }
0x195: {  	vm0 =	vcmask $0x3F04;
	s6 =	simm.s32 $0xF208;
	s0 =	simm.s32 @!p0 $0x1;
	p1 =	por !p1, p0  }
0x196: {  	s3 =	sshll.u32 s16, $0x1;
	s2 =	sshll.u32 @!p0 s4, $0x9;
	s0 =	simm.s32 @p1 $0x0;
	v0 =	vsel vm0, v1, v0  }
0x197: {  	s5 =	sor.u32 $0x1000, s3;
	s2 =	sshra.s32 @!p0 s2, $0x2;
	s0 =	sor.u32 @!p0 s0, s3;
	[tilespmem:$0xF208] =	vst v0  }
0x198: {  	[spmem:s5] =	stream.linear.scatter [tilespmem:s6], [sflag:$0x1], $0x2, $0x38;
	[tilespmem:$0x1F6F8] =	vst v63  }
0x199: {  	s2 =	sadd.s32 @!p0 $0x108, s2;
	s0 =	sshll.u32 @!p0 s0, $0x7  }
0x19a: {  	[spmem:s0] =	stream.linear.scatter @!p0 [tilespmem:s2], [sflag:$0x1], $0x80, $0x38;
	[tilespmem:$0x1F6F8] =	vst v63  }
0x19b: {  	s0 =	simm.s32 @!p0 $0x82  }
0x19c: {  	s28 =	simm.s32 $0x1;
	s0 =	simm.s32 @p0 $0x2  }
0x19d: {  	_ =	swait.ge [sflag:s28], s0  }
0x19e: {  	s0 =	ssub.s32 $0x0, s0;
	[sflag:s28] =	ssyncset.done $0x0  }
0x19f: {  	p0 =	sne.s32 s16, $0x0;
	[sflag:s28] =	ssyncadd.s32 s0  }
.Ltmp25:
0x1a0: {  	_ =	sfence.stream.spmem;
	(pc) =	sbr.rel @p0 .LBB3_39-.Ltmp25, $4  }
0x1a1: {  	s29 =	simm.s32 $0x3;
	[bflag:$0x0] =	sbarrier.arrive $0xFFFF  }
0x1a2: {  	s30 =	simm.s32 $0x4;
	[sflag:s29] =	ssyncpa.u1 $0x1  }
0x1a3: {  	s31 =	simm.s32 $0x3C;
	[sflag:s30] =	ssyncpa.u1 $0x1  }
0x1a4: {  	s15 =	rddreg [dreg:$0x5];
	[sflag:s31] =	ssyncpa.u1 $0x1  }
0x1a5: {  	_ =	sfence.stream.spmem;
	s0 =	simm.s32 $0x5  }
0x1a6: {  	s2 =	simm.s32 $0x1000;
	s3 =	simm.s32 $0xF218;
	[sflag:s0] =	ssyncpa.u1 $0x0  }
0x1a7: {  	[tilespmem:s3], [sflag:$0x5] =	stream.linear.gather [spmem:s2], $0x20, $0x38;
	[tilespmem:$0x1F6F8] =	vst v63  }
0x1a8: {  	s26 =	simm.s32 $0x0;
	s28 =	simm.s32 $0xF238  }
0x1a9: {  	[tilespmem:s28], [sflag:$0x5] =	stream.linear.gather [spmem:s26], $0x1000, $0x38;
	[tilespmem:$0x1F6F8] =	vst v63  }
0x1aa: {  	_ =	swait.ge [sflag:s0], $0x1020  }
0x1ab: {  	[sflag:s0] =	ssyncset.done $0x0  }
0x1ac: {  	s29 =	simm.s32 $0x0;
	[sflag:s0] =	ssyncadd.s32 $0xFFFFEFE0  }
0x1ad: {  	v0 =	vld.msk [tilespmem:s29+$0xF218], $0x1;
	_ =	sdelay $0x1  }
0x1ae: {  	s30 =	simm.s32 $0x1  }
0x1af: {  	v1 =	vld.msk [tilespmem:s30+$0xF218], $0x1;
	_ =	sdelay $0x1  }
0x1b0: {  	(v2sf) =	vpush v0, $0x0;
	_ =	sdelay $0x2  }
0x1b1: {  	(v2sf) =	vpush v1, $0x0;
	_ =	sdelay $0x2  }
0x1b2: {  	s31 =	simm.s32 $0x2  }
0x1b3: {  	v0 =	vld.msk [tilespmem:s31+$0xF218], $0x1;
	_ =	sdelay $0x2  }
0x1b4: {  	s4 =	simm.s32 $0xFFFFFFFF;
	s5 =	simm.s32 $0xFFFFFFFF;
	s0 =	simm.s32 $0xC  }
.LBB3_24:
0x1b5: {  	s2 =	smov.u32 s5;
	s3 =	smov.u32 s4  }
0x1b6: {  	s4 =	sshra.s32 s0, $0x2;
	p1 =	sne.s32 s0, $0x7C;
	s0 =	sadd.s32 $0x4, s0;
	(v2sf) =	vpush v0, $0x0  }
0x1b7: {  	v0 =	vld.msk [tilespmem:s4+$0xF218], $0x1  }
.Ltmp26:
0x1b8: {  	(pc) =	sbr.rel @p1 .LBB3_24-.Ltmp26, $4  }
0x1b9: {  	s5 =	spop (v2sf)  }
0x1ba: {  	p2 =	sne.s32 s3, $0xFFFFFFFF;
	s4 =	smov.u32 s5  }
0x1bb: {  	p3 =	seq.s32 s5, $0xFFFFFFFF;
	s4 =	smov.u32 @p2 s3  }
0x1bc: {  	s5 =	smov.u32 @p3 s2;
	s4 =	smov.u32 @p3 s3  }
0x1bd: {  	(v2sf) =	vpush v0, $0x0;
	_ =	sdelay $0x8  }
0x1be: {  	s0 =	spop (v2sf)  }
0x1bf: {  	p1 =	sne.s32 s4, $0xFFFFFFFF;
	s2 =	smov.u32 s0  }
0x1c0: {  	s9 =	simm.s32 $0x6;
	p2 =	seq.s32 s0, $0xFFFFFFFF;
	s2 =	smov.u32 @p1 s4  }
0x1c1: {  	s6 =	simm.s32 $0x0;
	s2 =	smov.u32 @p2 s4;
	s3 =	spop (v2sf)  }
0x1c2: {  	s0 =	smov.u32 @p2 s5;
	p1 =	sne.s32 s2, $0xFFFFFFFF;
	s4 =	smov.u32 s3  }
.Ltmp27:
0x1c3: {  	p2 =	seq.s32 s3, $0xFFFFFFFF;
	s4 =	smov.u32 @p1 s2;
	(pc) =	sbr.rel .LBB3_26-.Ltmp27, $4  }
0x1c4: {  	s10 =	simm.s32 $0xF188;
	s4 =	smov.u32 @p2 s2;
	s7 =	spop (v2sf)  }
0x1c5: {  	s11 =	simm.s32 $0x0;
	p1 =	sne.s32 s4, $0xFFFFFFFF;
	s8 =	smov.u32 s7  }
0x1c6: {  	s3 =	smov.u32 @p2 s0;
	p2 =	seq.s32 s7, $0xFFFFFFFF;
	s8 =	smov.u32 @p1 s4  }
0x1c7: {  	[sflag:s9] =	ssyncpa.u1 $0x0;
	s7 =	smov.u32 @p2 s3;
	s8 =	smov.u32 @p2 s4  }
.LBB3_32:
0x1c8: {  	p1 =	sgt.u32 s12, $0x270F0  }
0x1c9: {  	p2 =	seq.s32 @!p1 s12, s8  }
0x1ca: {  	p1 =	por p1, p2  }
0x1cb: {  	p2 =	sne.s32 @!p1 s12, s7  }
0x1cc: {  	p1 =	por p1, !p2  }
0x1cd: {  	s0 =	sshll.u32 @p1 s11, $0x9  }
0x1ce: {  	s0 =	sand.u32 @!p1 $0x3FFF8, s12  }
0x1cf: {  	s2 =	sand.u32 @!p1 $0x7, s12;
	s0 =	sadd.s32 @!p1 s1, s0  }
0x1d0: {  	[tilespmem:s10], [sflag:$0x6] =	stream.linear.gather @!p1 [hbm4b:s0+s2], $0x80, $0x38;
	[tilespmem:$0x1F6F8] =	vst v63  }
0x1d1: {  	_ =	swait.ge @!p1 [sflag:s9], $0x80  }
0x1d2: {  	[sflag:s9] =	ssyncset.done @!p1 $0x0  }
0x1d3: {  	[sflag:s9] =	ssyncadd.s32 @!p1 $0xFFFFFF80  }
0x1d4: {  	v1 =	vld @!p1 [tilespmem:$0xF188];
	_ =	sdelay $0x2  }
0x1d5: {  	s0 =	sshll.u32 @!p1 s11, $0x9  }
0x1d6: {  	s2 =	sshrl.u32 @!p1 s0, $0x2  }
0x1d7: {  	[tilespmem:s2+$0xF238] =	vst.add.f32.msk @!p1 $0xffff, v1  }
0x1d8: {  	v1 =	vld @!p1 [tilespmem:$0xF198];
	_ =	sdelay $0x4  }
0x1d9: {  	[tilespmem:s2+$0xF248] =	vst.add.f32.msk @!p1 $0xffff, v1  }
0x1da: {  	v1 =	vld @!p1 [tilespmem:$0xF1A8];
	_ =	sdelay $0x4  }
0x1db: {  	[tilespmem:s2+$0xF258] =	vst.add.f32.msk @!p1 $0xffff, v1  }
0x1dc: {  	v1 =	vld @!p1 [tilespmem:$0xF1B8];
	_ =	sdelay $0x4  }
0x1dd: {  	[tilespmem:s2+$0xF268] =	vst.add.f32.msk @!p1 $0xffff, v1  }
0x1de: {  	v1 =	vld @!p1 [tilespmem:$0xF1C8];
	_ =	sdelay $0x4  }
0x1df: {  	[tilespmem:s2+$0xF278] =	vst.add.f32.msk @!p1 $0xffff, v1  }
0x1e0: {  	v1 =	vld @!p1 [tilespmem:$0xF1D8];
	_ =	sdelay $0x4  }
0x1e1: {  	[tilespmem:s2+$0xF288] =	vst.add.f32.msk @!p1 $0xffff, v1  }
0x1e2: {  	v1 =	vld @!p1 [tilespmem:$0xF1E8];
	_ =	sdelay $0x4  }
0x1e3: {  	[tilespmem:s2+$0xF298] =	vst.add.f32.msk @!p1 $0xffff, v1  }
0x1e4: {  	v1 =	vld @!p1 [tilespmem:$0xF1F8];
	_ =	sdelay $0x4  }
0x1e5: {  	[tilespmem:s2+$0xF2A8] =	vst.add.f32.msk @!p1 $0xffff, v1  }
0x1e6: {  	s0 =	sshrl.u32 s0, $0x2;
	[tilespmem:s6+$0xF218] =	vst.msk $0x1, v0  }
0x1e7: {  	v0 =	vld [tilespmem:s0+$0xF238];
	_ =	sdelay $0x2  }
0x1e8: {  	s31 =	sshll.u32 s6, $0x9  }
0x1e9: {  	s2 =	sshra.s32 s31, $0x2  }
0x1ea: {  	[tilespmem:s2+$0xF238] =	vst v0  }
0x1eb: {  	v0 =	vld [tilespmem:s0+$0xF248];
	_ =	sdelay $0x4  }
0x1ec: {  	[tilespmem:s2+$0xF248] =	vst v0  }
0x1ed: {  	v0 =	vld [tilespmem:s0+$0xF258];
	_ =	sdelay $0x4  }
0x1ee: {  	[tilespmem:s2+$0xF258] =	vst v0  }
0x1ef: {  	v0 =	vld [tilespmem:s0+$0xF268];
	_ =	sdelay $0x4  }
0x1f0: {  	[tilespmem:s2+$0xF268] =	vst v0  }
0x1f1: {  	v0 =	vld [tilespmem:s0+$0xF278];
	_ =	sdelay $0x4  }
0x1f2: {  	[tilespmem:s2+$0xF278] =	vst v0  }
0x1f3: {  	v0 =	vld [tilespmem:s0+$0xF288];
	_ =	sdelay $0x4  }
0x1f4: {  	[tilespmem:s2+$0xF288] =	vst v0  }
0x1f5: {  	v0 =	vld [tilespmem:s0+$0xF298];
	_ =	sdelay $0x4  }
0x1f6: {  	[tilespmem:s2+$0xF298] =	vst v0  }
0x1f7: {  	v0 =	vld [tilespmem:s0+$0xF2A8];
	_ =	sdelay $0x4  }
0x1f8: {  	s6 =	sadd.s32 $0x1, s6;
	[tilespmem:s2+$0xF2A8] =	vst v0  }
.LBB3_33:
0x1f9: {  	s11 =	sadd.s32 $0x1, s11  }
0x1fa: {  	p1 =	sne.s32 s11, $0x20  }
.Ltmp28:
0x1fb: {  	_ = 	snop;
	(pc) =	sbr.rel @!p1 .LBB3_34-.Ltmp28, $1  }
0x1fc: {  	_ =	sdelay $0x3  }
.LBB3_26:
0x1fd: {  	v0 =	vld.msk [tilespmem:s11+$0xF218], $0x1;
	_ =	sdelay $0x4  }
0x1fe: {  	(v2sf) =	vpush v0, $0x0;
	_ =	sdelay $0xe  }
0x1ff: {  	s12 =	spop (v2sf)  }
0x200: {  	p1 =	seq.s32 s12, $0xFFFFFFFF  }
.Ltmp29:
0x201: {  	_ = 	snop;
	(pc) =	sbr.rel @p1 .LBB3_33-.Ltmp29, $1  }
0x202: {  	_ =	sdelay $0x3  }
0x203: {  	p1 =	slt.s32 s6, $0x1  }
.Ltmp30:
0x204: {  	_ = 	snop;
	(pc) =	sbr.rel @p1 .LBB3_32-.Ltmp30, $1  }
0x205: {  	_ =	sdelay $0x3  }
0x206: {  	s13 =	simm.s32 $0xF218;
	p1 =	por $0x0, $0x0  }
0x207: {  	v1 =	vld.msk @!p1 [tilespmem:s13+$0x0], $0x1;
	_ =	sdelay $0x4  }
0x208: {  	(v2sf) =	vpush @!p1 v1, $0x0;
	_ =	sdelay $0xd  }
0x209: {  	p3 =	sne.s32 s6, $0x1  }
.Ltmp31:
0x20a: {  	s0 =	spop @!p1 (v2sf);
	(pc) =	sbr.rel @!p3 .LBB3_30-.Ltmp31, $4  }
0x20b: {  	p2 =	seq.s32 @!p1 s12, s0  }
0x20c: {  	s14 =	simm.s32 $0x0;
	p2 =	por !p2, p1  }
0x20d: {  	s2 =	simm.s32 $0xFFFFFFFF;
	s14 =	simm.s32 @p2 $0xFFFFFFFF  }
0x20e: {  	s0 =	simm.s32 $0x1;
	s14 =	smov.u32 @p1 s2  }
.LBB3_29:
0x20f: {  	s2 =	smov.u32 s14;
	p1 =	sne.s32 s14, $0xFFFFFFFF  }
0x210: {  	s13 =	sadd.s32 $0x1, s13;
	s14 =	smov.u32 s0;
	s0 =	sadd.s32 $0x1, s0  }
0x211: {  	p2 =	sne.s32 s6, s0;
	v1 =	vld.msk @!p1 [tilespmem:s13+$0x0], $0x1;
	_ =	sdelay $0x4  }
0x212: {  	(v2sf) =	vpush @!p1 v1, $0x0;
	_ =	sdelay $0xe  }
.Ltmp32:
0x213: {  	s3 =	spop @!p1 (v2sf);
	(pc) =	sbr.rel @p2 .LBB3_29-.Ltmp32, $4  }
0x214: {  	p3 =	seq.s32 @!p1 s12, s3  }
0x215: {  	p3 =	por !p3, p1  }
0x216: {  	s14 =	simm.s32 @p3 $0xFFFFFFFF  }
0x217: {  	s14 =	smov.u32 @p1 s2  }
.LBB3_30:
0x218: {  	p1 =	seq.s32 s14, $0xFFFFFFFF  }
.Ltmp33:
0x219: {  	_ = 	snop;
	(pc) =	sbr.rel @p1 .LBB3_32-.Ltmp33, $1  }
0x21a: {  	_ =	sdelay $0x3  }
0x21b: {  	s0 =	sshll.u32 s11, $0x7  }
0x21c: {  	s0 =	sand.u32 $0x3FFFFF80, s0  }
0x21d: {  	v0 =	vld [tilespmem:s0+$0xF238];
	_ =	sdelay $0x2  }
0x21e: {  	s2 =	sshll.u32 s14, $0x9  }
0x21f: {  	s2 =	sshra.s32 s2, $0x2  }
0x220: {  	[tilespmem:s2+$0xF238] =	vst.add.f32.msk $0xffff, v0  }
0x221: {  	v0 =	vld [tilespmem:s0+$0xF248];
	_ =	sdelay $0x4  }
0x222: {  	[tilespmem:s2+$0xF248] =	vst.add.f32.msk $0xffff, v0  }
0x223: {  	v0 =	vld [tilespmem:s0+$0xF258];
	_ =	sdelay $0x4  }
0x224: {  	[tilespmem:s2+$0xF258] =	vst.add.f32.msk $0xffff, v0  }
0x225: {  	v0 =	vld [tilespmem:s0+$0xF268];
	_ =	sdelay $0x4  }
0x226: {  	[tilespmem:s2+$0xF268] =	vst.add.f32.msk $0xffff, v0  }
0x227: {  	v0 =	vld [tilespmem:s0+$0xF278];
	_ =	sdelay $0x4  }
0x228: {  	[tilespmem:s2+$0xF278] =	vst.add.f32.msk $0xffff, v0  }
0x229: {  	v0 =	vld [tilespmem:s0+$0xF288];
	_ =	sdelay $0x4  }
0x22a: {  	[tilespmem:s2+$0xF288] =	vst.add.f32.msk $0xffff, v0  }
0x22b: {  	v0 =	vld [tilespmem:s0+$0xF298];
	_ =	sdelay $0x4  }
0x22c: {  	[tilespmem:s2+$0xF298] =	vst.add.f32.msk $0xffff, v0  }
0x22d: {  	v0 =	vld [tilespmem:s0+$0xF2A8]  }
.Ltmp34:
0x22e: {  	_ = 	snop;
	(pc) =	sbr.rel .LBB3_33-.Ltmp34, $2  }
0x22f: {  	_ =	sdelay $0x2  }
0x230: {  	[tilespmem:s2+$0xF2A8] =	vst.add.f32.msk $0xffff, v0  }
.LBB3_34:
0x231: {  	s0 =	simm.s32 $0x6;
	p1 =	seq.s32 s6, $0x0  }
0x232: {  	[sflag:s0] =	ssyncpa.u1 $0x1;
	v0 =	vimm.s32 @p1 $0xFFFFFFFF  }
0x233: {  	s9 =	sadd.s32 $0xFFFFFFFF, s6;
	[tilespmem:$0x10238] =	vst @p1 v0  }
0x234: {  	v0 =	vld.msk @!p1 [tilespmem:s9+$0xF218], $0x1;
	_ =	sdelay $0x1  }
0x235: {  	v1 =	vld.msk @!p1 [tilespmem:$0xF218], $0x1;
	_ =	sdelay $0x2  }
0x236: {  	p2 =	seq.s32 @!p1 s9, $0x0;
	v0 =	vbroadcast @!p1 v0, $0x0  }
0x237: {  	vm0 =	vmmov @!p1 $0x1;
	p2 =	por !p2, p1  }
0x238: {  	v1 =	vnsel @!p1 vm0, $0xFFFFFFFF, v1;
	vm0 =	vcmask @!p1 $0x308;
	v0 =	vpsel !p2, $0xFFFFFFFF, v0  }
0x239: {  	p2 =	sne.s32 @!p1 s8, s7;
	v0 =	vsel @!p1 vm0, v1, v0  }
0x23a: {  	s0 =	simm.s32 @!p1 $0xF238;
	s2 =	simm.s32 @!p1 $0x0;
	p3 =	por !p2, p1;
	[tilespmem:$0x10238] =	vst @!p1 v0  }
0x23b: {  	[spmem:s2] =	stream.linear.scatter @!p1 [tilespmem:s0], [sflag:$0x1], $0x80, $0x38;
	[tilespmem:$0x1F6F8] =	vst v63  }
0x23c: {  	s0 =	sshll.u32 @!p3 s9, $0x9  }
0x23d: {  	s0 =	sshra.s32 @!p3 s0, $0x2  }
0x23e: {  	s2 =	simm.s32 @!p3 $0x80;
	s0 =	sadd.s32 @!p3 $0xF238, s0  }
0x23f: {  	[spmem:s2] =	stream.linear.scatter @!p3 [tilespmem:s0], [sflag:$0x1], $0x80, $0x38;
	[tilespmem:$0x1F6F8] =	vst v63  }
0x240: {  	s0 =	simm.s32 @!p3 $0x1  }
0x241: {  	_ =	swait.ge @!p3 [sflag:s0], $0x100  }
0x242: {  	p1 =	por p2, p1;
	[sflag:s0] =	ssyncset.done @!p3 $0x0  }
0x243: {  	[sflag:s0] =	ssyncadd.s32 @!p3 $0xFFFFFF00;
	s0 =	simm.s32 @!p1 $0x1  }
0x244: {  	_ =	swait.ge @!p1 [sflag:s0], $0x80  }
0x245: {  	s29 =	simm.s32 $0x10238;
	[sflag:s0] =	ssyncset.done @!p1 $0x0  }
0x246: {  	s30 =	simm.s32 $0x1000;
	s31 =	simm.s32 $0x1;
	[sflag:s0] =	ssyncadd.s32 @!p1 $0xFFFFFF80  }
0x247: {  	[spmem:s30] =	stream.linear.scatter [tilespmem:s29], [sflag:$0x1], $0x10, $0x38;
	[tilespmem:$0x1F6F8] =	vst v63  }
0x248: {  	_ =	swait.ge [sflag:s31], $0x10  }
0x249: {  	[sflag:s31] =	ssyncset.done $0x0  }
0x24a: {  	p1 =	seq.s32 s15, $0x0;
	s8 =	rddreg [dreg:$0x2];
	[sflag:s31] =	ssyncadd.s32 $0xFFFFFFF0  }
0x24b: {  	s2 =	sshll.u32 @p1 s8, $0xE;
	s7 =	rddreg [dreg:$0x3]  }
0x24c: {  	s0 =	sadd.s32 @p1 $0x15C3C, s2;
	s2 =	sshll.u32 @p1 s7, $0x11  }
0x24d: {  	_ =	sfence.stream.spmem;
	s0 =	sor.u32 @p1 s2, s0  }
0x24e: {  	[sflag:s0] =	ssyncadd.remote.s32 @p1 $0x1;
	s0 =	simm.s32 @p1 $0x4  }
0x24f: {  	s3 =	simm.s32 @!p1 $0x3C;
	s2 =	sand.u32 $0xFFFFFFFE, s8;
	_ =	swait.ge @p1 [sflag:s0], $0x22  }
0x250: {  	s4 =	simm.s32 @!p1 $0x0;
	s2 =	sadd.s32 @!p1 $0x4, s2;
	[sflag:s0] =	ssyncset.done @p1 $0x0  }
0x251: {  	s5 =	simm.s32 @!p1 $0x100;
	[sflag:s0] =	ssyncadd.s32 @p1 $0xFFFFFFDE;
	s0 =	sshll.u32 @!p1 s2, $0x1A  }
0x252: {  	s2 =	sshll.u32 @!p1 s2, $0xD;
	s0 =	sor.u32 @!p1 s0, s7;
	_ =	swait.eq @!p1 [sflag:s3], $0x1  }
0x253: {  	s2 =	sor.u32 @!p1 $0x1C04, s2;
	s3 =	simm.s32 @!p1 $0x1C03;
	s0 =	sor.u32 @!p1 $0x80004000, s0  }
0x254: {  	[spmem:s5], [sflag:s2] =	dma.general @!p1 [spmem:s4], [sflag:s3], length:$0x20, [dreg:$0x0], stride_count:$0x0, ici_dest:s0, dma_misc:DstOpCode:WRITE  }
0x255: {  	p2 =	slt.s32 s9, $0x2;
	s4 =	simm.s32 @!p1 $0x200;
	s5 =	simm.s32 @!p1 $0x202  }
0x256: {  	[spmem:s5], [sflag:s2] =	dma.general @!p1 [spmem:s4], [sflag:s3], length:$0x2, [dreg:$0x0], stride_count:$0x0, ici_dest:s0, dma_misc:DstOpCode:WRITE  }
.Ltmp35:
0x257: {  	s0 =	simm.s32 @!p1 $0x3;
	(pc) =	sbr.rel @p2 .LBB3_38-.Ltmp35, $4  }
0x258: {  	s2 =	sshll.u32 @!p1 s8, $0xE;
	_ =	swait.ge @!p1 [sflag:s0], $0x22  }
0x259: {  	s3 =	sshll.u32 @!p1 s7, $0x11;
	s2 =	sadd.s32 @!p1 $0x11C3C, s2;
	[sflag:s0] =	ssyncset.done @!p1 $0x0  }
0x25a: {  	[sflag:s0] =	ssyncadd.s32 @!p1 $0xFFFFFFDE;
	s0 =	sor.u32 @!p1 s3, s2  }
0x25b: {  	[sflag:s0] =	ssyncadd.remote.s32 @!p1 $0xFFFFFFFF;
	s0 =	simm.s32 $0x0  }
0x25c: {  	s0 =	simm.s32 $0xF219  }
0x25d: {  	v0 =	vld.msk [tilespmem:s0+$0x0], $0x1;
	_ =	sdelay $0x4  }
0x25e: {  	(v2sf) =	vpush v0, $0x0;
	_ =	sdelay $0xb  }
0x25f: {  	s31 =	sadd.s32 $0xFFFFFFFE, s6  }
0x260: {  	s0 =	sadd.s32 $0xFFFFFFFF, s31  }
0x261: {  	p2 =	sne.s32 s0, $0x0  }
.Ltmp36:
0x262: {  	s2 =	spop (v2sf);
	(pc) =	sbr.rel @!p2 .LBB3_37-.Ltmp36, $4  }
0x263: {  	s4 =	simm.s32 $0xF2B8;
	s7 =	simm.s32 $0x0;
	p1 =	sgt.u32 s2, $0x270F0  }
0x264: {  	s5 =	simm.s32 $0x0;
	s6 =	simm.s32 $0xF21A;
	s3 =	sand.u32 @!p1 $0x3FFF8, s2  }
0x265: {  	s2 =	sand.u32 @!p1 $0x7, s2;
	s7 =	simm.s32 @!p1 $0x200;
	s3 =	sadd.s32 @!p1 s1, s3  }
0x266: {  	[hbm4b:s3+s2] =	stream.linear.scatter @!p1 [tilespmem:s4], [sflag:$0x5], $0x80, $0x38;
	[tilespmem:$0x1F6F8] =	vst v63  }
.LBB3_36:
0x267: {  	v0 =	vld.msk [tilespmem:s6+$0x0], $0x1;
	s0 =	sadd.s32 $0xFFFFFFFF, s0;
	s5 =	sadd.s32 s5, s7  }
0x268: {  	p1 =	sne.s32 s0, $0x0;
	_ =	sdelay $0x3  }
0x269: {  	(v2sf) =	vpush v0, $0x0;
	_ =	sdelay $0xe  }
.Ltmp37:
0x26a: {  	s2 =	spop (v2sf);
	(pc) =	sbr.rel @p1 .LBB3_36-.Ltmp37, $4  }
0x26b: {  	s7 =	simm.s32 $0x0;
	p2 =	sgt.u32 s2, $0x270F0  }
0x26c: {  	s4 =	sadd.s32 $0x80, s4;
	s7 =	simm.s32 @!p2 $0x200;
	s3 =	sand.u32 @!p2 $0x3FFF8, s2  }
0x26d: {  	s6 =	sadd.s32 $0x1, s6;
	s2 =	sand.u32 @!p2 $0x7, s2;
	s3 =	sadd.s32 @!p2 s1, s3  }
0x26e: {  	[hbm4b:s3+s2] =	stream.linear.scatter @!p2 [tilespmem:s4], [sflag:$0x5], $0x80, $0x38;
	[tilespmem:$0x1F6F8] =	vst v63  }
.LBB3_37:
0x26f: {  	s0 =	sadd.s32 s5, s7  }
0x270: {  	s0 =	sshrl.u32 s0, $0x2  }
.LBB3_38:
0x271: {  	s2 =	simm.s32 $0x5  }
0x272: {  	_ =	swait.ge [sflag:s2], s0  }
0x273: {  	s31 =	ssub.s32 $0x0, s0;
	[sflag:s2] =	ssyncset.done $0x0  }
0x274: {  	[sflag:s2] =	ssyncadd.s32 s31  }
0x275: {  	[sflag:s2] =	ssyncpa.u1 $0x1  }
.LBB3_39:
0x276: {  	s0 =	sor.u32 s15, s16  }
0x277: {  	p1 =	sne.s32 s0, $0x0  }
.Ltmp38:
0x278: {  	_ = 	snop;
	(pc) =	sbr.rel @p1 .LBB3_54-.Ltmp38, $3  }
0x279: {  	_ =	sdelay $0x1  }
0x27a: {  	[bflag:$0x0] =	sbarrier.arrive $0xFFFF  }
0x27b: {  	_ =	sfence  }
0x27c: {  	s0 =	simm.s32 $0x7  }
0x27d: {  	s2 =	simm.s32 $0x1000;
	s3 =	simm.s32 $0xF218;
	[sflag:s0] =	ssyncpa.u1 $0x0  }
0x27e: {  	[tilespmem:s3], [sflag:$0x7] =	stream.linear.gather [spmem:s2], $0x20, $0x38;
	[tilespmem:$0x1F6F8] =	vst v63  }
0x27f: {  	s30 =	simm.s32 $0xF238;
	s2 =	simm.s32 $0x0  }
0x280: {  	[tilespmem:s30], [sflag:$0x7] =	stream.linear.gather [spmem:s2], $0x1000, $0x38;
	[tilespmem:$0x1F6F8] =	vst v63  }
.Ltmp39:
0x281: {  	_ = 	snop;
	(pc) =	sbr.rel .LBB3_41-.Ltmp39, $4  }
0x282: {  	_ =	swait.ge [sflag:s0], $0x1020  }
0x283: {  	[sflag:s0] =	ssyncset.done $0x0  }
0x284: {  	s31 =	simm.s32 $0x8;
	[sflag:s0] =	ssyncadd.s32 $0xFFFFEFE0  }
0x285: {  	s3 =	simm.s32 $0x0;
	[sflag:s31] =	ssyncpa.u1 $0x0  }
.LBB3_47:
0x286: {  	p1 =	slt.u32 s4, $0x270F1  }
0x287: {  	s0 =	sand.u32 @p1 $0x3FFF8, s4  }
0x288: {  	s4 =	sand.u32 @p1 $0x7, s4;
	s5 =	simm.s32 @p1 $0xF188;
	s0 =	sadd.s32 @p1 s1, s0  }
0x289: {  	[tilespmem:s5], [sflag:$0x8] =	stream.linear.gather @p1 [hbm4b:s0+s4], $0x80, $0x38;
	[tilespmem:$0x1F6F8] =	vst v63  }
0x28a: {  	s0 =	simm.s32 @p1 $0x8  }
0x28b: {  	_ =	swait.ge @p1 [sflag:s0], $0x80  }
0x28c: {  	[sflag:s0] =	ssyncset.done @p1 $0x0  }
0x28d: {  	[sflag:s0] =	ssyncadd.s32 @p1 $0xFFFFFF80  }
0x28e: {  	v1 =	vld @p1 [tilespmem:$0xF188];
	_ =	sdelay $0x2  }
0x28f: {  	s0 =	sshll.u32 @p1 s3, $0x9  }
0x290: {  	s4 =	sshrl.u32 @p1 s0, $0x2  }
0x291: {  	[tilespmem:s4+$0xF238] =	vst.add.f32.msk @p1 $0xffff, v1  }
0x292: {  	v1 =	vld @p1 [tilespmem:$0xF198];
	_ =	sdelay $0x4  }
0x293: {  	[tilespmem:s4+$0xF248] =	vst.add.f32.msk @p1 $0xffff, v1  }
0x294: {  	v1 =	vld @p1 [tilespmem:$0xF1A8];
	_ =	sdelay $0x4  }
0x295: {  	[tilespmem:s4+$0xF258] =	vst.add.f32.msk @p1 $0xffff, v1  }
0x296: {  	v1 =	vld @p1 [tilespmem:$0xF1B8];
	_ =	sdelay $0x4  }
0x297: {  	[tilespmem:s4+$0xF268] =	vst.add.f32.msk @p1 $0xffff, v1  }
0x298: {  	v1 =	vld @p1 [tilespmem:$0xF1C8];
	_ =	sdelay $0x4  }
0x299: {  	[tilespmem:s4+$0xF278] =	vst.add.f32.msk @p1 $0xffff, v1  }
0x29a: {  	v1 =	vld @p1 [tilespmem:$0xF1D8];
	_ =	sdelay $0x4  }
0x29b: {  	[tilespmem:s4+$0xF288] =	vst.add.f32.msk @p1 $0xffff, v1  }
0x29c: {  	v1 =	vld @p1 [tilespmem:$0xF1E8];
	_ =	sdelay $0x4  }
0x29d: {  	[tilespmem:s4+$0xF298] =	vst.add.f32.msk @p1 $0xffff, v1  }
0x29e: {  	v1 =	vld @p1 [tilespmem:$0xF1F8];
	_ =	sdelay $0x3  }
0x29f: {  	s5 =	sshll.u32 @!p1 s3, $0x9  }
0x2a0: {  	s5 =	smov.u32 @p1 s0;
	[tilespmem:s4+$0xF2A8] =	vst.add.f32.msk @p1 $0xffff, v1  }
0x2a1: {  	s0 =	sshrl.u32 s5, $0x2;
	[tilespmem:s2+$0xF218] =	vst.msk $0x1, v0  }
0x2a2: {  	v0 =	vld [tilespmem:s0+$0xF238];
	_ =	sdelay $0x2  }
0x2a3: {  	s31 =	sshll.u32 s2, $0x9  }
0x2a4: {  	s4 =	sshra.s32 s31, $0x2  }
0x2a5: {  	[tilespmem:s4+$0xF238] =	vst v0  }
0x2a6: {  	v0 =	vld [tilespmem:s0+$0xF248];
	_ =	sdelay $0x4  }
0x2a7: {  	[tilespmem:s4+$0xF248] =	vst v0  }
0x2a8: {  	v0 =	vld [tilespmem:s0+$0xF258];
	_ =	sdelay $0x4  }
0x2a9: {  	[tilespmem:s4+$0xF258] =	vst v0  }
0x2aa: {  	v0 =	vld [tilespmem:s0+$0xF268];
	_ =	sdelay $0x4  }
0x2ab: {  	[tilespmem:s4+$0xF268] =	vst v0  }
0x2ac: {  	v0 =	vld [tilespmem:s0+$0xF278];
	_ =	sdelay $0x4  }
0x2ad: {  	[tilespmem:s4+$0xF278] =	vst v0  }
0x2ae: {  	v0 =	vld [tilespmem:s0+$0xF288];
	_ =	sdelay $0x4  }
0x2af: {  	[tilespmem:s4+$0xF288] =	vst v0  }
0x2b0: {  	v0 =	vld [tilespmem:s0+$0xF298];
	_ =	sdelay $0x4  }
0x2b1: {  	[tilespmem:s4+$0xF298] =	vst v0  }
0x2b2: {  	v0 =	vld [tilespmem:s0+$0xF2A8];
	_ =	sdelay $0x4  }
0x2b3: {  	s2 =	sadd.s32 $0x1, s2;
	[tilespmem:s4+$0xF2A8] =	vst v0  }
.LBB3_48:
0x2b4: {  	s3 =	sadd.s32 $0x1, s3  }
0x2b5: {  	p1 =	sne.s32 s3, $0x20  }
.Ltmp40:
0x2b6: {  	_ = 	snop;
	(pc) =	sbr.rel @!p1 .LBB3_49-.Ltmp40, $1  }
0x2b7: {  	_ =	sdelay $0x3  }
.LBB3_41:
0x2b8: {  	v0 =	vld.msk [tilespmem:s3+$0xF218], $0x1;
	_ =	sdelay $0x4  }
0x2b9: {  	(v2sf) =	vpush v0, $0x0;
	_ =	sdelay $0xe  }
0x2ba: {  	s4 =	spop (v2sf)  }
0x2bb: {  	p1 =	seq.s32 s4, $0xFFFFFFFF  }
.Ltmp41:
0x2bc: {  	_ = 	snop;
	(pc) =	sbr.rel @p1 .LBB3_48-.Ltmp41, $1  }
0x2bd: {  	_ =	sdelay $0x3  }
0x2be: {  	p1 =	slt.s32 s2, $0x1  }
.Ltmp42:
0x2bf: {  	_ = 	snop;
	(pc) =	sbr.rel @p1 .LBB3_47-.Ltmp42, $1  }
0x2c0: {  	_ =	sdelay $0x3  }
0x2c1: {  	s5 =	simm.s32 $0xF218;
	p1 =	por $0x0, $0x0  }
0x2c2: {  	v1 =	vld.msk @!p1 [tilespmem:s5+$0x0], $0x1;
	_ =	sdelay $0x4  }
0x2c3: {  	(v2sf) =	vpush @!p1 v1, $0x0;
	_ =	sdelay $0xd  }
0x2c4: {  	p3 =	sne.s32 s2, $0x1  }
.Ltmp43:
0x2c5: {  	s0 =	spop @!p1 (v2sf);
	(pc) =	sbr.rel @!p3 .LBB3_45-.Ltmp43, $4  }
0x2c6: {  	p2 =	seq.s32 @!p1 s4, s0  }
0x2c7: {  	s6 =	simm.s32 $0x0;
	p2 =	por !p2, p1  }
0x2c8: {  	s7 =	simm.s32 $0xFFFFFFFF;
	s6 =	simm.s32 @p2 $0xFFFFFFFF  }
0x2c9: {  	s0 =	simm.s32 $0x1;
	s6 =	smov.u32 @p1 s7  }
.LBB3_44:
0x2ca: {  	s7 =	smov.u32 s6;
	p1 =	sne.s32 s6, $0xFFFFFFFF  }
0x2cb: {  	s5 =	sadd.s32 $0x1, s5;
	s6 =	smov.u32 s0;
	s0 =	sadd.s32 $0x1, s0  }
0x2cc: {  	p2 =	sne.s32 s2, s0;
	v1 =	vld.msk @!p1 [tilespmem:s5+$0x0], $0x1;
	_ =	sdelay $0x4  }
0x2cd: {  	(v2sf) =	vpush @!p1 v1, $0x0;
	_ =	sdelay $0xe  }
.Ltmp44:
0x2ce: {  	s8 =	spop @!p1 (v2sf);
	(pc) =	sbr.rel @p2 .LBB3_44-.Ltmp44, $4  }
0x2cf: {  	p3 =	seq.s32 @!p1 s4, s8  }
0x2d0: {  	p3 =	por !p3, p1  }
0x2d1: {  	s6 =	simm.s32 @p3 $0xFFFFFFFF  }
0x2d2: {  	s6 =	smov.u32 @p1 s7  }
.LBB3_45:
0x2d3: {  	p1 =	seq.s32 s6, $0xFFFFFFFF  }
.Ltmp45:
0x2d4: {  	_ = 	snop;
	(pc) =	sbr.rel @p1 .LBB3_47-.Ltmp45, $1  }
0x2d5: {  	_ =	sdelay $0x3  }
0x2d6: {  	s0 =	sshll.u32 s3, $0x7  }
0x2d7: {  	s0 =	sand.u32 $0x3FFFFF80, s0  }
0x2d8: {  	v0 =	vld [tilespmem:s0+$0xF238];
	_ =	sdelay $0x2  }
0x2d9: {  	s4 =	sshll.u32 s6, $0x9  }
0x2da: {  	s4 =	sshra.s32 s4, $0x2  }
0x2db: {  	[tilespmem:s4+$0xF238] =	vst.add.f32.msk $0xffff, v0  }
0x2dc: {  	v0 =	vld [tilespmem:s0+$0xF248];
	_ =	sdelay $0x4  }
0x2dd: {  	[tilespmem:s4+$0xF248] =	vst.add.f32.msk $0xffff, v0  }
0x2de: {  	v0 =	vld [tilespmem:s0+$0xF258];
	_ =	sdelay $0x4  }
0x2df: {  	[tilespmem:s4+$0xF258] =	vst.add.f32.msk $0xffff, v0  }
0x2e0: {  	v0 =	vld [tilespmem:s0+$0xF268];
	_ =	sdelay $0x4  }
0x2e1: {  	[tilespmem:s4+$0xF268] =	vst.add.f32.msk $0xffff, v0  }
0x2e2: {  	v0 =	vld [tilespmem:s0+$0xF278];
	_ =	sdelay $0x4  }
0x2e3: {  	[tilespmem:s4+$0xF278] =	vst.add.f32.msk $0xffff, v0  }
0x2e4: {  	v0 =	vld [tilespmem:s0+$0xF288];
	_ =	sdelay $0x4  }
0x2e5: {  	[tilespmem:s4+$0xF288] =	vst.add.f32.msk $0xffff, v0  }
0x2e6: {  	v0 =	vld [tilespmem:s0+$0xF298];
	_ =	sdelay $0x4  }
0x2e7: {  	[tilespmem:s4+$0xF298] =	vst.add.f32.msk $0xffff, v0  }
0x2e8: {  	v0 =	vld [tilespmem:s0+$0xF2A8]  }
.Ltmp46:
0x2e9: {  	_ = 	snop;
	(pc) =	sbr.rel .LBB3_48-.Ltmp46, $2  }
0x2ea: {  	_ =	sdelay $0x2  }
0x2eb: {  	[tilespmem:s4+$0xF2A8] =	vst.add.f32.msk $0xffff, v0  }
.LBB3_49:
0x2ec: {  	p1 =	slt.s32 s2, $0x1  }
.Ltmp47:
0x2ed: {  	_ = 	snop;
	(pc) =	sbr.rel @p1 .LBB3_53-.Ltmp47, $3  }
0x2ee: {  	_ =	sdelay $0x1  }
0x2ef: {  	s0 =	simm.s32 $0x8  }
0x2f0: {  	s3 =	simm.s32 $0x0;
	[sflag:s0] =	ssyncpa.u1 $0x1  }
0x2f1: {  	s0 =	simm.s32 $0xF218  }
0x2f2: {  	v0 =	vld.msk [tilespmem:s0+$0x0], $0x1;
	_ =	sdelay $0x4  }
0x2f3: {  	(v2sf) =	vpush v0, $0x0;
	_ =	sdelay $0xe  }
0x2f4: {  	s0 =	sadd.s32 $0xFFFFFFFF, s2;
	s5 =	spop (v2sf)  }
0x2f5: {  	p2 =	sne.s32 s0, $0x0;
	p1 =	sgt.u32 s5, $0x270F0  }
.Ltmp48:
0x2f6: {  	s6 =	sand.u32 @!p1 $0x3FFF8, s5;
	(pc) =	sbr.rel @!p2 .LBB3_52-.Ltmp48, $4  }
0x2f7: {  	s4 =	simm.s32 $0xF238;
	s5 =	sand.u32 @!p1 $0x7, s5;
	s2 =	sadd.s32 @!p1 s1, s6  }
0x2f8: {  	[hbm4b:s2+s5] =	stream.linear.scatter @!p1 [tilespmem:s4], [sflag:$0x7], $0x80, $0x38;
	[tilespmem:$0x1F6F8] =	vst v63  }
0x2f9: {  	s5 =	simm.s32 $0x0  }
0x2fa: {  	s2 =	simm.s32 $0xF219;
	s5 =	simm.s32 @!p1 $0x200  }
.LBB3_51:
0x2fb: {  	v0 =	vld.msk [tilespmem:s2+$0x0], $0x1;
	s0 =	sadd.s32 $0xFFFFFFFF, s0;
	s3 =	sadd.s32 s3, s5  }
0x2fc: {  	p1 =	sne.s32 s0, $0x0;
	_ =	sdelay $0x3  }
0x2fd: {  	(v2sf) =	vpush v0, $0x0;
	_ =	sdelay $0xe  }
.Ltmp49:
0x2fe: {  	s6 =	spop (v2sf);
	(pc) =	sbr.rel @p1 .LBB3_51-.Ltmp49, $4  }
0x2ff: {  	s5 =	simm.s32 $0x0;
	p2 =	sgt.u32 s6, $0x270F0  }
0x300: {  	s4 =	sadd.s32 $0x80, s4;
	s5 =	simm.s32 @!p2 $0x200;
	s7 =	sand.u32 @!p2 $0x3FFF8, s6  }
0x301: {  	s2 =	sadd.s32 $0x1, s2;
	s6 =	sand.u32 @!p2 $0x7, s6;
	s7 =	sadd.s32 @!p2 s1, s7  }
0x302: {  	[hbm4b:s7+s6] =	stream.linear.scatter @!p2 [tilespmem:s4], [sflag:$0x7], $0x80, $0x38;
	[tilespmem:$0x1F6F8] =	vst v63  }
.LBB3_52:
0x303: {  	s0 =	sadd.s32 s3, s5  }
0x304: {  	s3 =	sshrl.u32 s0, $0x2  }
.LBB3_53:
0x305: {  	s0 =	simm.s32 $0x7  }
0x306: {  	_ =	swait.ge [sflag:s0], s3  }
0x307: {  	s1 =	ssub.s32 $0x0, s3;
	[sflag:s0] =	ssyncset.done $0x0  }
0x308: {  	[sflag:s0] =	ssyncadd.s32 s1  }
0x309: {  	[sflag:s0] =	ssyncpa.u1 $0x1  }
.LBB3_54:
0x30a: {  	_ =	sfence;
	s0 =	simm.s32 $0x1  }
0x30b: {  	[sflag:s0] =	ssyncpa.u1 $0x1  }
0x30c: {  	_ =	strace $0x9000005C  }
0x30d: {  	[bflag:$0x2] =	sbarrier.arrive $0xFFFF  }
0x30e: {  	s0 =	rddreg [dreg:$0x4]  }
0x30f: {  	s0 =	sadd.s32 @!p0 $0x100000, s0  }
0x310: {  	[sflag:s0] =	ssyncadd.tile.s32 @!p0 $0x1;
	_ =	shalt  }
.Lfunc_end3:
_tile_overlayer_lowered:
.L_overlay_start_3:
0x311: {  	(tag) =	ssettag $0x3  }
0x312: {  	s0 =	rddreg [dreg:$0x0];
	s2 =	stileid.u32  }
0x313: {  	s1 =	rddreg [dreg:$0x1];
	p0 =	sne.s32 s2, $0x0  }
0x314: {  	s3 =	rddreg [dreg:$0x2];
	[bflag:$0x3] =	sbarrier.arrive $0xFFFF;
	s2 =	simm.s32 @!p0 $0x1C01  }
0x315: {  	[timem:s3], [sflag:s2] =	dma.local @!p0 [hbm:s0], s1  }
0x316: {  	s0 =	simm.s32 @!p0 $0x1  }
0x317: {  	_ =	swait.ge @!p0 [sflag:s0], s1  }
0x318: {  	s1 =	ssub.s32 @!p0 $0x0, s1;
	[sflag:s0] =	ssyncset.done @!p0 $0x0  }
0x319: {  	[sflag:s0] =	ssyncadd.s32 @!p0 s1  }
0x31a: {  	[bflag:$0x3] =	sbarrier.arrive $0xFFFF  }
0x31b: {  	_ =	shalt  }

// kernel: scatter_offload_async_start
scs
__scs_entry_jumppad:
0x0: {  	(pc) =	sbr.rel $0x88, $3  }
0x1: {  	(tag) =	ssettag $0x0;
	lr =	simm.s32 $0x1  }
0x2: {  	[smem:$0x3F81] =	sst lr;
	_ =	strace $0xD0000000  }
0x3: {  	_ = 	snop  }
0x4: {  	_ = 	snop  }
0x5: {  	_ = 	snop  }
0x6: {  	_ = 	snop  }
0x7: {  	_ = 	snop  }
__scs_overlays_trampoline_lowered:
0x8: {  	[smem:$0x3F90] =	sst s0  }
0x9: {  	[smem:$0x3F91] =	sst s1  }
0xa: {  	[smem:$0x3F92] =	sst s2  }
0xb: {  	[smem:$0x3F93] =	sst s3  }
0xc: {  	[smem:$0x3F94] =	sst s4  }
0xd: {  	[smem:$0x3F95] =	sst s5  }
0xe: {  	[smem:$0x3F96] =	sst s6  }
0xf: {  	[smem:$0x3F97] =	sst s7  }
0x10: {  	[smem:$0x3F98] =	sst s8  }
0x11: {  	[smem:$0x3F99] =	sst s9;
	s0 =	simm.s32 @!p0 $0x0  }
0x12: {  	s1 =	sld [smem:$0x3F7F];
	s0 =	simm.s32 @p0 $0x1  }
0x13: {  	[smem:$0x3F9A] =	sst s0;
	s0 =	simm.s32 @!p1 $0x0  }
0x14: {  	s2 =	sld [smem:$0x3F7E];
	s0 =	simm.s32 @p1 $0x1  }
0x15: {  	[smem:$0x3F9B] =	sst s0;
	s0 =	simm.s32 @!p2 $0x0  }
0x16: {  	s3 =	sld [smem:$0x3FDB];
	s0 =	simm.s32 @p2 $0x1  }
0x17: {  	s4 =	simm.s32 $0x1BF5;
	[smem:$0x3F9D] =	sst s0  }
0x18: {  	s0 =	sld [smem:$0x3F80];
	_ =	swait.ge [sflag:s4], $0x0  }
0x19: {  	s7 =	sld [smem:$0x3F81]  }
0x1a: {  	s8 =	sadd.s32 $0xFFFFE003, lr  }
0x1b: {  	s9 =	sadd.s32 $0xFFFFFEF7, lr;
	s5 =	simm.s32 $0xFFFFFFFF;
	p2 =	slt.u32 s8, $0xFFFFF086  }
0x1c: {  	p1 =	slt.u32 s9, $0xF7A;
	s5 =	simm.s32 @!p2 $0x0  }
0x1d: {  	s5 =	simm.s32 @p1 $0x1;
	p0 =	seq.s32 s7, s2  }
0x1e: {  	s7 =	smul.u32 @!p0 $0xF7A, s2;
	p2 =	seq.s32 @!p0 s5, $0x0  }
0x1f: {  	s9 =	smul.u32 $0xF7A, s1;
	s8 =	simm.s32 @!p0 $0x1BF5;
	p2 =	por !p2, p0  }
0x20: {  	[sflag:s8] =	ssyncset.s32 @!p0 $0xFFFFF086;
	s6 =	sadd.s32 @!p0 s3, s7;
	s7 =	simm.s32 @!p0 $0x108  }
0x21: {  	s3 =	sadd.s32 s3, s9;
	s6 =	sadd.s32 @!p0 $0x88, s6;
	s7 =	simm.s32 @p2 $0x1082  }
0x22: {  	[simem:s7], [sflag:s8] =	dma.local @!p0 [hbm:s6], $0xF7A  }
0x23: {  	s9 =	sor.u32 $0xD0000000, s2;
	s6 =	simm.s32 $0x108;
	_ =	swait.ge @!p0 [sflag:s8], $0x0  }
0x24: {  	s3 =	sadd.s32 $0x88, s3;
	s6 =	simm.s32 @!p1 $0x1082;
	[sflag:s4] =	ssyncset.s32 $0xFFFFF086  }
0x25: {  	[simem:s6], [sflag:s4] =	dma.local [hbm:s3], $0xF7A  }
0x26: {  	[smem:$0x3F81] =	sst s1;
	(tag) =	ssettag s2;
	_ =	strace s9  }
0x27: {  	s1 =	sld [smem:$0x3F91]  }
0x28: {  	s2 =	sld [smem:$0x3F92]  }
0x29: {  	s4 =	sld [smem:$0x3F94]  }
0x2a: {  	p0 =	seq.s32 s5, $0x0;
	s5 =	sld [smem:$0x3F95]  }
0x2b: {  	s6 =	sld [smem:$0x3F96]  }
0x2c: {  	s7 =	sld [smem:$0x3F97]  }
0x2d: {  	s3 =	simm.s32 $0x108;
	s8 =	sld [smem:$0x3F98]  }
0x2e: {  	s3 =	simm.s32 @!p0 $0x1082;
	s9 =	sld [smem:$0x3F99]  }
0x2f: {  	lr =	sadd.s32 s0, s3;
	s0 =	sld [smem:$0x3F90]  }
0x30: {  	s3 =	sld [smem:$0x3F93]  }
0x31: {  	[smem:$0x3F9C] =	sst s10  }
0x32: {  	s10 =	sld [smem:$0x3F9A];
	_ =	sdelay $0x3  }
0x33: {  	p0 =	seq.s32 s10, $0x1;
	s10 =	sld [smem:$0x3F9C];
	_ =	sdelay $0x3  }
0x34: {  	[smem:$0x3F9C] =	sst s10  }
0x35: {  	s10 =	sld [smem:$0x3F9B];
	_ =	sdelay $0x3  }
0x36: {  	p1 =	seq.s32 s10, $0x1;
	s10 =	sld [smem:$0x3F9C];
	_ =	sdelay $0x3  }
0x37: {  	[smem:$0x3F9C] =	sst s10  }
0x38: {  	s10 =	sld [smem:$0x3F9D]  }
0x39: {  	_ = 	snop;
	(pc) =	sbr.ind lr, $3  }
0x3a: {  	_ = 	snop  }
0x3b: {  	_ = 	snop  }
0x3c: {  	p2 =	seq.s32 s10, $0x1;
	s10 =	sld [smem:$0x3F9C]  }
0x3d: {  	_ =	shalt  }
0x3e: {  	_ =	shalt  }
0x3f: {  	_ =	shalt  }
0x40: {  	_ =	shalt  }
0x41: {  	_ =	shalt  }
0x42: {  	_ =	shalt  }
0x43: {  	_ =	shalt  }
0x44: {  	_ =	shalt  }
0x45: {  	_ =	shalt  }
0x46: {  	_ =	shalt  }
0x47: {  	_ =	shalt  }
0x48: {  	_ =	shalt  }
0x49: {  	_ =	shalt  }
0x4a: {  	_ =	shalt  }
0x4b: {  	_ =	shalt  }
0x4c: {  	_ =	shalt  }
0x4d: {  	_ =	shalt  }
0x4e: {  	_ =	shalt  }
0x4f: {  	_ =	shalt  }
0x50: {  	_ =	shalt  }
0x51: {  	_ =	shalt  }
0x52: {  	_ =	shalt  }
0x53: {  	_ =	shalt  }
0x54: {  	_ =	shalt  }
0x55: {  	_ =	shalt  }
0x56: {  	_ =	shalt  }
0x57: {  	_ =	shalt  }
0x58: {  	_ =	shalt  }
0x59: {  	_ =	shalt  }
0x5a: {  	_ =	shalt  }
0x5b: {  	_ =	shalt  }
0x5c: {  	_ =	shalt  }
0x5d: {  	_ =	shalt  }
0x5e: {  	_ =	shalt  }
0x5f: {  	_ =	shalt  }
0x60: {  	_ =	shalt  }
0x61: {  	_ =	shalt  }
0x62: {  	_ =	shalt  }
0x63: {  	_ =	shalt  }
0x64: {  	_ =	shalt  }
0x65: {  	_ =	shalt  }
0x66: {  	_ =	shalt  }
0x67: {  	_ =	shalt  }
0x68: {  	_ =	shalt  }
0x69: {  	_ =	shalt  }
0x6a: {  	_ =	shalt  }
0x6b: {  	_ =	shalt  }
0x6c: {  	_ =	shalt  }
0x6d: {  	_ =	shalt  }
0x6e: {  	_ =	shalt  }
0x6f: {  	_ =	shalt  }
0x70: {  	_ =	shalt  }
0x71: {  	_ =	shalt  }
0x72: {  	_ =	shalt  }
0x73: {  	_ =	shalt  }
0x74: {  	_ =	shalt  }
0x75: {  	_ =	shalt  }
0x76: {  	_ =	shalt  }
0x77: {  	_ =	shalt  }
0x78: {  	_ =	shalt  }
0x79: {  	_ =	shalt  }
0x7a: {  	_ =	shalt  }
0x7b: {  	_ =	shalt  }
0x7c: {  	_ =	shalt  }
0x7d: {  	_ =	shalt  }
0x7e: {  	_ =	shalt  }
0x7f: {  	_ =	shalt  }
0x80: {  	_ =	shalt  }
0x81: {  	_ =	shalt  }
0x82: {  	_ =	shalt  }
0x83: {  	_ =	shalt  }
0x84: {  	_ =	shalt  }
0x85: {  	_ =	shalt  }
0x86: {  	_ =	shalt  }
0x87: {  	_ =	shalt  }
.Lfunc_end0:
.L_simem_size_0:
called_computation_lowered:
.L_overlay_start_0:
0x88: {  	s0 =	sld [smem:$0x3FD9]  }
0x89: {  	s1 =	sld [smem:$0x3FFE];
	_ =	sdelay $0x3  }
0x8a: {  	s0 =	sadd.s32 s1, s0  }
0x8b: {  	[smem:$0x3FA8] =	sst s0  }
0x8c: {  	_ = 	snop  }
0x8d: {  	(tm) =	ssettm $0x1  }
0x8e: {  	s15 =	sld [smem:$0x3FFB];
	_ =	sdelay $0x3  }
0x8f: {  	_ =	strace s15  }
0x90: {  	s0 =	sld [smem:$0x3FFC];
	_ =	sdelay $0x3  }
0x91: {  	_ =	strace s0  }
0x92: {  	s0 =	sld [smem:$0x3FFD];
	_ =	sdelay $0x3  }
0x93: {  	_ =	strace s0  }
0x94: {  	_ =	strace $0x8FFFFFFF  }
0x95: {  	s16 =	sld [smem:$0x3FDB];
	_ =	sdelay $0x1  }
0x96: {  	s17 =	simm.s32 $_scs_section_size  }
0x97: {  	s2 =	simm.s32 $_size__tile_overlayer_lowered;
	s3 =	simm.s32 $_tile_overlayer_lowered  }
0x98: {  	s20 =	simm.s32 $0x1BFF;
	s19 =	sshll.u32 s3, $0x1;
	s0 =	sadd.s32 s17, s16  }
0x99: {  	s4 =	simm.s32 $0x0;
	s18 =	sshll.u32 s2, $0x1;
	s2 =	sadd.s32 s19, s0  }
0x9a: {  	[timem:s4], [sflag:s20] =	dma.local [hbm:s2], s18  }
0x9b: {  	_ =	swait.ge [sflag:s20], s18  }
0x9c: {  	s1 =	ssub.s32 $0x0, s18;
	[sflag:s20] =	ssyncset.done $0x0  }
0x9d: {  	[sflag:s20] =	ssyncadd.s32 s1;
	_ =	sdelay $0x1  }
0x9e: {  	s21 =	simm.s32 $0x1B8B  }
0x9f: {  	_ =	swait.ge [sflag:s21], $0x1  }
0xa0: {  	[sflag:s21] =	ssyncset.done $0x0  }
0xa1: {  	s23 =	simm.s32 $0x1B8E;
	s22 =	sld [smem:$0x3FFE];
	[sflag:s21] =	ssyncadd.s32 $0xFFFFFFFF  }
0xa2: {  	s24 =	simm.s32 $execute0_lowered;
	[smem:$0x3FD2] =	sst s23  }
0xa3: {  	s2 =	sshll.u32 s24, $0x1;
	_ =	strace $0x80000052;
	[dreg:$0x1] =	wrdreg $0xFFFFFFFF  }
0xa4: {  	s25 =	simm.s32 $_size_execute0_lowered;
	s0 =	sadd.s32 s0, s2;
	[dreg:$0x0] =	wrdreg $0x0  }
0xa5: {  	s2 =	sshll.u32 s25, $0x1;
	[dreg:$0x2] =	wrdreg s0  }
0xa6: {  	[dreg:$0x3] =	wrdreg s2  }
0xa7: {  	[dreg:$0x4] =	wrdreg $0xC0  }
0xa8: {  	_ =	task [dreg:s4], $0x5FFFF  }
0xa9: {  	[dreg:$0x1] =	wrdreg $0xFFFFFFFF  }
0xaa: {  	[dreg:$0x0] =	wrdreg $0x60  }
0xab: {  	[dreg:$0x2] =	wrdreg s22  }
0xac: {  	[dreg:$0x3] =	wrdreg $0x9  }
0xad: {  	_ =	task.clear_ibuf [dreg:s4], $0x4FFFF;
	_ =	strace $0x90000052  }
0xae: {  	s26 =	simm.s32 $0x9;
	_ =	strace $0x80000054  }
0xaf: {  	_ =	swait.ge [sflag:s26], $0x1  }
0xb0: {  	[sflag:s26] =	ssyncadd.s32 $0xFFFFFFFF  }
0xb1: {  	_ =	strace $0x90000054  }
0xb2: {  	_ =	sfence  }
0xb3: {  	s28 =	sld [smem:$0x0];
	_ =	sdelay $0x1  }
0xb4: {  	s29 =	srdreg.scid  }
0xb5: {  	s30 =	sshll.u32 s29, $0xD;
	s31 =	sshrl.u32 s29, $0x2  }
0xb6: {  	s1 =	sand.u32 $0x1, s29;
	s2 =	sand.u32 $0x4000, s30;
	s0 =	sadd.s32 s31, s28  }
0xb7: {  	s1 =	sor.u32 s2, s1;
	s0 =	sshll.u32 s0, $0x11  }
0xb8: {  	s0 =	sor.u32 s0, s1  }
0xb9: {  	s0 =	sadd.s32 $0x8F2B, s0  }
0xba: {  	[sflag:s0] =	ssyncadd.remote.s32 $0x1  }
0xbb: {  	_ =	sfence.sel $0xFFFF  }
0xbc: {  	[dreg:$0x0] =	wrdreg $0xFFFFFFFF;
	(pc) =	sbr.abs _section_cstart, $3  }
0xbd: {  	[dreg:$0x1] =	wrdreg $0xFFFFFFFF  }
0xbe: {  	_ =	task.clear_ibuf [dreg:s4], $0x2FFFF;
	_ =	strace $0x9FFFFFFF  }
0xbf: {  	(tm) =	ssettm $0x7FFFFFFF  }
tec
execute0_lowered:
.L_overlay_start_1:
0x0: {  	(tag) =	ssettag $0x1  }
0x1: {  	s0 =	rddreg [dreg:$0x0];
	_ =	strace $0x80000053;
	s15 =	stileid.u32  }
0x2: {  	s2 =	simm.s32 $0x1;
	s1 =	smin.u32 s15, $0x8;
	s3 =	sshll.u32 s15, $0x1  }
0x3: {  	v1 =	vimm.s32 $0xFFFFFFFF;
	[sflag:s2] =	ssyncpa.u1 $0x0;
	s1 =	sadd.s32 s1, s3  }
0x4: {  	p0 =	slt.u32 s15, $0x8;
	[tilespmem:$0x10] =	vst v1;
	s4 =	smul.u32 $0x1F40, s1;
	s1 =	simm.s32 $0x5DC0  }
0x5: {  	v0 =	vimm.f32 $0.0e+00;
	[tilespmem:$0x20] =	vst v1;
	s1 =	simm.s32 @!p0 $0x3E80  }
0x6: {  	[tilespmem:$0x30] =	vst v0;
	s1 =	sadd.s32 s1, s4  }
0x7: {  	[tilespmem:$0x40] =	vst v0;
	s5 =	smin.u32 s1, $0x4E200  }
0x8: {  	s7 =	simm.s32 $0x2;
	s8 =	simm.s32 $0x8;
	[tilespmem:$0x50] =	vst v0;
	s9 =	ssub.s32 s5, s4  }
0x9: {  	s31 =	simm.s32 $0x9;
	s16 =	simm.s32 $0x0;
	[tilespmem:$0x60] =	vst v1;
	p0 =	sgt.s32 s9, $0x0  }
0xa: {  	s17 =	simm.s32 $0xF0;
	s18 =	simm.s32 $0xFFFFFFFF;
	[tilespmem:$0x70] =	vst v1;
	s9 =	simm.s32 @!p0 $0x0  }
0xb: {  	s19 =	simm.s32 $0xFFFFC280;
	s20 =	simm.s32 $0xFFFFFFFE;
	[tilespmem:$0x80] =	vst v1;
	s30 =	smulhi.u32 $0x10624DD3, s9  }
0xc: {  	s21 =	simm.s32 $0xF;
	s25 =	simm.s32 $0x0;
	s24 =	simm.s32 $0x0;
	v1 =	vimm.s32 $0x0;
	[tilespmem:$0xB0] =	vst v0  }
0xd: {  	s6 =	sadd.s32 $0x4CE00, s0;
	s15 =	sshllo.u32 s15, $0x1;
	[tilespmem:$0x90] =	vst v1;
	s10 =	sshrl.u32 s30, $0x9  }
0xe: {  	[tilespmem:$0xA0] =	vst v1;
	[sflag:s7] =	ssyncpa.u1 $0x0;
	s7 =	simm.s32 $0x7;
	s11 =	smul.u32 $0x1F40, s10  }
.Ltmp0:
0xf: {  	s13 =	sor.u32 $0x80, s3;
	[sflag:s7] =	ssyncpa.u1 $0x0;
	(pc) =	sbr.rel .LBB2_1-.Ltmp0, $4  }
0x10: {  	s14 =	sor.u32 $0x81, s3;
	[sflag:s8] =	ssyncpa.u1 $0x0;
	p0 =	sne.s32 s9, s11  }
0x11: {  	s23 =	smov.u32 s4;
	s1 =	sadd.s32 $0x25600, s0;
	s2 =	simm.s32 @!p0 $0x0  }
0x12: {  	vm0 =	vmmov $0xffff;
	v2 =	vlaneseq.u32;
	[sflag:s31] =	ssyncpa.u1 $0x0;
	s9 =	sadd.s32 $0x56C00, s0;
	s10 =	sadd.s32 s2, s10  }
0x13: {  	vm1 =	vmxor vm1, vm1;
	vm2 =	vmmov $0x1;
	vm3 =	vcmask $0x3F3C;
	p0 =	por $0x0, $0x0;
	s11 =	sadd.s32 $0x1, s10;
	s12 =	sadd.s32 $0x2, s10  }
.LBB2_9:
0x14: {  	p1 =	slt.u32 s24, $0x3  }
0x15: {  	s0 =	simm.s32 @!p1 $0x2  }
0x16: {  	_ =	swait.ge @!p1 [sflag:s0], $0x1F40  }
0x17: {  	[sflag:s0] =	ssyncset.done @!p1 $0x0  }
0x18: {  	[sflag:s0] =	ssyncadd.s32 @!p1 $0xFFFFE0C0;
	s0 =	simm.s32 @!p1 $0x9  }
0x19: {  	_ =	swait.ge @!p1 [sflag:s0], $0x10  }
0x1a: {  	[sflag:s0] =	ssyncset.done @!p1 $0x0  }
0x1b: {  	[sflag:s0] =	ssyncadd.s32 @!p1 $0xFFFFFFF0;
	p1 =	sne.s32 s24, s12  }
.Ltmp1:
0x1c: {  	s2 =	sadd.s32 $0x1F40, s23;
	(pc) =	sbr.rel @!p1 .LBB2_10-.Ltmp1, $4  }
0x1d: {  	s22 =	smov.u32 s4;
	s31 =	sadd.s32 $0x1, s24;
	s17 =	sadd.s32 $0x1F40, s17  }
0x1e: {  	s18 =	sadd.s32 $0x1, s18;
	s25 =	smov.u32 s23;
	p2 =	slt.s32 s2, s5  }
0x1f: {  	p0 =	por !p0, !p0;
	s19 =	sadd.s32 $0x1F40, s19;
	s22 =	smov.u32 @p2 s2  }
0x20: {  	s20 =	sadd.s32 $0x1, s20;
	s23 =	smov.u32 s22;
	s24 =	smov.u32 s31  }
.LBB2_1:
0x21: {  	p1 =	sge.u32 s24, s10  }
0x22: {  	s0 =	smulhi.u32 @!p1 $0xAAAAAAAB, s24;
	_ =	sdelay $0x1  }
0x23: {  	s0 =	sshrl.u32 @!p1 s0, $0x1  }
0x24: {  	s0 =	smul.u32 @!p1 $0x3, s0;
	_ =	sdelay $0x1  }
0x25: {  	s0 =	ssub.s32 @!p1 s24, s0  }
0x26: {  	s0 =	smul.u32 @!p1 $0x7D00, s0;
	_ =	sdelay $0x1  }
0x27: {  	s2 =	sshrl.u32 @!p1 s23, $0x3;
	s0 =	sshrl.u32 @!p1 s0, $0x2  }
0x28: {  	s22 =	sand.u32 @!p1 $0x7, s23;
	s2 =	sadd.s32 @!p1 s6, s2;
	s0 =	sadd.s32 @!p1 $0x100, s0  }
0x29: {  	[tilespmem:s0], [sflag:$0x7] =	stream.linear.gather @!p1 [hbm4b:s2+s22], $0x1F40, $0x38;
	[tilespmem:$0x11A60] =	vst v63  }
0x2a: {  	s0 =	sadd.s32 $0xFFFFFFFF, s24  }
0x2b: {  	p1 =	sge.u32 s0, s10  }
.Ltmp2:
0x2c: {  	_ = 	snop;
	(pc) =	sbr.rel @p1 .LBB2_5-.Ltmp2, $1  }
0x2d: {  	_ =	sdelay $0x3  }
0x2e: {  	s2 =	smulhi.u32 $0xAAAAAAAB, s0;
	_ =	sdelay $0x1  }
0x2f: {  	s2 =	sshrl.u32 s2, $0x1  }
0x30: {  	s2 =	smul.u32 $0x3, s2;
	_ =	sdelay $0x1  }
0x31: {  	s2 =	ssub.s32 s0, s2  }
0x32: {  	s2 =	smul.u32 $0x7D00, s2  }
0x33: {  	_ =	swait.ge [sflag:s7], $0x1F40  }
0x34: {  	[sflag:s7] =	ssyncset.done $0x0;
	s2 =	sshrl.u32 s2, $0x2  }
0x35: {  	[sflag:s7] =	ssyncadd.s32 $0xFFFFE0C0;
	(ifvalue) =	ssetifvalue $0xFFFFFFFF;
	v3 =	vld.msk [tilespmem:s2+$0x100 ss:$0x1], $0xffff;
	_ =	sdelay $0x2  }
0x36: {  	s30 =	smulhi.u32 $0xAAAAAAAB, s18;
	p1 =	sne.s32 s24, $0x1  }
0x37: {  	v4 =	vimm.s32 @!p1 $0x0  }
0x38: {  	s2 =	sshrl.u32 s30, $0x1;
	v4 =	vperm.xlane @!p1 v3, v4  }
0x39: {  	s22 =	sshll.u32 s24, $0x4;
	s2 =	smul.u32 $0xFFFE8900, s2;
	vm4 =	vlt.u32 v3, $0x2800  }
0x3a: {  	s22 =	sand.u32 $0x10, s22;
	v3 =	vnsel vm4, $0xFFFFFFFE, v3;
	vm4 =	vlt.u32 @!p1 v4, $0x2800  }
0x3b: {  	s2 =	sshra.s32 s2, $0x2;
	[tilespmem:s22+$0x60] =	vst v3;
	v3 =	vnsel @!p1 vm4, $0xFFFFFFFE, v4  }
0x3c: {  	s28 =	sadd.s32 s2, s17;
	[tilespmem:$0x80] =	vst @!p1 v3  }
0x3d: {  	v3 =	vld.msk [tilespmem:s28+$0x0 ss:$0x1], $0xffff;
	_ =	sdelay $0x4  }
0x3e: {  	(xrf1) =	vunique.msk.u32 $0xffff, v3;
	_ =	sdelay $0xd  }
0x3f: {  	v4 =	vimm.s32 $0xFFFFFFFF;
	v5, _, _ =	vpop (xrf1)  }
0x40: {  	vm5 =	vne.s32 v3, v4;
	vm4 =	veq.s32 v5, v2  }
0x41: {  	vm6 =	vlt.u32 v3, $0x2800;
	vm4 =	vmand vm5, vm4  }
0x42: {  	vm4 =	vmand vm6, vm4  }
0x43: {  	v4 =	vnsel vm4, $0xFFFFFFFF, v3  }
0x44: {  	s31 =	sand.u32 $0x1, s0  }
0x45: {  	s0 =	simm.s32 $0x1F40;
	p1 =	seq.s32 s31, $0x1  }
0x46: {  	s0 =	simm.s32 @!p1 $0x0  }
0x47: {  	s26 =	sadd.s32 $0x7DF0, s0;
	(ifvalue) =	ssetifvalue $0xFFFFFFFF  }
0x48: {  	v3 =	vperm.xlane v3, v1;
	[tilespmem:s26], [sflag:$0x8] =	stream.indirect_vreg.gather [hbm4b:s1+s16], $0x1, v4, vm0, $0x4038;
	v4 =	vnsel vm6, $0xFFFFFFFE, v4;
	[tilespmem:$0x11A60] =	vst v63  }
0x49: {  	s2 =	simm.s32 $0x0;
	s22 =	sadd.s32 $0xFFFFFFF0, s28;
	[tilespmem:s28+$0x0] =	vst v4  }
.LBB2_3:
0x4a: {  	v4 =	vld.msk [tilespmem:s22+$0x0 ss:$0x1], $0xffff;
	s2 =	sadd.s32 $0x10, s2;
	v5 =	vmov v3;
	s28 =	smov.u32 s22  }
0x4b: {  	p1 =	slt.u32 s2, $0x1F30;
	_ =	sdelay $0x4  }
0x4c: {  	v3 =	vperm.xlane v4, v1;
	(xrf1) =	vunique.msk.u32 $0xffff, v4;
	_ =	sdelay $0xd  }
0x4d: {  	v6, _, _ =	vpop (xrf1)  }
0x4e: {  	vm5 =	vne.s32 v4, v5;
	vm4 =	veq.s32 v6, v2  }
0x4f: {  	vm6 =	vlt.u32 v4, $0x2800;
	vm4 =	vmand vm5, vm4  }
0x50: {  	vm4 =	vmand vm6, vm4  }
0x51: {  	v4 =	vnsel vm4, $0xFFFFFFFF, v4  }
.Ltmp3:
0x52: {  	v5 =	vnsel vm6, $0xFFFFFFFE, v4;
	(pc) =	sbr.rel @p1 .LBB2_3-.Ltmp3, $3  }
0x53: {  	_ =	sdelay $0x1  }
0x54: {  	s22 =	sadd.s32 $0xFFFFFFF0, s22;
	s26 =	sadd.s32 $0xFFFFFFF0, s26;
	(ifvalue) =	ssetifvalue $0xFFFFFFFF  }
0x55: {  	[tilespmem:s26], [sflag:$0x8] =	stream.indirect_vreg.gather [hbm4b:s1+s16], $0x1, v4, vm0, $0x4038;
	[tilespmem:s28+$0x0] =	vst v5  }
0x56: {  	s2 =	sshrl.u32 s25, $0x3  }
0x57: {  	s0 =	sadd.s32 $0x9D40, s0;
	s2 =	sadd.s32 s9, s2  }
0x58: {  	[tilespmem:s0], [sflag:$0x8] =	stream.linear.gather [hbm:s2], $0x1F40, $0x38;
	[tilespmem:$0x11A60] =	vst v63  }
.LBB2_5:
0x59: {  	p1 =	slt.u32 s24, $0x2  }
0x5a: {  	p2 =	sge.u32 @!p1 s24, s12  }
0x5b: {  	p1 =	por p1, p2  }
.Ltmp4:
0x5c: {  	_ = 	snop;
	(pc) =	sbr.rel @p1 .LBB2_9-.Ltmp4, $1  }
0x5d: {  	_ =	sdelay $0x3  }
0x5e: {  	s0 =	sadd.s32 $0xFFFFFFFE, s24  }
0x5f: {  	s2 =	smulhi.u32 $0xAAAAAAAB, s0;
	_ =	sdelay $0x1  }
0x60: {  	s2 =	sshrl.u32 s2, $0x1  }
0x61: {  	s2 =	smul.u32 $0x3, s2;
	_ =	sdelay $0x1  }
0x62: {  	s0 =	ssub.s32 s0, s2  }
0x63: {  	_ =	swait.ge [sflag:s8], $0x3E80;
	s0 =	smul.u32 $0x1F40, s0  }
0x64: {  	p1 =	sne.s32 s24, s11;
	[sflag:s8] =	ssyncset.done $0x0  }
0x65: {  	[sflag:s8] =	ssyncadd.s32 $0xFFFFC180;
	s2 =	sadd.s32 @!p1 $0x203F, s0  }
0x66: {  	[spmem:s14] =	stream.linear.scatter @!p1 [tilespmem:s2], [sflag:$0x1], $0x1, $0x38;
	[tilespmem:$0x11A60] =	vst v63  }
0x67: {  	s2 =	simm.s32 @!p1 $0x1  }
0x68: {  	_ =	swait.ge @!p1 [sflag:s2], $0x1  }
0x69: {  	s22 =	sshll.u32 s24, $0x4;
	[sflag:s2] =	ssyncset.done @!p1 $0x0  }
0x6a: {  	s25 =	sand.u32 $0x10, s22;
	[sflag:s2] =	ssyncadd.s32 @!p1 $0xFFFFFFFF  }
0x6b: {  	s2 =	sxor.u32 $0x10, s25;
	v4 =	vld [tilespmem:s25+$0x10]  }
0x6c: {  	v5 =	vld [tilespmem:s2+$0x60]  }
0x6d: {  	v3 =	vld [tilespmem:$0x80];
	_ =	sdelay $0x2  }
0x6e: {  	(v2sf) =	vpush v4, $0x0  }
0x6f: {  	(v2sf) =	vpush v5, $0x0  }
0x70: {  	(v2sf) =	vpush v3, $0x0;
	_ =	sdelay $0xc  }
0x71: {  	s22 =	spop (v2sf)  }
0x72: {  	s26 =	spop (v2sf)  }
0x73: {  	s28 =	spop (v2sf)  }
0x74: {  	p2 =	seq.s32 s22, s26;
	p3 =	seq.s32 s28, s22  }
0x75: {  	p3 =	por p2, p3  }
0x76: {  	s26 =	sand.u32 $0x1, s24;
	v4 =	vpsel p3, $0xFFFFFFFF, v4  }
0x77: {  	s29 =	smul.u32 $0x1F40, s26;
	[tilespmem:s25+$0x10] =	vst.msk $0x1, v4  }
0x78: {  	v4 =	vld [tilespmem:$0x30]  }
0x79: {  	v5 =	vld [tilespmem:s29+$0x9D40]  }
0x7a: {  	v6 =	vld [tilespmem:s25+$0x40];
	_ =	sdelay $0x3  }
0x7b: {  	vm4 =	vmmov vm1;
	v5 =	vadd.f32 v5, v4  }
0x7c: {  	vm5 =	vmmov vm2;
	vm4 =	vmmov @p2 vm2;
	s22 =	sshll.u32 s26, $0x4;
	v4 =	vadd.f32 v6, v4  }
0x7d: {  	s26 =	sor.u32 $0x11A40, s22;
	vm5 =	vmmov @p3 vm1;
	[tilespmem:s29+$0x9D40] =	vst.msk vm4, v5  }
0x7e: {  	[tilespmem:s26+$0x0] =	vst.msk vm5, v4  }
0x7f: {  	v4 =	vld [tilespmem:s29+$0x7DF0];
	_ =	sdelay $0x3  }
0x80: {  	v5 =	vimm.f32 $0.0e+00  }
0x81: {  	v4 =	vshift.insert v4, v5, s21  }
0x82: {  	s22 =	sor.u32 $0x40, s2  }
0x83: {  	[tilespmem:s22+$0x0] =	vst.msk $0x1, v4  }
0x84: {  	[tilespmem:s29+$0x7DFF] =	vst.msk $0x1, v5  }
0x85: {  	v4 =	vld [tilespmem:s0+$0x2030];
	_ =	sdelay $0x1  }
0x86: {  	s22 =	smulhi.u32 $0xAAAAAAAB, s20;
	s0 =	simm.s32 $0x1  }
0x87: {  	s0 =	simm.s32 @!p0 $0x0  }
0x88: {  	s22 =	sshrl.u32 s22, $0x1;
	s0 =	smul.u32 $0x7D00, s0  }
0x89: {  	s22 =	smul.u32 $0xFFFE8900, s22;
	v4 =	vshift.insert v4, v1, s21  }
0x8a: {  	s0 =	sshrl.u32 s0, $0x2  }
0x8b: {  	s22 =	sshra.s32 s22, $0x2;
	s30 =	sadd.s32 $0x9D40, s0;
	[tilespmem:s2+$0x10] =	vst.msk $0x1, v4  }
0x8c: {  	s22 =	sadd.s32 s22, s19;
	v6 =	vld [tilespmem:s30+$0x0]  }
0x8d: {  	v7 =	vld [tilespmem:s22+$0x0];
	_ =	sdelay $0x3  }
0x8e: {  	v5 =	vadd.f32 v6, v5  }
0x8f: {  	vm4 =	vne.s32 v7, $0xFFFFFFFF  }
0x90: {  	(xrf2) =	vadd.seg.scan.f32 vm4, v5;
	_ =	sdelay $0x3  }
0x91: {  	s31 =	sadd.s32 $0x5EC0, s0;
	v5 =	vperm.xlane v4, v1  }
0x92: {  	v6 =	vld [tilespmem:s31+$0x0]  }
0x93: {  	vm5 =	veq.s32 v7, v3;
	vm6 =	veq.s32 v7, v5  }
0x94: {  	vm7 =	vgt.u32 v7, $0xFFFFFFFD;
	vm6 =	vmor vm6, vm5  }
0x95: {  	vm6 =	vmor vm6, vm7  }
0x96: {  	v9 =	vld [tilespmem:$0xA0];
	v7 =	vsel vm6, $0xFFFFFFFF, v7  }
0x97: {  	v10 =	vld [tilespmem:$0x90];
	v6 =	vsel vm5, $0x0, v6;
	v8, _, _ =	vpop (xrf2)  }
0x98: {  	v6 =	vadd.f32 v8, v6  }
0x99: {  	s0 =	sadd.s32 $0xDBC0, s0  }
0x9a: {  	vm4 =	vmand vm4, vm3;
	[tilespmem:s0+$0x0] =	vst v6;
	(ifvalue) =	ssetifvalue $0xFFFFFFFF  }
0x9b: {  	vm6 =	veq.s32 v9, $0x1;
	[hbm4b:s1+s16] =	stream.indirect_vreg.scatter [tilespmem:s0], [sflag:$0x2], $0x1, v7, vm0, $0x4038;
	v7 =	vsel vm4, $0x0, v8;
	[tilespmem:$0x11A60] =	vst v63  }
0x9c: {  	s2 =	simm.s32 $0x0;
	s22 =	sadd.s32 $0x10, s22;
	vm4 =	vmor vm6, vm5;
	v6 =	vsel vm5, v8, v10;
	v7 =	vshift.insert v7, v0, s21  }
.LBB2_7:
0x9d: {  	v8 =	vld [tilespmem:s22+$0x0];
	s30 =	sadd.s32 $0x10, s30  }
0x9e: {  	s31 =	sadd.s32 $0x10, s31;
	v9 =	vld [tilespmem:s30+$0x0]  }
0x9f: {  	s2 =	sadd.s32 $0x10, s2;
	v10 =	vld [tilespmem:s31+$0x0]  }
0xa0: {  	p2 =	slt.u32 s2, $0x1F30;
	_ =	sdelay $0x2  }
0xa1: {  	v7 =	vadd.f32 v9, v7  }
0xa2: {  	vm5 =	vne.s32 v8, $0xFFFFFFFF  }
0xa3: {  	vm6 =	vmand vm5, vm3;
	(xrf2) =	vadd.seg.scan.f32 vm5, v7;
	_ =	sdelay $0x5  }
0xa4: {  	vm7 =	veq.s32 v8, v5;
	vm5 =	veq.s32 v8, v3  }
0xa5: {  	vm8 =	vgt.u32 v8, $0xFFFFFFFD;
	vm4 =	vmor vm4, vm5;
	vm7 =	vmor vm7, vm5  }
0xa6: {  	vm7 =	vmor vm7, vm8  }
0xa7: {  	v8 =	vsel vm7, $0xFFFFFFFF, v8  }
.Ltmp5:
0xa8: {  	v7 =	vsel vm5, $0x0, v10;
	v9, _, _ =	vpop (xrf2);
	(pc) =	sbr.rel @p2 .LBB2_7-.Ltmp5, $4  }
0xa9: {  	v6 =	vsel vm5, v9, v6;
	v10 =	vadd.f32 v9, v7;
	v7 =	vsel vm6, $0x0, v9  }
0xaa: {  	s0 =	sadd.s32 $0x10, s0;
	v7 =	vshift.insert v7, v0, s21  }
0xab: {  	s22 =	sadd.s32 $0x10, s22;
	[tilespmem:s0+$0x0] =	vst v10;
	(ifvalue) =	ssetifvalue $0xFFFFFFFF  }
0xac: {  	[hbm4b:s1+s16] =	stream.indirect_vreg.scatter [tilespmem:s0], [sflag:$0x2], $0x1, v8, vm0, $0x4038;
	[tilespmem:$0x11A60] =	vst v63  }
0xad: {  	v3 =	vld [tilespmem:s29+$0xFAF0];
	_ =	sdelay $0x4  }
0xae: {  	v3 =	vshift.insert v3, v0, s21  }
0xaf: {  	s0 =	simm.s32 $0x30  }
0xb0: {  	[tilespmem:s0+$0x0] =	vst.msk $0x1, v3  }
0xb1: {  	v3 =	vsel vm4, $0x1, v1;
	[tilespmem:$0x90] =	vst v6  }
0xb2: {  	s0 =	sadd.s32 @!p1 $0xFAFF, s29;
	[tilespmem:$0xA0] =	vst v3  }
0xb3: {  	[spmem:s15] =	stream.linear.scatter @!p1 [tilespmem:s0], [sflag:$0x1], $0x1, $0x38;
	[tilespmem:$0x11A60] =	vst v63  }
0xb4: {  	s0 =	simm.s32 @!p1 $0x1  }
0xb5: {  	v3 =	vmctz.xlane @!p1 vm4;
	_ =	swait.ge @!p1 [sflag:s0], $0x1  }
0xb6: {  	(v2sf) =	vpush @!p1 v4, $0x0  }
0xb7: {  	(v2sf) =	vpush @!p1 v3, $0x0;
	_ =	sdelay $0xd  }
0xb8: {  	s2 =	spop @!p1 (v2sf)  }
0xb9: {  	s22 =	spop @!p1 (v2sf)  }
0xba: {  	p2 =	sne.s32 @!p1 s28, s2;
	p3 =	slt.s32 @!p1 s22, $0xF  }
0xbb: {  	[sflag:s0] =	ssyncset.done @!p1 $0x0;
	p2 =	por p2, p1;
	p3 =	por !p3, p1  }
0xbc: {  	[sflag:s0] =	ssyncadd.s32 @!p1 $0xFFFFFFFF;
	v3 =	vimm.s32 @!p2 $0xFFFFFFFF;
	s22 =	simm.s32 @p3 $0xF  }
0xbd: {  	[tilespmem:$0x80] =	vst @!p2 v3;
	s2 =	sadd.s32 @!p1 $0x90, s22  }
0xbe: {  	[spmem:s3] =	stream.linear.scatter @!p1 [tilespmem:s2], [sflag:$0x1], $0x1, $0x38;
	[tilespmem:$0x11A60] =	vst v63  }
0xbf: {  	_ =	swait.ge @!p1 [sflag:s0], $0x1  }
0xc0: {  	[sflag:s0] =	ssyncset.done @!p1 $0x0  }
0xc1: {  	s2 =	simm.s32 @!p1 $0x80;
	[sflag:s0] =	ssyncadd.s32 @!p1 $0xFFFFFFFF  }
0xc2: {  	[spmem:s13] =	stream.linear.scatter @!p1 [tilespmem:s2], [sflag:$0x1], $0x1, $0x38;
	[tilespmem:$0x11A60] =	vst v63  }
0xc3: {  	_ =	swait.ge @!p1 [sflag:s0], $0x1  }
0xc4: {  	[sflag:s0] =	ssyncset.done @!p1 $0x0  }
0xc5: {  	[sflag:s0] =	ssyncadd.s32 @!p1 $0xFFFFFFFF;
	(ifvalue) =	ssetifvalue $0xFFFFFFFF;
	v3 =	vld [tilespmem:s25+$0x10];
	_ =	sdelay $0x3  }
.Ltmp6:
0xc6: {  	_ = 	snop;
	(pc) =	sbr.rel .LBB2_9-.Ltmp6, $3  }
0xc7: {  	_ =	sdelay $0x1  }
0xc8: {  	(ifvalue) =	ssetifvalue $0xFFFFFFFF  }
0xc9: {  	[hbm4b:s1+s16] =	stream.indirect_vreg.scatter [tilespmem:s26], [sflag:$0x9], $0x1, v3, vm0, $0x4038;
	[tilespmem:$0x11A60] =	vst v63  }
.LBB2_10:
0xca: {  	_ =	sfence.sel $0x180000  }
0xcb: {  	s0 =	simm.s32 $0x7;
	[bflag:$0x0] =	sbarrier.arrive $0xFFFF  }
0xcc: {  	s26 =	simm.s32 $0x8;
	[sflag:s0] =	ssyncpa.u1 $0x1  }
0xcd: {  	s28 =	simm.s32 $0x9;
	[sflag:s26] =	ssyncpa.u1 $0x1  }
0xce: {  	[sflag:s28] =	ssyncpa.u1 $0x1  }
0xcf: {  	_ =	sfence.stream.spmem  }
0xd0: {  	s29 =	simm.s32 $0x3;
	[bflag:$0x0] =	sbarrier.arrive $0xFFFF  }
0xd1: {  	s30 =	simm.s32 $0x4;
	[sflag:s29] =	ssyncpa.u1 $0x1  }
0xd2: {  	s31 =	simm.s32 $0x3C;
	s2 =	stileid.u32;
	[sflag:s30] =	ssyncpa.u1 $0x1  }
0xd3: {  	p0 =	sne.s32 s2, $0x0;
	[sflag:s31] =	ssyncpa.u1 $0x1  }
0xd4: {  	s0 =	simm.s32 @p0 $0x1;
	_ =	sfence @p0  }
0xd5: {  	[sflag:s0] =	ssyncpa.u1 @p0 $0x1;
	s0 =	simm.s32 @p0 $0x2  }
0xd6: {  	[sflag:s0] =	ssyncpa.u1 @p0 $0x1  }
0xd7: {  	_ =	strace @p0 $0x90000053  }
0xd8: {  	[bflag:$0x2] =	sbarrier.arrive @p0 $0xFFFF  }
0xd9: {  	_ =	shalt @p0  }
.LBB2_11:
0xda: {  	_ =	sfence.stream.spmem;
	s0 =	simm.s32 $0x5  }
0xdb: {  	s2 =	simm.s32 $0x80;
	s3 =	simm.s32 $0xC0;
	[sflag:s0] =	ssyncpa.u1 $0x0  }
0xdc: {  	[tilespmem:s3], [sflag:$0x5] =	stream.linear.gather [spmem:s2], $0x20, $0x38;
	[tilespmem:$0x11A60] =	vst v63  }
0xdd: {  	s2 =	simm.s32 $0x0;
	s3 =	simm.s32 $0xE0  }
0xde: {  	[tilespmem:s3], [sflag:$0x5] =	stream.linear.gather [spmem:s2], $0x20, $0x38;
	[tilespmem:$0x11A60] =	vst v63  }
.Ltmp7:
0xdf: {  	_ = 	snop;
	(pc) =	sbr.rel .LBB2_12-.Ltmp7, $4  }
0xe0: {  	_ =	swait.ge [sflag:s0], $0x40  }
0xe1: {  	[sflag:s0] =	ssyncset.done $0x0  }
0xe2: {  	s31 =	simm.s32 $0x6;
	[sflag:s0] =	ssyncadd.s32 $0xFFFFFFC0  }
0xe3: {  	s4 =	simm.s32 $0x0;
	[sflag:s31] =	ssyncpa.u1 $0x0  }
.LBB2_17:
0xe4: {  	p0 =	sgt.u32 s5, $0x27FF  }
0xe5: {  	s0 =	sshrl.u32 @!p0 s5, $0x3  }
0xe6: {  	s5 =	sand.u32 @!p0 $0x7, s5;
	s6 =	simm.s32 @!p0 $0xB0;
	s0 =	sadd.s32 @!p0 s1, s0  }
0xe7: {  	[tilespmem:s6], [sflag:$0x6] =	stream.linear.gather @!p0 [hbm4b:s0+s5], $0x1, $0x38;
	[tilespmem:$0x11A60] =	vst v63  }
0xe8: {  	s0 =	simm.s32 @!p0 $0x6  }
0xe9: {  	_ =	swait.ge @!p0 [sflag:s0], $0x1  }
0xea: {  	[sflag:s0] =	ssyncset.done @!p0 $0x0  }
0xeb: {  	[sflag:s0] =	ssyncadd.s32 @!p0 $0xFFFFFFFF  }
0xec: {  	v2 =	vmov @!p0 s4;
	v1 =	vld.msk @!p0 [tilespmem:$0xB0], $0x1;
	_ =	sdelay $0x3  }
0xed: {  	s0 =	simm.s32 @!p0 $0xE0  }
0xee: {  	[tilespmem:v2+s0+$0x0], v1 =	vst.idx.ret.add.f32.msk @!p0 $0x1, v1  }
0xef: {  	[tilespmem:s2+$0xC0] =	vst.msk $0x1, v0  }
0xf0: {  	v0 =	vld.msk [tilespmem:s4+$0xE0], $0x1;
	_ =	sdelay $0x4  }
0xf1: {  	[tilespmem:s2+$0xE0] =	vst.msk $0x1, v0;
	s2 =	sadd.s32 $0x1, s2  }
.LBB2_19:
0xf2: {  	s4 =	sadd.s32 $0x1, s4  }
0xf3: {  	p0 =	sne.s32 s4, $0x20  }
.Ltmp8:
0xf4: {  	_ = 	snop;
	(pc) =	sbr.rel @!p0 .LBB2_20-.Ltmp8, $1  }
0xf5: {  	_ =	sdelay $0x3  }
.LBB2_12:
0xf6: {  	v0 =	vld.msk [tilespmem:s4+$0xC0], $0x1;
	_ =	sdelay $0x4  }
0xf7: {  	(v2sf) =	vpush v0, $0x0;
	_ =	sdelay $0xe  }
0xf8: {  	s5 =	spop (v2sf)  }
0xf9: {  	p0 =	seq.s32 s5, $0xFFFFFFFF  }
.Ltmp9:
0xfa: {  	_ = 	snop;
	(pc) =	sbr.rel @p0 .LBB2_19-.Ltmp9, $1  }
0xfb: {  	_ =	sdelay $0x3  }
0xfc: {  	p0 =	slt.s32 s2, $0x1  }
.Ltmp10:
0xfd: {  	_ = 	snop;
	(pc) =	sbr.rel @p0 .LBB2_17-.Ltmp10, $1  }
0xfe: {  	_ =	sdelay $0x3  }
0xff: {  	s0 =	simm.s32 $0xC0;
	p0 =	por $0x0, $0x0  }
0x100: {  	v1 =	vld.msk @!p0 [tilespmem:s0+$0x0], $0x1;
	_ =	sdelay $0x4  }
0x101: {  	(v2sf) =	vpush @!p0 v1, $0x0;
	_ =	sdelay $0xd  }
0x102: {  	p2 =	sne.s32 s2, $0x1  }
.Ltmp11:
0x103: {  	s6 =	spop @!p0 (v2sf);
	(pc) =	sbr.rel @!p2 .LBB2_16-.Ltmp11, $4  }
0x104: {  	p1 =	seq.s32 @!p0 s5, s6  }
0x105: {  	s6 =	simm.s32 $0x0;
	p1 =	por !p1, p0  }
0x106: {  	s8 =	simm.s32 $0xFFFFFFFF;
	s6 =	simm.s32 @p1 $0xFFFFFFFF  }
0x107: {  	s7 =	simm.s32 $0x1;
	s6 =	smov.u32 @p0 s8  }
.LBB2_15:
0x108: {  	s8 =	smov.u32 s6;
	p0 =	sne.s32 s6, $0xFFFFFFFF  }
0x109: {  	s0 =	sadd.s32 $0x1, s0;
	s6 =	smov.u32 s7;
	s7 =	sadd.s32 $0x1, s7  }
0x10a: {  	p1 =	sne.s32 s2, s7;
	v1 =	vld.msk @!p0 [tilespmem:s0+$0x0], $0x1;
	_ =	sdelay $0x4  }
0x10b: {  	(v2sf) =	vpush @!p0 v1, $0x0;
	_ =	sdelay $0xe  }
.Ltmp12:
0x10c: {  	s9 =	spop @!p0 (v2sf);
	(pc) =	sbr.rel @p1 .LBB2_15-.Ltmp12, $4  }
0x10d: {  	p2 =	seq.s32 @!p0 s5, s9  }
0x10e: {  	p2 =	por !p2, p0  }
0x10f: {  	s6 =	simm.s32 @p2 $0xFFFFFFFF  }
0x110: {  	s6 =	smov.u32 @p0 s8  }
.LBB2_16:
0x111: {  	p0 =	sne.s32 s6, $0xFFFFFFFF  }
.Ltmp13:
0x112: {  	_ = 	snop;
	(pc) =	sbr.rel @!p0 .LBB2_17-.Ltmp13, $1  }
0x113: {  	_ =	sdelay $0x3  }
0x114: {  	v0 =	vld.msk [tilespmem:s4+$0xE0], $0x1;
	v1 =	vmov s6  }
.Ltmp14:
0x115: {  	_ = 	snop;
	(pc) =	sbr.rel .LBB2_19-.Ltmp14, $2  }
0x116: {  	_ =	sdelay $0x2  }
0x117: {  	[tilespmem:v1+s3+$0x0], v0 =	vst.idx.ret.add.f32.msk $0x1, v0  }
.LBB2_20:
0x118: {  	p0 =	slt.s32 s2, $0x1  }
.Ltmp15:
0x119: {  	_ = 	snop;
	(pc) =	sbr.rel @p0 .LBB2_24-.Ltmp15, $3  }
0x11a: {  	_ =	sdelay $0x1  }
0x11b: {  	s0 =	simm.s32 $0x6  }
0x11c: {  	s3 =	simm.s32 $0x0;
	[sflag:s0] =	ssyncpa.u1 $0x1  }
0x11d: {  	s0 =	simm.s32 $0xC0  }
0x11e: {  	v0 =	vld.msk [tilespmem:s0+$0x0], $0x1;
	_ =	sdelay $0x4  }
0x11f: {  	(v2sf) =	vpush v0, $0x0;
	_ =	sdelay $0xe  }
0x120: {  	s2 =	sadd.s32 $0xFFFFFFFF, s2;
	s4 =	spop (v2sf)  }
0x121: {  	p1 =	sne.s32 s2, $0x0;
	p0 =	sgt.u32 s4, $0x27FF  }
.Ltmp16:
0x122: {  	s5 =	sshrl.u32 @!p0 s4, $0x3;
	(pc) =	sbr.rel @!p1 .LBB2_23-.Ltmp16, $4  }
0x123: {  	s0 =	simm.s32 $0xE0;
	s4 =	sand.u32 @!p0 $0x7, s4;
	s5 =	sadd.s32 @!p0 s1, s5  }
0x124: {  	[hbm4b:s5+s4] =	stream.linear.scatter @!p0 [tilespmem:s0], [sflag:$0x5], $0x1, $0x38;
	[tilespmem:$0x11A60] =	vst v63  }
0x125: {  	s5 =	simm.s32 $0x0  }
0x126: {  	s4 =	simm.s32 $0xC1;
	s5 =	simm.s32 @!p0 $0x4  }
.LBB2_22:
0x127: {  	v0 =	vld.msk [tilespmem:s4+$0x0], $0x1;
	s2 =	sadd.s32 $0xFFFFFFFF, s2;
	s3 =	sadd.s32 s3, s5  }
0x128: {  	p0 =	sne.s32 s2, $0x0;
	_ =	sdelay $0x3  }
0x129: {  	(v2sf) =	vpush v0, $0x0;
	_ =	sdelay $0xe  }
.Ltmp17:
0x12a: {  	s6 =	spop (v2sf);
	(pc) =	sbr.rel @p0 .LBB2_22-.Ltmp17, $4  }
0x12b: {  	s5 =	simm.s32 $0x0;
	p1 =	sgt.u32 s6, $0x27FF  }
0x12c: {  	s0 =	sadd.s32 $0x1, s0;
	s5 =	simm.s32 @!p1 $0x4;
	s7 =	sshrl.u32 @!p1 s6, $0x3  }
0x12d: {  	s4 =	sadd.s32 $0x1, s4;
	s6 =	sand.u32 @!p1 $0x7, s6;
	s7 =	sadd.s32 @!p1 s1, s7  }
0x12e: {  	[hbm4b:s7+s6] =	stream.linear.scatter @!p1 [tilespmem:s0], [sflag:$0x5], $0x1, $0x38;
	[tilespmem:$0x11A60] =	vst v63  }
.LBB2_23:
0x12f: {  	s0 =	sadd.s32 s3, s5  }
0x130: {  	s3 =	sshrl.u32 s0, $0x2  }
.LBB2_24:
0x131: {  	s0 =	simm.s32 $0x5  }
0x132: {  	_ =	swait.ge [sflag:s0], s3  }
0x133: {  	s1 =	ssub.s32 $0x0, s3;
	[sflag:s0] =	ssyncset.done $0x0  }
0x134: {  	[sflag:s0] =	ssyncadd.s32 s1  }
0x135: {  	[sflag:s0] =	ssyncpa.u1 $0x1  }
0x136: {  	s29 =	simm.s32 $0x1;
	_ =	sfence  }
0x137: {  	s30 =	simm.s32 $0x2;
	[sflag:s29] =	ssyncpa.u1 $0x1  }
0x138: {  	[sflag:s30] =	ssyncpa.u1 $0x1  }
0x139: {  	_ =	strace $0x90000053  }
0x13a: {  	[bflag:$0x2] =	sbarrier.arrive $0xFFFF  }
0x13b: {  	s31 =	rddreg [dreg:$0x1]  }
0x13c: {  	s0 =	sadd.s32 $0x100000, s31  }
0x13d: {  	[sflag:s0] =	ssyncadd.tile.s32 $0x1;
	_ =	shalt  }
.Lfunc_end2:
_tile_overlayer_lowered:
.L_overlay_start_2:
0x13e: {  	(tag) =	ssettag $0x2  }
0x13f: {  	s0 =	rddreg [dreg:$0x0];
	s2 =	stileid.u32  }
0x140: {  	s1 =	rddreg [dreg:$0x1];
	p0 =	sne.s32 s2, $0x0  }
0x141: {  	s3 =	rddreg [dreg:$0x2];
	[bflag:$0x3] =	sbarrier.arrive $0xFFFF;
	s2 =	simm.s32 @!p0 $0x1C01  }
0x142: {  	[timem:s3], [sflag:s2] =	dma.local @!p0 [hbm:s0], s1  }
0x143: {  	s0 =	simm.s32 @!p0 $0x1  }
0x144: {  	_ =	swait.ge @!p0 [sflag:s0], s1  }
0x145: {  	s1 =	ssub.s32 @!p0 $0x0, s1;
	[sflag:s0] =	ssyncset.done @!p0 $0x0  }
0x146: {  	[sflag:s0] =	ssyncadd.s32 @!p0 s1  }
0x147: {  	[bflag:$0x3] =	sbarrier.arrive $0xFFFF  }
0x148: {  	_ =	shalt  }

</sc_bundles>
